<compile_context>
chip_gen: v7x
topology: tpu7x:2x2x1
jax: 0.10.2.dev20260603
libtpu: 0.0.44.dev20260713+nightly
codegen_flags: <defaults>
</compile_context>

<pallas_src>
import functools

import jax
import jax.numpy as jnp
from jax import lax
from jax.experimental import pallas as pl
from jax.experimental.pallas import tpu as pltpu
from jax.experimental.pallas import tpu_sc as plsc

NC = 2
NS = 16
NW = NC * NS
LANES = 16
BLK = 1024


def _sc_mesh():
    return plsc.VectorSubcoreMesh(
        core_axis_name="c", subcore_axis_name="s",
        num_cores=NC, num_subcores=NS)


def _make_deg_kernel(E, Np, B, R, D):
    CH = 125
    Ew = E // NW
    NCHUNK = Ew // CH
    NG = 4
    G = NCHUNK // NG
    assert NCHUNK == NG * G
    UNR = 4
    BW = B // NW
    SL = Np // NS

    @functools.partial(
        pl.kernel,
        out_type=(
            jax.ShapeDtypeStruct((NC, Np), jnp.float32),
            jax.ShapeDtypeStruct((NC, Np), jnp.float32),
            jax.ShapeDtypeStruct((B, D), jnp.float32),
        ),
        mesh=_sc_mesh(),
        scratch_types=[
            pltpu.VMEM((NG, G, CH), jnp.int32),
            pltpu.VMEM((NG, G, CH), jnp.int32),
            pltpu.VMEM((128,), jnp.float32),
            pltpu.VMEM((SL,), jnp.float32),
            pltpu.VMEM((BW,), jnp.int32),
            pltpu.VMEM((BW, D), jnp.float32),
            pltpu.VMEM_SHARED((Np,), jnp.float32),
            pltpu.VMEM_SHARED((Np,), jnp.float32),
            pltpu.SemaphoreType.DMA,
        ],
    )
    def k(e3_h, rel_h, rel_emb_h, dego_o, degi_o, embrel_o,
          sidx2, didx2, ones_v, zer_v, ridx, rrows, dego_sp, degi_sp, sem):
        c = lax.axis_index("c")
        s = lax.axis_index("s")
        w = s * NC + c
        for t in range(128 // LANES):
            ones_v[pl.ds(t * LANES, LANES)] = jnp.full((LANES,), 1.0,
                                                       jnp.float32)
        ones = ones_v.at[pl.ds(0, CH)]
        for t in range(SL // LANES):
            zer_v[pl.ds(t * LANES, LANES)] = jnp.zeros((LANES,), jnp.float32)
        pltpu.sync_copy(rel_h.at[pl.ds(w * BW, BW)], ridx)
        pltpu.async_copy(rel_emb_h.at[ridx], rrows, sem).wait()
        pltpu.sync_copy(rrows, embrel_o.at[pl.ds(w * BW, BW)])
        pltpu.sync_copy(e3_h.at[0, w], sidx2)
        pltpu.sync_copy(e3_h.at[1, w], didx2)
        off0 = pl.multiple_of(s * SL, 8)
        pltpu.sync_copy(zer_v, dego_sp.at[pl.ds(off0, SL)])
        pltpu.sync_copy(zer_v, degi_sp.at[pl.ds(off0, SL)])
        plsc.subcore_barrier()

        def body(p, carry):
            ds_ = []
            for u in range(UNR):
                i = p * UNR + u
                gi = i // G
                ri = i % G
                ds_.append(pltpu.async_copy(
                    ones, dego_sp.at[sidx2.at[gi, ri]], sem, add=True))
                ds_.append(pltpu.async_copy(
                    ones, degi_sp.at[didx2.at[gi, ri]], sem, add=True))
            for dsc in ds_:
                dsc.wait()
            return carry

        assert NCHUNK % UNR == 0
        lax.fori_loop(0, NCHUNK // UNR, body, 0)
        plsc.subcore_barrier()
        pltpu.sync_copy(dego_sp.at[pl.ds(off0, SL)],
                        dego_o.at[c, pl.ds(off0, SL)])
        pltpu.sync_copy(degi_sp.at[pl.ds(off0, SL)],
                        degi_o.at[c, pl.ds(off0, SL)])

    return k


def _make_scale_kernel(N, Np, D):
    nb = Np // BLK

    def body(x_ref, dop_ref, dip_ref, y_ref, rin_ref):
        do = dop_ref[0] + dop_ref[1]
        di = dip_ref[0] + dip_ref[1]
        ro = lax.rsqrt(jnp.maximum(do, 1.0))
        y_ref[...] = x_ref[...] * ro
        rin_ref[...] = lax.rsqrt(jnp.maximum(di, 1.0))

    return pl.pallas_call(
        body,
        grid=(nb,),
        in_specs=[
            pl.BlockSpec((BLK, D), lambda j: (j, 0)),
            pl.BlockSpec((NC, BLK, 1), lambda j: (0, j, 0)),
            pl.BlockSpec((NC, BLK, 1), lambda j: (0, j, 0)),
        ],
        out_specs=[
            pl.BlockSpec((BLK, D), lambda j: (j, 0)),
            pl.BlockSpec((BLK, 1), lambda j: (j, 0)),
        ],
        out_shape=[
            jax.ShapeDtypeStruct((N, D), jnp.float32),
            jax.ShapeDtypeStruct((Np, 1), jnp.float32),
        ],
    )


def _make_agg_kernel(E, Np, B, D):
    CH = 125
    Ew = E // NW
    NCHUNK = Ew // CH
    NG = 4
    G = NCHUNK // NG
    assert NCHUNK == NG * G and G % 2 == 0
    SL = Np // NS
    BW = B // NW
    BS = B // NS

    @functools.partial(
        pl.kernel,
        out_type=(
            jax.ShapeDtypeStruct((NC, Np, D), jnp.float32),
            jax.ShapeDtypeStruct((NC, B, D), jnp.float32),
            jax.ShapeDtypeStruct((B,), jnp.float32),
        ),
        mesh=_sc_mesh(),
        scratch_types=[
            pltpu.VMEM((LANES, D), jnp.float32),
            pltpu.VMEM((G, CH), jnp.int32),
            pltpu.VMEM((G, CH), jnp.int32),
            pltpu.VMEM((CH, D), jnp.float32),
            pltpu.VMEM((CH, D), jnp.float32),
            pltpu.VMEM((BW,), jnp.int32),
            pltpu.VMEM((BW,), jnp.float32),
            pltpu.VMEM((BS,), jnp.int32),
            pltpu.VMEM((BS // 2, D), jnp.float32),
            pltpu.VMEM_SHARED((Np, D), jnp.float32),
            pltpu.SemaphoreType.DMA,
            pltpu.SemaphoreType.DMA,
            pltpu.SemaphoreType.DMA,
        ],
    )
    def k(y_h, e3_h, e1_h, rin_h, agg_o, aggsel_o, rinsel_o,
          zblk, sidx2, didx2, rowsA, rowsB, eidx, rsel,
          eidx2, selrows, agg_sp, gsA, gsB, sem):
        c = lax.axis_index("c")
        s = lax.axis_index("s")
        w = s * NC + c
        for r in range(LANES):
            for t in range(D // LANES):
                zblk[r, pl.ds(t * LANES, LANES)] = jnp.zeros((LANES,),
                                                             jnp.float32)
        for t in range(SL // LANES):
            off = pl.multiple_of(s * SL + t * LANES, 8)
            pltpu.sync_copy(zblk, agg_sp.at[pl.ds(off, LANES), :])
        pltpu.sync_copy(e1_h.at[pl.ds(w * BW, BW)], eidx)
        pltpu.async_copy(rin_h.at[eidx], rsel, sem).wait()
        pltpu.sync_copy(rsel, rinsel_o.at[pl.ds(w * BW, BW)])
        plsc.subcore_barrier()

        for g in range(NG):
            pltpu.sync_copy(e3_h.at[0, w, g], sidx2)
            pltpu.sync_copy(e3_h.at[1, w, g], didx2)
            pltpu.async_copy(y_h.at[sidx2.at[0]], rowsA, gsA)

            def body(p, carry):
                i0 = 2 * p
                pltpu.async_copy(y_h.at[sidx2.at[i0 + 1]], rowsB, gsB)
                pltpu.make_async_copy(y_h.at[sidx2.at[i0]],
                                      rowsA, gsA).wait()
                pltpu.async_copy(rowsA, agg_sp.at[didx2.at[i0]],
                                 sem, add=True).wait()

                @pl.when(i0 + 2 < G)
                def _prefetch():
                    pltpu.async_copy(y_h.at[sidx2.at[i0 + 2]], rowsA, gsA)

                pltpu.make_async_copy(y_h.at[sidx2.at[i0 + 1]],
                                      rowsB, gsB).wait()
                pltpu.async_copy(rowsB, agg_sp.at[didx2.at[i0 + 1]],
                                 sem, add=True).wait()
                return carry

            lax.fori_loop(0, G // 2, body, 0)
        plsc.subcore_barrier()
        off0 = pl.multiple_of(s * SL, 8)
        pltpu.sync_copy(agg_sp.at[pl.ds(off0, SL), :],
                        agg_o.at[c, pl.ds(off0, SL), :])
        plsc.subcore_barrier()
        pltpu.sync_copy(e1_h.at[pl.ds(s * BS, BS)], eidx2)
        H = BS // 2
        for hh in range(2):
            pltpu.async_copy(agg_o.at[c].at[eidx2.at[pl.ds(hh * H, H)]],
                             selrows, sem).wait()
            pltpu.sync_copy(selrows,
                            aggsel_o.at[c, pl.ds(s * BS + hh * H, H), :])

    return k


def _make_head_kernel(Np, D, B, N):
    nb = Np // BLK

    def body(agg_ref, rin_ref, w_ref, b_ref, g_ref, be_ref,
             aggsel_ref, rinsel_ref, embrel_ref, out_ref,
             h_scr, s_acc, ss_acc, mean_s, rstd_s, q_scr):
        p = pl.program_id(0)
        j = pl.program_id(1)

        @pl.when(p == 0)
        def _pass0():
            agg = agg_ref[0] + agg_ref[1]
            a = agg * rin_ref[...]
            h = jnp.dot(a, w_ref[...],
                        preferred_element_type=jnp.float32) + b_ref[...]
            rowid = lax.broadcasted_iota(jnp.int32, (BLK, 1), 0) + j * BLK
            hm = jnp.where(rowid < N, h, 0.0)

            @pl.when(j == 0)
            def _init():
                s_acc[...] = jnp.zeros_like(s_acc)
                ss_acc[...] = jnp.zeros_like(ss_acc)

            s_acc[...] += jnp.sum(hm, axis=0, keepdims=True)
            ss_acc[...] += jnp.sum(hm * hm, axis=0, keepdims=True)
            h_scr[pl.ds(j * BLK, BLK), :] = h

        @pl.when(p == 1)
        def _pass1():
            @pl.when(j == 0)
            def _head():
                mean = s_acc[...] * (1.0 / N)
                var = ss_acc[...] * (1.0 / N) - mean * mean
                rstd = lax.rsqrt(var + 1e-5)
                mean_s[...] = mean
                rstd_s[...] = rstd
                aggsel = aggsel_ref[0] + aggsel_ref[1]
                hsel = jnp.dot(aggsel * rinsel_ref[...], w_ref[...],
                               preferred_element_type=jnp.float32) + b_ref[...]
                embe1 = jnp.tanh((hsel - mean) * rstd * g_ref[...]
                                 + be_ref[...])
                q_scr[...] = embe1 * embrel_ref[...]

            hj = h_scr[pl.ds(j * BLK, BLK), :]
            nbk = jnp.tanh((hj - mean_s[...]) * rstd_s[...] * g_ref[...]
                           + be_ref[...])
            lg = lax.dot_general(q_scr[...], nbk,
                                 (((1,), (1,)), ((), ())),
                                 preferred_element_type=jnp.float32)
            out_ref[...] = jax.nn.sigmoid(lg)

    return pl.pallas_call(
        body,
        grid=(2, nb),
        in_specs=[
            pl.BlockSpec((NC, BLK, D), lambda p, j: (0, j * (1 - p), 0)),
            pl.BlockSpec((BLK, 1), lambda p, j: (j * (1 - p), 0)),
            pl.BlockSpec((D, D), lambda p, j: (0, 0)),
            pl.BlockSpec((1, D), lambda p, j: (0, 0)),
            pl.BlockSpec((1, D), lambda p, j: (0, 0)),
            pl.BlockSpec((1, D), lambda p, j: (0, 0)),
            pl.BlockSpec((NC, B, D), lambda p, j: (0, 0, 0)),
            pl.BlockSpec((B, 1), lambda p, j: (0, 0)),
            pl.BlockSpec((B, D), lambda p, j: (0, 0)),
        ],
        out_specs=pl.BlockSpec((B, BLK), lambda p, j: (0, p * j)),
        out_shape=jax.ShapeDtypeStruct((B, N), jnp.float32),
        scratch_shapes=[
            pltpu.VMEM((Np, D), jnp.float32),
            pltpu.VMEM((1, D), jnp.float32),
            pltpu.VMEM((1, D), jnp.float32),
            pltpu.VMEM((1, D), jnp.float32),
            pltpu.VMEM((1, D), jnp.float32),
            pltpu.VMEM((B, D), jnp.float32),
        ],
    )


def kernel(node_emb, W, b, gamma, beta, rel_emb, edge_index, e1, rel):
    N, D = node_emb.shape
    E = edge_index.shape[1]
    B = e1.shape[0]
    R = rel_emb.shape[0]
    Np = ((N + BLK - 1) // BLK) * BLK

    e3 = edge_index.reshape(2, NW, 4, E // (NW * 4 * 125), 125)

    dego_p, degi_p, emb_rel_sel = _make_deg_kernel(E, Np, B, R, D)(
        e3, rel, rel_emb)

    y, rin_col = _make_scale_kernel(N, Np, D)(
        node_emb, dego_p.reshape(NC, Np, 1), degi_p.reshape(NC, Np, 1))

    aggp, aggselp, rinsel = _make_agg_kernel(E, Np, B, D)(
        y, e3, e1, rin_col.reshape(Np))

    return _make_head_kernel(Np, D, B, N)(
        aggp, rin_col, W, b.reshape(1, D), gamma.reshape(1, D),
        beta.reshape(1, D), aggselp, rinsel.reshape(B, 1), emb_rel_sel)

# --- scband reference (transcript-rebuilt; emitter-appended) ---
"""Pipeline reference for scband-graph2-dist-mult-26027501813996 (READ-ONLY COPY).

The authoritative reference and input builder live on the scoring server;
editing this copy changes nothing except your own understanding.
"""

import jax, jax.numpy as jnp
import numpy as np

N = 10000
E = 320000
D = 128
R = 474
B = 1024

def setup_inputs(seed: int = 0) -> dict:
    key = jax.random.key(seed)
    ks = jax.random.split(key, 8)
    edge_index = jax.random.randint(ks[0], (2, E), 0, N)
    e1 = jax.random.randint(ks[1], (B,), 0, N)
    rel = jax.random.randint(ks[2], (B,), 0, R)
    node_emb = jax.random.normal(ks[3], (N, D), dtype=jnp.float32) * 0.02
    W = jax.random.normal(ks[4], (D, D), dtype=jnp.float32) * (1.0 / np.sqrt(D))
    b = jnp.zeros((D,), dtype=jnp.float32)
    gamma = jnp.ones((D,), dtype=jnp.float32)
    beta = jnp.zeros((D,), dtype=jnp.float32)
    rel_emb = jax.random.normal(ks[5], (R, D), dtype=jnp.float32) * 0.02
    return {"node_emb": node_emb, "W": W, "b": b, "gamma": gamma, "beta": beta,
            "rel_emb": rel_emb, "edge_index": edge_index, "e1": e1, "rel": rel}

def reference(node_emb, W, b, gamma, beta, rel_emb, edge_index, e1, rel):
    # Node feature construction: embedding lookup over all graph nodes
    x = node_emb  # [N, D]
    src = edge_index[0]
    dst = edge_index[1]
    n = x.shape[0]
    # GCN layer (undirected, symmetric degree normalization)
    deg_out = jnp.bincount(src, length=n).astype(jnp.float32)
    deg_in = jnp.bincount(dst, length=n).astype(jnp.float32)
    norm = jax.lax.rsqrt(jnp.maximum(deg_out, 1.0))[src] * jax.lax.rsqrt(jnp.maximum(deg_in, 1.0))[dst]
    msgs = x[src] * norm[:, None]                      # gather [E, D]
    agg = jnp.zeros_like(x).at[dst].add(msgs)          # scatter-add [N, D]
    h = agg @ W + b
    # BatchNorm1d (batch statistics) + tanh; dropout disabled (require_loss=False)
    mean = jnp.mean(h, axis=0)
    var = jnp.var(h, axis=0)
    h = (h - mean) * jax.lax.rsqrt(var + 1e-5) * gamma + beta
    node_embs = jnp.tanh(h)                            # [N, D]
    # DistMult scoring against all entities
    emb_e1 = node_embs[e1]                             # gather [B, D]
    emb_rel = rel_emb[rel]                             # gather [B, D]
    logits = jax.nn.sigmoid((emb_e1 * emb_rel) @ node_embs.T)  # [B, N]
    return logits

if __name__ == "__main__":
    import jax
    _d = setup_inputs()
    print(jax.jit(kernel)(*tuple(_d.values())))

</pallas_src>

<mosaic_0001>
#map = affine_map<(d0, d1) -> (0, 0, 0, 0, 0)>
#map1 = affine_map<(d0, d1) -> (0)>
#map2 = affine_map<(d0, d1) -> (0, 0)>
module attributes {stable_mosaic.version = 14 : i64} {
  func.func @k(%arg0: i32, %arg1: i32, %arg2: memref<2x32x4x20x125xi32, #tpu.memory_space<hbm>>, %arg3: memref<1024xi32, #tpu.memory_space<hbm>>, %arg4: memref<474x128xf32, #tpu.memory_space<hbm>>, %arg5: memref<2x10240xf32, #tpu.memory_space<hbm>>, %arg6: memref<2x10240xf32, #tpu.memory_space<hbm>>, %arg7: memref<1024x128xf32, #tpu.memory_space<hbm>>, %arg8: memref<4x20x125xi32, #tpu.memory_space<vmem>>, %arg9: memref<4x20x125xi32, #tpu.memory_space<vmem>>, %arg10: memref<128xf32, #tpu.memory_space<vmem>>, %arg11: memref<640xf32, #tpu.memory_space<vmem>>, %arg12: memref<32xi32, #tpu.memory_space<vmem>>, %arg13: memref<32x128xf32, #tpu.memory_space<vmem>>, %arg14: memref<10240xf32, #tpu.memory_space<vmem_shared>>, %arg15: memref<10240xf32, #tpu.memory_space<vmem_shared>>, %arg16: memref<!tpu.dma_semaphore, #tpu.memory_space<semaphore_mem>>) attributes {dimension_semantics = [#tpu.dimension_semantics<core_parallel>, #tpu.dimension_semantics<subcore_parallel>], iteration_bounds = array<i64: 2, 16>, scalar_prefetch = 0 : i64, scratch_operands = 9 : i64, tpu.core_type = #tpu.core_type<sc_vector_subcore>, window_params = [{transform_indices = #map}, {transform_indices = #map1}, {transform_indices = #map2}, {transform_indices = #map2}, {transform_indices = #map2}, {transform_indices = #map2}]} {
    %mul3A = arith.constant 2 : i32
    %mul3A_0 = arith.muli %arg1, %mul3A : i32
    %add3A = arith.addi %mul3A_0, %arg0 : i32
    %broadcast_in_dim3A = arith.constant 1.000000e+00 : f32
    %broadcast_in_dim3A_1 = vector.broadcast %broadcast_in_dim3A : f32 to vector<16xf32>
    %swap3A = arith.constant 0 : index
    %swap3A_2 = tpu.vector_load %arg10[%swap3A] {strides = array<i32>} : memref<128xf32, #tpu.memory_space<vmem>>, vector<16xf32>,
    %swap3A_3 = vector.shape_cast %swap3A_2 : vector<16xf32> to vector<16xf32>
    %swap3A_4 = vector.shape_cast %broadcast_in_dim3A_1 : vector<16xf32> to vector<16xf32>
    tpu.vector_store %arg10[%swap3A], %swap3A_4 {strides = array<i32>} : memref<128xf32, #tpu.memory_space<vmem>>, vector<16xf32>,
    %broadcast_in_dim3A_5 = arith.constant 1.000000e+00 : f32
    %broadcast_in_dim3A_6 = vector.broadcast %broadcast_in_dim3A_5 : f32 to vector<16xf32>
    %swap3A_7 = arith.constant 16 : index
    %swap3A_8 = tpu.vector_load %arg10[%swap3A_7] {strides = array<i32>} : memref<128xf32, #tpu.memory_space<vmem>>, vector<16xf32>,
    %swap3A_9 = vector.shape_cast %swap3A_8 : vector<16xf32> to vector<16xf32>
    %swap3A_10 = vector.shape_cast %broadcast_in_dim3A_6 : vector<16xf32> to vector<16xf32>
    tpu.vector_store %arg10[%swap3A_7], %swap3A_10 {strides = array<i32>} : memref<128xf32, #tpu.memory_space<vmem>>, vector<16xf32>,
    %broadcast_in_dim3A_11 = arith.constant 1.000000e+00 : f32
    %broadcast_in_dim3A_12 = vector.broadcast %broadcast_in_dim3A_11 : f32 to vector<16xf32>
    %swap3A_13 = arith.constant 32 : index
    %swap3A_14 = tpu.vector_load %arg10[%swap3A_13] {strides = array<i32>} : memref<128xf32, #tpu.memory_space<vmem>>, vector<16xf32>,
    %swap3A_15 = vector.shape_cast %swap3A_14 : vector<16xf32> to vector<16xf32>
    %swap3A_16 = vector.shape_cast %broadcast_in_dim3A_12 : vector<16xf32> to vector<16xf32>
    tpu.vector_store %arg10[%swap3A_13], %swap3A_16 {strides = array<i32>} : memref<128xf32, #tpu.memory_space<vmem>>, vector<16xf32>,
    %broadcast_in_dim3A_17 = arith.constant 1.000000e+00 : f32
    %broadcast_in_dim3A_18 = vector.broadcast %broadcast_in_dim3A_17 : f32 to vector<16xf32>
    %swap3A_19 = arith.constant 48 : index
    %swap3A_20 = tpu.vector_load %arg10[%swap3A_19] {strides = array<i32>} : memref<128xf32, #tpu.memory_space<vmem>>, vector<16xf32>,
    %swap3A_21 = vector.shape_cast %swap3A_20 : vector<16xf32> to vector<16xf32>
    %swap3A_22 = vector.shape_cast %broadcast_in_dim3A_18 : vector<16xf32> to vector<16xf32>
    tpu.vector_store %arg10[%swap3A_19], %swap3A_22 {strides = array<i32>} : memref<128xf32, #tpu.memory_space<vmem>>, vector<16xf32>,
    %broadcast_in_dim3A_23 = arith.constant 1.000000e+00 : f32
    %broadcast_in_dim3A_24 = vector.broadcast %broadcast_in_dim3A_23 : f32 to vector<16xf32>
    %swap3A_25 = arith.constant 64 : index
    %swap3A_26 = tpu.vector_load %arg10[%swap3A_25] {strides = array<i32>} : memref<128xf32, #tpu.memory_space<vmem>>, vector<16xf32>,
    %swap3A_27 = vector.shape_cast %swap3A_26 : vector<16xf32> to vector<16xf32>
    %swap3A_28 = vector.shape_cast %broadcast_in_dim3A_24 : vector<16xf32> to vector<16xf32>
    tpu.vector_store %arg10[%swap3A_25], %swap3A_28 {strides = array<i32>} : memref<128xf32, #tpu.memory_space<vmem>>, vector<16xf32>,
    %broadcast_in_dim3A_29 = arith.constant 1.000000e+00 : f32
    %broadcast_in_dim3A_30 = vector.broadcast %broadcast_in_dim3A_29 : f32 to vector<16xf32>
    %swap3A_31 = arith.constant 80 : index
    %swap3A_32 = tpu.vector_load %arg10[%swap3A_31] {strides = array<i32>} : memref<128xf32, #tpu.memory_space<vmem>>, vector<16xf32>,
    %swap3A_33 = vector.shape_cast %swap3A_32 : vector<16xf32> to vector<16xf32>
    %swap3A_34 = vector.shape_cast %broadcast_in_dim3A_30 : vector<16xf32> to vector<16xf32>
    tpu.vector_store %arg10[%swap3A_31], %swap3A_34 {strides = array<i32>} : memref<128xf32, #tpu.memory_space<vmem>>, vector<16xf32>,
    %broadcast_in_dim3A_35 = arith.constant 1.000000e+00 : f32
    %broadcast_in_dim3A_36 = vector.broadcast %broadcast_in_dim3A_35 : f32 to vector<16xf32>
    %swap3A_37 = arith.constant 96 : index
    %swap3A_38 = tpu.vector_load %arg10[%swap3A_37] {strides = array<i32>} : memref<128xf32, #tpu.memory_space<vmem>>, vector<16xf32>,
    %swap3A_39 = vector.shape_cast %swap3A_38 : vector<16xf32> to vector<16xf32>
    %swap3A_40 = vector.shape_cast %broadcast_in_dim3A_36 : vector<16xf32> to vector<16xf32>
    tpu.vector_store %arg10[%swap3A_37], %swap3A_40 {strides = array<i32>} : memref<128xf32, #tpu.memory_space<vmem>>, vector<16xf32>,
    %broadcast_in_dim3A_41 = arith.constant 1.000000e+00 : f32
    %broadcast_in_dim3A_42 = vector.broadcast %broadcast_in_dim3A_41 : f32 to vector<16xf32>
    %swap3A_43 = arith.constant 112 : index
    %swap3A_44 = tpu.vector_load %arg10[%swap3A_43] {strides = array<i32>} : memref<128xf32, #tpu.memory_space<vmem>>, vector<16xf32>,
    %swap3A_45 = vector.shape_cast %swap3A_44 : vector<16xf32> to vector<16xf32>
    %swap3A_46 = vector.shape_cast %broadcast_in_dim3A_42 : vector<16xf32> to vector<16xf32>
    tpu.vector_store %arg10[%swap3A_43], %swap3A_46 {strides = array<i32>} : memref<128xf32, #tpu.memory_space<vmem>>, vector<16xf32>,
    %broadcast_in_dim3A_47 = arith.constant 0.000000e+00 : f32
    %broadcast_in_dim3A_48 = vector.broadcast %broadcast_in_dim3A_47 : f32 to vector<16xf32>
    %swap3A_49 = arith.constant 0 : index
    %swap3A_50 = tpu.vector_load %arg11[%swap3A_49] {strides = array<i32>} : memref<640xf32, #tpu.memory_space<vmem>>, vector<16xf32>,
    %swap3A_51 = vector.shape_cast %swap3A_50 : vector<16xf32> to vector<16xf32>
    %swap3A_52 = vector.shape_cast %broadcast_in_dim3A_48 : vector<16xf32> to vector<16xf32>
    tpu.vector_store %arg11[%swap3A_49], %swap3A_52 {strides = array<i32>} : memref<640xf32, #tpu.memory_space<vmem>>, vector<16xf32>,
    %broadcast_in_dim3A_53 = arith.constant 0.000000e+00 : f32
    %broadcast_in_dim3A_54 = vector.broadcast %broadcast_in_dim3A_53 : f32 to vector<16xf32>
    %swap3A_55 = arith.constant 16 : index
    %swap3A_56 = tpu.vector_load %arg11[%swap3A_55] {strides = array<i32>} : memref<640xf32, #tpu.memory_space<vmem>>, vector<16xf32>,
    %swap3A_57 = vector.shape_cast %swap3A_56 : vector<16xf32> to vector<16xf32>
    %swap3A_58 = vector.shape_cast %broadcast_in_dim3A_54 : vector<16xf32> to vector<16xf32>
    tpu.vector_store %arg11[%swap3A_55], %swap3A_58 {strides = array<i32>} : memref<640xf32, #tpu.memory_space<vmem>>, vector<16xf32>,
    %broadcast_in_dim3A_59 = arith.constant 0.000000e+00 : f32
    %broadcast_in_dim3A_60 = vector.broadcast %broadcast_in_dim3A_59 : f32 to vector<16xf32>
    %swap3A_61 = arith.constant 32 : index
    %swap3A_62 = tpu.vector_load %arg11[%swap3A_61] {strides = array<i32>} : memref<640xf32, #tpu.memory_space<vmem>>, vector<16xf32>,
    %swap3A_63 = vector.shape_cast %swap3A_62 : vector<16xf32> to vector<16xf32>
    %swap3A_64 = vector.shape_cast %broadcast_in_dim3A_60 : vector<16xf32> to vector<16xf32>
    tpu.vector_store %arg11[%swap3A_61], %swap3A_64 {strides = array<i32>} : memref<640xf32, #tpu.memory_space<vmem>>, vector<16xf32>,
    %broadcast_in_dim3A_65 = arith.constant 0.000000e+00 : f32
    %broadcast_in_dim3A_66 = vector.broadcast %broadcast_in_dim3A_65 : f32 to vector<16xf32>
    %swap3A_67 = arith.constant 48 : index
    %swap3A_68 = tpu.vector_load %arg11[%swap3A_67] {strides = array<i32>} : memref<640xf32, #tpu.memory_space<vmem>>, vector<16xf32>,
    %swap3A_69 = vector.shape_cast %swap3A_68 : vector<16xf32> to vector<16xf32>
    %swap3A_70 = vector.shape_cast %broadcast_in_dim3A_66 : vector<16xf32> to vector<16xf32>
    tpu.vector_store %arg11[%swap3A_67], %swap3A_70 {strides = array<i32>} : memref<640xf32, #tpu.memory_space<vmem>>, vector<16xf32>,
    %broadcast_in_dim3A_71 = arith.constant 0.000000e+00 : f32
    %broadcast_in_dim3A_72 = vector.broadcast %broadcast_in_dim3A_71 : f32 to vector<16xf32>
    %swap3A_73 = arith.constant 64 : index
    %swap3A_74 = tpu.vector_load %arg11[%swap3A_73] {strides = array<i32>} : memref<640xf32, #tpu.memory_space<vmem>>, vector<16xf32>,
    %swap3A_75 = vector.shape_cast %swap3A_74 : vector<16xf32> to vector<16xf32>
    %swap3A_76 = vector.shape_cast %broadcast_in_dim3A_72 : vector<16xf32> to vector<16xf32>
    tpu.vector_store %arg11[%swap3A_73], %swap3A_76 {strides = array<i32>} : memref<640xf32, #tpu.memory_space<vmem>>, vector<16xf32>,
    %broadcast_in_dim3A_77 = arith.constant 0.000000e+00 : f32
    %broadcast_in_dim3A_78 = vector.broadcast %broadcast_in_dim3A_77 : f32 to vector<16xf32>
    %swap3A_79 = arith.constant 80 : index
    %swap3A_80 = tpu.vector_load %arg11[%swap3A_79] {strides = array<i32>} : memref<640xf32, #tpu.memory_space<vmem>>, vector<16xf32>,
    %swap3A_81 = vector.shape_cast %swap3A_80 : vector<16xf32> to vector<16xf32>
    %swap3A_82 = vector.shape_cast %broadcast_in_dim3A_78 : vector<16xf32> to vector<16xf32>
    tpu.vector_store %arg11[%swap3A_79], %swap3A_82 {strides = array<i32>} : memref<640xf32, #tpu.memory_space<vmem>>, vector<16xf32>,
    %broadcast_in_dim3A_83 = arith.constant 0.000000e+00 : f32
    %broadcast_in_dim3A_84 = vector.broadcast %broadcast_in_dim3A_83 : f32 to vector<16xf32>
    %swap3A_85 = arith.constant 96 : index
    %swap3A_86 = tpu.vector_load %arg11[%swap3A_85] {strides = array<i32>} : memref<640xf32, #tpu.memory_space<vmem>>, vector<16xf32>,
    %swap3A_87 = vector.shape_cast %swap3A_86 : vector<16xf32> to vector<16xf32>
    %swap3A_88 = vector.shape_cast %broadcast_in_dim3A_84 : vector<16xf32> to vector<16xf32>
    tpu.vector_store %arg11[%swap3A_85], %swap3A_88 {strides = array<i32>} : memref<640xf32, #tpu.memory_space<vmem>>, vector<16xf32>,
    %broadcast_in_dim3A_89 = arith.constant 0.000000e+00 : f32
    %broadcast_in_dim3A_90 = vector.broadcast %broadcast_in_dim3A_89 : f32 to vector<16xf32>
    %swap3A_91 = arith.constant 112 : index
    %swap3A_92 = tpu.vector_load %arg11[%swap3A_91] {strides = array<i32>} : memref<640xf32, #tpu.memory_space<vmem>>, vector<16xf32>,
    %swap3A_93 = vector.shape_cast %swap3A_92 : vector<16xf32> to vector<16xf32>
    %swap3A_94 = vector.shape_cast %broadcast_in_dim3A_90 : vector<16xf32> to vector<16xf32>
    tpu.vector_store %arg11[%swap3A_91], %swap3A_94 {strides = array<i32>} : memref<640xf32, #tpu.memory_space<vmem>>, vector<16xf32>,
    %broadcast_in_dim3A_95 = arith.constant 0.000000e+00 : f32
    %broadcast_in_dim3A_96 = vector.broadcast %broadcast_in_dim3A_95 : f32 to vector<16xf32>
    %swap3A_97 = arith.constant 128 : index
    %swap3A_98 = tpu.vector_load %arg11[%swap3A_97] {strides = array<i32>} : memref<640xf32, #tpu.memory_space<vmem>>, vector<16xf32>,
    %swap3A_99 = vector.shape_cast %swap3A_98 : vector<16xf32> to vector<16xf32>
    %swap3A_100 = vector.shape_cast %broadcast_in_dim3A_96 : vector<16xf32> to vector<16xf32>
    tpu.vector_store %arg11[%swap3A_97], %swap3A_100 {strides = array<i32>} : memref<640xf32, #tpu.memory_space<vmem>>, vector<16xf32>,
    %broadcast_in_dim3A_101 = arith.constant 0.000000e+00 : f32
    %broadcast_in_dim3A_102 = vector.broadcast %broadcast_in_dim3A_101 : f32 to vector<16xf32>
    %swap3A_103 = arith.constant 144 : index
    %swap3A_104 = tpu.vector_load %arg11[%swap3A_103] {strides = array<i32>} : memref<640xf32, #tpu.memory_space<vmem>>, vector<16xf32>,
    %swap3A_105 = vector.shape_cast %swap3A_104 : vector<16xf32> to vector<16xf32>
    %swap3A_106 = vector.shape_cast %broadcast_in_dim3A_102 : vector<16xf32> to vector<16xf32>
    tpu.vector_store %arg11[%swap3A_103], %swap3A_106 {strides = array<i32>} : memref<640xf32, #tpu.memory_space<vmem>>, vector<16xf32>,
    %broadcast_in_dim3A_107 = arith.constant 0.000000e+00 : f32
    %broadcast_in_dim3A_108 = vector.broadcast %broadcast_in_dim3A_107 : f32 to vector<16xf32>
    %swap3A_109 = arith.constant 160 : index
    %swap3A_110 = tpu.vector_load %arg11[%swap3A_109] {strides = array<i32>} : memref<640xf32, #tpu.memory_space<vmem>>, vector<16xf32>,
    %swap3A_111 = vector.shape_cast %swap3A_110 : vector<16xf32> to vector<16xf32>
    %swap3A_112 = vector.shape_cast %broadcast_in_dim3A_108 : vector<16xf32> to vector<16xf32>
    tpu.vector_store %arg11[%swap3A_109], %swap3A_112 {strides = array<i32>} : memref<640xf32, #tpu.memory_space<vmem>>, vector<16xf32>,
    %broadcast_in_dim3A_113 = arith.constant 0.000000e+00 : f32
    %broadcast_in_dim3A_114 = vector.broadcast %broadcast_in_dim3A_113 : f32 to vector<16xf32>
    %swap3A_115 = arith.constant 176 : index
    %swap3A_116 = tpu.vector_load %arg11[%swap3A_115] {strides = array<i32>} : memref<640xf32, #tpu.memory_space<vmem>>, vector<16xf32>,
    %swap3A_117 = vector.shape_cast %swap3A_116 : vector<16xf32> to vector<16xf32>
    %swap3A_118 = vector.shape_cast %broadcast_in_dim3A_114 : vector<16xf32> to vector<16xf32>
    tpu.vector_store %arg11[%swap3A_115], %swap3A_118 {strides = array<i32>} : memref<640xf32, #tpu.memory_space<vmem>>, vector<16xf32>,
    %broadcast_in_dim3A_119 = arith.constant 0.000000e+00 : f32
    %broadcast_in_dim3A_120 = vector.broadcast %broadcast_in_dim3A_119 : f32 to vector<16xf32>
    %swap3A_121 = arith.constant 192 : index
    %swap3A_122 = tpu.vector_load %arg11[%swap3A_121] {strides = array<i32>} : memref<640xf32, #tpu.memory_space<vmem>>, vector<16xf32>,
    %swap3A_123 = vector.shape_cast %swap3A_122 : vector<16xf32> to vector<16xf32>
    %swap3A_124 = vector.shape_cast %broadcast_in_dim3A_120 : vector<16xf32> to vector<16xf32>
    tpu.vector_store %arg11[%swap3A_121], %swap3A_124 {strides = array<i32>} : memref<640xf32, #tpu.memory_space<vmem>>, vector<16xf32>,
    %broadcast_in_dim3A_125 = arith.constant 0.000000e+00 : f32
    %broadcast_in_dim3A_126 = vector.broadcast %broadcast_in_dim3A_125 : f32 to vector<16xf32>
    %swap3A_127 = arith.constant 208 : index
    %swap3A_128 = tpu.vector_load %arg11[%swap3A_127] {strides = array<i32>} : memref<640xf32, #tpu.memory_space<vmem>>, vector<16xf32>,
    %swap3A_129 = vector.shape_cast %swap3A_128 : vector<16xf32> to vector<16xf32>
    %swap3A_130 = vector.shape_cast %broadcast_in_dim3A_126 : vector<16xf32> to vector<16xf32>
    tpu.vector_store %arg11[%swap3A_127], %swap3A_130 {strides = array<i32>} : memref<640xf32, #tpu.memory_space<vmem>>, vector<16xf32>,
    %broadcast_in_dim3A_131 = arith.constant 0.000000e+00 : f32
    %broadcast_in_dim3A_132 = vector.broadcast %broadcast_in_dim3A_131 : f32 to vector<16xf32>
    %swap3A_133 = arith.constant 224 : index
    %swap3A_134 = tpu.vector_load %arg11[%swap3A_133] {strides = array<i32>} : memref<640xf32, #tpu.memory_space<vmem>>, vector<16xf32>,
    %swap3A_135 = vector.shape_cast %swap3A_134 : vector<16xf32> to vector<16xf32>
    %swap3A_136 = vector.shape_cast %broadcast_in_dim3A_132 : vector<16xf32> to vector<16xf32>
    tpu.vector_store %arg11[%swap3A_133], %swap3A_136 {strides = array<i32>} : memref<640xf32, #tpu.memory_space<vmem>>, vector<16xf32>,
    %broadcast_in_dim3A_137 = arith.constant 0.000000e+00 : f32
    %broadcast_in_dim3A_138 = vector.broadcast %broadcast_in_dim3A_137 : f32 to vector<16xf32>
    %swap3A_139 = arith.constant 240 : index
    %swap3A_140 = tpu.vector_load %arg11[%swap3A_139] {strides = array<i32>} : memref<640xf32, #tpu.memory_space<vmem>>, vector<16xf32>,
    %swap3A_141 = vector.shape_cast %swap3A_140 : vector<16xf32> to vector<16xf32>
    %swap3A_142 = vector.shape_cast %broadcast_in_dim3A_138 : vector<16xf32> to vector<16xf32>
    tpu.vector_store %arg11[%swap3A_139], %swap3A_142 {strides = array<i32>} : memref<640xf32, #tpu.memory_space<vmem>>, vector<16xf32>,
    %broadcast_in_dim3A_143 = arith.constant 0.000000e+00 : f32
    %broadcast_in_dim3A_144 = vector.broadcast %broadcast_in_dim3A_143 : f32 to vector<16xf32>
    %swap3A_145 = arith.constant 256 : index
    %swap3A_146 = tpu.vector_load %arg11[%swap3A_145] {strides = array<i32>} : memref<640xf32, #tpu.memory_space<vmem>>, vector<16xf32>,
    %swap3A_147 = vector.shape_cast %swap3A_146 : vector<16xf32> to vector<16xf32>
    %swap3A_148 = vector.shape_cast %broadcast_in_dim3A_144 : vector<16xf32> to vector<16xf32>
    tpu.vector_store %arg11[%swap3A_145], %swap3A_148 {strides = array<i32>} : memref<640xf32, #tpu.memory_space<vmem>>, vector<16xf32>,
    %broadcast_in_dim3A_149 = arith.constant 0.000000e+00 : f32
    %broadcast_in_dim3A_150 = vector.broadcast %broadcast_in_dim3A_149 : f32 to vector<16xf32>
    %swap3A_151 = arith.constant 272 : index
    %swap3A_152 = tpu.vector_load %arg11[%swap3A_151] {strides = array<i32>} : memref<640xf32, #tpu.memory_space<vmem>>, vector<16xf32>,
    %swap3A_153 = vector.shape_cast %swap3A_152 : vector<16xf32> to vector<16xf32>
    %swap3A_154 = vector.shape_cast %broadcast_in_dim3A_150 : vector<16xf32> to vector<16xf32>
    tpu.vector_store %arg11[%swap3A_151], %swap3A_154 {strides = array<i32>} : memref<640xf32, #tpu.memory_space<vmem>>, vector<16xf32>,
    %broadcast_in_dim3A_155 = arith.constant 0.000000e+00 : f32
    %broadcast_in_dim3A_156 = vector.broadcast %broadcast_in_dim3A_155 : f32 to vector<16xf32>
    %swap3A_157 = arith.constant 288 : index
    %swap3A_158 = tpu.vector_load %arg11[%swap3A_157] {strides = array<i32>} : memref<640xf32, #tpu.memory_space<vmem>>, vector<16xf32>,
    %swap3A_159 = vector.shape_cast %swap3A_158 : vector<16xf32> to vector<16xf32>
    %swap3A_160 = vector.shape_cast %broadcast_in_dim3A_156 : vector<16xf32> to vector<16xf32>
    tpu.vector_store %arg11[%swap3A_157], %swap3A_160 {strides = array<i32>} : memref<640xf32, #tpu.memory_space<vmem>>, vector<16xf32>,
    %broadcast_in_dim3A_161 = arith.constant 0.000000e+00 : f32
    %broadcast_in_dim3A_162 = vector.broadcast %broadcast_in_dim3A_161 : f32 to vector<16xf32>
    %swap3A_163 = arith.constant 304 : index
    %swap3A_164 = tpu.vector_load %arg11[%swap3A_163] {strides = array<i32>} : memref<640xf32, #tpu.memory_space<vmem>>, vector<16xf32>,
    %swap3A_165 = vector.shape_cast %swap3A_164 : vector<16xf32> to vector<16xf32>
    %swap3A_166 = vector.shape_cast %broadcast_in_dim3A_162 : vector<16xf32> to vector<16xf32>
    tpu.vector_store %arg11[%swap3A_163], %swap3A_166 {strides = array<i32>} : memref<640xf32, #tpu.memory_space<vmem>>, vector<16xf32>,
    %broadcast_in_dim3A_167 = arith.constant 0.000000e+00 : f32
    %broadcast_in_dim3A_168 = vector.broadcast %broadcast_in_dim3A_167 : f32 to vector<16xf32>
    %swap3A_169 = arith.constant 320 : index
    %swap3A_170 = tpu.vector_load %arg11[%swap3A_169] {strides = array<i32>} : memref<640xf32, #tpu.memory_space<vmem>>, vector<16xf32>,
    %swap3A_171 = vector.shape_cast %swap3A_170 : vector<16xf32> to vector<16xf32>
    %swap3A_172 = vector.shape_cast %broadcast_in_dim3A_168 : vector<16xf32> to vector<16xf32>
    tpu.vector_store %arg11[%swap3A_169], %swap3A_172 {strides = array<i32>} : memref<640xf32, #tpu.memory_space<vmem>>, vector<16xf32>,
    %broadcast_in_dim3A_173 = arith.constant 0.000000e+00 : f32
    %broadcast_in_dim3A_174 = vector.broadcast %broadcast_in_dim3A_173 : f32 to vector<16xf32>
    %swap3A_175 = arith.constant 336 : index
    %swap3A_176 = tpu.vector_load %arg11[%swap3A_175] {strides = array<i32>} : memref<640xf32, #tpu.memory_space<vmem>>, vector<16xf32>,
    %swap3A_177 = vector.shape_cast %swap3A_176 : vector<16xf32> to vector<16xf32>
    %swap3A_178 = vector.shape_cast %broadcast_in_dim3A_174 : vector<16xf32> to vector<16xf32>
    tpu.vector_store %arg11[%swap3A_175], %swap3A_178 {strides = array<i32>} : memref<640xf32, #tpu.memory_space<vmem>>, vector<16xf32>,
    %broadcast_in_dim3A_179 = arith.constant 0.000000e+00 : f32
    %broadcast_in_dim3A_180 = vector.broadcast %broadcast_in_dim3A_179 : f32 to vector<16xf32>
    %swap3A_181 = arith.constant 352 : index
    %swap3A_182 = tpu.vector_load %arg11[%swap3A_181] {strides = array<i32>} : memref<640xf32, #tpu.memory_space<vmem>>, vector<16xf32>,
    %swap3A_183 = vector.shape_cast %swap3A_182 : vector<16xf32> to vector<16xf32>
    %swap3A_184 = vector.shape_cast %broadcast_in_dim3A_180 : vector<16xf32> to vector<16xf32>
    tpu.vector_store %arg11[%swap3A_181], %swap3A_184 {strides = array<i32>} : memref<640xf32, #tpu.memory_space<vmem>>, vector<16xf32>,
    %broadcast_in_dim3A_185 = arith.constant 0.000000e+00 : f32
    %broadcast_in_dim3A_186 = vector.broadcast %broadcast_in_dim3A_185 : f32 to vector<16xf32>
    %swap3A_187 = arith.constant 368 : index
    %swap3A_188 = tpu.vector_load %arg11[%swap3A_187] {strides = array<i32>} : memref<640xf32, #tpu.memory_space<vmem>>, vector<16xf32>,
    %swap3A_189 = vector.shape_cast %swap3A_188 : vector<16xf32> to vector<16xf32>
    %swap3A_190 = vector.shape_cast %broadcast_in_dim3A_186 : vector<16xf32> to vector<16xf32>
    tpu.vector_store %arg11[%swap3A_187], %swap3A_190 {strides = array<i32>} : memref<640xf32, #tpu.memory_space<vmem>>, vector<16xf32>,
    %broadcast_in_dim3A_191 = arith.constant 0.000000e+00 : f32
    %broadcast_in_dim3A_192 = vector.broadcast %broadcast_in_dim3A_191 : f32 to vector<16xf32>
    %swap3A_193 = arith.constant 384 : index
    %swap3A_194 = tpu.vector_load %arg11[%swap3A_193] {strides = array<i32>} : memref<640xf32, #tpu.memory_space<vmem>>, vector<16xf32>,
    %swap3A_195 = vector.shape_cast %swap3A_194 : vector<16xf32> to vector<16xf32>
    %swap3A_196 = vector.shape_cast %broadcast_in_dim3A_192 : vector<16xf32> to vector<16xf32>
    tpu.vector_store %arg11[%swap3A_193], %swap3A_196 {strides = array<i32>} : memref<640xf32, #tpu.memory_space<vmem>>, vector<16xf32>,
    %broadcast_in_dim3A_197 = arith.constant 0.000000e+00 : f32
    %broadcast_in_dim3A_198 = vector.broadcast %broadcast_in_dim3A_197 : f32 to vector<16xf32>
    %swap3A_199 = arith.constant 400 : index
    %swap3A_200 = tpu.vector_load %arg11[%swap3A_199] {strides = array<i32>} : memref<640xf32, #tpu.memory_space<vmem>>, vector<16xf32>,
    %swap3A_201 = vector.shape_cast %swap3A_200 : vector<16xf32> to vector<16xf32>
    %swap3A_202 = vector.shape_cast %broadcast_in_dim3A_198 : vector<16xf32> to vector<16xf32>
    tpu.vector_store %arg11[%swap3A_199], %swap3A_202 {strides = array<i32>} : memref<640xf32, #tpu.memory_space<vmem>>, vector<16xf32>,
    %broadcast_in_dim3A_203 = arith.constant 0.000000e+00 : f32
    %broadcast_in_dim3A_204 = vector.broadcast %broadcast_in_dim3A_203 : f32 to vector<16xf32>
    %swap3A_205 = arith.constant 416 : index
    %swap3A_206 = tpu.vector_load %arg11[%swap3A_205] {strides = array<i32>} : memref<640xf32, #tpu.memory_space<vmem>>, vector<16xf32>,
    %swap3A_207 = vector.shape_cast %swap3A_206 : vector<16xf32> to vector<16xf32>
    %swap3A_208 = vector.shape_cast %broadcast_in_dim3A_204 : vector<16xf32> to vector<16xf32>
    tpu.vector_store %arg11[%swap3A_205], %swap3A_208 {strides = array<i32>} : memref<640xf32, #tpu.memory_space<vmem>>, vector<16xf32>,
    %broadcast_in_dim3A_209 = arith.constant 0.000000e+00 : f32
    %broadcast_in_dim3A_210 = vector.broadcast %broadcast_in_dim3A_209 : f32 to vector<16xf32>
    %swap3A_211 = arith.constant 432 : index
    %swap3A_212 = tpu.vector_load %arg11[%swap3A_211] {strides = array<i32>} : memref<640xf32, #tpu.memory_space<vmem>>, vector<16xf32>,
    %swap3A_213 = vector.shape_cast %swap3A_212 : vector<16xf32> to vector<16xf32>
    %swap3A_214 = vector.shape_cast %broadcast_in_dim3A_210 : vector<16xf32> to vector<16xf32>
    tpu.vector_store %arg11[%swap3A_211], %swap3A_214 {strides = array<i32>} : memref<640xf32, #tpu.memory_space<vmem>>, vector<16xf32>,
    %broadcast_in_dim3A_215 = arith.constant 0.000000e+00 : f32
    %broadcast_in_dim3A_216 = vector.broadcast %broadcast_in_dim3A_215 : f32 to vector<16xf32>
    %swap3A_217 = arith.constant 448 : index
    %swap3A_218 = tpu.vector_load %arg11[%swap3A_217] {strides = array<i32>} : memref<640xf32, #tpu.memory_space<vmem>>, vector<16xf32>,
    %swap3A_219 = vector.shape_cast %swap3A_218 : vector<16xf32> to vector<16xf32>
    %swap3A_220 = vector.shape_cast %broadcast_in_dim3A_216 : vector<16xf32> to vector<16xf32>
    tpu.vector_store %arg11[%swap3A_217], %swap3A_220 {strides = array<i32>} : memref<640xf32, #tpu.memory_space<vmem>>, vector<16xf32>,
    %broadcast_in_dim3A_221 = arith.constant 0.000000e+00 : f32
    %broadcast_in_dim3A_222 = vector.broadcast %broadcast_in_dim3A_221 : f32 to vector<16xf32>
    %swap3A_223 = arith.constant 464 : index
    %swap3A_224 = tpu.vector_load %arg11[%swap3A_223] {strides = array<i32>} : memref<640xf32, #tpu.memory_space<vmem>>, vector<16xf32>,
    %swap3A_225 = vector.shape_cast %swap3A_224 : vector<16xf32> to vector<16xf32>
    %swap3A_226 = vector.shape_cast %broadcast_in_dim3A_222 : vector<16xf32> to vector<16xf32>
    tpu.vector_store %arg11[%swap3A_223], %swap3A_226 {strides = array<i32>} : memref<640xf32, #tpu.memory_space<vmem>>, vector<16xf32>,
    %broadcast_in_dim3A_227 = arith.constant 0.000000e+00 : f32
    %broadcast_in_dim3A_228 = vector.broadcast %broadcast_in_dim3A_227 : f32 to vector<16xf32>
    %swap3A_229 = arith.constant 480 : index
    %swap3A_230 = tpu.vector_load %arg11[%swap3A_229] {strides = array<i32>} : memref<640xf32, #tpu.memory_space<vmem>>, vector<16xf32>,
    %swap3A_231 = vector.shape_cast %swap3A_230 : vector<16xf32> to vector<16xf32>
    %swap3A_232 = vector.shape_cast %broadcast_in_dim3A_228 : vector<16xf32> to vector<16xf32>
    tpu.vector_store %arg11[%swap3A_229], %swap3A_232 {strides = array<i32>} : memref<640xf32, #tpu.memory_space<vmem>>, vector<16xf32>,
    %broadcast_in_dim3A_233 = arith.constant 0.000000e+00 : f32
    %broadcast_in_dim3A_234 = vector.broadcast %broadcast_in_dim3A_233 : f32 to vector<16xf32>
    %swap3A_235 = arith.constant 496 : index
    %swap3A_236 = tpu.vector_load %arg11[%swap3A_235] {strides = array<i32>} : memref<640xf32, #tpu.memory_space<vmem>>, vector<16xf32>,
    %swap3A_237 = vector.shape_cast %swap3A_236 : vector<16xf32> to vector<16xf32>
    %swap3A_238 = vector.shape_cast %broadcast_in_dim3A_234 : vector<16xf32> to vector<16xf32>
    tpu.vector_store %arg11[%swap3A_235], %swap3A_238 {strides = array<i32>} : memref<640xf32, #tpu.memory_space<vmem>>, vector<16xf32>,
    %broadcast_in_dim3A_239 = arith.constant 0.000000e+00 : f32
    %broadcast_in_dim3A_240 = vector.broadcast %broadcast_in_dim3A_239 : f32 to vector<16xf32>
    %swap3A_241 = arith.constant 512 : index
    %swap3A_242 = tpu.vector_load %arg11[%swap3A_241] {strides = array<i32>} : memref<640xf32, #tpu.memory_space<vmem>>, vector<16xf32>,
    %swap3A_243 = vector.shape_cast %swap3A_242 : vector<16xf32> to vector<16xf32>
    %swap3A_244 = vector.shape_cast %broadcast_in_dim3A_240 : vector<16xf32> to vector<16xf32>
    tpu.vector_store %arg11[%swap3A_241], %swap3A_244 {strides = array<i32>} : memref<640xf32, #tpu.memory_space<vmem>>, vector<16xf32>,
    %broadcast_in_dim3A_245 = arith.constant 0.000000e+00 : f32
    %broadcast_in_dim3A_246 = vector.broadcast %broadcast_in_dim3A_245 : f32 to vector<16xf32>
    %swap3A_247 = arith.constant 528 : index
    %swap3A_248 = tpu.vector_load %arg11[%swap3A_247] {strides = array<i32>} : memref<640xf32, #tpu.memory_space<vmem>>, vector<16xf32>,
    %swap3A_249 = vector.shape_cast %swap3A_248 : vector<16xf32> to vector<16xf32>
    %swap3A_250 = vector.shape_cast %broadcast_in_dim3A_246 : vector<16xf32> to vector<16xf32>
    tpu.vector_store %arg11[%swap3A_247], %swap3A_250 {strides = array<i32>} : memref<640xf32, #tpu.memory_space<vmem>>, vector<16xf32>,
    %broadcast_in_dim3A_251 = arith.constant 0.000000e+00 : f32
    %broadcast_in_dim3A_252 = vector.broadcast %broadcast_in_dim3A_251 : f32 to vector<16xf32>
    %swap3A_253 = arith.constant 544 : index
    %swap3A_254 = tpu.vector_load %arg11[%swap3A_253] {strides = array<i32>} : memref<640xf32, #tpu.memory_space<vmem>>, vector<16xf32>,
    %swap3A_255 = vector.shape_cast %swap3A_254 : vector<16xf32> to vector<16xf32>
    %swap3A_256 = vector.shape_cast %broadcast_in_dim3A_252 : vector<16xf32> to vector<16xf32>
    tpu.vector_store %arg11[%swap3A_253], %swap3A_256 {strides = array<i32>} : memref<640xf32, #tpu.memory_space<vmem>>, vector<16xf32>,
    %broadcast_in_dim3A_257 = arith.constant 0.000000e+00 : f32
    %broadcast_in_dim3A_258 = vector.broadcast %broadcast_in_dim3A_257 : f32 to vector<16xf32>
    %swap3A_259 = arith.constant 560 : index
    %swap3A_260 = tpu.vector_load %arg11[%swap3A_259] {strides = array<i32>} : memref<640xf32, #tpu.memory_space<vmem>>, vector<16xf32>,
    %swap3A_261 = vector.shape_cast %swap3A_260 : vector<16xf32> to vector<16xf32>
    %swap3A_262 = vector.shape_cast %broadcast_in_dim3A_258 : vector<16xf32> to vector<16xf32>
    tpu.vector_store %arg11[%swap3A_259], %swap3A_262 {strides = array<i32>} : memref<640xf32, #tpu.memory_space<vmem>>, vector<16xf32>,
    %broadcast_in_dim3A_263 = arith.constant 0.000000e+00 : f32
    %broadcast_in_dim3A_264 = vector.broadcast %broadcast_in_dim3A_263 : f32 to vector<16xf32>
    %swap3A_265 = arith.constant 576 : index
    %swap3A_266 = tpu.vector_load %arg11[%swap3A_265] {strides = array<i32>} : memref<640xf32, #tpu.memory_space<vmem>>, vector<16xf32>,
    %swap3A_267 = vector.shape_cast %swap3A_266 : vector<16xf32> to vector<16xf32>
    %swap3A_268 = vector.shape_cast %broadcast_in_dim3A_264 : vector<16xf32> to vector<16xf32>
    tpu.vector_store %arg11[%swap3A_265], %swap3A_268 {strides = array<i32>} : memref<640xf32, #tpu.memory_space<vmem>>, vector<16xf32>,
    %broadcast_in_dim3A_269 = arith.constant 0.000000e+00 : f32
    %broadcast_in_dim3A_270 = vector.broadcast %broadcast_in_dim3A_269 : f32 to vector<16xf32>
    %swap3A_271 = arith.constant 592 : index
    %swap3A_272 = tpu.vector_load %arg11[%swap3A_271] {strides = array<i32>} : memref<640xf32, #tpu.memory_space<vmem>>, vector<16xf32>,
    %swap3A_273 = vector.shape_cast %swap3A_272 : vector<16xf32> to vector<16xf32>
    %swap3A_274 = vector.shape_cast %broadcast_in_dim3A_270 : vector<16xf32> to vector<16xf32>
    tpu.vector_store %arg11[%swap3A_271], %swap3A_274 {strides = array<i32>} : memref<640xf32, #tpu.memory_space<vmem>>, vector<16xf32>,
    %broadcast_in_dim3A_275 = arith.constant 0.000000e+00 : f32
    %broadcast_in_dim3A_276 = vector.broadcast %broadcast_in_dim3A_275 : f32 to vector<16xf32>
    %swap3A_277 = arith.constant 608 : index
    %swap3A_278 = tpu.vector_load %arg11[%swap3A_277] {strides = array<i32>} : memref<640xf32, #tpu.memory_space<vmem>>, vector<16xf32>,
    %swap3A_279 = vector.shape_cast %swap3A_278 : vector<16xf32> to vector<16xf32>
    %swap3A_280 = vector.shape_cast %broadcast_in_dim3A_276 : vector<16xf32> to vector<16xf32>
    tpu.vector_store %arg11[%swap3A_277], %swap3A_280 {strides = array<i32>} : memref<640xf32, #tpu.memory_space<vmem>>, vector<16xf32>,
    %broadcast_in_dim3A_281 = arith.constant 0.000000e+00 : f32
    %broadcast_in_dim3A_282 = vector.broadcast %broadcast_in_dim3A_281 : f32 to vector<16xf32>
    %swap3A_283 = arith.constant 624 : index
    %swap3A_284 = tpu.vector_load %arg11[%swap3A_283] {strides = array<i32>} : memref<640xf32, #tpu.memory_space<vmem>>, vector<16xf32>,
    %swap3A_285 = vector.shape_cast %swap3A_284 : vector<16xf32> to vector<16xf32>
    %swap3A_286 = vector.shape_cast %broadcast_in_dim3A_282 : vector<16xf32> to vector<16xf32>
    tpu.vector_store %arg11[%swap3A_283], %swap3A_286 {strides = array<i32>} : memref<640xf32, #tpu.memory_space<vmem>>, vector<16xf32>,
    %mul3A_287 = arith.constant 32 : i32
    %mul3A_288 = arith.muli %add3A, %mul3A_287 : i32
    "tpu.region"() ({
      %run_scoped3A_304 = tpu.sem_alloc : memref<!tpu.dma_semaphore, #tpu.memory_space<semaphore_mem>>
      %dma_start3A_305 = tpu.memref_slice %arg3[%mul3A_288] : memref<1024xi32, #tpu.memory_space<hbm>> -> memref<32xi32, #tpu.memory_space<hbm>>
      %dma_start3A_306 = tpu.memref_slice %arg3[%mul3A_288] : memref<1024xi32, #tpu.memory_space<hbm>> -> memref<32xi32, #tpu.memory_space<hbm>>
      tpu.enqueue_dma source(%dma_start3A_306 : memref<32xi32, #tpu.memory_space<hbm>>) target(%arg12 : memref<32xi32, #tpu.memory_space<vmem>>) target_semaphore(%run_scoped3A_304 : memref<!tpu.dma_semaphore, #tpu.memory_space<semaphore_mem>>)
      %dma_wait3A_307 = tpu.memref_slice %arg3[%mul3A_288] : memref<1024xi32, #tpu.memory_space<hbm>> -> memref<32xi32, #tpu.memory_space<hbm>>
      %dma_wait3A_308 = tpu.memref_slice %arg3[%mul3A_288] : memref<1024xi32, #tpu.memory_space<hbm>> -> memref<32xi32, #tpu.memory_space<hbm>>
      tpu.wait_dma2 semaphore(%run_scoped3A_304 : memref<!tpu.dma_semaphore, #tpu.memory_space<semaphore_mem>>) src(%dma_wait3A_308 : memref<32xi32, #tpu.memory_space<hbm>>) dst(%arg12 : memref<32xi32, #tpu.memory_space<vmem>>)
      tpu.yield
    }) : () -> ()
    %dma_start3A = arith.constant 0 : i32
    %dma_start3A_289 = arith.constant 0 : i32
    %dma_start3A_290 = tpu.memref_slice %arg4[%dma_start3A, %dma_start3A_289] : memref<474x128xf32, #tpu.memory_space<hbm>> -> memref<474x128xf32, #tpu.memory_space<hbm>>
    tpu.enqueue_indirect_dma source(%dma_start3A_290 : memref<474x128xf32, #tpu.memory_space<hbm>>) target(%arg13 : memref<32x128xf32, #tpu.memory_space<vmem>>) offsets(%arg12 : memref<32xi32, #tpu.memory_space<vmem>>) semaphore(%arg16 : memref<!tpu.dma_semaphore, #tpu.memory_space<semaphore_mem>>)
    %dma_wait3A = arith.constant 0 : i32
    %dma_wait3A_291 = arith.constant 0 : i32
    %dma_wait3A_292 = tpu.memref_slice %arg4[%dma_wait3A, %dma_wait3A_291] : memref<474x128xf32, #tpu.memory_space<hbm>> -> memref<474x128xf32, #tpu.memory_space<hbm>>
    tpu.wait_indirect_dma semaphore(%arg16 : memref<!tpu.dma_semaphore, #tpu.memory_space<semaphore_mem>>) src(%dma_wait3A_292 : memref<474x128xf32, #tpu.memory_space<hbm>>) dst(%arg13 : memref<32x128xf32, #tpu.memory_space<vmem>>)
    %mul3A_293 = arith.constant 32 : i32
    %mul3A_294 = arith.muli %add3A, %mul3A_293 : i32
    "tpu.region"() ({
      %run_scoped3A_304 = tpu.sem_alloc : memref<!tpu.dma_semaphore, #tpu.memory_space<semaphore_mem>>
      %dma_start3A_305 = arith.constant 0 : i32
      %dma_start3A_306 = tpu.memref_slice %arg7[%mul3A_294, %dma_start3A_305] : memref<1024x128xf32, #tpu.memory_space<hbm>> -> memref<32x128xf32, #tpu.memory_space<hbm>>
      %dma_start3A_307 = arith.constant 0 : i32
      %dma_start3A_308 = tpu.memref_slice %arg7[%mul3A_294, %dma_start3A_307] : memref<1024x128xf32, #tpu.memory_space<hbm>> -> memref<32x128xf32, #tpu.memory_space<hbm>>
      tpu.enqueue_dma source(%arg13 : memref<32x128xf32, #tpu.memory_space<vmem>>) target(%dma_start3A_308 : memref<32x128xf32, #tpu.memory_space<hbm>>) target_semaphore(%run_scoped3A_304 : memref<!tpu.dma_semaphore, #tpu.memory_space<semaphore_mem>>)
      %dma_wait3A_309 = arith.constant 0 : i32
      %dma_wait3A_310 = tpu.memref_slice %arg7[%mul3A_294, %dma_wait3A_309] : memref<1024x128xf32, #tpu.memory_space<hbm>> -> memref<32x128xf32, #tpu.memory_space<hbm>>
      %dma_wait3A_311 = arith.constant 0 : i32
      %dma_wait3A_312 = tpu.memref_slice %arg7[%mul3A_294, %dma_wait3A_311] : memref<1024x128xf32, #tpu.memory_space<hbm>> -> memref<32x128xf32, #tpu.memory_space<hbm>>
      tpu.wait_dma2 semaphore(%run_scoped3A_304 : memref<!tpu.dma_semaphore, #tpu.memory_space<semaphore_mem>>) src(%arg13 : memref<32x128xf32, #tpu.memory_space<vmem>>) dst(%dma_wait3A_312 : memref<32x128xf32, #tpu.memory_space<hbm>>)
      tpu.yield
    }) : () -> ()
    %run_scoped3A = arith.constant 0 : i32
    "tpu.region"() ({
      %run_scoped3A_304 = tpu.sem_alloc : memref<!tpu.dma_semaphore, #tpu.memory_space<semaphore_mem>>
      %dma_start3A_305 = arith.constant 0 : i32
      %dma_start3A_306 = arith.constant 0 : i32
      %dma_start3A_307 = arith.constant 0 : i32
      %dma_start3A_308 = tpu.memref_slice %arg2[%run_scoped3A, %add3A, %dma_start3A_305, %dma_start3A_306, %dma_start3A_307] : memref<2x32x4x20x125xi32, #tpu.memory_space<hbm>> -> memref<1x1x4x20x125xi32, #tpu.memory_space<hbm>>
      %dma_start3A_309 = tpu.memref_squeeze %dma_start3A_308 : memref<1x1x4x20x125xi32, #tpu.memory_space<hbm>> -> memref<4x20x125xi32, #tpu.memory_space<hbm>>
      %dma_start3A_310 = arith.constant 0 : i32
      %dma_start3A_311 = arith.constant 0 : i32
      %dma_start3A_312 = arith.constant 0 : i32
      %dma_start3A_313 = tpu.memref_slice %arg2[%run_scoped3A, %add3A, %dma_start3A_310, %dma_start3A_311, %dma_start3A_312] : memref<2x32x4x20x125xi32, #tpu.memory_space<hbm>> -> memref<1x1x4x20x125xi32, #tpu.memory_space<hbm>>
      %dma_start3A_314 = tpu.memref_squeeze %dma_start3A_313 : memref<1x1x4x20x125xi32, #tpu.memory_space<hbm>> -> memref<4x20x125xi32, #tpu.memory_space<hbm>>
      tpu.enqueue_dma source(%dma_start3A_314 : memref<4x20x125xi32, #tpu.memory_space<hbm>>) target(%arg8 : memref<4x20x125xi32, #tpu.memory_space<vmem>>) target_semaphore(%run_scoped3A_304 : memref<!tpu.dma_semaphore, #tpu.memory_space<semaphore_mem>>)
      %dma_wait3A_315 = arith.constant 0 : i32
      %dma_wait3A_316 = arith.constant 0 : i32
      %dma_wait3A_317 = arith.constant 0 : i32
      %dma_wait3A_318 = tpu.memref_slice %arg2[%run_scoped3A, %add3A, %dma_wait3A_315, %dma_wait3A_316, %dma_wait3A_317] : memref<2x32x4x20x125xi32, #tpu.memory_space<hbm>> -> memref<1x1x4x20x125xi32, #tpu.memory_space<hbm>>
      %dma_wait3A_319 = tpu.memref_squeeze %dma_wait3A_318 : memref<1x1x4x20x125xi32, #tpu.memory_space<hbm>> -> memref<4x20x125xi32, #tpu.memory_space<hbm>>
      %dma_wait3A_320 = arith.constant 0 : i32
      %dma_wait3A_321 = arith.constant 0 : i32
      %dma_wait3A_322 = arith.constant 0 : i32
      %dma_wait3A_323 = tpu.memref_slice %arg2[%run_scoped3A, %add3A, %dma_wait3A_320, %dma_wait3A_321, %dma_wait3A_322] : memref<2x32x4x20x125xi32, #tpu.memory_space<hbm>> -> memref<1x1x4x20x125xi32, #tpu.memory_space<hbm>>
      %dma_wait3A_324 = tpu.memref_squeeze %dma_wait3A_323 : memref<1x1x4x20x125xi32, #tpu.memory_space<hbm>> -> memref<4x20x125xi32, #tpu.memory_space<hbm>>
      tpu.wait_dma2 semaphore(%run_scoped3A_304 : memref<!tpu.dma_semaphore, #tpu.memory_space<semaphore_mem>>) src(%dma_wait3A_324 : memref<4x20x125xi32, #tpu.memory_space<hbm>>) dst(%arg8 : memref<4x20x125xi32, #tpu.memory_space<vmem>>)
      tpu.yield
    }) : () -> ()
    %run_scoped3A_295 = arith.constant 1 : i32
    "tpu.region"() ({
      %run_scoped3A_304 = tpu.sem_alloc : memref<!tpu.dma_semaphore, #tpu.memory_space<semaphore_mem>>
      %dma_start3A_305 = arith.constant 0 : i32
      %dma_start3A_306 = arith.constant 0 : i32
      %dma_start3A_307 = arith.constant 0 : i32
      %dma_start3A_308 = tpu.memref_slice %arg2[%run_scoped3A_295, %add3A, %dma_start3A_305, %dma_start3A_306, %dma_start3A_307] : memref<2x32x4x20x125xi32, #tpu.memory_space<hbm>> -> memref<1x1x4x20x125xi32, #tpu.memory_space<hbm>>
      %dma_start3A_309 = tpu.memref_squeeze %dma_start3A_308 : memref<1x1x4x20x125xi32, #tpu.memory_space<hbm>> -> memref<4x20x125xi32, #tpu.memory_space<hbm>>
      %dma_start3A_310 = arith.constant 0 : i32
      %dma_start3A_311 = arith.constant 0 : i32
      %dma_start3A_312 = arith.constant 0 : i32
      %dma_start3A_313 = tpu.memref_slice %arg2[%run_scoped3A_295, %add3A, %dma_start3A_310, %dma_start3A_311, %dma_start3A_312] : memref<2x32x4x20x125xi32, #tpu.memory_space<hbm>> -> memref<1x1x4x20x125xi32, #tpu.memory_space<hbm>>
      %dma_start3A_314 = tpu.memref_squeeze %dma_start3A_313 : memref<1x1x4x20x125xi32, #tpu.memory_space<hbm>> -> memref<4x20x125xi32, #tpu.memory_space<hbm>>
      tpu.enqueue_dma source(%dma_start3A_314 : memref<4x20x125xi32, #tpu.memory_space<hbm>>) target(%arg9 : memref<4x20x125xi32, #tpu.memory_space<vmem>>) target_semaphore(%run_scoped3A_304 : memref<!tpu.dma_semaphore, #tpu.memory_space<semaphore_mem>>)
      %dma_wait3A_315 = arith.constant 0 : i32
      %dma_wait3A_316 = arith.constant 0 : i32
      %dma_wait3A_317 = arith.constant 0 : i32
      %dma_wait3A_318 = tpu.memref_slice %arg2[%run_scoped3A_295, %add3A, %dma_wait3A_315, %dma_wait3A_316, %dma_wait3A_317] : memref<2x32x4x20x125xi32, #tpu.memory_space<hbm>> -> memref<1x1x4x20x125xi32, #tpu.memory_space<hbm>>
      %dma_wait3A_319 = tpu.memref_squeeze %dma_wait3A_318 : memref<1x1x4x20x125xi32, #tpu.memory_space<hbm>> -> memref<4x20x125xi32, #tpu.memory_space<hbm>>
      %dma_wait3A_320 = arith.constant 0 : i32
      %dma_wait3A_321 = arith.constant 0 : i32
      %dma_wait3A_322 = arith.constant 0 : i32
      %dma_wait3A_323 = tpu.memref_slice %arg2[%run_scoped3A_295, %add3A, %dma_wait3A_320, %dma_wait3A_321, %dma_wait3A_322] : memref<2x32x4x20x125xi32, #tpu.memory_space<hbm>> -> memref<1x1x4x20x125xi32, #tpu.memory_space<hbm>>
      %dma_wait3A_324 = tpu.memref_squeeze %dma_wait3A_323 : memref<1x1x4x20x125xi32, #tpu.memory_space<hbm>> -> memref<4x20x125xi32, #tpu.memory_space<hbm>>
      tpu.wait_dma2 semaphore(%run_scoped3A_304 : memref<!tpu.dma_semaphore, #tpu.memory_space<semaphore_mem>>) src(%dma_wait3A_324 : memref<4x20x125xi32, #tpu.memory_space<hbm>>) dst(%arg9 : memref<4x20x125xi32, #tpu.memory_space<vmem>>)
      tpu.yield
    }) : () -> ()
    %mul3A_296 = arith.constant 640 : i32
    %mul3A_297 = arith.muli %arg1, %mul3A_296 : i32
    %multiple_of3A = tpu.assume_multiple %mul3A_297, 8 : i32
    "tpu.region"() ({
      %run_scoped3A_304 = tpu.sem_alloc : memref<!tpu.dma_semaphore, #tpu.memory_space<semaphore_mem>>
      %dma_start3A_305 = tpu.memref_slice %arg14[%multiple_of3A] : memref<10240xf32, #tpu.memory_space<vmem_shared>> -> memref<640xf32, #tpu.memory_space<vmem_shared>>
      %dma_start3A_306 = tpu.memref_slice %arg14[%multiple_of3A] : memref<10240xf32, #tpu.memory_space<vmem_shared>> -> memref<640xf32, #tpu.memory_space<vmem_shared>>
      tpu.enqueue_dma source(%arg11 : memref<640xf32, #tpu.memory_space<vmem>>) target(%dma_start3A_306 : memref<640xf32, #tpu.memory_space<vmem_shared>>) target_semaphore(%run_scoped3A_304 : memref<!tpu.dma_semaphore, #tpu.memory_space<semaphore_mem>>)
      %dma_wait3A_307 = tpu.memref_slice %arg14[%multiple_of3A] : memref<10240xf32, #tpu.memory_space<vmem_shared>> -> memref<640xf32, #tpu.memory_space<vmem_shared>>
      %dma_wait3A_308 = tpu.memref_slice %arg14[%multiple_of3A] : memref<10240xf32, #tpu.memory_space<vmem_shared>> -> memref<640xf32, #tpu.memory_space<vmem_shared>>
      tpu.wait_dma2 semaphore(%run_scoped3A_304 : memref<!tpu.dma_semaphore, #tpu.memory_space<semaphore_mem>>) src(%arg11 : memref<640xf32, #tpu.memory_space<vmem>>) dst(%dma_wait3A_308 : memref<640xf32, #tpu.memory_space<vmem_shared>>)
      tpu.yield
    }) : () -> ()
    "tpu.region"() ({
      %run_scoped3A_304 = tpu.sem_alloc : memref<!tpu.dma_semaphore, #tpu.memory_space<semaphore_mem>>
      %dma_start3A_305 = tpu.memref_slice %arg15[%multiple_of3A] : memref<10240xf32, #tpu.memory_space<vmem_shared>> -> memref<640xf32, #tpu.memory_space<vmem_shared>>
      %dma_start3A_306 = tpu.memref_slice %arg15[%multiple_of3A] : memref<10240xf32, #tpu.memory_space<vmem_shared>> -> memref<640xf32, #tpu.memory_space<vmem_shared>>
      tpu.enqueue_dma source(%arg11 : memref<640xf32, #tpu.memory_space<vmem>>) target(%dma_start3A_306 : memref<640xf32, #tpu.memory_space<vmem_shared>>) target_semaphore(%run_scoped3A_304 : memref<!tpu.dma_semaphore, #tpu.memory_space<semaphore_mem>>)
      %dma_wait3A_307 = tpu.memref_slice %arg15[%multiple_of3A] : memref<10240xf32, #tpu.memory_space<vmem_shared>> -> memref<640xf32, #tpu.memory_space<vmem_shared>>
      %dma_wait3A_308 = tpu.memref_slice %arg15[%multiple_of3A] : memref<10240xf32, #tpu.memory_space<vmem_shared>> -> memref<640xf32, #tpu.memory_space<vmem_shared>>
      tpu.wait_dma2 semaphore(%run_scoped3A_304 : memref<!tpu.dma_semaphore, #tpu.memory_space<semaphore_mem>>) src(%arg11 : memref<640xf32, #tpu.memory_space<vmem>>) dst(%dma_wait3A_308 : memref<640xf32, #tpu.memory_space<vmem_shared>>)
      tpu.yield
    }) : () -> ()
    %barrier3A = arith.constant 0 : index
    tpu.barrier barrier_id(%barrier3A)
    %scan3A = arith.constant 0 : i32
    %scan3A_298 = arith.constant 0 : i32
    %scan3A_299 = arith.constant 20 : i32
    %scan3A_300 = arith.addi %scan3A_298, %scan3A_299 : i32
    %scan3A_301 = arith.constant 1 : i32
    scf.for %scan3A_304 = %scan3A_298 to %scan3A_300 step %scan3A_301  : i32 {
      %mul3A_305 = arith.constant 4 : i32
      %mul3A_306 = arith.muli %scan3A_304, %mul3A_305 : i32
      %add3A_307 = arith.constant 0 : i32
      %add3A_308 = arith.addi %mul3A_306, %add3A_307 : i32
      %jit3A = arith.constant 20 : i32
      %div3A = arith.divsi %add3A_308, %jit3A : i32
      %sign3A = arith.constant 0 : i32
      %sign3A_309 = arith.cmpi sgt, %add3A_308, %sign3A : i32
      %sign3A_310 = arith.extui %sign3A_309 : i1 to i32
      %sign3A_311 = arith.constant 0 : i32
      %sign3A_312 = arith.cmpi slt, %add3A_308, %sign3A_311 : i32
      %sign3A_313 = arith.extui %sign3A_312 : i1 to i32
      %sign3A_314 = arith.subi %sign3A_310, %sign3A_313 : i32
      %sign3A_315 = arith.constant 0 : i32
      %sign3A_316 = arith.cmpi sgt, %jit3A, %sign3A_315 : i32
      %sign3A_317 = arith.extui %sign3A_316 : i1 to i32
      %sign3A_318 = arith.constant 0 : i32
      %sign3A_319 = arith.cmpi slt, %jit3A, %sign3A_318 : i32
      %sign3A_320 = arith.extui %sign3A_319 : i1 to i32
      %sign3A_321 = arith.subi %sign3A_317, %sign3A_320 : i32
      %ne3A = arith.cmpi ne, %sign3A_314, %sign3A_321 : i32
      %rem3A = arith.remsi %add3A_308, %jit3A : i32
      %ne3A_322 = arith.constant 0 : i32
      %ne3A_323 = arith.cmpi ne, %rem3A, %ne3A_322 : i32
      %and3A = arith.andi %ne3A, %ne3A_323 : i1
      %sub3A = arith.constant 1 : i32
      %sub3A_324 = arith.subi %div3A, %sub3A : i32
      %select_n3A = arith.select %and3A, %sub3A_324, %div3A : i32
      %jit3A_325 = arith.constant 20 : i32
      %eq3A = arith.constant 0 : i32
      %eq3A_326 = arith.cmpi eq, %jit3A_325, %eq3A : i32
      %jit3A_327 = arith.constant 1 : i32
      %select_n3A_328 = arith.select %eq3A_326, %jit3A_327, %jit3A_325 : i32
      %rem3A_329 = arith.remsi %add3A_308, %select_n3A_328 : i32
      %ne3A_330 = arith.constant 0 : i32
      %ne3A_331 = arith.cmpi ne, %rem3A_329, %ne3A_330 : i32
      %lt3A = arith.constant 0 : i32
      %lt3A_332 = arith.cmpi slt, %rem3A_329, %lt3A : i32
      %lt3A_333 = arith.constant 0 : i32
      %lt3A_334 = arith.cmpi slt, %select_n3A_328, %lt3A_333 : i32
      %ne3A_335 = arith.xori %lt3A_332, %lt3A_334 : i1
      %and3A_336 = arith.andi %ne3A_335, %ne3A_331 : i1
      %add3A_337 = arith.addi %rem3A_329, %select_n3A_328 : i32
      %select_n3A_338 = arith.select %and3A_336, %add3A_337, %rem3A_329 : i32
      %dma_start3A_339 = arith.constant 0 : i32
      %dma_start3A_340 = tpu.memref_slice %arg10[%dma_start3A_339] : memref<128xf32, #tpu.memory_space<vmem>> -> memref<125xf32, #tpu.memory_space<vmem>>
      %dma_start3A_341 = arith.constant 0 : i32
      %dma_start3A_342 = tpu.memref_slice %arg8[%select_n3A, %select_n3A_338, %dma_start3A_341] : memref<4x20x125xi32, #tpu.memory_space<vmem>> -> memref<1x1x125xi32, #tpu.memory_space<vmem>>
      %dma_start3A_343 = tpu.memref_squeeze %dma_start3A_342 : memref<1x1x125xi32, #tpu.memory_space<vmem>> -> memref<125xi32, #tpu.memory_space<vmem>>
      %dma_start3A_344 = arith.constant 0 : i32
      %dma_start3A_345 = tpu.memref_slice %arg14[%dma_start3A_344] : memref<10240xf32, #tpu.memory_space<vmem_shared>> -> memref<10240xf32, #tpu.memory_space<vmem_shared>>
      tpu.enqueue_indirect_dma source(%dma_start3A_340 : memref<125xf32, #tpu.memory_space<vmem>>) target(%dma_start3A_345 : memref<10240xf32, #tpu.memory_space<vmem_shared>>) offsets(%dma_start3A_343 : memref<125xi32, #tpu.memory_space<vmem>>) semaphore(%arg16 : memref<!tpu.dma_semaphore, #tpu.memory_space<semaphore_mem>>) {add = true}
      %dma_start3A_346 = arith.constant 0 : i32
      %dma_start3A_347 = tpu.memref_slice %arg10[%dma_start3A_346] : memref<128xf32, #tpu.memory_space<vmem>> -> memref<125xf32, #tpu.memory_space<vmem>>
      %dma_start3A_348 = arith.constant 0 : i32
      %dma_start3A_349 = tpu.memref_slice %arg9[%select_n3A, %select_n3A_338, %dma_start3A_348] : memref<4x20x125xi32, #tpu.memory_space<vmem>> -> memref<1x1x125xi32, #tpu.memory_space<vmem>>
      %dma_start3A_350 = tpu.memref_squeeze %dma_start3A_349 : memref<1x1x125xi32, #tpu.memory_space<vmem>> -> memref<125xi32, #tpu.memory_space<vmem>>
      %dma_start3A_351 = arith.constant 0 : i32
      %dma_start3A_352 = tpu.memref_slice %arg15[%dma_start3A_351] : memref<10240xf32, #tpu.memory_space<vmem_shared>> -> memref<10240xf32, #tpu.memory_space<vmem_shared>>
      tpu.enqueue_indirect_dma source(%dma_start3A_347 : memref<125xf32, #tpu.memory_space<vmem>>) target(%dma_start3A_352 : memref<10240xf32, #tpu.memory_space<vmem_shared>>) offsets(%dma_start3A_350 : memref<125xi32, #tpu.memory_space<vmem>>) semaphore(%arg16 : memref<!tpu.dma_semaphore, #tpu.memory_space<semaphore_mem>>) {add = true}
      %mul3A_353 = arith.constant 4 : i32
      %mul3A_354 = arith.muli %scan3A_304, %mul3A_353 : i32
      %add3A_355 = arith.constant 1 : i32
      %add3A_356 = arith.addi %mul3A_354, %add3A_355 : i32
      %jit3A_357 = arith.constant 20 : i32
      %div3A_358 = arith.divsi %add3A_356, %jit3A_357 : i32
      %sign3A_359 = arith.constant 0 : i32
      %sign3A_360 = arith.cmpi sgt, %add3A_356, %sign3A_359 : i32
      %sign3A_361 = arith.extui %sign3A_360 : i1 to i32
      %sign3A_362 = arith.constant 0 : i32
      %sign3A_363 = arith.cmpi slt, %add3A_356, %sign3A_362 : i32
      %sign3A_364 = arith.extui %sign3A_363 : i1 to i32
      %sign3A_365 = arith.subi %sign3A_361, %sign3A_364 : i32
      %sign3A_366 = arith.constant 0 : i32
      %sign3A_367 = arith.cmpi sgt, %jit3A_357, %sign3A_366 : i32
      %sign3A_368 = arith.extui %sign3A_367 : i1 to i32
      %sign3A_369 = arith.constant 0 : i32
      %sign3A_370 = arith.cmpi slt, %jit3A_357, %sign3A_369 : i32
      %sign3A_371 = arith.extui %sign3A_370 : i1 to i32
      %sign3A_372 = arith.subi %sign3A_368, %sign3A_371 : i32
      %ne3A_373 = arith.cmpi ne, %sign3A_365, %sign3A_372 : i32
      %rem3A_374 = arith.remsi %add3A_356, %jit3A_357 : i32
      %ne3A_375 = arith.constant 0 : i32
      %ne3A_376 = arith.cmpi ne, %rem3A_374, %ne3A_375 : i32
      %and3A_377 = arith.andi %ne3A_373, %ne3A_376 : i1
      %sub3A_378 = arith.constant 1 : i32
      %sub3A_379 = arith.subi %div3A_358, %sub3A_378 : i32
      %select_n3A_380 = arith.select %and3A_377, %sub3A_379, %div3A_358 : i32
      %jit3A_381 = arith.constant 20 : i32
      %eq3A_382 = arith.constant 0 : i32
      %eq3A_383 = arith.cmpi eq, %jit3A_381, %eq3A_382 : i32
      %jit3A_384 = arith.constant 1 : i32
      %select_n3A_385 = arith.select %eq3A_383, %jit3A_384, %jit3A_381 : i32
      %rem3A_386 = arith.remsi %add3A_356, %select_n3A_385 : i32
      %ne3A_387 = arith.constant 0 : i32
      %ne3A_388 = arith.cmpi ne, %rem3A_386, %ne3A_387 : i32
      %lt3A_389 = arith.constant 0 : i32
      %lt3A_390 = arith.cmpi slt, %rem3A_386, %lt3A_389 : i32
      %lt3A_391 = arith.constant 0 : i32
      %lt3A_392 = arith.cmpi slt, %select_n3A_385, %lt3A_391 : i32
      %ne3A_393 = arith.xori %lt3A_390, %lt3A_392 : i1
      %and3A_394 = arith.andi %ne3A_393, %ne3A_388 : i1
      %add3A_395 = arith.addi %rem3A_386, %select_n3A_385 : i32
      %select_n3A_396 = arith.select %and3A_394, %add3A_395, %rem3A_386 : i32
      %dma_start3A_397 = arith.constant 0 : i32
      %dma_start3A_398 = tpu.memref_slice %arg10[%dma_start3A_397] : memref<128xf32, #tpu.memory_space<vmem>> -> memref<125xf32, #tpu.memory_space<vmem>>
      %dma_start3A_399 = arith.constant 0 : i32
      %dma_start3A_400 = tpu.memref_slice %arg8[%select_n3A_380, %select_n3A_396, %dma_start3A_399] : memref<4x20x125xi32, #tpu.memory_space<vmem>> -> memref<1x1x125xi32, #tpu.memory_space<vmem>>
      %dma_start3A_401 = tpu.memref_squeeze %dma_start3A_400 : memref<1x1x125xi32, #tpu.memory_space<vmem>> -> memref<125xi32, #tpu.memory_space<vmem>>
      %dma_start3A_402 = arith.constant 0 : i32
      %dma_start3A_403 = tpu.memref_slice %arg14[%dma_start3A_402] : memref<10240xf32, #tpu.memory_space<vmem_shared>> -> memref<10240xf32, #tpu.memory_space<vmem_shared>>
      tpu.enqueue_indirect_dma source(%dma_start3A_398 : memref<125xf32, #tpu.memory_space<vmem>>) target(%dma_start3A_403 : memref<10240xf32, #tpu.memory_space<vmem_shared>>) offsets(%dma_start3A_401 : memref<125xi32, #tpu.memory_space<vmem>>) semaphore(%arg16 : memref<!tpu.dma_semaphore, #tpu.memory_space<semaphore_mem>>) {add = true}
      %dma_start3A_404 = arith.constant 0 : i32
      %dma_start3A_405 = tpu.memref_slice %arg10[%dma_start3A_404] : memref<128xf32, #tpu.memory_space<vmem>> -> memref<125xf32, #tpu.memory_space<vmem>>
      %dma_start3A_406 = arith.constant 0 : i32
      %dma_start3A_407 = tpu.memref_slice %arg9[%select_n3A_380, %select_n3A_396, %dma_start3A_406] : memref<4x20x125xi32, #tpu.memory_space<vmem>> -> memref<1x1x125xi32, #tpu.memory_space<vmem>>
      %dma_start3A_408 = tpu.memref_squeeze %dma_start3A_407 : memref<1x1x125xi32, #tpu.memory_space<vmem>> -> memref<125xi32, #tpu.memory_space<vmem>>
      %dma_start3A_409 = arith.constant 0 : i32
      %dma_start3A_410 = tpu.memref_slice %arg15[%dma_start3A_409] : memref<10240xf32, #tpu.memory_space<vmem_shared>> -> memref<10240xf32, #tpu.memory_space<vmem_shared>>
      tpu.enqueue_indirect_dma source(%dma_start3A_405 : memref<125xf32, #tpu.memory_space<vmem>>) target(%dma_start3A_410 : memref<10240xf32, #tpu.memory_space<vmem_shared>>) offsets(%dma_start3A_408 : memref<125xi32, #tpu.memory_space<vmem>>) semaphore(%arg16 : memref<!tpu.dma_semaphore, #tpu.memory_space<semaphore_mem>>) {add = true}
      %mul3A_411 = arith.constant 4 : i32
      %mul3A_412 = arith.muli %scan3A_304, %mul3A_411 : i32
      %add3A_413 = arith.constant 2 : i32
      %add3A_414 = arith.addi %mul3A_412, %add3A_413 : i32
      %jit3A_415 = arith.constant 20 : i32
      %div3A_416 = arith.divsi %add3A_414, %jit3A_415 : i32
      %sign3A_417 = arith.constant 0 : i32
      %sign3A_418 = arith.cmpi sgt, %add3A_414, %sign3A_417 : i32
      %sign3A_419 = arith.extui %sign3A_418 : i1 to i32
      %sign3A_420 = arith.constant 0 : i32
      %sign3A_421 = arith.cmpi slt, %add3A_414, %sign3A_420 : i32
      %sign3A_422 = arith.extui %sign3A_421 : i1 to i32
      %sign3A_423 = arith.subi %sign3A_419, %sign3A_422 : i32
      %sign3A_424 = arith.constant 0 : i32
      %sign3A_425 = arith.cmpi sgt, %jit3A_415, %sign3A_424 : i32
      %sign3A_426 = arith.extui %sign3A_425 : i1 to i32
      %sign3A_427 = arith.constant 0 : i32
      %sign3A_428 = arith.cmpi slt, %jit3A_415, %sign3A_427 : i32
      %sign3A_429 = arith.extui %sign3A_428 : i1 to i32
      %sign3A_430 = arith.subi %sign3A_426, %sign3A_429 : i32
      %ne3A_431 = arith.cmpi ne, %sign3A_423, %sign3A_430 : i32
      %rem3A_432 = arith.remsi %add3A_414, %jit3A_415 : i32
      %ne3A_433 = arith.constant 0 : i32
      %ne3A_434 = arith.cmpi ne, %rem3A_432, %ne3A_433 : i32
      %and3A_435 = arith.andi %ne3A_431, %ne3A_434 : i1
      %sub3A_436 = arith.constant 1 : i32
      %sub3A_437 = arith.subi %div3A_416, %sub3A_436 : i32
      %select_n3A_438 = arith.select %and3A_435, %sub3A_437, %div3A_416 : i32
      %jit3A_439 = arith.constant 20 : i32
      %eq3A_440 = arith.constant 0 : i32
      %eq3A_441 = arith.cmpi eq, %jit3A_439, %eq3A_440 : i32
      %jit3A_442 = arith.constant 1 : i32
      %select_n3A_443 = arith.select %eq3A_441, %jit3A_442, %jit3A_439 : i32
      %rem3A_444 = arith.remsi %add3A_414, %select_n3A_443 : i32
      %ne3A_445 = arith.constant 0 : i32
      %ne3A_446 = arith.cmpi ne, %rem3A_444, %ne3A_445 : i32
      %lt3A_447 = arith.constant 0 : i32
      %lt3A_448 = arith.cmpi slt, %rem3A_444, %lt3A_447 : i32
      %lt3A_449 = arith.constant 0 : i32
      %lt3A_450 = arith.cmpi slt, %select_n3A_443, %lt3A_449 : i32
      %ne3A_451 = arith.xori %lt3A_448, %lt3A_450 : i1
      %and3A_452 = arith.andi %ne3A_451, %ne3A_446 : i1
      %add3A_453 = arith.addi %rem3A_444, %select_n3A_443 : i32
      %select_n3A_454 = arith.select %and3A_452, %add3A_453, %rem3A_444 : i32
      %dma_start3A_455 = arith.constant 0 : i32
      %dma_start3A_456 = tpu.memref_slice %arg10[%dma_start3A_455] : memref<128xf32, #tpu.memory_space<vmem>> -> memref<125xf32, #tpu.memory_space<vmem>>
      %dma_start3A_457 = arith.constant 0 : i32
      %dma_start3A_458 = tpu.memref_slice %arg8[%select_n3A_438, %select_n3A_454, %dma_start3A_457] : memref<4x20x125xi32, #tpu.memory_space<vmem>> -> memref<1x1x125xi32, #tpu.memory_space<vmem>>
      %dma_start3A_459 = tpu.memref_squeeze %dma_start3A_458 : memref<1x1x125xi32, #tpu.memory_space<vmem>> -> memref<125xi32, #tpu.memory_space<vmem>>
      %dma_start3A_460 = arith.constant 0 : i32
      %dma_start3A_461 = tpu.memref_slice %arg14[%dma_start3A_460] : memref<10240xf32, #tpu.memory_space<vmem_shared>> -> memref<10240xf32, #tpu.memory_space<vmem_shared>>
      tpu.enqueue_indirect_dma source(%dma_start3A_456 : memref<125xf32, #tpu.memory_space<vmem>>) target(%dma_start3A_461 : memref<10240xf32, #tpu.memory_space<vmem_shared>>) offsets(%dma_start3A_459 : memref<125xi32, #tpu.memory_space<vmem>>) semaphore(%arg16 : memref<!tpu.dma_semaphore, #tpu.memory_space<semaphore_mem>>) {add = true}
      %dma_start3A_462 = arith.constant 0 : i32
      %dma_start3A_463 = tpu.memref_slice %arg10[%dma_start3A_462] : memref<128xf32, #tpu.memory_space<vmem>> -> memref<125xf32, #tpu.memory_space<vmem>>
      %dma_start3A_464 = arith.constant 0 : i32
      %dma_start3A_465 = tpu.memref_slice %arg9[%select_n3A_438, %select_n3A_454, %dma_start3A_464] : memref<4x20x125xi32, #tpu.memory_space<vmem>> -> memref<1x1x125xi32, #tpu.memory_space<vmem>>
      %dma_start3A_466 = tpu.memref_squeeze %dma_start3A_465 : memref<1x1x125xi32, #tpu.memory_space<vmem>> -> memref<125xi32, #tpu.memory_space<vmem>>
      %dma_start3A_467 = arith.constant 0 : i32
      %dma_start3A_468 = tpu.memref_slice %arg15[%dma_start3A_467] : memref<10240xf32, #tpu.memory_space<vmem_shared>> -> memref<10240xf32, #tpu.memory_space<vmem_shared>>
      tpu.enqueue_indirect_dma source(%dma_start3A_463 : memref<125xf32, #tpu.memory_space<vmem>>) target(%dma_start3A_468 : memref<10240xf32, #tpu.memory_space<vmem_shared>>) offsets(%dma_start3A_466 : memref<125xi32, #tpu.memory_space<vmem>>) semaphore(%arg16 : memref<!tpu.dma_semaphore, #tpu.memory_space<semaphore_mem>>) {add = true}
      %mul3A_469 = arith.constant 4 : i32
      %mul3A_470 = arith.muli %scan3A_304, %mul3A_469 : i32
      %add3A_471 = arith.constant 3 : i32
      %add3A_472 = arith.addi %mul3A_470, %add3A_471 : i32
      %jit3A_473 = arith.constant 20 : i32
      %div3A_474 = arith.divsi %add3A_472, %jit3A_473 : i32
      %sign3A_475 = arith.constant 0 : i32
      %sign3A_476 = arith.cmpi sgt, %add3A_472, %sign3A_475 : i32
      %sign3A_477 = arith.extui %sign3A_476 : i1 to i32
      %sign3A_478 = arith.constant 0 : i32
      %sign3A_479 = arith.cmpi slt, %add3A_472, %sign3A_478 : i32
      %sign3A_480 = arith.extui %sign3A_479 : i1 to i32
      %sign3A_481 = arith.subi %sign3A_477, %sign3A_480 : i32
      %sign3A_482 = arith.constant 0 : i32
      %sign3A_483 = arith.cmpi sgt, %jit3A_473, %sign3A_482 : i32
      %sign3A_484 = arith.extui %sign3A_483 : i1 to i32
      %sign3A_485 = arith.constant 0 : i32
      %sign3A_486 = arith.cmpi slt, %jit3A_473, %sign3A_485 : i32
      %sign3A_487 = arith.extui %sign3A_486 : i1 to i32
      %sign3A_488 = arith.subi %sign3A_484, %sign3A_487 : i32
      %ne3A_489 = arith.cmpi ne, %sign3A_481, %sign3A_488 : i32
      %rem3A_490 = arith.remsi %add3A_472, %jit3A_473 : i32
      %ne3A_491 = arith.constant 0 : i32
      %ne3A_492 = arith.cmpi ne, %rem3A_490, %ne3A_491 : i32
      %and3A_493 = arith.andi %ne3A_489, %ne3A_492 : i1
      %sub3A_494 = arith.constant 1 : i32
      %sub3A_495 = arith.subi %div3A_474, %sub3A_494 : i32
      %select_n3A_496 = arith.select %and3A_493, %sub3A_495, %div3A_474 : i32
      %jit3A_497 = arith.constant 20 : i32
      %eq3A_498 = arith.constant 0 : i32
      %eq3A_499 = arith.cmpi eq, %jit3A_497, %eq3A_498 : i32
      %jit3A_500 = arith.constant 1 : i32
      %select_n3A_501 = arith.select %eq3A_499, %jit3A_500, %jit3A_497 : i32
      %rem3A_502 = arith.remsi %add3A_472, %select_n3A_501 : i32
      %ne3A_503 = arith.constant 0 : i32
      %ne3A_504 = arith.cmpi ne, %rem3A_502, %ne3A_503 : i32
      %lt3A_505 = arith.constant 0 : i32
      %lt3A_506 = arith.cmpi slt, %rem3A_502, %lt3A_505 : i32
      %lt3A_507 = arith.constant 0 : i32
      %lt3A_508 = arith.cmpi slt, %select_n3A_501, %lt3A_507 : i32
      %ne3A_509 = arith.xori %lt3A_506, %lt3A_508 : i1
      %and3A_510 = arith.andi %ne3A_509, %ne3A_504 : i1
      %add3A_511 = arith.addi %rem3A_502, %select_n3A_501 : i32
      %select_n3A_512 = arith.select %and3A_510, %add3A_511, %rem3A_502 : i32
      %dma_start3A_513 = arith.constant 0 : i32
      %dma_start3A_514 = tpu.memref_slice %arg10[%dma_start3A_513] : memref<128xf32, #tpu.memory_space<vmem>> -> memref<125xf32, #tpu.memory_space<vmem>>
      %dma_start3A_515 = arith.constant 0 : i32
      %dma_start3A_516 = tpu.memref_slice %arg8[%select_n3A_496, %select_n3A_512, %dma_start3A_515] : memref<4x20x125xi32, #tpu.memory_space<vmem>> -> memref<1x1x125xi32, #tpu.memory_space<vmem>>
      %dma_start3A_517 = tpu.memref_squeeze %dma_start3A_516 : memref<1x1x125xi32, #tpu.memory_space<vmem>> -> memref<125xi32, #tpu.memory_space<vmem>>
      %dma_start3A_518 = arith.constant 0 : i32
      %dma_start3A_519 = tpu.memref_slice %arg14[%dma_start3A_518] : memref<10240xf32, #tpu.memory_space<vmem_shared>> -> memref<10240xf32, #tpu.memory_space<vmem_shared>>
      tpu.enqueue_indirect_dma source(%dma_start3A_514 : memref<125xf32, #tpu.memory_space<vmem>>) target(%dma_start3A_519 : memref<10240xf32, #tpu.memory_space<vmem_shared>>) offsets(%dma_start3A_517 : memref<125xi32, #tpu.memory_space<vmem>>) semaphore(%arg16 : memref<!tpu.dma_semaphore, #tpu.memory_space<semaphore_mem>>) {add = true}
      %dma_start3A_520 = arith.constant 0 : i32
      %dma_start3A_521 = tpu.memref_slice %arg10[%dma_start3A_520] : memref<128xf32, #tpu.memory_space<vmem>> -> memref<125xf32, #tpu.memory_space<vmem>>
      %dma_start3A_522 = arith.constant 0 : i32
      %dma_start3A_523 = tpu.memref_slice %arg9[%select_n3A_496, %select_n3A_512, %dma_start3A_522] : memref<4x20x125xi32, #tpu.memory_space<vmem>> -> memref<1x1x125xi32, #tpu.memory_space<vmem>>
      %dma_start3A_524 = tpu.memref_squeeze %dma_start3A_523 : memref<1x1x125xi32, #tpu.memory_space<vmem>> -> memref<125xi32, #tpu.memory_space<vmem>>
      %dma_start3A_525 = arith.constant 0 : i32
      %dma_start3A_526 = tpu.memref_slice %arg15[%dma_start3A_525] : memref<10240xf32, #tpu.memory_space<vmem_shared>> -> memref<10240xf32, #tpu.memory_space<vmem_shared>>
      tpu.enqueue_indirect_dma source(%dma_start3A_521 : memref<125xf32, #tpu.memory_space<vmem>>) target(%dma_start3A_526 : memref<10240xf32, #tpu.memory_space<vmem_shared>>) offsets(%dma_start3A_524 : memref<125xi32, #tpu.memory_space<vmem>>) semaphore(%arg16 : memref<!tpu.dma_semaphore, #tpu.memory_space<semaphore_mem>>) {add = true}
      %dma_wait3A_527 = arith.constant 0 : i32
      %dma_wait3A_528 = tpu.memref_slice %arg10[%dma_wait3A_527] : memref<128xf32, #tpu.memory_space<vmem>> -> memref<125xf32, #tpu.memory_space<vmem>>
      %dma_wait3A_529 = arith.constant 0 : i32
      %dma_wait3A_530 = tpu.memref_slice %arg8[%select_n3A, %select_n3A_338, %dma_wait3A_529] : memref<4x20x125xi32, #tpu.memory_space<vmem>> -> memref<1x1x125xi32, #tpu.memory_space<vmem>>
      %dma_wait3A_531 = tpu.memref_squeeze %dma_wait3A_530 : memref<1x1x125xi32, #tpu.memory_space<vmem>> -> memref<125xi32, #tpu.memory_space<vmem>>
      %dma_wait3A_532 = arith.constant 0 : i32
      %dma_wait3A_533 = tpu.memref_slice %arg14[%dma_wait3A_532] : memref<10240xf32, #tpu.memory_space<vmem_shared>> -> memref<10240xf32, #tpu.memory_space<vmem_shared>>
      tpu.wait_indirect_dma semaphore(%arg16 : memref<!tpu.dma_semaphore, #tpu.memory_space<semaphore_mem>>) src(%dma_wait3A_528 : memref<125xf32, #tpu.memory_space<vmem>>) dst(%dma_wait3A_533 : memref<10240xf32, #tpu.memory_space<vmem_shared>>)
      %dma_wait3A_534 = arith.constant 0 : i32
      %dma_wait3A_535 = tpu.memref_slice %arg10[%dma_wait3A_534] : memref<128xf32, #tpu.memory_space<vmem>> -> memref<125xf32, #tpu.memory_space<vmem>>
      %dma_wait3A_536 = arith.constant 0 : i32
      %dma_wait3A_537 = tpu.memref_slice %arg9[%select_n3A, %select_n3A_338, %dma_wait3A_536] : memref<4x20x125xi32, #tpu.memory_space<vmem>> -> memref<1x1x125xi32, #tpu.memory_space<vmem>>
      %dma_wait3A_538 = tpu.memref_squeeze %dma_wait3A_537 : memref<1x1x125xi32, #tpu.memory_space<vmem>> -> memref<125xi32, #tpu.memory_space<vmem>>
      %dma_wait3A_539 = arith.constant 0 : i32
      %dma_wait3A_540 = tpu.memref_slice %arg15[%dma_wait3A_539] : memref<10240xf32, #tpu.memory_space<vmem_shared>> -> memref<10240xf32, #tpu.memory_space<vmem_shared>>
      tpu.wait_indirect_dma semaphore(%arg16 : memref<!tpu.dma_semaphore, #tpu.memory_space<semaphore_mem>>) src(%dma_wait3A_535 : memref<125xf32, #tpu.memory_space<vmem>>) dst(%dma_wait3A_540 : memref<10240xf32, #tpu.memory_space<vmem_shared>>)
      %dma_wait3A_541 = arith.constant 0 : i32
      %dma_wait3A_542 = tpu.memref_slice %arg10[%dma_wait3A_541] : memref<128xf32, #tpu.memory_space<vmem>> -> memref<125xf32, #tpu.memory_space<vmem>>
      %dma_wait3A_543 = arith.constant 0 : i32
      %dma_wait3A_544 = tpu.memref_slice %arg8[%select_n3A_380, %select_n3A_396, %dma_wait3A_543] : memref<4x20x125xi32, #tpu.memory_space<vmem>> -> memref<1x1x125xi32, #tpu.memory_space<vmem>>
      %dma_wait3A_545 = tpu.memref_squeeze %dma_wait3A_544 : memref<1x1x125xi32, #tpu.memory_space<vmem>> -> memref<125xi32, #tpu.memory_space<vmem>>
      %dma_wait3A_546 = arith.constant 0 : i32
      %dma_wait3A_547 = tpu.memref_slice %arg14[%dma_wait3A_546] : memref<10240xf32, #tpu.memory_space<vmem_shared>> -> memref<10240xf32, #tpu.memory_space<vmem_shared>>
      tpu.wait_indirect_dma semaphore(%arg16 : memref<!tpu.dma_semaphore, #tpu.memory_space<semaphore_mem>>) src(%dma_wait3A_542 : memref<125xf32, #tpu.memory_space<vmem>>) dst(%dma_wait3A_547 : memref<10240xf32, #tpu.memory_space<vmem_shared>>)
      %dma_wait3A_548 = arith.constant 0 : i32
      %dma_wait3A_549 = tpu.memref_slice %arg10[%dma_wait3A_548] : memref<128xf32, #tpu.memory_space<vmem>> -> memref<125xf32, #tpu.memory_space<vmem>>
      %dma_wait3A_550 = arith.constant 0 : i32
      %dma_wait3A_551 = tpu.memref_slice %arg9[%select_n3A_380, %select_n3A_396, %dma_wait3A_550] : memref<4x20x125xi32, #tpu.memory_space<vmem>> -> memref<1x1x125xi32, #tpu.memory_space<vmem>>
      %dma_wait3A_552 = tpu.memref_squeeze %dma_wait3A_551 : memref<1x1x125xi32, #tpu.memory_space<vmem>> -> memref<125xi32, #tpu.memory_space<vmem>>
      %dma_wait3A_553 = arith.constant 0 : i32
      %dma_wait3A_554 = tpu.memref_slice %arg15[%dma_wait3A_553] : memref<10240xf32, #tpu.memory_space<vmem_shared>> -> memref<10240xf32, #tpu.memory_space<vmem_shared>>
      tpu.wait_indirect_dma semaphore(%arg16 : memref<!tpu.dma_semaphore, #tpu.memory_space<semaphore_mem>>) src(%dma_wait3A_549 : memref<125xf32, #tpu.memory_space<vmem>>) dst(%dma_wait3A_554 : memref<10240xf32, #tpu.memory_space<vmem_shared>>)
      %dma_wait3A_555 = arith.constant 0 : i32
      %dma_wait3A_556 = tpu.memref_slice %arg10[%dma_wait3A_555] : memref<128xf32, #tpu.memory_space<vmem>> -> memref<125xf32, #tpu.memory_space<vmem>>
      %dma_wait3A_557 = arith.constant 0 : i32
      %dma_wait3A_558 = tpu.memref_slice %arg8[%select_n3A_438, %select_n3A_454, %dma_wait3A_557] : memref<4x20x125xi32, #tpu.memory_space<vmem>> -> memref<1x1x125xi32, #tpu.memory_space<vmem>>
      %dma_wait3A_559 = tpu.memref_squeeze %dma_wait3A_558 : memref<1x1x125xi32, #tpu.memory_space<vmem>> -> memref<125xi32, #tpu.memory_space<vmem>>
      %dma_wait3A_560 = arith.constant 0 : i32
      %dma_wait3A_561 = tpu.memref_slice %arg14[%dma_wait3A_560] : memref<10240xf32, #tpu.memory_space<vmem_shared>> -> memref<10240xf32, #tpu.memory_space<vmem_shared>>
      tpu.wait_indirect_dma semaphore(%arg16 : memref<!tpu.dma_semaphore, #tpu.memory_space<semaphore_mem>>) src(%dma_wait3A_556 : memref<125xf32, #tpu.memory_space<vmem>>) dst(%dma_wait3A_561 : memref<10240xf32, #tpu.memory_space<vmem_shared>>)
      %dma_wait3A_562 = arith.constant 0 : i32
      %dma_wait3A_563 = tpu.memref_slice %arg10[%dma_wait3A_562] : memref<128xf32, #tpu.memory_space<vmem>> -> memref<125xf32, #tpu.memory_space<vmem>>
      %dma_wait3A_564 = arith.constant 0 : i32
      %dma_wait3A_565 = tpu.memref_slice %arg9[%select_n3A_438, %select_n3A_454, %dma_wait3A_564] : memref<4x20x125xi32, #tpu.memory_space<vmem>> -> memref<1x1x125xi32, #tpu.memory_space<vmem>>
      %dma_wait3A_566 = tpu.memref_squeeze %dma_wait3A_565 : memref<1x1x125xi32, #tpu.memory_space<vmem>> -> memref<125xi32, #tpu.memory_space<vmem>>
      %dma_wait3A_567 = arith.constant 0 : i32
      %dma_wait3A_568 = tpu.memref_slice %arg15[%dma_wait3A_567] : memref<10240xf32, #tpu.memory_space<vmem_shared>> -> memref<10240xf32, #tpu.memory_space<vmem_shared>>
      tpu.wait_indirect_dma semaphore(%arg16 : memref<!tpu.dma_semaphore, #tpu.memory_space<semaphore_mem>>) src(%dma_wait3A_563 : memref<125xf32, #tpu.memory_space<vmem>>) dst(%dma_wait3A_568 : memref<10240xf32, #tpu.memory_space<vmem_shared>>)
      %dma_wait3A_569 = arith.constant 0 : i32
      %dma_wait3A_570 = tpu.memref_slice %arg10[%dma_wait3A_569] : memref<128xf32, #tpu.memory_space<vmem>> -> memref<125xf32, #tpu.memory_space<vmem>>
      %dma_wait3A_571 = arith.constant 0 : i32
      %dma_wait3A_572 = tpu.memref_slice %arg8[%select_n3A_496, %select_n3A_512, %dma_wait3A_571] : memref<4x20x125xi32, #tpu.memory_space<vmem>> -> memref<1x1x125xi32, #tpu.memory_space<vmem>>
      %dma_wait3A_573 = tpu.memref_squeeze %dma_wait3A_572 : memref<1x1x125xi32, #tpu.memory_space<vmem>> -> memref<125xi32, #tpu.memory_space<vmem>>
      %dma_wait3A_574 = arith.constant 0 : i32
      %dma_wait3A_575 = tpu.memref_slice %arg14[%dma_wait3A_574] : memref<10240xf32, #tpu.memory_space<vmem_shared>> -> memref<10240xf32, #tpu.memory_space<vmem_shared>>
      tpu.wait_indirect_dma semaphore(%arg16 : memref<!tpu.dma_semaphore, #tpu.memory_space<semaphore_mem>>) src(%dma_wait3A_570 : memref<125xf32, #tpu.memory_space<vmem>>) dst(%dma_wait3A_575 : memref<10240xf32, #tpu.memory_space<vmem_shared>>)
      %dma_wait3A_576 = arith.constant 0 : i32
      %dma_wait3A_577 = tpu.memref_slice %arg10[%dma_wait3A_576] : memref<128xf32, #tpu.memory_space<vmem>> -> memref<125xf32, #tpu.memory_space<vmem>>
      %dma_wait3A_578 = arith.constant 0 : i32
      %dma_wait3A_579 = tpu.memref_slice %arg9[%select_n3A_496, %select_n3A_512, %dma_wait3A_578] : memref<4x20x125xi32, #tpu.memory_space<vmem>> -> memref<1x1x125xi32, #tpu.memory_space<vmem>>
      %dma_wait3A_580 = tpu.memref_squeeze %dma_wait3A_579 : memref<1x1x125xi32, #tpu.memory_space<vmem>> -> memref<125xi32, #tpu.memory_space<vmem>>
      %dma_wait3A_581 = arith.constant 0 : i32
      %dma_wait3A_582 = tpu.memref_slice %arg15[%dma_wait3A_581] : memref<10240xf32, #tpu.memory_space<vmem_shared>> -> memref<10240xf32, #tpu.memory_space<vmem_shared>>
      tpu.wait_indirect_dma semaphore(%arg16 : memref<!tpu.dma_semaphore, #tpu.memory_space<semaphore_mem>>) src(%dma_wait3A_577 : memref<125xf32, #tpu.memory_space<vmem>>) dst(%dma_wait3A_582 : memref<10240xf32, #tpu.memory_space<vmem_shared>>)
    }
    %scan3A_302 = arith.constant 20 : i32
    %barrier3A_303 = arith.constant 0 : index
    tpu.barrier barrier_id(%barrier3A_303)
    "tpu.region"() ({
      %run_scoped3A_304 = tpu.sem_alloc : memref<!tpu.dma_semaphore, #tpu.memory_space<semaphore_mem>>
      %dma_start3A_305 = tpu.memref_slice %arg5[%arg0, %multiple_of3A] : memref<2x10240xf32, #tpu.memory_space<hbm>> -> memref<1x640xf32, #tpu.memory_space<hbm>>
      %dma_start3A_306 = tpu.memref_squeeze %dma_start3A_305 : memref<1x640xf32, #tpu.memory_space<hbm>> -> memref<640xf32, #tpu.memory_space<hbm>>
      %dma_start3A_307 = tpu.memref_slice %arg14[%multiple_of3A] : memref<10240xf32, #tpu.memory_space<vmem_shared>> -> memref<640xf32, #tpu.memory_space<vmem_shared>>
      tpu.enqueue_dma source(%dma_start3A_307 : memref<640xf32, #tpu.memory_space<vmem_shared>>) target(%dma_start3A_306 : memref<640xf32, #tpu.memory_space<hbm>>) target_semaphore(%run_scoped3A_304 : memref<!tpu.dma_semaphore, #tpu.memory_space<semaphore_mem>>)
      %dma_wait3A_308 = tpu.memref_slice %arg5[%arg0, %multiple_of3A] : memref<2x10240xf32, #tpu.memory_space<hbm>> -> memref<1x640xf32, #tpu.memory_space<hbm>>
      %dma_wait3A_309 = tpu.memref_squeeze %dma_wait3A_308 : memref<1x640xf32, #tpu.memory_space<hbm>> -> memref<640xf32, #tpu.memory_space<hbm>>
      %dma_wait3A_310 = tpu.memref_slice %arg14[%multiple_of3A] : memref<10240xf32, #tpu.memory_space<vmem_shared>> -> memref<640xf32, #tpu.memory_space<vmem_shared>>
      tpu.wait_dma2 semaphore(%run_scoped3A_304 : memref<!tpu.dma_semaphore, #tpu.memory_space<semaphore_mem>>) src(%dma_wait3A_310 : memref<640xf32, #tpu.memory_space<vmem_shared>>) dst(%dma_wait3A_309 : memref<640xf32, #tpu.memory_space<hbm>>)
      tpu.yield
    }) : () -> ()
    "tpu.region"() ({
      %run_scoped3A_304 = tpu.sem_alloc : memref<!tpu.dma_semaphore, #tpu.memory_space<semaphore_mem>>
      %dma_start3A_305 = tpu.memref_slice %arg6[%arg0, %multiple_of3A] : memref<2x10240xf32, #tpu.memory_space<hbm>> -> memref<1x640xf32, #tpu.memory_space<hbm>>
      %dma_start3A_306 = tpu.memref_squeeze %dma_start3A_305 : memref<1x640xf32, #tpu.memory_space<hbm>> -> memref<640xf32, #tpu.memory_space<hbm>>
      %dma_start3A_307 = tpu.memref_slice %arg15[%multiple_of3A] : memref<10240xf32, #tpu.memory_space<vmem_shared>> -> memref<640xf32, #tpu.memory_space<vmem_shared>>
      tpu.enqueue_dma source(%dma_start3A_307 : memref<640xf32, #tpu.memory_space<vmem_shared>>) target(%dma_start3A_306 : memref<640xf32, #tpu.memory_space<hbm>>) target_semaphore(%run_scoped3A_304 : memref<!tpu.dma_semaphore, #tpu.memory_space<semaphore_mem>>)
      %dma_wait3A_308 = tpu.memref_slice %arg6[%arg0, %multiple_of3A] : memref<2x10240xf32, #tpu.memory_space<hbm>> -> memref<1x640xf32, #tpu.memory_space<hbm>>
      %dma_wait3A_309 = tpu.memref_squeeze %dma_wait3A_308 : memref<1x640xf32, #tpu.memory_space<hbm>> -> memref<640xf32, #tpu.memory_space<hbm>>
      %dma_wait3A_310 = tpu.memref_slice %arg15[%multiple_of3A] : memref<10240xf32, #tpu.memory_space<vmem_shared>> -> memref<640xf32, #tpu.memory_space<vmem_shared>>
      tpu.wait_dma2 semaphore(%run_scoped3A_304 : memref<!tpu.dma_semaphore, #tpu.memory_space<semaphore_mem>>) src(%dma_wait3A_310 : memref<640xf32, #tpu.memory_space<vmem_shared>>) dst(%dma_wait3A_309 : memref<640xf32, #tpu.memory_space<hbm>>)
      tpu.yield
    }) : () -> ()
    return
  }
}

#map = affine_map<(d0, d1) -> (0, 0)>
#map1 = affine_map<(d0, d1) -> (0, 0, 0, 0, 0)>
#map2 = affine_map<(d0, d1) -> (0)>
#map3 = affine_map<(d0, d1) -> (0, 0, 0)>
module attributes {stable_mosaic.version = 14 : i64} {
  func.func @k(%arg0: i32, %arg1: i32, %arg2: memref<10000x128xf32, #tpu.memory_space<hbm>>, %arg3: memref<2x32x4x20x125xi32, #tpu.memory_space<hbm>>, %arg4: memref<1024xi32, #tpu.memory_space<hbm>>, %arg5: memref<10240xf32, #tpu.memory_space<hbm>>, %arg6: memref<2x10240x128xf32, #tpu.memory_space<hbm>>, %arg7: memref<2x1024x128xf32, #tpu.memory_space<hbm>>, %arg8: memref<1024xf32, #tpu.memory_space<hbm>>, %arg9: memref<16x128xf32, #tpu.memory_space<vmem>>, %arg10: memref<20x125xi32, #tpu.memory_space<vmem>>, %arg11: memref<20x125xi32, #tpu.memory_space<vmem>>, %arg12: memref<125x128xf32, #tpu.memory_space<vmem>>, %arg13: memref<125x128xf32, #tpu.memory_space<vmem>>, %arg14: memref<32xi32, #tpu.memory_space<vmem>>, %arg15: memref<32xf32, #tpu.memory_space<vmem>>, %arg16: memref<64xi32, #tpu.memory_space<vmem>>, %arg17: memref<32x128xf32, #tpu.memory_space<vmem>>, %arg18: memref<10240x128xf32, #tpu.memory_space<vmem_shared>>, %arg19: memref<!tpu.dma_semaphore, #tpu.memory_space<semaphore_mem>>, %arg20: memref<!tpu.dma_semaphore, #tpu.memory_space<semaphore_mem>>, %arg21: memref<!tpu.dma_semaphore, #tpu.memory_space<semaphore_mem>>) attributes {dimension_semantics = [#tpu.dimension_semantics<core_parallel>, #tpu.dimension_semantics<subcore_parallel>], iteration_bounds = array<i64: 2, 16>, scalar_prefetch = 0 : i64, scratch_operands = 13 : i64, tpu.core_type = #tpu.core_type<sc_vector_subcore>, window_params = [{transform_indices = #map}, {transform_indices = #map1}, {transform_indices = #map2}, {transform_indices = #map2}, {transform_indices = #map3}, {transform_indices = #map3}, {transform_indices = #map2}]} {
    %mul3A = arith.constant 2 : i32
    %mul3A_0 = arith.muli %arg1, %mul3A : i32
    %add3A = arith.addi %mul3A_0, %arg0 : i32
    %broadcast_in_dim3A = arith.constant 0.000000e+00 : f32
    %broadcast_in_dim3A_1 = vector.broadcast %broadcast_in_dim3A : f32 to vector<16xf32>
    %swap3A = arith.constant 0 : i32
    %swap3A_2 = arith.index_cast %swap3A : i32 to index
    %swap3A_3 = arith.constant 0 : index
    %swap3A_4 = tpu.vector_load %arg9[%swap3A_2, %swap3A_3] {strides = array<i32>} : memref<16x128xf32, #tpu.memory_space<vmem>>, vector<1x16xf32>,
    %swap3A_5 = vector.shape_cast %swap3A_4 : vector<1x16xf32> to vector<16xf32>
    %swap3A_6 = vector.shape_cast %broadcast_in_dim3A_1 : vector<16xf32> to vector<1x16xf32>
    tpu.vector_store %arg9[%swap3A_2, %swap3A_3], %swap3A_6 {strides = array<i32>} : memref<16x128xf32, #tpu.memory_space<vmem>>, vector<1x16xf32>,
    %broadcast_in_dim3A_7 = arith.constant 0.000000e+00 : f32
    %broadcast_in_dim3A_8 = vector.broadcast %broadcast_in_dim3A_7 : f32 to vector<16xf32>
    %swap3A_9 = arith.constant 0 : i32
    %swap3A_10 = arith.index_cast %swap3A_9 : i32 to index
    %swap3A_11 = arith.constant 16 : index
    %swap3A_12 = tpu.vector_load %arg9[%swap3A_10, %swap3A_11] {strides = array<i32>} : memref<16x128xf32, #tpu.memory_space<vmem>>, vector<1x16xf32>,
    %swap3A_13 = vector.shape_cast %swap3A_12 : vector<1x16xf32> to vector<16xf32>
    %swap3A_14 = vector.shape_cast %broadcast_in_dim3A_8 : vector<16xf32> to vector<1x16xf32>
    tpu.vector_store %arg9[%swap3A_10, %swap3A_11], %swap3A_14 {strides = array<i32>} : memref<16x128xf32, #tpu.memory_space<vmem>>, vector<1x16xf32>,
    %broadcast_in_dim3A_15 = arith.constant 0.000000e+00 : f32
    %broadcast_in_dim3A_16 = vector.broadcast %broadcast_in_dim3A_15 : f32 to vector<16xf32>
    %swap3A_17 = arith.constant 0 : i32
    %swap3A_18 = arith.index_cast %swap3A_17 : i32 to index
    %swap3A_19 = arith.constant 32 : index
    %swap3A_20 = tpu.vector_load %arg9[%swap3A_18, %swap3A_19] {strides = array<i32>} : memref<16x128xf32, #tpu.memory_space<vmem>>, vector<1x16xf32>,
    %swap3A_21 = vector.shape_cast %swap3A_20 : vector<1x16xf32> to vector<16xf32>
    %swap3A_22 = vector.shape_cast %broadcast_in_dim3A_16 : vector<16xf32> to vector<1x16xf32>
    tpu.vector_store %arg9[%swap3A_18, %swap3A_19], %swap3A_22 {strides = array<i32>} : memref<16x128xf32, #tpu.memory_space<vmem>>, vector<1x16xf32>,
    %broadcast_in_dim3A_23 = arith.constant 0.000000e+00 : f32
    %broadcast_in_dim3A_24 = vector.broadcast %broadcast_in_dim3A_23 : f32 to vector<16xf32>
    %swap3A_25 = arith.constant 0 : i32
    %swap3A_26 = arith.index_cast %swap3A_25 : i32 to index
    %swap3A_27 = arith.constant 48 : index
    %swap3A_28 = tpu.vector_load %arg9[%swap3A_26, %swap3A_27] {strides = array<i32>} : memref<16x128xf32, #tpu.memory_space<vmem>>, vector<1x16xf32>,
    %swap3A_29 = vector.shape_cast %swap3A_28 : vector<1x16xf32> to vector<16xf32>
    %swap3A_30 = vector.shape_cast %broadcast_in_dim3A_24 : vector<16xf32> to vector<1x16xf32>
    tpu.vector_store %arg9[%swap3A_26, %swap3A_27], %swap3A_30 {strides = array<i32>} : memref<16x128xf32, #tpu.memory_space<vmem>>, vector<1x16xf32>,
    %broadcast_in_dim3A_31 = arith.constant 0.000000e+00 : f32
    %broadcast_in_dim3A_32 = vector.broadcast %broadcast_in_dim3A_31 : f32 to vector<16xf32>
    %swap3A_33 = arith.constant 0 : i32
    %swap3A_34 = arith.index_cast %swap3A_33 : i32 to index
    %swap3A_35 = arith.constant 64 : index
    %swap3A_36 = tpu.vector_load %arg9[%swap3A_34, %swap3A_35] {strides = array<i32>} : memref<16x128xf32, #tpu.memory_space<vmem>>, vector<1x16xf32>,
    %swap3A_37 = vector.shape_cast %swap3A_36 : vector<1x16xf32> to vector<16xf32>
    %swap3A_38 = vector.shape_cast %broadcast_in_dim3A_32 : vector<16xf32> to vector<1x16xf32>
    tpu.vector_store %arg9[%swap3A_34, %swap3A_35], %swap3A_38 {strides = array<i32>} : memref<16x128xf32, #tpu.memory_space<vmem>>, vector<1x16xf32>,
    %broadcast_in_dim3A_39 = arith.constant 0.000000e+00 : f32
    %broadcast_in_dim3A_40 = vector.broadcast %broadcast_in_dim3A_39 : f32 to vector<16xf32>
    %swap3A_41 = arith.constant 0 : i32
    %swap3A_42 = arith.index_cast %swap3A_41 : i32 to index
    %swap3A_43 = arith.constant 80 : index
    %swap3A_44 = tpu.vector_load %arg9[%swap3A_42, %swap3A_43] {strides = array<i32>} : memref<16x128xf32, #tpu.memory_space<vmem>>, vector<1x16xf32>,
    %swap3A_45 = vector.shape_cast %swap3A_44 : vector<1x16xf32> to vector<16xf32>
    %swap3A_46 = vector.shape_cast %broadcast_in_dim3A_40 : vector<16xf32> to vector<1x16xf32>
    tpu.vector_store %arg9[%swap3A_42, %swap3A_43], %swap3A_46 {strides = array<i32>} : memref<16x128xf32, #tpu.memory_space<vmem>>, vector<1x16xf32>,
    %broadcast_in_dim3A_47 = arith.constant 0.000000e+00 : f32
    %broadcast_in_dim3A_48 = vector.broadcast %broadcast_in_dim3A_47 : f32 to vector<16xf32>
    %swap3A_49 = arith.constant 0 : i32
    %swap3A_50 = arith.index_cast %swap3A_49 : i32 to index
    %swap3A_51 = arith.constant 96 : index
    %swap3A_52 = tpu.vector_load %arg9[%swap3A_50, %swap3A_51] {strides = array<i32>} : memref<16x128xf32, #tpu.memory_space<vmem>>, vector<1x16xf32>,
    %swap3A_53 = vector.shape_cast %swap3A_52 : vector<1x16xf32> to vector<16xf32>
    %swap3A_54 = vector.shape_cast %broadcast_in_dim3A_48 : vector<16xf32> to vector<1x16xf32>
    tpu.vector_store %arg9[%swap3A_50, %swap3A_51], %swap3A_54 {strides = array<i32>} : memref<16x128xf32, #tpu.memory_space<vmem>>, vector<1x16xf32>,
    %broadcast_in_dim3A_55 = arith.constant 0.000000e+00 : f32
    %broadcast_in_dim3A_56 = vector.broadcast %broadcast_in_dim3A_55 : f32 to vector<16xf32>
    %swap3A_57 = arith.constant 0 : i32
    %swap3A_58 = arith.index_cast %swap3A_57 : i32 to index
    %swap3A_59 = arith.constant 112 : index
    %swap3A_60 = tpu.vector_load %arg9[%swap3A_58, %swap3A_59] {strides = array<i32>} : memref<16x128xf32, #tpu.memory_space<vmem>>, vector<1x16xf32>,
    %swap3A_61 = vector.shape_cast %swap3A_60 : vector<1x16xf32> to vector<16xf32>
    %swap3A_62 = vector.shape_cast %broadcast_in_dim3A_56 : vector<16xf32> to vector<1x16xf32>
    tpu.vector_store %arg9[%swap3A_58, %swap3A_59], %swap3A_62 {strides = array<i32>} : memref<16x128xf32, #tpu.memory_space<vmem>>, vector<1x16xf32>,
    %broadcast_in_dim3A_63 = arith.constant 0.000000e+00 : f32
    %broadcast_in_dim3A_64 = vector.broadcast %broadcast_in_dim3A_63 : f32 to vector<16xf32>
    %swap3A_65 = arith.constant 1 : i32
    %swap3A_66 = arith.index_cast %swap3A_65 : i32 to index
    %swap3A_67 = arith.constant 0 : index
    %swap3A_68 = tpu.vector_load %arg9[%swap3A_66, %swap3A_67] {strides = array<i32>} : memref<16x128xf32, #tpu.memory_space<vmem>>, vector<1x16xf32>,
    %swap3A_69 = vector.shape_cast %swap3A_68 : vector<1x16xf32> to vector<16xf32>
    %swap3A_70 = vector.shape_cast %broadcast_in_dim3A_64 : vector<16xf32> to vector<1x16xf32>
    tpu.vector_store %arg9[%swap3A_66, %swap3A_67], %swap3A_70 {strides = array<i32>} : memref<16x128xf32, #tpu.memory_space<vmem>>, vector<1x16xf32>,
    %broadcast_in_dim3A_71 = arith.constant 0.000000e+00 : f32
    %broadcast_in_dim3A_72 = vector.broadcast %broadcast_in_dim3A_71 : f32 to vector<16xf32>
    %swap3A_73 = arith.constant 1 : i32
    %swap3A_74 = arith.index_cast %swap3A_73 : i32 to index
    %swap3A_75 = arith.constant 16 : index
    %swap3A_76 = tpu.vector_load %arg9[%swap3A_74, %swap3A_75] {strides = array<i32>} : memref<16x128xf32, #tpu.memory_space<vmem>>, vector<1x16xf32>,
    %swap3A_77 = vector.shape_cast %swap3A_76 : vector<1x16xf32> to vector<16xf32>
    %swap3A_78 = vector.shape_cast %broadcast_in_dim3A_72 : vector<16xf32> to vector<1x16xf32>
    tpu.vector_store %arg9[%swap3A_74, %swap3A_75], %swap3A_78 {strides = array<i32>} : memref<16x128xf32, #tpu.memory_space<vmem>>, vector<1x16xf32>,
    %broadcast_in_dim3A_79 = arith.constant 0.000000e+00 : f32
    %broadcast_in_dim3A_80 = vector.broadcast %broadcast_in_dim3A_79 : f32 to vector<16xf32>
    %swap3A_81 = arith.constant 1 : i32
    %swap3A_82 = arith.index_cast %swap3A_81 : i32 to index
    %swap3A_83 = arith.constant 32 : index
    %swap3A_84 = tpu.vector_load %arg9[%swap3A_82, %swap3A_83] {strides = array<i32>} : memref<16x128xf32, #tpu.memory_space<vmem>>, vector<1x16xf32>,
    %swap3A_85 = vector.shape_cast %swap3A_84 : vector<1x16xf32> to vector<16xf32>
    %swap3A_86 = vector.shape_cast %broadcast_in_dim3A_80 : vector<16xf32> to vector<1x16xf32>
    tpu.vector_store %arg9[%swap3A_82, %swap3A_83], %swap3A_86 {strides = array<i32>} : memref<16x128xf32, #tpu.memory_space<vmem>>, vector<1x16xf32>,
    %broadcast_in_dim3A_87 = arith.constant 0.000000e+00 : f32
    %broadcast_in_dim3A_88 = vector.broadcast %broadcast_in_dim3A_87 : f32 to vector<16xf32>
    %swap3A_89 = arith.constant 1 : i32
    %swap3A_90 = arith.index_cast %swap3A_89 : i32 to index
    %swap3A_91 = arith.constant 48 : index
    %swap3A_92 = tpu.vector_load %arg9[%swap3A_90, %swap3A_91] {strides = array<i32>} : memref<16x128xf32, #tpu.memory_space<vmem>>, vector<1x16xf32>,
    %swap3A_93 = vector.shape_cast %swap3A_92 : vector<1x16xf32> to vector<16xf32>
    %swap3A_94 = vector.shape_cast %broadcast_in_dim3A_88 : vector<16xf32> to vector<1x16xf32>
    tpu.vector_store %arg9[%swap3A_90, %swap3A_91], %swap3A_94 {strides = array<i32>} : memref<16x128xf32, #tpu.memory_space<vmem>>, vector<1x16xf32>,
    %broadcast_in_dim3A_95 = arith.constant 0.000000e+00 : f32
    %broadcast_in_dim3A_96 = vector.broadcast %broadcast_in_dim3A_95 : f32 to vector<16xf32>
    %swap3A_97 = arith.constant 1 : i32
    %swap3A_98 = arith.index_cast %swap3A_97 : i32 to index
    %swap3A_99 = arith.constant 64 : index
    %swap3A_100 = tpu.vector_load %arg9[%swap3A_98, %swap3A_99] {strides = array<i32>} : memref<16x128xf32, #tpu.memory_space<vmem>>, vector<1x16xf32>,
    %swap3A_101 = vector.shape_cast %swap3A_100 : vector<1x16xf32> to vector<16xf32>
    %swap3A_102 = vector.shape_cast %broadcast_in_dim3A_96 : vector<16xf32> to vector<1x16xf32>
    tpu.vector_store %arg9[%swap3A_98, %swap3A_99], %swap3A_102 {strides = array<i32>} : memref<16x128xf32, #tpu.memory_space<vmem>>, vector<1x16xf32>,
    %broadcast_in_dim3A_103 = arith.constant 0.000000e+00 : f32
    %broadcast_in_dim3A_104 = vector.broadcast %broadcast_in_dim3A_103 : f32 to vector<16xf32>
    %swap3A_105 = arith.constant 1 : i32
    %swap3A_106 = arith.index_cast %swap3A_105 : i32 to index
    %swap3A_107 = arith.constant 80 : index
    %swap3A_108 = tpu.vector_load %arg9[%swap3A_106, %swap3A_107] {strides = array<i32>} : memref<16x128xf32, #tpu.memory_space<vmem>>, vector<1x16xf32>,
    %swap3A_109 = vector.shape_cast %swap3A_108 : vector<1x16xf32> to vector<16xf32>
    %swap3A_110 = vector.shape_cast %broadcast_in_dim3A_104 : vector<16xf32> to vector<1x16xf32>
    tpu.vector_store %arg9[%swap3A_106, %swap3A_107], %swap3A_110 {strides = array<i32>} : memref<16x128xf32, #tpu.memory_space<vmem>>, vector<1x16xf32>,
    %broadcast_in_dim3A_111 = arith.constant 0.000000e+00 : f32
    %broadcast_in_dim3A_112 = vector.broadcast %broadcast_in_dim3A_111 : f32 to vector<16xf32>
    %swap3A_113 = arith.constant 1 : i32
    %swap3A_114 = arith.index_cast %swap3A_113 : i32 to index
    %swap3A_115 = arith.constant 96 : index
    %swap3A_116 = tpu.vector_load %arg9[%swap3A_114, %swap3A_115] {strides = array<i32>} : memref<16x128xf32, #tpu.memory_space<vmem>>, vector<1x16xf32>,
    %swap3A_117 = vector.shape_cast %swap3A_116 : vector<1x16xf32> to vector<16xf32>
    %swap3A_118 = vector.shape_cast %broadcast_in_dim3A_112 : vector<16xf32> to vector<1x16xf32>
    tpu.vector_store %arg9[%swap3A_114, %swap3A_115], %swap3A_118 {strides = array<i32>} : memref<16x128xf32, #tpu.memory_space<vmem>>, vector<1x16xf32>,
    %broadcast_in_dim3A_119 = arith.constant 0.000000e+00 : f32
    %broadcast_in_dim3A_120 = vector.broadcast %broadcast_in_dim3A_119 : f32 to vector<16xf32>
    %swap3A_121 = arith.constant 1 : i32
    %swap3A_122 = arith.index_cast %swap3A_121 : i32 to index
    %swap3A_123 = arith.constant 112 : index
    %swap3A_124 = tpu.vector_load %arg9[%swap3A_122, %swap3A_123] {strides = array<i32>} : memref<16x128xf32, #tpu.memory_space<vmem>>, vector<1x16xf32>,
    %swap3A_125 = vector.shape_cast %swap3A_124 : vector<1x16xf32> to vector<16xf32>
    %swap3A_126 = vector.shape_cast %broadcast_in_dim3A_120 : vector<16xf32> to vector<1x16xf32>
    tpu.vector_store %arg9[%swap3A_122, %swap3A_123], %swap3A_126 {strides = array<i32>} : memref<16x128xf32, #tpu.memory_space<vmem>>, vector<1x16xf32>,
    %broadcast_in_dim3A_127 = arith.constant 0.000000e+00 : f32
    %broadcast_in_dim3A_128 = vector.broadcast %broadcast_in_dim3A_127 : f32 to vector<16xf32>
    %swap3A_129 = arith.constant 2 : i32
    %swap3A_130 = arith.index_cast %swap3A_129 : i32 to index
    %swap3A_131 = arith.constant 0 : index
    %swap3A_132 = tpu.vector_load %arg9[%swap3A_130, %swap3A_131] {strides = array<i32>} : memref<16x128xf32, #tpu.memory_space<vmem>>, vector<1x16xf32>,
    %swap3A_133 = vector.shape_cast %swap3A_132 : vector<1x16xf32> to vector<16xf32>
    %swap3A_134 = vector.shape_cast %broadcast_in_dim3A_128 : vector<16xf32> to vector<1x16xf32>
    tpu.vector_store %arg9[%swap3A_130, %swap3A_131], %swap3A_134 {strides = array<i32>} : memref<16x128xf32, #tpu.memory_space<vmem>>, vector<1x16xf32>,
    %broadcast_in_dim3A_135 = arith.constant 0.000000e+00 : f32
    %broadcast_in_dim3A_136 = vector.broadcast %broadcast_in_dim3A_135 : f32 to vector<16xf32>
    %swap3A_137 = arith.constant 2 : i32
    %swap3A_138 = arith.index_cast %swap3A_137 : i32 to index
    %swap3A_139 = arith.constant 16 : index
    %swap3A_140 = tpu.vector_load %arg9[%swap3A_138, %swap3A_139] {strides = array<i32>} : memref<16x128xf32, #tpu.memory_space<vmem>>, vector<1x16xf32>,
    %swap3A_141 = vector.shape_cast %swap3A_140 : vector<1x16xf32> to vector<16xf32>
    %swap3A_142 = vector.shape_cast %broadcast_in_dim3A_136 : vector<16xf32> to vector<1x16xf32>
    tpu.vector_store %arg9[%swap3A_138, %swap3A_139], %swap3A_142 {strides = array<i32>} : memref<16x128xf32, #tpu.memory_space<vmem>>, vector<1x16xf32>,
    %broadcast_in_dim3A_143 = arith.constant 0.000000e+00 : f32
    %broadcast_in_dim3A_144 = vector.broadcast %broadcast_in_dim3A_143 : f32 to vector<16xf32>
    %swap3A_145 = arith.constant 2 : i32
    %swap3A_146 = arith.index_cast %swap3A_145 : i32 to index
    %swap3A_147 = arith.constant 32 : index
    %swap3A_148 = tpu.vector_load %arg9[%swap3A_146, %swap3A_147] {strides = array<i32>} : memref<16x128xf32, #tpu.memory_space<vmem>>, vector<1x16xf32>,
    %swap3A_149 = vector.shape_cast %swap3A_148 : vector<1x16xf32> to vector<16xf32>
    %swap3A_150 = vector.shape_cast %broadcast_in_dim3A_144 : vector<16xf32> to vector<1x16xf32>
    tpu.vector_store %arg9[%swap3A_146, %swap3A_147], %swap3A_150 {strides = array<i32>} : memref<16x128xf32, #tpu.memory_space<vmem>>, vector<1x16xf32>,
    %broadcast_in_dim3A_151 = arith.constant 0.000000e+00 : f32
    %broadcast_in_dim3A_152 = vector.broadcast %broadcast_in_dim3A_151 : f32 to vector<16xf32>
    %swap3A_153 = arith.constant 2 : i32
    %swap3A_154 = arith.index_cast %swap3A_153 : i32 to index
    %swap3A_155 = arith.constant 48 : index
    %swap3A_156 = tpu.vector_load %arg9[%swap3A_154, %swap3A_155] {strides = array<i32>} : memref<16x128xf32, #tpu.memory_space<vmem>>, vector<1x16xf32>,
    %swap3A_157 = vector.shape_cast %swap3A_156 : vector<1x16xf32> to vector<16xf32>
    %swap3A_158 = vector.shape_cast %broadcast_in_dim3A_152 : vector<16xf32> to vector<1x16xf32>
    tpu.vector_store %arg9[%swap3A_154, %swap3A_155], %swap3A_158 {strides = array<i32>} : memref<16x128xf32, #tpu.memory_space<vmem>>, vector<1x16xf32>,
    %broadcast_in_dim3A_159 = arith.constant 0.000000e+00 : f32
    %broadcast_in_dim3A_160 = vector.broadcast %broadcast_in_dim3A_159 : f32 to vector<16xf32>
    %swap3A_161 = arith.constant 2 : i32
    %swap3A_162 = arith.index_cast %swap3A_161 : i32 to index
    %swap3A_163 = arith.constant 64 : index
    %swap3A_164 = tpu.vector_load %arg9[%swap3A_162, %swap3A_163] {strides = array<i32>} : memref<16x128xf32, #tpu.memory_space<vmem>>, vector<1x16xf32>,
    %swap3A_165 = vector.shape_cast %swap3A_164 : vector<1x16xf32> to vector<16xf32>
    %swap3A_166 = vector.shape_cast %broadcast_in_dim3A_160 : vector<16xf32> to vector<1x16xf32>
    tpu.vector_store %arg9[%swap3A_162, %swap3A_163], %swap3A_166 {strides = array<i32>} : memref<16x128xf32, #tpu.memory_space<vmem>>, vector<1x16xf32>,
    %broadcast_in_dim3A_167 = arith.constant 0.000000e+00 : f32
    %broadcast_in_dim3A_168 = vector.broadcast %broadcast_in_dim3A_167 : f32 to vector<16xf32>
    %swap3A_169 = arith.constant 2 : i32
    %swap3A_170 = arith.index_cast %swap3A_169 : i32 to index
    %swap3A_171 = arith.constant 80 : index
    %swap3A_172 = tpu.vector_load %arg9[%swap3A_170, %swap3A_171] {strides = array<i32>} : memref<16x128xf32, #tpu.memory_space<vmem>>, vector<1x16xf32>,
    %swap3A_173 = vector.shape_cast %swap3A_172 : vector<1x16xf32> to vector<16xf32>
    %swap3A_174 = vector.shape_cast %broadcast_in_dim3A_168 : vector<16xf32> to vector<1x16xf32>
    tpu.vector_store %arg9[%swap3A_170, %swap3A_171], %swap3A_174 {strides = array<i32>} : memref<16x128xf32, #tpu.memory_space<vmem>>, vector<1x16xf32>,
    %broadcast_in_dim3A_175 = arith.constant 0.000000e+00 : f32
    %broadcast_in_dim3A_176 = vector.broadcast %broadcast_in_dim3A_175 : f32 to vector<16xf32>
    %swap3A_177 = arith.constant 2 : i32
    %swap3A_178 = arith.index_cast %swap3A_177 : i32 to index
    %swap3A_179 = arith.constant 96 : index
    %swap3A_180 = tpu.vector_load %arg9[%swap3A_178, %swap3A_179] {strides = array<i32>} : memref<16x128xf32, #tpu.memory_space<vmem>>, vector<1x16xf32>,
    %swap3A_181 = vector.shape_cast %swap3A_180 : vector<1x16xf32> to vector<16xf32>
    %swap3A_182 = vector.shape_cast %broadcast_in_dim3A_176 : vector<16xf32> to vector<1x16xf32>
    tpu.vector_store %arg9[%swap3A_178, %swap3A_179], %swap3A_182 {strides = array<i32>} : memref<16x128xf32, #tpu.memory_space<vmem>>, vector<1x16xf32>,
    %broadcast_in_dim3A_183 = arith.constant 0.000000e+00 : f32
    %broadcast_in_dim3A_184 = vector.broadcast %broadcast_in_dim3A_183 : f32 to vector<16xf32>
    %swap3A_185 = arith.constant 2 : i32
    %swap3A_186 = arith.index_cast %swap3A_185 : i32 to index
    %swap3A_187 = arith.constant 112 : index
    %swap3A_188 = tpu.vector_load %arg9[%swap3A_186, %swap3A_187] {strides = array<i32>} : memref<16x128xf32, #tpu.memory_space<vmem>>, vector<1x16xf32>,
    %swap3A_189 = vector.shape_cast %swap3A_188 : vector<1x16xf32> to vector<16xf32>
    %swap3A_190 = vector.shape_cast %broadcast_in_dim3A_184 : vector<16xf32> to vector<1x16xf32>
    tpu.vector_store %arg9[%swap3A_186, %swap3A_187], %swap3A_190 {strides = array<i32>} : memref<16x128xf32, #tpu.memory_space<vmem>>, vector<1x16xf32>,
    %broadcast_in_dim3A_191 = arith.constant 0.000000e+00 : f32
    %broadcast_in_dim3A_192 = vector.broadcast %broadcast_in_dim3A_191 : f32 to vector<16xf32>
    %swap3A_193 = arith.constant 3 : i32
    %swap3A_194 = arith.index_cast %swap3A_193 : i32 to index
    %swap3A_195 = arith.constant 0 : index
    %swap3A_196 = tpu.vector_load %arg9[%swap3A_194, %swap3A_195] {strides = array<i32>} : memref<16x128xf32, #tpu.memory_space<vmem>>, vector<1x16xf32>,
    %swap3A_197 = vector.shape_cast %swap3A_196 : vector<1x16xf32> to vector<16xf32>
    %swap3A_198 = vector.shape_cast %broadcast_in_dim3A_192 : vector<16xf32> to vector<1x16xf32>
    tpu.vector_store %arg9[%swap3A_194, %swap3A_195], %swap3A_198 {strides = array<i32>} : memref<16x128xf32, #tpu.memory_space<vmem>>, vector<1x16xf32>,
    %broadcast_in_dim3A_199 = arith.constant 0.000000e+00 : f32
    %broadcast_in_dim3A_200 = vector.broadcast %broadcast_in_dim3A_199 : f32 to vector<16xf32>
    %swap3A_201 = arith.constant 3 : i32
    %swap3A_202 = arith.index_cast %swap3A_201 : i32 to index
    %swap3A_203 = arith.constant 16 : index
    %swap3A_204 = tpu.vector_load %arg9[%swap3A_202, %swap3A_203] {strides = array<i32>} : memref<16x128xf32, #tpu.memory_space<vmem>>, vector<1x16xf32>,
    %swap3A_205 = vector.shape_cast %swap3A_204 : vector<1x16xf32> to vector<16xf32>
    %swap3A_206 = vector.shape_cast %broadcast_in_dim3A_200 : vector<16xf32> to vector<1x16xf32>
    tpu.vector_store %arg9[%swap3A_202, %swap3A_203], %swap3A_206 {strides = array<i32>} : memref<16x128xf32, #tpu.memory_space<vmem>>, vector<1x16xf32>,
    %broadcast_in_dim3A_207 = arith.constant 0.000000e+00 : f32
    %broadcast_in_dim3A_208 = vector.broadcast %broadcast_in_dim3A_207 : f32 to vector<16xf32>
    %swap3A_209 = arith.constant 3 : i32
    %swap3A_210 = arith.index_cast %swap3A_209 : i32 to index
    %swap3A_211 = arith.constant 32 : index
    %swap3A_212 = tpu.vector_load %arg9[%swap3A_210, %swap3A_211] {strides = array<i32>} : memref<16x128xf32, #tpu.memory_space<vmem>>, vector<1x16xf32>,
    %swap3A_213 = vector.shape_cast %swap3A_212 : vector<1x16xf32> to vector<16xf32>
    %swap3A_214 = vector.shape_cast %broadcast_in_dim3A_208 : vector<16xf32> to vector<1x16xf32>
    tpu.vector_store %arg9[%swap3A_210, %swap3A_211], %swap3A_214 {strides = array<i32>} : memref<16x128xf32, #tpu.memory_space<vmem>>, vector<1x16xf32>,
    %broadcast_in_dim3A_215 = arith.constant 0.000000e+00 : f32
    %broadcast_in_dim3A_216 = vector.broadcast %broadcast_in_dim3A_215 : f32 to vector<16xf32>
    %swap3A_217 = arith.constant 3 : i32
    %swap3A_218 = arith.index_cast %swap3A_217 : i32 to index
    %swap3A_219 = arith.constant 48 : index
    %swap3A_220 = tpu.vector_load %arg9[%swap3A_218, %swap3A_219] {strides = array<i32>} : memref<16x128xf32, #tpu.memory_space<vmem>>, vector<1x16xf32>,
    %swap3A_221 = vector.shape_cast %swap3A_220 : vector<1x16xf32> to vector<16xf32>
    %swap3A_222 = vector.shape_cast %broadcast_in_dim3A_216 : vector<16xf32> to vector<1x16xf32>
    tpu.vector_store %arg9[%swap3A_218, %swap3A_219], %swap3A_222 {strides = array<i32>} : memref<16x128xf32, #tpu.memory_space<vmem>>, vector<1x16xf32>,
    %broadcast_in_dim3A_223 = arith.constant 0.000000e+00 : f32
    %broadcast_in_dim3A_224 = vector.broadcast %broadcast_in_dim3A_223 : f32 to vector<16xf32>
    %swap3A_225 = arith.constant 3 : i32
    %swap3A_226 = arith.index_cast %swap3A_225 : i32 to index
    %swap3A_227 = arith.constant 64 : index
    %swap3A_228 = tpu.vector_load %arg9[%swap3A_226, %swap3A_227] {strides = array<i32>} : memref<16x128xf32, #tpu.memory_space<vmem>>, vector<1x16xf32>,
    %swap3A_229 = vector.shape_cast %swap3A_228 : vector<1x16xf32> to vector<16xf32>
    %swap3A_230 = vector.shape_cast %broadcast_in_dim3A_224 : vector<16xf32> to vector<1x16xf32>
    tpu.vector_store %arg9[%swap3A_226, %swap3A_227], %swap3A_230 {strides = array<i32>} : memref<16x128xf32, #tpu.memory_space<vmem>>, vector<1x16xf32>,
    %broadcast_in_dim3A_231 = arith.constant 0.000000e+00 : f32
    %broadcast_in_dim3A_232 = vector.broadcast %broadcast_in_dim3A_231 : f32 to vector<16xf32>
    %swap3A_233 = arith.constant 3 : i32
    %swap3A_234 = arith.index_cast %swap3A_233 : i32 to index
    %swap3A_235 = arith.constant 80 : index
    %swap3A_236 = tpu.vector_load %arg9[%swap3A_234, %swap3A_235] {strides = array<i32>} : memref<16x128xf32, #tpu.memory_space<vmem>>, vector<1x16xf32>,
    %swap3A_237 = vector.shape_cast %swap3A_236 : vector<1x16xf32> to vector<16xf32>
    %swap3A_238 = vector.shape_cast %broadcast_in_dim3A_232 : vector<16xf32> to vector<1x16xf32>
    tpu.vector_store %arg9[%swap3A_234, %swap3A_235], %swap3A_238 {strides = array<i32>} : memref<16x128xf32, #tpu.memory_space<vmem>>, vector<1x16xf32>,
    %broadcast_in_dim3A_239 = arith.constant 0.000000e+00 : f32
    %broadcast_in_dim3A_240 = vector.broadcast %broadcast_in_dim3A_239 : f32 to vector<16xf32>
    %swap3A_241 = arith.constant 3 : i32
    %swap3A_242 = arith.index_cast %swap3A_241 : i32 to index
    %swap3A_243 = arith.constant 96 : index
    %swap3A_244 = tpu.vector_load %arg9[%swap3A_242, %swap3A_243] {strides = array<i32>} : memref<16x128xf32, #tpu.memory_space<vmem>>, vector<1x16xf32>,
    %swap3A_245 = vector.shape_cast %swap3A_244 : vector<1x16xf32> to vector<16xf32>
    %swap3A_246 = vector.shape_cast %broadcast_in_dim3A_240 : vector<16xf32> to vector<1x16xf32>
    tpu.vector_store %arg9[%swap3A_242, %swap3A_243], %swap3A_246 {strides = array<i32>} : memref<16x128xf32, #tpu.memory_space<vmem>>, vector<1x16xf32>,
    %broadcast_in_dim3A_247 = arith.constant 0.000000e+00 : f32
    %broadcast_in_dim3A_248 = vector.broadcast %broadcast_in_dim3A_247 : f32 to vector<16xf32>
    %swap3A_249 = arith.constant 3 : i32
    %swap3A_250 = arith.index_cast %swap3A_249 : i32 to index
    %swap3A_251 = arith.constant 112 : index
    %swap3A_252 = tpu.vector_load %arg9[%swap3A_250, %swap3A_251] {strides = array<i32>} : memref<16x128xf32, #tpu.memory_space<vmem>>, vector<1x16xf32>,
    %swap3A_253 = vector.shape_cast %swap3A_252 : vector<1x16xf32> to vector<16xf32>
    %swap3A_254 = vector.shape_cast %broadcast_in_dim3A_248 : vector<16xf32> to vector<1x16xf32>
    tpu.vector_store %arg9[%swap3A_250, %swap3A_251], %swap3A_254 {strides = array<i32>} : memref<16x128xf32, #tpu.memory_space<vmem>>, vector<1x16xf32>,
    %broadcast_in_dim3A_255 = arith.constant 0.000000e+00 : f32
    %broadcast_in_dim3A_256 = vector.broadcast %broadcast_in_dim3A_255 : f32 to vector<16xf32>
    %swap3A_257 = arith.constant 4 : i32
    %swap3A_258 = arith.index_cast %swap3A_257 : i32 to index
    %swap3A_259 = arith.constant 0 : index
    %swap3A_260 = tpu.vector_load %arg9[%swap3A_258, %swap3A_259] {strides = array<i32>} : memref<16x128xf32, #tpu.memory_space<vmem>>, vector<1x16xf32>,
    %swap3A_261 = vector.shape_cast %swap3A_260 : vector<1x16xf32> to vector<16xf32>
    %swap3A_262 = vector.shape_cast %broadcast_in_dim3A_256 : vector<16xf32> to vector<1x16xf32>
    tpu.vector_store %arg9[%swap3A_258, %swap3A_259], %swap3A_262 {strides = array<i32>} : memref<16x128xf32, #tpu.memory_space<vmem>>, vector<1x16xf32>,
    %broadcast_in_dim3A_263 = arith.constant 0.000000e+00 : f32
    %broadcast_in_dim3A_264 = vector.broadcast %broadcast_in_dim3A_263 : f32 to vector<16xf32>
    %swap3A_265 = arith.constant 4 : i32
    %swap3A_266 = arith.index_cast %swap3A_265 : i32 to index
    %swap3A_267 = arith.constant 16 : index
    %swap3A_268 = tpu.vector_load %arg9[%swap3A_266, %swap3A_267] {strides = array<i32>} : memref<16x128xf32, #tpu.memory_space<vmem>>, vector<1x16xf32>,
    %swap3A_269 = vector.shape_cast %swap3A_268 : vector<1x16xf32> to vector<16xf32>
    %swap3A_270 = vector.shape_cast %broadcast_in_dim3A_264 : vector<16xf32> to vector<1x16xf32>
    tpu.vector_store %arg9[%swap3A_266, %swap3A_267], %swap3A_270 {strides = array<i32>} : memref<16x128xf32, #tpu.memory_space<vmem>>, vector<1x16xf32>,
    %broadcast_in_dim3A_271 = arith.constant 0.000000e+00 : f32
    %broadcast_in_dim3A_272 = vector.broadcast %broadcast_in_dim3A_271 : f32 to vector<16xf32>
    %swap3A_273 = arith.constant 4 : i32
    %swap3A_274 = arith.index_cast %swap3A_273 : i32 to index
    %swap3A_275 = arith.constant 32 : index
    %swap3A_276 = tpu.vector_load %arg9[%swap3A_274, %swap3A_275] {strides = array<i32>} : memref<16x128xf32, #tpu.memory_space<vmem>>, vector<1x16xf32>,
    %swap3A_277 = vector.shape_cast %swap3A_276 : vector<1x16xf32> to vector<16xf32>
    %swap3A_278 = vector.shape_cast %broadcast_in_dim3A_272 : vector<16xf32> to vector<1x16xf32>
    tpu.vector_store %arg9[%swap3A_274, %swap3A_275], %swap3A_278 {strides = array<i32>} : memref<16x128xf32, #tpu.memory_space<vmem>>, vector<1x16xf32>,
    %broadcast_in_dim3A_279 = arith.constant 0.000000e+00 : f32
    %broadcast_in_dim3A_280 = vector.broadcast %broadcast_in_dim3A_279 : f32 to vector<16xf32>
    %swap3A_281 = arith.constant 4 : i32
    %swap3A_282 = arith.index_cast %swap3A_281 : i32 to index
    %swap3A_283 = arith.constant 48 : index
    %swap3A_284 = tpu.vector_load %arg9[%swap3A_282, %swap3A_283] {strides = array<i32>} : memref<16x128xf32, #tpu.memory_space<vmem>>, vector<1x16xf32>,
    %swap3A_285 = vector.shape_cast %swap3A_284 : vector<1x16xf32> to vector<16xf32>
    %swap3A_286 = vector.shape_cast %broadcast_in_dim3A_280 : vector<16xf32> to vector<1x16xf32>
    tpu.vector_store %arg9[%swap3A_282, %swap3A_283], %swap3A_286 {strides = array<i32>} : memref<16x128xf32, #tpu.memory_space<vmem>>, vector<1x16xf32>,
    %broadcast_in_dim3A_287 = arith.constant 0.000000e+00 : f32
    %broadcast_in_dim3A_288 = vector.broadcast %broadcast_in_dim3A_287 : f32 to vector<16xf32>
    %swap3A_289 = arith.constant 4 : i32
    %swap3A_290 = arith.index_cast %swap3A_289 : i32 to index
    %swap3A_291 = arith.constant 64 : index
    %swap3A_292 = tpu.vector_load %arg9[%swap3A_290, %swap3A_291] {strides = array<i32>} : memref<16x128xf32, #tpu.memory_space<vmem>>, vector<1x16xf32>,
    %swap3A_293 = vector.shape_cast %swap3A_292 : vector<1x16xf32> to vector<16xf32>
    %swap3A_294 = vector.shape_cast %broadcast_in_dim3A_288 : vector<16xf32> to vector<1x16xf32>
    tpu.vector_store %arg9[%swap3A_290, %swap3A_291], %swap3A_294 {strides = array<i32>} : memref<16x128xf32, #tpu.memory_space<vmem>>, vector<1x16xf32>,
    %broadcast_in_dim3A_295 = arith.constant 0.000000e+00 : f32
    %broadcast_in_dim3A_296 = vector.broadcast %broadcast_in_dim3A_295 : f32 to vector<16xf32>
    %swap3A_297 = arith.constant 4 : i32
    %swap3A_298 = arith.index_cast %swap3A_297 : i32 to index
    %swap3A_299 = arith.constant 80 : index
    %swap3A_300 = tpu.vector_load %arg9[%swap3A_298, %swap3A_299] {strides = array<i32>} : memref<16x128xf32, #tpu.memory_space<vmem>>, vector<1x16xf32>,
    %swap3A_301 = vector.shape_cast %swap3A_300 : vector<1x16xf32> to vector<16xf32>
    %swap3A_302 = vector.shape_cast %broadcast_in_dim3A_296 : vector<16xf32> to vector<1x16xf32>
    tpu.vector_store %arg9[%swap3A_298, %swap3A_299], %swap3A_302 {strides = array<i32>} : memref<16x128xf32, #tpu.memory_space<vmem>>, vector<1x16xf32>,
    %broadcast_in_dim3A_303 = arith.constant 0.000000e+00 : f32
    %broadcast_in_dim3A_304 = vector.broadcast %broadcast_in_dim3A_303 : f32 to vector<16xf32>
    %swap3A_305 = arith.constant 4 : i32
    %swap3A_306 = arith.index_cast %swap3A_305 : i32 to index
    %swap3A_307 = arith.constant 96 : index
    %swap3A_308 = tpu.vector_load %arg9[%swap3A_306, %swap3A_307] {strides = array<i32>} : memref<16x128xf32, #tpu.memory_space<vmem>>, vector<1x16xf32>,
    %swap3A_309 = vector.shape_cast %swap3A_308 : vector<1x16xf32> to vector<16xf32>
    %swap3A_310 = vector.shape_cast %broadcast_in_dim3A_304 : vector<16xf32> to vector<1x16xf32>
    tpu.vector_store %arg9[%swap3A_306, %swap3A_307], %swap3A_310 {strides = array<i32>} : memref<16x128xf32, #tpu.memory_space<vmem>>, vector<1x16xf32>,
    %broadcast_in_dim3A_311 = arith.constant 0.000000e+00 : f32
    %broadcast_in_dim3A_312 = vector.broadcast %broadcast_in_dim3A_311 : f32 to vector<16xf32>
    %swap3A_313 = arith.constant 4 : i32
    %swap3A_314 = arith.index_cast %swap3A_313 : i32 to index
    %swap3A_315 = arith.constant 112 : index
    %swap3A_316 = tpu.vector_load %arg9[%swap3A_314, %swap3A_315] {strides = array<i32>} : memref<16x128xf32, #tpu.memory_space<vmem>>, vector<1x16xf32>,
    %swap3A_317 = vector.shape_cast %swap3A_316 : vector<1x16xf32> to vector<16xf32>
    %swap3A_318 = vector.shape_cast %broadcast_in_dim3A_312 : vector<16xf32> to vector<1x16xf32>
    tpu.vector_store %arg9[%swap3A_314, %swap3A_315], %swap3A_318 {strides = array<i32>} : memref<16x128xf32, #tpu.memory_space<vmem>>, vector<1x16xf32>,
    %broadcast_in_dim3A_319 = arith.constant 0.000000e+00 : f32
    %broadcast_in_dim3A_320 = vector.broadcast %broadcast_in_dim3A_319 : f32 to vector<16xf32>
    %swap3A_321 = arith.constant 5 : i32
    %swap3A_322 = arith.index_cast %swap3A_321 : i32 to index
    %swap3A_323 = arith.constant 0 : index
    %swap3A_324 = tpu.vector_load %arg9[%swap3A_322, %swap3A_323] {strides = array<i32>} : memref<16x128xf32, #tpu.memory_space<vmem>>, vector<1x16xf32>,
    %swap3A_325 = vector.shape_cast %swap3A_324 : vector<1x16xf32> to vector<16xf32>
    %swap3A_326 = vector.shape_cast %broadcast_in_dim3A_320 : vector<16xf32> to vector<1x16xf32>
    tpu.vector_store %arg9[%swap3A_322, %swap3A_323], %swap3A_326 {strides = array<i32>} : memref<16x128xf32, #tpu.memory_space<vmem>>, vector<1x16xf32>,
    %broadcast_in_dim3A_327 = arith.constant 0.000000e+00 : f32
    %broadcast_in_dim3A_328 = vector.broadcast %broadcast_in_dim3A_327 : f32 to vector<16xf32>
    %swap3A_329 = arith.constant 5 : i32
    %swap3A_330 = arith.index_cast %swap3A_329 : i32 to index
    %swap3A_331 = arith.constant 16 : index
    %swap3A_332 = tpu.vector_load %arg9[%swap3A_330, %swap3A_331] {strides = array<i32>} : memref<16x128xf32, #tpu.memory_space<vmem>>, vector<1x16xf32>,
    %swap3A_333 = vector.shape_cast %swap3A_332 : vector<1x16xf32> to vector<16xf32>
    %swap3A_334 = vector.shape_cast %broadcast_in_dim3A_328 : vector<16xf32> to vector<1x16xf32>
    tpu.vector_store %arg9[%swap3A_330, %swap3A_331], %swap3A_334 {strides = array<i32>} : memref<16x128xf32, #tpu.memory_space<vmem>>, vector<1x16xf32>,
    %broadcast_in_dim3A_335 = arith.constant 0.000000e+00 : f32
    %broadcast_in_dim3A_336 = vector.broadcast %broadcast_in_dim3A_335 : f32 to vector<16xf32>
    %swap3A_337 = arith.constant 5 : i32
    %swap3A_338 = arith.index_cast %swap3A_337 : i32 to index
    %swap3A_339 = arith.constant 32 : index
    %swap3A_340 = tpu.vector_load %arg9[%swap3A_338, %swap3A_339] {strides = array<i32>} : memref<16x128xf32, #tpu.memory_space<vmem>>, vector<1x16xf32>,
    %swap3A_341 = vector.shape_cast %swap3A_340 : vector<1x16xf32> to vector<16xf32>
    %swap3A_342 = vector.shape_cast %broadcast_in_dim3A_336 : vector<16xf32> to vector<1x16xf32>
    tpu.vector_store %arg9[%swap3A_338, %swap3A_339], %swap3A_342 {strides = array<i32>} : memref<16x128xf32, #tpu.memory_space<vmem>>, vector<1x16xf32>,
    %broadcast_in_dim3A_343 = arith.constant 0.000000e+00 : f32
    %broadcast_in_dim3A_344 = vector.broadcast %broadcast_in_dim3A_343 : f32 to vector<16xf32>
    %swap3A_345 = arith.constant 5 : i32
    %swap3A_346 = arith.index_cast %swap3A_345 : i32 to index
    %swap3A_347 = arith.constant 48 : index
    %swap3A_348 = tpu.vector_load %arg9[%swap3A_346, %swap3A_347] {strides = array<i32>} : memref<16x128xf32, #tpu.memory_space<vmem>>, vector<1x16xf32>,
    %swap3A_349 = vector.shape_cast %swap3A_348 : vector<1x16xf32> to vector<16xf32>
    %swap3A_350 = vector.shape_cast %broadcast_in_dim3A_344 : vector<16xf32> to vector<1x16xf32>
    tpu.vector_store %arg9[%swap3A_346, %swap3A_347], %swap3A_350 {strides = array<i32>} : memref<16x128xf32, #tpu.memory_space<vmem>>, vector<1x16xf32>,
    %broadcast_in_dim3A_351 = arith.constant 0.000000e+00 : f32
    %broadcast_in_dim3A_352 = vector.broadcast %broadcast_in_dim3A_351 : f32 to vector<16xf32>
    %swap3A_353 = arith.constant 5 : i32
    %swap3A_354 = arith.index_cast %swap3A_353 : i32 to index
    %swap3A_355 = arith.constant 64 : index
    %swap3A_356 = tpu.vector_load %arg9[%swap3A_354, %swap3A_355] {strides = array<i32>} : memref<16x128xf32, #tpu.memory_space<vmem>>, vector<1x16xf32>,
    %swap3A_357 = vector.shape_cast %swap3A_356 : vector<1x16xf32> to vector<16xf32>
    %swap3A_358 = vector.shape_cast %broadcast_in_dim3A_352 : vector<16xf32> to vector<1x16xf32>
    tpu.vector_store %arg9[%swap3A_354, %swap3A_355], %swap3A_358 {strides = array<i32>} : memref<16x128xf32, #tpu.memory_space<vmem>>, vector<1x16xf32>,
    %broadcast_in_dim3A_359 = arith.constant 0.000000e+00 : f32
    %broadcast_in_dim3A_360 = vector.broadcast %broadcast_in_dim3A_359 : f32 to vector<16xf32>
    %swap3A_361 = arith.constant 5 : i32
    %swap3A_362 = arith.index_cast %swap3A_361 : i32 to index
    %swap3A_363 = arith.constant 80 : index
    %swap3A_364 = tpu.vector_load %arg9[%swap3A_362, %swap3A_363] {strides = array<i32>} : memref<16x128xf32, #tpu.memory_space<vmem>>, vector<1x16xf32>,
    %swap3A_365 = vector.shape_cast %swap3A_364 : vector<1x16xf32> to vector<16xf32>
    %swap3A_366 = vector.shape_cast %broadcast_in_dim3A_360 : vector<16xf32> to vector<1x16xf32>
    tpu.vector_store %arg9[%swap3A_362, %swap3A_363], %swap3A_366 {strides = array<i32>} : memref<16x128xf32, #tpu.memory_space<vmem>>, vector<1x16xf32>,
    %broadcast_in_dim3A_367 = arith.constant 0.000000e+00 : f32
    %broadcast_in_dim3A_368 = vector.broadcast %broadcast_in_dim3A_367 : f32 to vector<16xf32>
    %swap3A_369 = arith.constant 5 : i32
    %swap3A_370 = arith.index_cast %swap3A_369 : i32 to index
    %swap3A_371 = arith.constant 96 : index
    %swap3A_372 = tpu.vector_load %arg9[%swap3A_370, %swap3A_371] {strides = array<i32>} : memref<16x128xf32, #tpu.memory_space<vmem>>, vector<1x16xf32>,
    %swap3A_373 = vector.shape_cast %swap3A_372 : vector<1x16xf32> to vector<16xf32>
    %swap3A_374 = vector.shape_cast %broadcast_in_dim3A_368 : vector<16xf32> to vector<1x16xf32>
    tpu.vector_store %arg9[%swap3A_370, %swap3A_371], %swap3A_374 {strides = array<i32>} : memref<16x128xf32, #tpu.memory_space<vmem>>, vector<1x16xf32>,
    %broadcast_in_dim3A_375 = arith.constant 0.000000e+00 : f32
    %broadcast_in_dim3A_376 = vector.broadcast %broadcast_in_dim3A_375 : f32 to vector<16xf32>
    %swap3A_377 = arith.constant 5 : i32
    %swap3A_378 = arith.index_cast %swap3A_377 : i32 to index
    %swap3A_379 = arith.constant 112 : index
    %swap3A_380 = tpu.vector_load %arg9[%swap3A_378, %swap3A_379] {strides = array<i32>} : memref<16x128xf32, #tpu.memory_space<vmem>>, vector<1x16xf32>,
    %swap3A_381 = vector.shape_cast %swap3A_380 : vector<1x16xf32> to vector<16xf32>
    %swap3A_382 = vector.shape_cast %broadcast_in_dim3A_376 : vector<16xf32> to vector<1x16xf32>
    tpu.vector_store %arg9[%swap3A_378, %swap3A_379], %swap3A_382 {strides = array<i32>} : memref<16x128xf32, #tpu.memory_space<vmem>>, vector<1x16xf32>,
    %broadcast_in_dim3A_383 = arith.constant 0.000000e+00 : f32
    %broadcast_in_dim3A_384 = vector.broadcast %broadcast_in_dim3A_383 : f32 to vector<16xf32>
    %swap3A_385 = arith.constant 6 : i32
    %swap3A_386 = arith.index_cast %swap3A_385 : i32 to index
    %swap3A_387 = arith.constant 0 : index
    %swap3A_388 = tpu.vector_load %arg9[%swap3A_386, %swap3A_387] {strides = array<i32>} : memref<16x128xf32, #tpu.memory_space<vmem>>, vector<1x16xf32>,
    %swap3A_389 = vector.shape_cast %swap3A_388 : vector<1x16xf32> to vector<16xf32>
    %swap3A_390 = vector.shape_cast %broadcast_in_dim3A_384 : vector<16xf32> to vector<1x16xf32>
    tpu.vector_store %arg9[%swap3A_386, %swap3A_387], %swap3A_390 {strides = array<i32>} : memref<16x128xf32, #tpu.memory_space<vmem>>, vector<1x16xf32>,
    %broadcast_in_dim3A_391 = arith.constant 0.000000e+00 : f32
    %broadcast_in_dim3A_392 = vector.broadcast %broadcast_in_dim3A_391 : f32 to vector<16xf32>
    %swap3A_393 = arith.constant 6 : i32
    %swap3A_394 = arith.index_cast %swap3A_393 : i32 to index
    %swap3A_395 = arith.constant 16 : index
    %swap3A_396 = tpu.vector_load %arg9[%swap3A_394, %swap3A_395] {strides = array<i32>} : memref<16x128xf32, #tpu.memory_space<vmem>>, vector<1x16xf32>,
    %swap3A_397 = vector.shape_cast %swap3A_396 : vector<1x16xf32> to vector<16xf32>
    %swap3A_398 = vector.shape_cast %broadcast_in_dim3A_392 : vector<16xf32> to vector<1x16xf32>
    tpu.vector_store %arg9[%swap3A_394, %swap3A_395], %swap3A_398 {strides = array<i32>} : memref<16x128xf32, #tpu.memory_space<vmem>>, vector<1x16xf32>,
    %broadcast_in_dim3A_399 = arith.constant 0.000000e+00 : f32
    %broadcast_in_dim3A_400 = vector.broadcast %broadcast_in_dim3A_399 : f32 to vector<16xf32>
    %swap3A_401 = arith.constant 6 : i32
    %swap3A_402 = arith.index_cast %swap3A_401 : i32 to index
    %swap3A_403 = arith.constant 32 : index
    %swap3A_404 = tpu.vector_load %arg9[%swap3A_402, %swap3A_403] {strides = array<i32>} : memref<16x128xf32, #tpu.memory_space<vmem>>, vector<1x16xf32>,
    %swap3A_405 = vector.shape_cast %swap3A_404 : vector<1x16xf32> to vector<16xf32>
    %swap3A_406 = vector.shape_cast %broadcast_in_dim3A_400 : vector<16xf32> to vector<1x16xf32>
    tpu.vector_store %arg9[%swap3A_402, %swap3A_403], %swap3A_406 {strides = array<i32>} : memref<16x128xf32, #tpu.memory_space<vmem>>, vector<1x16xf32>,
    %broadcast_in_dim3A_407 = arith.constant 0.000000e+00 : f32
    %broadcast_in_dim3A_408 = vector.broadcast %broadcast_in_dim3A_407 : f32 to vector<16xf32>
    %swap3A_409 = arith.constant 6 : i32
    %swap3A_410 = arith.index_cast %swap3A_409 : i32 to index
    %swap3A_411 = arith.constant 48 : index
    %swap3A_412 = tpu.vector_load %arg9[%swap3A_410, %swap3A_411] {strides = array<i32>} : memref<16x128xf32, #tpu.memory_space<vmem>>, vector<1x16xf32>,
    %swap3A_413 = vector.shape_cast %swap3A_412 : vector<1x16xf32> to vector<16xf32>
    %swap3A_414 = vector.shape_cast %broadcast_in_dim3A_408 : vector<16xf32> to vector<1x16xf32>
    tpu.vector_store %arg9[%swap3A_410, %swap3A_411], %swap3A_414 {strides = array<i32>} : memref<16x128xf32, #tpu.memory_space<vmem>>, vector<1x16xf32>,
    %broadcast_in_dim3A_415 = arith.constant 0.000000e+00 : f32
    %broadcast_in_dim3A_416 = vector.broadcast %broadcast_in_dim3A_415 : f32 to vector<16xf32>
    %swap3A_417 = arith.constant 6 : i32
    %swap3A_418 = arith.index_cast %swap3A_417 : i32 to index
    %swap3A_419 = arith.constant 64 : index
    %swap3A_420 = tpu.vector_load %arg9[%swap3A_418, %swap3A_419] {strides = array<i32>} : memref<16x128xf32, #tpu.memory_space<vmem>>, vector<1x16xf32>,
    %swap3A_421 = vector.shape_cast %swap3A_420 : vector<1x16xf32> to vector<16xf32>
    %swap3A_422 = vector.shape_cast %broadcast_in_dim3A_416 : vector<16xf32> to vector<1x16xf32>
    tpu.vector_store %arg9[%swap3A_418, %swap3A_419], %swap3A_422 {strides = array<i32>} : memref<16x128xf32, #tpu.memory_space<vmem>>, vector<1x16xf32>,
    %broadcast_in_dim3A_423 = arith.constant 0.000000e+00 : f32
    %broadcast_in_dim3A_424 = vector.broadcast %broadcast_in_dim3A_423 : f32 to vector<16xf32>
    %swap3A_425 = arith.constant 6 : i32
    %swap3A_426 = arith.index_cast %swap3A_425 : i32 to index
    %swap3A_427 = arith.constant 80 : index
    %swap3A_428 = tpu.vector_load %arg9[%swap3A_426, %swap3A_427] {strides = array<i32>} : memref<16x128xf32, #tpu.memory_space<vmem>>, vector<1x16xf32>,
    %swap3A_429 = vector.shape_cast %swap3A_428 : vector<1x16xf32> to vector<16xf32>
    %swap3A_430 = vector.shape_cast %broadcast_in_dim3A_424 : vector<16xf32> to vector<1x16xf32>
    tpu.vector_store %arg9[%swap3A_426, %swap3A_427], %swap3A_430 {strides = array<i32>} : memref<16x128xf32, #tpu.memory_space<vmem>>, vector<1x16xf32>,
    %broadcast_in_dim3A_431 = arith.constant 0.000000e+00 : f32
    %broadcast_in_dim3A_432 = vector.broadcast %broadcast_in_dim3A_431 : f32 to vector<16xf32>
    %swap3A_433 = arith.constant 6 : i32
    %swap3A_434 = arith.index_cast %swap3A_433 : i32 to index
    %swap3A_435 = arith.constant 96 : index
    %swap3A_436 = tpu.vector_load %arg9[%swap3A_434, %swap3A_435] {strides = array<i32>} : memref<16x128xf32, #tpu.memory_space<vmem>>, vector<1x16xf32>,
    %swap3A_437 = vector.shape_cast %swap3A_436 : vector<1x16xf32> to vector<16xf32>
    %swap3A_438 = vector.shape_cast %broadcast_in_dim3A_432 : vector<16xf32> to vector<1x16xf32>
    tpu.vector_store %arg9[%swap3A_434, %swap3A_435], %swap3A_438 {strides = array<i32>} : memref<16x128xf32, #tpu.memory_space<vmem>>, vector<1x16xf32>,
    %broadcast_in_dim3A_439 = arith.constant 0.000000e+00 : f32
    %broadcast_in_dim3A_440 = vector.broadcast %broadcast_in_dim3A_439 : f32 to vector<16xf32>
    %swap3A_441 = arith.constant 6 : i32
    %swap3A_442 = arith.index_cast %swap3A_441 : i32 to index
    %swap3A_443 = arith.constant 112 : index
    %swap3A_444 = tpu.vector_load %arg9[%swap3A_442, %swap3A_443] {strides = array<i32>} : memref<16x128xf32, #tpu.memory_space<vmem>>, vector<1x16xf32>,
    %swap3A_445 = vector.shape_cast %swap3A_444 : vector<1x16xf32> to vector<16xf32>
    %swap3A_446 = vector.shape_cast %broadcast_in_dim3A_440 : vector<16xf32> to vector<1x16xf32>
    tpu.vector_store %arg9[%swap3A_442, %swap3A_443], %swap3A_446 {strides = array<i32>} : memref<16x128xf32, #tpu.memory_space<vmem>>, vector<1x16xf32>,
    %broadcast_in_dim3A_447 = arith.constant 0.000000e+00 : f32
    %broadcast_in_dim3A_448 = vector.broadcast %broadcast_in_dim3A_447 : f32 to vector<16xf32>
    %swap3A_449 = arith.constant 7 : i32
    %swap3A_450 = arith.index_cast %swap3A_449 : i32 to index
    %swap3A_451 = arith.constant 0 : index
    %swap3A_452 = tpu.vector_load %arg9[%swap3A_450, %swap3A_451] {strides = array<i32>} : memref<16x128xf32, #tpu.memory_space<vmem>>, vector<1x16xf32>,
    %swap3A_453 = vector.shape_cast %swap3A_452 : vector<1x16xf32> to vector<16xf32>
    %swap3A_454 = vector.shape_cast %broadcast_in_dim3A_448 : vector<16xf32> to vector<1x16xf32>
    tpu.vector_store %arg9[%swap3A_450, %swap3A_451], %swap3A_454 {strides = array<i32>} : memref<16x128xf32, #tpu.memory_space<vmem>>, vector<1x16xf32>,
    %broadcast_in_dim3A_455 = arith.constant 0.000000e+00 : f32
    %broadcast_in_dim3A_456 = vector.broadcast %broadcast_in_dim3A_455 : f32 to vector<16xf32>
    %swap3A_457 = arith.constant 7 : i32
    %swap3A_458 = arith.index_cast %swap3A_457 : i32 to index
    %swap3A_459 = arith.constant 16 : index
    %swap3A_460 = tpu.vector_load %arg9[%swap3A_458, %swap3A_459] {strides = array<i32>} : memref<16x128xf32, #tpu.memory_space<vmem>>, vector<1x16xf32>,
    %swap3A_461 = vector.shape_cast %swap3A_460 : vector<1x16xf32> to vector<16xf32>
    %swap3A_462 = vector.shape_cast %broadcast_in_dim3A_456 : vector<16xf32> to vector<1x16xf32>
    tpu.vector_store %arg9[%swap3A_458, %swap3A_459], %swap3A_462 {strides = array<i32>} : memref<16x128xf32, #tpu.memory_space<vmem>>, vector<1x16xf32>,
    %broadcast_in_dim3A_463 = arith.constant 0.000000e+00 : f32
    %broadcast_in_dim3A_464 = vector.broadcast %broadcast_in_dim3A_463 : f32 to vector<16xf32>
    %swap3A_465 = arith.constant 7 : i32
    %swap3A_466 = arith.index_cast %swap3A_465 : i32 to index
    %swap3A_467 = arith.constant 32 : index
    %swap3A_468 = tpu.vector_load %arg9[%swap3A_466, %swap3A_467] {strides = array<i32>} : memref<16x128xf32, #tpu.memory_space<vmem>>, vector<1x16xf32>,
    %swap3A_469 = vector.shape_cast %swap3A_468 : vector<1x16xf32> to vector<16xf32>
    %swap3A_470 = vector.shape_cast %broadcast_in_dim3A_464 : vector<16xf32> to vector<1x16xf32>
    tpu.vector_store %arg9[%swap3A_466, %swap3A_467], %swap3A_470 {strides = array<i32>} : memref<16x128xf32, #tpu.memory_space<vmem>>, vector<1x16xf32>,
    %broadcast_in_dim3A_471 = arith.constant 0.000000e+00 : f32
    %broadcast_in_dim3A_472 = vector.broadcast %broadcast_in_dim3A_471 : f32 to vector<16xf32>
    %swap3A_473 = arith.constant 7 : i32
    %swap3A_474 = arith.index_cast %swap3A_473 : i32 to index
    %swap3A_475 = arith.constant 48 : index
    %swap3A_476 = tpu.vector_load %arg9[%swap3A_474, %swap3A_475] {strides = array<i32>} : memref<16x128xf32, #tpu.memory_space<vmem>>, vector<1x16xf32>,
    %swap3A_477 = vector.shape_cast %swap3A_476 : vector<1x16xf32> to vector<16xf32>
    %swap3A_478 = vector.shape_cast %broadcast_in_dim3A_472 : vector<16xf32> to vector<1x16xf32>
    tpu.vector_store %arg9[%swap3A_474, %swap3A_475], %swap3A_478 {strides = array<i32>} : memref<16x128xf32, #tpu.memory_space<vmem>>, vector<1x16xf32>,
    %broadcast_in_dim3A_479 = arith.constant 0.000000e+00 : f32
    %broadcast_in_dim3A_480 = vector.broadcast %broadcast_in_dim3A_479 : f32 to vector<16xf32>
    %swap3A_481 = arith.constant 7 : i32
    %swap3A_482 = arith.index_cast %swap3A_481 : i32 to index
    %swap3A_483 = arith.constant 64 : index
    %swap3A_484 = tpu.vector_load %arg9[%swap3A_482, %swap3A_483] {strides = array<i32>} : memref<16x128xf32, #tpu.memory_space<vmem>>, vector<1x16xf32>,
    %swap3A_485 = vector.shape_cast %swap3A_484 : vector<1x16xf32> to vector<16xf32>
    %swap3A_486 = vector.shape_cast %broadcast_in_dim3A_480 : vector<16xf32> to vector<1x16xf32>
    tpu.vector_store %arg9[%swap3A_482, %swap3A_483], %swap3A_486 {strides = array<i32>} : memref<16x128xf32, #tpu.memory_space<vmem>>, vector<1x16xf32>,
    %broadcast_in_dim3A_487 = arith.constant 0.000000e+00 : f32
    %broadcast_in_dim3A_488 = vector.broadcast %broadcast_in_dim3A_487 : f32 to vector<16xf32>
    %swap3A_489 = arith.constant 7 : i32
    %swap3A_490 = arith.index_cast %swap3A_489 : i32 to index
    %swap3A_491 = arith.constant 80 : index
    %swap3A_492 = tpu.vector_load %arg9[%swap3A_490, %swap3A_491] {strides = array<i32>} : memref<16x128xf32, #tpu.memory_space<vmem>>, vector<1x16xf32>,
    %swap3A_493 = vector.shape_cast %swap3A_492 : vector<1x16xf32> to vector<16xf32>
    %swap3A_494 = vector.shape_cast %broadcast_in_dim3A_488 : vector<16xf32> to vector<1x16xf32>
    tpu.vector_store %arg9[%swap3A_490, %swap3A_491], %swap3A_494 {strides = array<i32>} : memref<16x128xf32, #tpu.memory_space<vmem>>, vector<1x16xf32>,
    %broadcast_in_dim3A_495 = arith.constant 0.000000e+00 : f32
    %broadcast_in_dim3A_496 = vector.broadcast %broadcast_in_dim3A_495 : f32 to vector<16xf32>
    %swap3A_497 = arith.constant 7 : i32
    %swap3A_498 = arith.index_cast %swap3A_497 : i32 to index
    %swap3A_499 = arith.constant 96 : index
    %swap3A_500 = tpu.vector_load %arg9[%swap3A_498, %swap3A_499] {strides = array<i32>} : memref<16x128xf32, #tpu.memory_space<vmem>>, vector<1x16xf32>,
    %swap3A_501 = vector.shape_cast %swap3A_500 : vector<1x16xf32> to vector<16xf32>
    %swap3A_502 = vector.shape_cast %broadcast_in_dim3A_496 : vector<16xf32> to vector<1x16xf32>
    tpu.vector_store %arg9[%swap3A_498, %swap3A_499], %swap3A_502 {strides = array<i32>} : memref<16x128xf32, #tpu.memory_space<vmem>>, vector<1x16xf32>,
    %broadcast_in_dim3A_503 = arith.constant 0.000000e+00 : f32
    %broadcast_in_dim3A_504 = vector.broadcast %broadcast_in_dim3A_503 : f32 to vector<16xf32>
    %swap3A_505 = arith.constant 7 : i32
    %swap3A_506 = arith.index_cast %swap3A_505 : i32 to index
    %swap3A_507 = arith.constant 112 : index
    %swap3A_508 = tpu.vector_load %arg9[%swap3A_506, %swap3A_507] {strides = array<i32>} : memref<16x128xf32, #tpu.memory_space<vmem>>, vector<1x16xf32>,
    %swap3A_509 = vector.shape_cast %swap3A_508 : vector<1x16xf32> to vector<16xf32>
    %swap3A_510 = vector.shape_cast %broadcast_in_dim3A_504 : vector<16xf32> to vector<1x16xf32>
    tpu.vector_store %arg9[%swap3A_506, %swap3A_507], %swap3A_510 {strides = array<i32>} : memref<16x128xf32, #tpu.memory_space<vmem>>, vector<1x16xf32>,
    %broadcast_in_dim3A_511 = arith.constant 0.000000e+00 : f32
    %broadcast_in_dim3A_512 = vector.broadcast %broadcast_in_dim3A_511 : f32 to vector<16xf32>
    %swap3A_513 = arith.constant 8 : i32
    %swap3A_514 = arith.index_cast %swap3A_513 : i32 to index
    %swap3A_515 = arith.constant 0 : index
    %swap3A_516 = tpu.vector_load %arg9[%swap3A_514, %swap3A_515] {strides = array<i32>} : memref<16x128xf32, #tpu.memory_space<vmem>>, vector<1x16xf32>,
    %swap3A_517 = vector.shape_cast %swap3A_516 : vector<1x16xf32> to vector<16xf32>
    %swap3A_518 = vector.shape_cast %broadcast_in_dim3A_512 : vector<16xf32> to vector<1x16xf32>
    tpu.vector_store %arg9[%swap3A_514, %swap3A_515], %swap3A_518 {strides = array<i32>} : memref<16x128xf32, #tpu.memory_space<vmem>>, vector<1x16xf32>,
    %broadcast_in_dim3A_519 = arith.constant 0.000000e+00 : f32
    %broadcast_in_dim3A_520 = vector.broadcast %broadcast_in_dim3A_519 : f32 to vector<16xf32>
    %swap3A_521 = arith.constant 8 : i32
    %swap3A_522 = arith.index_cast %swap3A_521 : i32 to index
    %swap3A_523 = arith.constant 16 : index
    %swap3A_524 = tpu.vector_load %arg9[%swap3A_522, %swap3A_523] {strides = array<i32>} : memref<16x128xf32, #tpu.memory_space<vmem>>, vector<1x16xf32>,
    %swap3A_525 = vector.shape_cast %swap3A_524 : vector<1x16xf32> to vector<16xf32>
    %swap3A_526 = vector.shape_cast %broadcast_in_dim3A_520 : vector<16xf32> to vector<1x16xf32>
    tpu.vector_store %arg9[%swap3A_522, %swap3A_523], %swap3A_526 {strides = array<i32>} : memref<16x128xf32, #tpu.memory_space<vmem>>, vector<1x16xf32>,
    %broadcast_in_dim3A_527 = arith.constant 0.000000e+00 : f32
    %broadcast_in_dim3A_528 = vector.broadcast %broadcast_in_dim3A_527 : f32 to vector<16xf32>
    %swap3A_529 = arith.constant 8 : i32
    %swap3A_530 = arith.index_cast %swap3A_529 : i32 to index
    %swap3A_531 = arith.constant 32 : index
    %swap3A_532 = tpu.vector_load %arg9[%swap3A_530, %swap3A_531] {strides = array<i32>} : memref<16x128xf32, #tpu.memory_space<vmem>>, vector<1x16xf32>,
    %swap3A_533 = vector.shape_cast %swap3A_532 : vector<1x16xf32> to vector<16xf32>
    %swap3A_534 = vector.shape_cast %broadcast_in_dim3A_528 : vector<16xf32> to vector<1x16xf32>
    tpu.vector_store %arg9[%swap3A_530, %swap3A_531], %swap3A_534 {strides = array<i32>} : memref<16x128xf32, #tpu.memory_space<vmem>>, vector<1x16xf32>,
    %broadcast_in_dim3A_535 = arith.constant 0.000000e+00 : f32
    %broadcast_in_dim3A_536 = vector.broadcast %broadcast_in_dim3A_535 : f32 to vector<16xf32>
    %swap3A_537 = arith.constant 8 : i32
    %swap3A_538 = arith.index_cast %swap3A_537 : i32 to index
    %swap3A_539 = arith.constant 48 : index
    %swap3A_540 = tpu.vector_load %arg9[%swap3A_538, %swap3A_539] {strides = array<i32>} : memref<16x128xf32, #tpu.memory_space<vmem>>, vector<1x16xf32>,
    %swap3A_541 = vector.shape_cast %swap3A_540 : vector<1x16xf32> to vector<16xf32>
    %swap3A_542 = vector.shape_cast %broadcast_in_dim3A_536 : vector<16xf32> to vector<1x16xf32>
    tpu.vector_store %arg9[%swap3A_538, %swap3A_539], %swap3A_542 {strides = array<i32>} : memref<16x128xf32, #tpu.memory_space<vmem>>, vector<1x16xf32>,
    %broadcast_in_dim3A_543 = arith.constant 0.000000e+00 : f32
    %broadcast_in_dim3A_544 = vector.broadcast %broadcast_in_dim3A_543 : f32 to vector<16xf32>
    %swap3A_545 = arith.constant 8 : i32
    %swap3A_546 = arith.index_cast %swap3A_545 : i32 to index
    %swap3A_547 = arith.constant 64 : index
    %swap3A_548 = tpu.vector_load %arg9[%swap3A_546, %swap3A_547] {strides = array<i32>} : memref<16x128xf32, #tpu.memory_space<vmem>>, vector<1x16xf32>,
    %swap3A_549 = vector.shape_cast %swap3A_548 : vector<1x16xf32> to vector<16xf32>
    %swap3A_550 = vector.shape_cast %broadcast_in_dim3A_544 : vector<16xf32> to vector<1x16xf32>
    tpu.vector_store %arg9[%swap3A_546, %swap3A_547], %swap3A_550 {strides = array<i32>} : memref<16x128xf32, #tpu.memory_space<vmem>>, vector<1x16xf32>,
    %broadcast_in_dim3A_551 = arith.constant 0.000000e+00 : f32
    %broadcast_in_dim3A_552 = vector.broadcast %broadcast_in_dim3A_551 : f32 to vector<16xf32>
    %swap3A_553 = arith.constant 8 : i32
    %swap3A_554 = arith.index_cast %swap3A_553 : i32 to index
    %swap3A_555 = arith.constant 80 : index
    %swap3A_556 = tpu.vector_load %arg9[%swap3A_554, %swap3A_555] {strides = array<i32>} : memref<16x128xf32, #tpu.memory_space<vmem>>, vector<1x16xf32>,
    %swap3A_557 = vector.shape_cast %swap3A_556 : vector<1x16xf32> to vector<16xf32>
    %swap3A_558 = vector.shape_cast %broadcast_in_dim3A_552 : vector<16xf32> to vector<1x16xf32>
    tpu.vector_store %arg9[%swap3A_554, %swap3A_555], %swap3A_558 {strides = array<i32>} : memref<16x128xf32, #tpu.memory_space<vmem>>, vector<1x16xf32>,
    %broadcast_in_dim3A_559 = arith.constant 0.000000e+00 : f32
    %broadcast_in_dim3A_560 = vector.broadcast %broadcast_in_dim3A_559 : f32 to vector<16xf32>
    %swap3A_561 = arith.constant 8 : i32
    %swap3A_562 = arith.index_cast %swap3A_561 : i32 to index
    %swap3A_563 = arith.constant 96 : index
    %swap3A_564 = tpu.vector_load %arg9[%swap3A_562, %swap3A_563] {strides = array<i32>} : memref<16x128xf32, #tpu.memory_space<vmem>>, vector<1x16xf32>,
    %swap3A_565 = vector.shape_cast %swap3A_564 : vector<1x16xf32> to vector<16xf32>
    %swap3A_566 = vector.shape_cast %broadcast_in_dim3A_560 : vector<16xf32> to vector<1x16xf32>
    tpu.vector_store %arg9[%swap3A_562, %swap3A_563], %swap3A_566 {strides = array<i32>} : memref<16x128xf32, #tpu.memory_space<vmem>>, vector<1x16xf32>,
    %broadcast_in_dim3A_567 = arith.constant 0.000000e+00 : f32
    %broadcast_in_dim3A_568 = vector.broadcast %broadcast_in_dim3A_567 : f32 to vector<16xf32>
    %swap3A_569 = arith.constant 8 : i32
    %swap3A_570 = arith.index_cast %swap3A_569 : i32 to index
    %swap3A_571 = arith.constant 112 : index
    %swap3A_572 = tpu.vector_load %arg9[%swap3A_570, %swap3A_571] {strides = array<i32>} : memref<16x128xf32, #tpu.memory_space<vmem>>, vector<1x16xf32>,
    %swap3A_573 = vector.shape_cast %swap3A_572 : vector<1x16xf32> to vector<16xf32>
    %swap3A_574 = vector.shape_cast %broadcast_in_dim3A_568 : vector<16xf32> to vector<1x16xf32>
    tpu.vector_store %arg9[%swap3A_570, %swap3A_571], %swap3A_574 {strides = array<i32>} : memref<16x128xf32, #tpu.memory_space<vmem>>, vector<1x16xf32>,
    %broadcast_in_dim3A_575 = arith.constant 0.000000e+00 : f32
    %broadcast_in_dim3A_576 = vector.broadcast %broadcast_in_dim3A_575 : f32 to vector<16xf32>
    %swap3A_577 = arith.constant 9 : i32
    %swap3A_578 = arith.index_cast %swap3A_577 : i32 to index
    %swap3A_579 = arith.constant 0 : index
    %swap3A_580 = tpu.vector_load %arg9[%swap3A_578, %swap3A_579] {strides = array<i32>} : memref<16x128xf32, #tpu.memory_space<vmem>>, vector<1x16xf32>,
    %swap3A_581 = vector.shape_cast %swap3A_580 : vector<1x16xf32> to vector<16xf32>
    %swap3A_582 = vector.shape_cast %broadcast_in_dim3A_576 : vector<16xf32> to vector<1x16xf32>
    tpu.vector_store %arg9[%swap3A_578, %swap3A_579], %swap3A_582 {strides = array<i32>} : memref<16x128xf32, #tpu.memory_space<vmem>>, vector<1x16xf32>,
    %broadcast_in_dim3A_583 = arith.constant 0.000000e+00 : f32
    %broadcast_in_dim3A_584 = vector.broadcast %broadcast_in_dim3A_583 : f32 to vector<16xf32>
    %swap3A_585 = arith.constant 9 : i32
    %swap3A_586 = arith.index_cast %swap3A_585 : i32 to index
    %swap3A_587 = arith.constant 16 : index
    %swap3A_588 = tpu.vector_load %arg9[%swap3A_586, %swap3A_587] {strides = array<i32>} : memref<16x128xf32, #tpu.memory_space<vmem>>, vector<1x16xf32>,
    %swap3A_589 = vector.shape_cast %swap3A_588 : vector<1x16xf32> to vector<16xf32>
    %swap3A_590 = vector.shape_cast %broadcast_in_dim3A_584 : vector<16xf32> to vector<1x16xf32>
    tpu.vector_store %arg9[%swap3A_586, %swap3A_587], %swap3A_590 {strides = array<i32>} : memref<16x128xf32, #tpu.memory_space<vmem>>, vector<1x16xf32>,
    %broadcast_in_dim3A_591 = arith.constant 0.000000e+00 : f32
    %broadcast_in_dim3A_592 = vector.broadcast %broadcast_in_dim3A_591 : f32 to vector<16xf32>
    %swap3A_593 = arith.constant 9 : i32
    %swap3A_594 = arith.index_cast %swap3A_593 : i32 to index
    %swap3A_595 = arith.constant 32 : index
    %swap3A_596 = tpu.vector_load %arg9[%swap3A_594, %swap3A_595] {strides = array<i32>} : memref<16x128xf32, #tpu.memory_space<vmem>>, vector<1x16xf32>,
    %swap3A_597 = vector.shape_cast %swap3A_596 : vector<1x16xf32> to vector<16xf32>
    %swap3A_598 = vector.shape_cast %broadcast_in_dim3A_592 : vector<16xf32> to vector<1x16xf32>
    tpu.vector_store %arg9[%swap3A_594, %swap3A_595], %swap3A_598 {strides = array<i32>} : memref<16x128xf32, #tpu.memory_space<vmem>>, vector<1x16xf32>,
    %broadcast_in_dim3A_599 = arith.constant 0.000000e+00 : f32
    %broadcast_in_dim3A_600 = vector.broadcast %broadcast_in_dim3A_599 : f32 to vector<16xf32>
    %swap3A_601 = arith.constant 9 : i32
    %swap3A_602 = arith.index_cast %swap3A_601 : i32 to index
    %swap3A_603 = arith.constant 48 : index
    %swap3A_604 = tpu.vector_load %arg9[%swap3A_602, %swap3A_603] {strides = array<i32>} : memref<16x128xf32, #tpu.memory_space<vmem>>, vector<1x16xf32>,
    %swap3A_605 = vector.shape_cast %swap3A_604 : vector<1x16xf32> to vector<16xf32>
    %swap3A_606 = vector.shape_cast %broadcast_in_dim3A_600 : vector<16xf32> to vector<1x16xf32>
    tpu.vector_store %arg9[%swap3A_602, %swap3A_603], %swap3A_606 {strides = array<i32>} : memref<16x128xf32, #tpu.memory_space<vmem>>, vector<1x16xf32>,
    %broadcast_in_dim3A_607 = arith.constant 0.000000e+00 : f32
    %broadcast_in_dim3A_608 = vector.broadcast %broadcast_in_dim3A_607 : f32 to vector<16xf32>
    %swap3A_609 = arith.constant 9 : i32
    %swap3A_610 = arith.index_cast %swap3A_609 : i32 to index
    %swap3A_611 = arith.constant 64 : index
    %swap3A_612 = tpu.vector_load %arg9[%swap3A_610, %swap3A_611] {strides = array<i32>} : memref<16x128xf32, #tpu.memory_space<vmem>>, vector<1x16xf32>,
    %swap3A_613 = vector.shape_cast %swap3A_612 : vector<1x16xf32> to vector<16xf32>
    %swap3A_614 = vector.shape_cast %broadcast_in_dim3A_608 : vector<16xf32> to vector<1x16xf32>
    tpu.vector_store %arg9[%swap3A_610, %swap3A_611], %swap3A_614 {strides = array<i32>} : memref<16x128xf32, #tpu.memory_space<vmem>>, vector<1x16xf32>,
    %broadcast_in_dim3A_615 = arith.constant 0.000000e+00 : f32
    %broadcast_in_dim3A_616 = vector.broadcast %broadcast_in_dim3A_615 : f32 to vector<16xf32>
    %swap3A_617 = arith.constant 9 : i32
    %swap3A_618 = arith.index_cast %swap3A_617 : i32 to index
    %swap3A_619 = arith.constant 80 : index
    %swap3A_620 = tpu.vector_load %arg9[%swap3A_618, %swap3A_619] {strides = array<i32>} : memref<16x128xf32, #tpu.memory_space<vmem>>, vector<1x16xf32>,
    %swap3A_621 = vector.shape_cast %swap3A_620 : vector<1x16xf32> to vector<16xf32>
    %swap3A_622 = vector.shape_cast %broadcast_in_dim3A_616 : vector<16xf32> to vector<1x16xf32>
    tpu.vector_store %arg9[%swap3A_618, %swap3A_619], %swap3A_622 {strides = array<i32>} : memref<16x128xf32, #tpu.memory_space<vmem>>, vector<1x16xf32>,
    %broadcast_in_dim3A_623 = arith.constant 0.000000e+00 : f32
    %broadcast_in_dim3A_624 = vector.broadcast %broadcast_in_dim3A_623 : f32 to vector<16xf32>
    %swap3A_625 = arith.constant 9 : i32
    %swap3A_626 = arith.index_cast %swap3A_625 : i32 to index
    %swap3A_627 = arith.constant 96 : index
    %swap3A_628 = tpu.vector_load %arg9[%swap3A_626, %swap3A_627] {strides = array<i32>} : memref<16x128xf32, #tpu.memory_space<vmem>>, vector<1x16xf32>,
    %swap3A_629 = vector.shape_cast %swap3A_628 : vector<1x16xf32> to vector<16xf32>
    %swap3A_630 = vector.shape_cast %broadcast_in_dim3A_624 : vector<16xf32> to vector<1x16xf32>
    tpu.vector_store %arg9[%swap3A_626, %swap3A_627], %swap3A_630 {strides = array<i32>} : memref<16x128xf32, #tpu.memory_space<vmem>>, vector<1x16xf32>,
    %broadcast_in_dim3A_631 = arith.constant 0.000000e+00 : f32
    %broadcast_in_dim3A_632 = vector.broadcast %broadcast_in_dim3A_631 : f32 to vector<16xf32>
    %swap3A_633 = arith.constant 9 : i32
    %swap3A_634 = arith.index_cast %swap3A_633 : i32 to index
    %swap3A_635 = arith.constant 112 : index
    %swap3A_636 = tpu.vector_load %arg9[%swap3A_634, %swap3A_635] {strides = array<i32>} : memref<16x128xf32, #tpu.memory_space<vmem>>, vector<1x16xf32>,
    %swap3A_637 = vector.shape_cast %swap3A_636 : vector<1x16xf32> to vector<16xf32>
    %swap3A_638 = vector.shape_cast %broadcast_in_dim3A_632 : vector<16xf32> to vector<1x16xf32>
    tpu.vector_store %arg9[%swap3A_634, %swap3A_635], %swap3A_638 {strides = array<i32>} : memref<16x128xf32, #tpu.memory_space<vmem>>, vector<1x16xf32>,
    %broadcast_in_dim3A_639 = arith.constant 0.000000e+00 : f32
    %broadcast_in_dim3A_640 = vector.broadcast %broadcast_in_dim3A_639 : f32 to vector<16xf32>
    %swap3A_641 = arith.constant 10 : i32
    %swap3A_642 = arith.index_cast %swap3A_641 : i32 to index
    %swap3A_643 = arith.constant 0 : index
    %swap3A_644 = tpu.vector_load %arg9[%swap3A_642, %swap3A_643] {strides = array<i32>} : memref<16x128xf32, #tpu.memory_space<vmem>>, vector<1x16xf32>,
    %swap3A_645 = vector.shape_cast %swap3A_644 : vector<1x16xf32> to vector<16xf32>
    %swap3A_646 = vector.shape_cast %broadcast_in_dim3A_640 : vector<16xf32> to vector<1x16xf32>
    tpu.vector_store %arg9[%swap3A_642, %swap3A_643], %swap3A_646 {strides = array<i32>} : memref<16x128xf32, #tpu.memory_space<vmem>>, vector<1x16xf32>,
    %broadcast_in_dim3A_647 = arith.constant 0.000000e+00 : f32
    %broadcast_in_dim3A_648 = vector.broadcast %broadcast_in_dim3A_647 : f32 to vector<16xf32>
    %swap3A_649 = arith.constant 10 : i32
    %swap3A_650 = arith.index_cast %swap3A_649 : i32 to index
    %swap3A_651 = arith.constant 16 : index
    %swap3A_652 = tpu.vector_load %arg9[%swap3A_650, %swap3A_651] {strides = array<i32>} : memref<16x128xf32, #tpu.memory_space<vmem>>, vector<1x16xf32>,
    %swap3A_653 = vector.shape_cast %swap3A_652 : vector<1x16xf32> to vector<16xf32>
    %swap3A_654 = vector.shape_cast %broadcast_in_dim3A_648 : vector<16xf32> to vector<1x16xf32>
    tpu.vector_store %arg9[%swap3A_650, %swap3A_651], %swap3A_654 {strides = array<i32>} : memref<16x128xf32, #tpu.memory_space<vmem>>, vector<1x16xf32>,
    %broadcast_in_dim3A_655 = arith.constant 0.000000e+00 : f32
    %broadcast_in_dim3A_656 = vector.broadcast %broadcast_in_dim3A_655 : f32 to vector<16xf32>
    %swap3A_657 = arith.constant 10 : i32
    %swap3A_658 = arith.index_cast %swap3A_657 : i32 to index
    %swap3A_659 = arith.constant 32 : index
    %swap3A_660 = tpu.vector_load %arg9[%swap3A_658, %swap3A_659] {strides = array<i32>} : memref<16x128xf32, #tpu.memory_space<vmem>>, vector<1x16xf32>,
    %swap3A_661 = vector.shape_cast %swap3A_660 : vector<1x16xf32> to vector<16xf32>
    %swap3A_662 = vector.shape_cast %broadcast_in_dim3A_656 : vector<16xf32> to vector<1x16xf32>
    tpu.vector_store %arg9[%swap3A_658, %swap3A_659], %swap3A_662 {strides = array<i32>} : memref<16x128xf32, #tpu.memory_space<vmem>>, vector<1x16xf32>,
    %broadcast_in_dim3A_663 = arith.constant 0.000000e+00 : f32
    %broadcast_in_dim3A_664 = vector.broadcast %broadcast_in_dim3A_663 : f32 to vector<16xf32>
    %swap3A_665 = arith.constant 10 : i32
    %swap3A_666 = arith.index_cast %swap3A_665 : i32 to index
    %swap3A_667 = arith.constant 48 : index
    %swap3A_668 = tpu.vector_load %arg9[%swap3A_666, %swap3A_667] {strides = array<i32>} : memref<16x128xf32, #tpu.memory_space<vmem>>, vector<1x16xf32>,
    %swap3A_669 = vector.shape_cast %swap3A_668 : vector<1x16xf32> to vector<16xf32>
    %swap3A_670 = vector.shape_cast %broadcast_in_dim3A_664 : vector<16xf32> to vector<1x16xf32>
    tpu.vector_store %arg9[%swap3A_666, %swap3A_667], %swap3A_670 {strides = array<i32>} : memref<16x128xf32, #tpu.memory_space<vmem>>, vector<1x16xf32>,
    %broadcast_in_dim3A_671 = arith.constant 0.000000e+00 : f32
    %broadcast_in_dim3A_672 = vector.broadcast %broadcast_in_dim3A_671 : f32 to vector<16xf32>
    %swap3A_673 = arith.constant 10 : i32
    %swap3A_674 = arith.index_cast %swap3A_673 : i32 to index
    %swap3A_675 = arith.constant 64 : index
    %swap3A_676 = tpu.vector_load %arg9[%swap3A_674, %swap3A_675] {strides = array<i32>} : memref<16x128xf32, #tpu.memory_space<vmem>>, vector<1x16xf32>,
    %swap3A_677 = vector.shape_cast %swap3A_676 : vector<1x16xf32> to vector<16xf32>
    %swap3A_678 = vector.shape_cast %broadcast_in_dim3A_672 : vector<16xf32> to vector<1x16xf32>
    tpu.vector_store %arg9[%swap3A_674, %swap3A_675], %swap3A_678 {strides = array<i32>} : memref<16x128xf32, #tpu.memory_space<vmem>>, vector<1x16xf32>,
    %broadcast_in_dim3A_679 = arith.constant 0.000000e+00 : f32
    %broadcast_in_dim3A_680 = vector.broadcast %broadcast_in_dim3A_679 : f32 to vector<16xf32>
    %swap3A_681 = arith.constant 10 : i32
    %swap3A_682 = arith.index_cast %swap3A_681 : i32 to index
    %swap3A_683 = arith.constant 80 : index
    %swap3A_684 = tpu.vector_load %arg9[%swap3A_682, %swap3A_683] {strides = array<i32>} : memref<16x128xf32, #tpu.memory_space<vmem>>, vector<1x16xf32>,
    %swap3A_685 = vector.shape_cast %swap3A_684 : vector<1x16xf32> to vector<16xf32>
    %swap3A_686 = vector.shape_cast %broadcast_in_dim3A_680 : vector<16xf32> to vector<1x16xf32>
    tpu.vector_store %arg9[%swap3A_682, %swap3A_683], %swap3A_686 {strides = array<i32>} : memref<16x128xf32, #tpu.memory_space<vmem>>, vector<1x16xf32>,
    %broadcast_in_dim3A_687 = arith.constant 0.000000e+00 : f32
    %broadcast_in_dim3A_688 = vector.broadcast %broadcast_in_dim3A_687 : f32 to vector<16xf32>
    %swap3A_689 = arith.constant 10 : i32
    %swap3A_690 = arith.index_cast %swap3A_689 : i32 to index
    %swap3A_691 = arith.constant 96 : index
    %swap3A_692 = tpu.vector_load %arg9[%swap3A_690, %swap3A_691] {strides = array<i32>} : memref<16x128xf32, #tpu.memory_space<vmem>>, vector<1x16xf32>,
    %swap3A_693 = vector.shape_cast %swap3A_692 : vector<1x16xf32> to vector<16xf32>
    %swap3A_694 = vector.shape_cast %broadcast_in_dim3A_688 : vector<16xf32> to vector<1x16xf32>
    tpu.vector_store %arg9[%swap3A_690, %swap3A_691], %swap3A_694 {strides = array<i32>} : memref<16x128xf32, #tpu.memory_space<vmem>>, vector<1x16xf32>,
    %broadcast_in_dim3A_695 = arith.constant 0.000000e+00 : f32
    %broadcast_in_dim3A_696 = vector.broadcast %broadcast_in_dim3A_695 : f32 to vector<16xf32>
    %swap3A_697 = arith.constant 10 : i32
    %swap3A_698 = arith.index_cast %swap3A_697 : i32 to index
    %swap3A_699 = arith.constant 112 : index
    %swap3A_700 = tpu.vector_load %arg9[%swap3A_698, %swap3A_699] {strides = array<i32>} : memref<16x128xf32, #tpu.memory_space<vmem>>, vector<1x16xf32>,
    %swap3A_701 = vector.shape_cast %swap3A_700 : vector<1x16xf32> to vector<16xf32>
    %swap3A_702 = vector.shape_cast %broadcast_in_dim3A_696 : vector<16xf32> to vector<1x16xf32>
    tpu.vector_store %arg9[%swap3A_698, %swap3A_699], %swap3A_702 {strides = array<i32>} : memref<16x128xf32, #tpu.memory_space<vmem>>, vector<1x16xf32>,
    %broadcast_in_dim3A_703 = arith.constant 0.000000e+00 : f32
    %broadcast_in_dim3A_704 = vector.broadcast %broadcast_in_dim3A_703 : f32 to vector<16xf32>
    %swap3A_705 = arith.constant 11 : i32
    %swap3A_706 = arith.index_cast %swap3A_705 : i32 to index
    %swap3A_707 = arith.constant 0 : index
    %swap3A_708 = tpu.vector_load %arg9[%swap3A_706, %swap3A_707] {strides = array<i32>} : memref<16x128xf32, #tpu.memory_space<vmem>>, vector<1x16xf32>,
    %swap3A_709 = vector.shape_cast %swap3A_708 : vector<1x16xf32> to vector<16xf32>
    %swap3A_710 = vector.shape_cast %broadcast_in_dim3A_704 : vector<16xf32> to vector<1x16xf32>
    tpu.vector_store %arg9[%swap3A_706, %swap3A_707], %swap3A_710 {strides = array<i32>} : memref<16x128xf32, #tpu.memory_space<vmem>>, vector<1x16xf32>,
    %broadcast_in_dim3A_711 = arith.constant 0.000000e+00 : f32
    %broadcast_in_dim3A_712 = vector.broadcast %broadcast_in_dim3A_711 : f32 to vector<16xf32>
    %swap3A_713 = arith.constant 11 : i32
    %swap3A_714 = arith.index_cast %swap3A_713 : i32 to index
    %swap3A_715 = arith.constant 16 : index
    %swap3A_716 = tpu.vector_load %arg9[%swap3A_714, %swap3A_715] {strides = array<i32>} : memref<16x128xf32, #tpu.memory_space<vmem>>, vector<1x16xf32>,
    %swap3A_717 = vector.shape_cast %swap3A_716 : vector<1x16xf32> to vector<16xf32>
    %swap3A_718 = vector.shape_cast %broadcast_in_dim3A_712 : vector<16xf32> to vector<1x16xf32>
    tpu.vector_store %arg9[%swap3A_714, %swap3A_715], %swap3A_718 {strides = array<i32>} : memref<16x128xf32, #tpu.memory_space<vmem>>, vector<1x16xf32>,
    %broadcast_in_dim3A_719 = arith.constant 0.000000e+00 : f32
    %broadcast_in_dim3A_720 = vector.broadcast %broadcast_in_dim3A_719 : f32 to vector<16xf32>
    %swap3A_721 = arith.constant 11 : i32
    %swap3A_722 = arith.index_cast %swap3A_721 : i32 to index
    %swap3A_723 = arith.constant 32 : index
    %swap3A_724 = tpu.vector_load %arg9[%swap3A_722, %swap3A_723] {strides = array<i32>} : memref<16x128xf32, #tpu.memory_space<vmem>>, vector<1x16xf32>,
    %swap3A_725 = vector.shape_cast %swap3A_724 : vector<1x16xf32> to vector<16xf32>
    %swap3A_726 = vector.shape_cast %broadcast_in_dim3A_720 : vector<16xf32> to vector<1x16xf32>
    tpu.vector_store %arg9[%swap3A_722, %swap3A_723], %swap3A_726 {strides = array<i32>} : memref<16x128xf32, #tpu.memory_space<vmem>>, vector<1x16xf32>,
    %broadcast_in_dim3A_727 = arith.constant 0.000000e+00 : f32
    %broadcast_in_dim3A_728 = vector.broadcast %broadcast_in_dim3A_727 : f32 to vector<16xf32>
    %swap3A_729 = arith.constant 11 : i32
    %swap3A_730 = arith.index_cast %swap3A_729 : i32 to index
    %swap3A_731 = arith.constant 48 : index
    %swap3A_732 = tpu.vector_load %arg9[%swap3A_730, %swap3A_731] {strides = array<i32>} : memref<16x128xf32, #tpu.memory_space<vmem>>, vector<1x16xf32>,
    %swap3A_733 = vector.shape_cast %swap3A_732 : vector<1x16xf32> to vector<16xf32>
    %swap3A_734 = vector.shape_cast %broadcast_in_dim3A_728 : vector<16xf32> to vector<1x16xf32>
    tpu.vector_store %arg9[%swap3A_730, %swap3A_731], %swap3A_734 {strides = array<i32>} : memref<16x128xf32, #tpu.memory_space<vmem>>, vector<1x16xf32>,
    %broadcast_in_dim3A_735 = arith.constant 0.000000e+00 : f32
    %broadcast_in_dim3A_736 = vector.broadcast %broadcast_in_dim3A_735 : f32 to vector<16xf32>
    %swap3A_737 = arith.constant 11 : i32
    %swap3A_738 = arith.index_cast %swap3A_737 : i32 to index
    %swap3A_739 = arith.constant 64 : index
    %swap3A_740 = tpu.vector_load %arg9[%swap3A_738, %swap3A_739] {strides = array<i32>} : memref<16x128xf32, #tpu.memory_space<vmem>>, vector<1x16xf32>,
    %swap3A_741 = vector.shape_cast %swap3A_740 : vector<1x16xf32> to vector<16xf32>
    %swap3A_742 = vector.shape_cast %broadcast_in_dim3A_736 : vector<16xf32> to vector<1x16xf32>
    tpu.vector_store %arg9[%swap3A_738, %swap3A_739], %swap3A_742 {strides = array<i32>} : memref<16x128xf32, #tpu.memory_space<vmem>>, vector<1x16xf32>,
    %broadcast_in_dim3A_743 = arith.constant 0.000000e+00 : f32
    %broadcast_in_dim3A_744 = vector.broadcast %broadcast_in_dim3A_743 : f32 to vector<16xf32>
    %swap3A_745 = arith.constant 11 : i32
    %swap3A_746 = arith.index_cast %swap3A_745 : i32 to index
    %swap3A_747 = arith.constant 80 : index
    %swap3A_748 = tpu.vector_load %arg9[%swap3A_746, %swap3A_747] {strides = array<i32>} : memref<16x128xf32, #tpu.memory_space<vmem>>, vector<1x16xf32>,
    %swap3A_749 = vector.shape_cast %swap3A_748 : vector<1x16xf32> to vector<16xf32>
    %swap3A_750 = vector.shape_cast %broadcast_in_dim3A_744 : vector<16xf32> to vector<1x16xf32>
    tpu.vector_store %arg9[%swap3A_746, %swap3A_747], %swap3A_750 {strides = array<i32>} : memref<16x128xf32, #tpu.memory_space<vmem>>, vector<1x16xf32>,
    %broadcast_in_dim3A_751 = arith.constant 0.000000e+00 : f32
    %broadcast_in_dim3A_752 = vector.broadcast %broadcast_in_dim3A_751 : f32 to vector<16xf32>
    %swap3A_753 = arith.constant 11 : i32
    %swap3A_754 = arith.index_cast %swap3A_753 : i32 to index
    %swap3A_755 = arith.constant 96 : index
    %swap3A_756 = tpu.vector_load %arg9[%swap3A_754, %swap3A_755] {strides = array<i32>} : memref<16x128xf32, #tpu.memory_space<vmem>>, vector<1x16xf32>,
    %swap3A_757 = vector.shape_cast %swap3A_756 : vector<1x16xf32> to vector<16xf32>
    %swap3A_758 = vector.shape_cast %broadcast_in_dim3A_752 : vector<16xf32> to vector<1x16xf32>
    tpu.vector_store %arg9[%swap3A_754, %swap3A_755], %swap3A_758 {strides = array<i32>} : memref<16x128xf32, #tpu.memory_space<vmem>>, vector<1x16xf32>,
    %broadcast_in_dim3A_759 = arith.constant 0.000000e+00 : f32
    %broadcast_in_dim3A_760 = vector.broadcast %broadcast_in_dim3A_759 : f32 to vector<16xf32>
    %swap3A_761 = arith.constant 11 : i32
    %swap3A_762 = arith.index_cast %swap3A_761 : i32 to index
    %swap3A_763 = arith.constant 112 : index
    %swap3A_764 = tpu.vector_load %arg9[%swap3A_762, %swap3A_763] {strides = array<i32>} : memref<16x128xf32, #tpu.memory_space<vmem>>, vector<1x16xf32>,
    %swap3A_765 = vector.shape_cast %swap3A_764 : vector<1x16xf32> to vector<16xf32>
    %swap3A_766 = vector.shape_cast %broadcast_in_dim3A_760 : vector<16xf32> to vector<1x16xf32>
    tpu.vector_store %arg9[%swap3A_762, %swap3A_763], %swap3A_766 {strides = array<i32>} : memref<16x128xf32, #tpu.memory_space<vmem>>, vector<1x16xf32>,
    %broadcast_in_dim3A_767 = arith.constant 0.000000e+00 : f32
    %broadcast_in_dim3A_768 = vector.broadcast %broadcast_in_dim3A_767 : f32 to vector<16xf32>
    %swap3A_769 = arith.constant 12 : i32
    %swap3A_770 = arith.index_cast %swap3A_769 : i32 to index
    %swap3A_771 = arith.constant 0 : index
    %swap3A_772 = tpu.vector_load %arg9[%swap3A_770, %swap3A_771] {strides = array<i32>} : memref<16x128xf32, #tpu.memory_space<vmem>>, vector<1x16xf32>,
    %swap3A_773 = vector.shape_cast %swap3A_772 : vector<1x16xf32> to vector<16xf32>
    %swap3A_774 = vector.shape_cast %broadcast_in_dim3A_768 : vector<16xf32> to vector<1x16xf32>
    tpu.vector_store %arg9[%swap3A_770, %swap3A_771], %swap3A_774 {strides = array<i32>} : memref<16x128xf32, #tpu.memory_space<vmem>>, vector<1x16xf32>,
    %broadcast_in_dim3A_775 = arith.constant 0.000000e+00 : f32
    %broadcast_in_dim3A_776 = vector.broadcast %broadcast_in_dim3A_775 : f32 to vector<16xf32>
    %swap3A_777 = arith.constant 12 : i32
    %swap3A_778 = arith.index_cast %swap3A_777 : i32 to index
    %swap3A_779 = arith.constant 16 : index
    %swap3A_780 = tpu.vector_load %arg9[%swap3A_778, %swap3A_779] {strides = array<i32>} : memref<16x128xf32, #tpu.memory_space<vmem>>, vector<1x16xf32>,
    %swap3A_781 = vector.shape_cast %swap3A_780 : vector<1x16xf32> to vector<16xf32>
    %swap3A_782 = vector.shape_cast %broadcast_in_dim3A_776 : vector<16xf32> to vector<1x16xf32>
    tpu.vector_store %arg9[%swap3A_778, %swap3A_779], %swap3A_782 {strides = array<i32>} : memref<16x128xf32, #tpu.memory_space<vmem>>, vector<1x16xf32>,
    %broadcast_in_dim3A_783 = arith.constant 0.000000e+00 : f32
    %broadcast_in_dim3A_784 = vector.broadcast %broadcast_in_dim3A_783 : f32 to vector<16xf32>
    %swap3A_785 = arith.constant 12 : i32
    %swap3A_786 = arith.index_cast %swap3A_785 : i32 to index
    %swap3A_787 = arith.constant 32 : index
    %swap3A_788 = tpu.vector_load %arg9[%swap3A_786, %swap3A_787] {strides = array<i32>} : memref<16x128xf32, #tpu.memory_space<vmem>>, vector<1x16xf32>,
    %swap3A_789 = vector.shape_cast %swap3A_788 : vector<1x16xf32> to vector<16xf32>
    %swap3A_790 = vector.shape_cast %broadcast_in_dim3A_784 : vector<16xf32> to vector<1x16xf32>
    tpu.vector_store %arg9[%swap3A_786, %swap3A_787], %swap3A_790 {strides = array<i32>} : memref<16x128xf32, #tpu.memory_space<vmem>>, vector<1x16xf32>,
    %broadcast_in_dim3A_791 = arith.constant 0.000000e+00 : f32
    %broadcast_in_dim3A_792 = vector.broadcast %broadcast_in_dim3A_791 : f32 to vector<16xf32>
    %swap3A_793 = arith.constant 12 : i32
    %swap3A_794 = arith.index_cast %swap3A_793 : i32 to index
    %swap3A_795 = arith.constant 48 : index
    %swap3A_796 = tpu.vector_load %arg9[%swap3A_794, %swap3A_795] {strides = array<i32>} : memref<16x128xf32, #tpu.memory_space<vmem>>, vector<1x16xf32>,
    %swap3A_797 = vector.shape_cast %swap3A_796 : vector<1x16xf32> to vector<16xf32>
    %swap3A_798 = vector.shape_cast %broadcast_in_dim3A_792 : vector<16xf32> to vector<1x16xf32>
    tpu.vector_store %arg9[%swap3A_794, %swap3A_795], %swap3A_798 {strides = array<i32>} : memref<16x128xf32, #tpu.memory_space<vmem>>, vector<1x16xf32>,
    %broadcast_in_dim3A_799 = arith.constant 0.000000e+00 : f32
    %broadcast_in_dim3A_800 = vector.broadcast %broadcast_in_dim3A_799 : f32 to vector<16xf32>
    %swap3A_801 = arith.constant 12 : i32
    %swap3A_802 = arith.index_cast %swap3A_801 : i32 to index
    %swap3A_803 = arith.constant 64 : index
    %swap3A_804 = tpu.vector_load %arg9[%swap3A_802, %swap3A_803] {strides = array<i32>} : memref<16x128xf32, #tpu.memory_space<vmem>>, vector<1x16xf32>,
    %swap3A_805 = vector.shape_cast %swap3A_804 : vector<1x16xf32> to vector<16xf32>
    %swap3A_806 = vector.shape_cast %broadcast_in_dim3A_800 : vector<16xf32> to vector<1x16xf32>
    tpu.vector_store %arg9[%swap3A_802, %swap3A_803], %swap3A_806 {strides = array<i32>} : memref<16x128xf32, #tpu.memory_space<vmem>>, vector<1x16xf32>,
    %broadcast_in_dim3A_807 = arith.constant 0.000000e+00 : f32
    %broadcast_in_dim3A_808 = vector.broadcast %broadcast_in_dim3A_807 : f32 to vector<16xf32>
    %swap3A_809 = arith.constant 12 : i32
    %swap3A_810 = arith.index_cast %swap3A_809 : i32 to index
    %swap3A_811 = arith.constant 80 : index
    %swap3A_812 = tpu.vector_load %arg9[%swap3A_810, %swap3A_811] {strides = array<i32>} : memref<16x128xf32, #tpu.memory_space<vmem>>, vector<1x16xf32>,
    %swap3A_813 = vector.shape_cast %swap3A_812 : vector<1x16xf32> to vector<16xf32>
    %swap3A_814 = vector.shape_cast %broadcast_in_dim3A_808 : vector<16xf32> to vector<1x16xf32>
    tpu.vector_store %arg9[%swap3A_810, %swap3A_811], %swap3A_814 {strides = array<i32>} : memref<16x128xf32, #tpu.memory_space<vmem>>, vector<1x16xf32>,
    %broadcast_in_dim3A_815 = arith.constant 0.000000e+00 : f32
    %broadcast_in_dim3A_816 = vector.broadcast %broadcast_in_dim3A_815 : f32 to vector<16xf32>
    %swap3A_817 = arith.constant 12 : i32
    %swap3A_818 = arith.index_cast %swap3A_817 : i32 to index
    %swap3A_819 = arith.constant 96 : index
    %swap3A_820 = tpu.vector_load %arg9[%swap3A_818, %swap3A_819] {strides = array<i32>} : memref<16x128xf32, #tpu.memory_space<vmem>>, vector<1x16xf32>,
    %swap3A_821 = vector.shape_cast %swap3A_820 : vector<1x16xf32> to vector<16xf32>
    %swap3A_822 = vector.shape_cast %broadcast_in_dim3A_816 : vector<16xf32> to vector<1x16xf32>
    tpu.vector_store %arg9[%swap3A_818, %swap3A_819], %swap3A_822 {strides = array<i32>} : memref<16x128xf32, #tpu.memory_space<vmem>>, vector<1x16xf32>,
    %broadcast_in_dim3A_823 = arith.constant 0.000000e+00 : f32
    %broadcast_in_dim3A_824 = vector.broadcast %broadcast_in_dim3A_823 : f32 to vector<16xf32>
    %swap3A_825 = arith.constant 12 : i32
    %swap3A_826 = arith.index_cast %swap3A_825 : i32 to index
    %swap3A_827 = arith.constant 112 : index
    %swap3A_828 = tpu.vector_load %arg9[%swap3A_826, %swap3A_827] {strides = array<i32>} : memref<16x128xf32, #tpu.memory_space<vmem>>, vector<1x16xf32>,
    %swap3A_829 = vector.shape_cast %swap3A_828 : vector<1x16xf32> to vector<16xf32>
    %swap3A_830 = vector.shape_cast %broadcast_in_dim3A_824 : vector<16xf32> to vector<1x16xf32>
    tpu.vector_store %arg9[%swap3A_826, %swap3A_827], %swap3A_830 {strides = array<i32>} : memref<16x128xf32, #tpu.memory_space<vmem>>, vector<1x16xf32>,
    %broadcast_in_dim3A_831 = arith.constant 0.000000e+00 : f32
    %broadcast_in_dim3A_832 = vector.broadcast %broadcast_in_dim3A_831 : f32 to vector<16xf32>
    %swap3A_833 = arith.constant 13 : i32
    %swap3A_834 = arith.index_cast %swap3A_833 : i32 to index
    %swap3A_835 = arith.constant 0 : index
    %swap3A_836 = tpu.vector_load %arg9[%swap3A_834, %swap3A_835] {strides = array<i32>} : memref<16x128xf32, #tpu.memory_space<vmem>>, vector<1x16xf32>,
    %swap3A_837 = vector.shape_cast %swap3A_836 : vector<1x16xf32> to vector<16xf32>
    %swap3A_838 = vector.shape_cast %broadcast_in_dim3A_832 : vector<16xf32> to vector<1x16xf32>
    tpu.vector_store %arg9[%swap3A_834, %swap3A_835], %swap3A_838 {strides = array<i32>} : memref<16x128xf32, #tpu.memory_space<vmem>>, vector<1x16xf32>,
    %broadcast_in_dim3A_839 = arith.constant 0.000000e+00 : f32
    %broadcast_in_dim3A_840 = vector.broadcast %broadcast_in_dim3A_839 : f32 to vector<16xf32>
    %swap3A_841 = arith.constant 13 : i32
    %swap3A_842 = arith.index_cast %swap3A_841 : i32 to index
    %swap3A_843 = arith.constant 16 : index
    %swap3A_844 = tpu.vector_load %arg9[%swap3A_842, %swap3A_843] {strides = array<i32>} : memref<16x128xf32, #tpu.memory_space<vmem>>, vector<1x16xf32>,
    %swap3A_845 = vector.shape_cast %swap3A_844 : vector<1x16xf32> to vector<16xf32>
    %swap3A_846 = vector.shape_cast %broadcast_in_dim3A_840 : vector<16xf32> to vector<1x16xf32>
    tpu.vector_store %arg9[%swap3A_842, %swap3A_843], %swap3A_846 {strides = array<i32>} : memref<16x128xf32, #tpu.memory_space<vmem>>, vector<1x16xf32>,
    %broadcast_in_dim3A_847 = arith.constant 0.000000e+00 : f32
    %broadcast_in_dim3A_848 = vector.broadcast %broadcast_in_dim3A_847 : f32 to vector<16xf32>
    %swap3A_849 = arith.constant 13 : i32
    %swap3A_850 = arith.index_cast %swap3A_849 : i32 to index
    %swap3A_851 = arith.constant 32 : index
    %swap3A_852 = tpu.vector_load %arg9[%swap3A_850, %swap3A_851] {strides = array<i32>} : memref<16x128xf32, #tpu.memory_space<vmem>>, vector<1x16xf32>,
    %swap3A_853 = vector.shape_cast %swap3A_852 : vector<1x16xf32> to vector<16xf32>
    %swap3A_854 = vector.shape_cast %broadcast_in_dim3A_848 : vector<16xf32> to vector<1x16xf32>
    tpu.vector_store %arg9[%swap3A_850, %swap3A_851], %swap3A_854 {strides = array<i32>} : memref<16x128xf32, #tpu.memory_space<vmem>>, vector<1x16xf32>,
    %broadcast_in_dim3A_855 = arith.constant 0.000000e+00 : f32
    %broadcast_in_dim3A_856 = vector.broadcast %broadcast_in_dim3A_855 : f32 to vector<16xf32>
    %swap3A_857 = arith.constant 13 : i32
    %swap3A_858 = arith.index_cast %swap3A_857 : i32 to index
    %swap3A_859 = arith.constant 48 : index
    %swap3A_860 = tpu.vector_load %arg9[%swap3A_858, %swap3A_859] {strides = array<i32>} : memref<16x128xf32, #tpu.memory_space<vmem>>, vector<1x16xf32>,
    %swap3A_861 = vector.shape_cast %swap3A_860 : vector<1x16xf32> to vector<16xf32>
    %swap3A_862 = vector.shape_cast %broadcast_in_dim3A_856 : vector<16xf32> to vector<1x16xf32>
    tpu.vector_store %arg9[%swap3A_858, %swap3A_859], %swap3A_862 {strides = array<i32>} : memref<16x128xf32, #tpu.memory_space<vmem>>, vector<1x16xf32>,
    %broadcast_in_dim3A_863 = arith.constant 0.000000e+00 : f32
    %broadcast_in_dim3A_864 = vector.broadcast %broadcast_in_dim3A_863 : f32 to vector<16xf32>
    %swap3A_865 = arith.constant 13 : i32
    %swap3A_866 = arith.index_cast %swap3A_865 : i32 to index
    %swap3A_867 = arith.constant 64 : index
    %swap3A_868 = tpu.vector_load %arg9[%swap3A_866, %swap3A_867] {strides = array<i32>} : memref<16x128xf32, #tpu.memory_space<vmem>>, vector<1x16xf32>,
    %swap3A_869 = vector.shape_cast %swap3A_868 : vector<1x16xf32> to vector<16xf32>
    %swap3A_870 = vector.shape_cast %broadcast_in_dim3A_864 : vector<16xf32> to vector<1x16xf32>
    tpu.vector_store %arg9[%swap3A_866, %swap3A_867], %swap3A_870 {strides = array<i32>} : memref<16x128xf32, #tpu.memory_space<vmem>>, vector<1x16xf32>,
    %broadcast_in_dim3A_871 = arith.constant 0.000000e+00 : f32
    %broadcast_in_dim3A_872 = vector.broadcast %broadcast_in_dim3A_871 : f32 to vector<16xf32>
    %swap3A_873 = arith.constant 13 : i32
    %swap3A_874 = arith.index_cast %swap3A_873 : i32 to index
    %swap3A_875 = arith.constant 80 : index
    %swap3A_876 = tpu.vector_load %arg9[%swap3A_874, %swap3A_875] {strides = array<i32>} : memref<16x128xf32, #tpu.memory_space<vmem>>, vector<1x16xf32>,
    %swap3A_877 = vector.shape_cast %swap3A_876 : vector<1x16xf32> to vector<16xf32>
    %swap3A_878 = vector.shape_cast %broadcast_in_dim3A_872 : vector<16xf32> to vector<1x16xf32>
    tpu.vector_store %arg9[%swap3A_874, %swap3A_875], %swap3A_878 {strides = array<i32>} : memref<16x128xf32, #tpu.memory_space<vmem>>, vector<1x16xf32>,
    %broadcast_in_dim3A_879 = arith.constant 0.000000e+00 : f32
    %broadcast_in_dim3A_880 = vector.broadcast %broadcast_in_dim3A_879 : f32 to vector<16xf32>
    %swap3A_881 = arith.constant 13 : i32
    %swap3A_882 = arith.index_cast %swap3A_881 : i32 to index
    %swap3A_883 = arith.constant 96 : index
    %swap3A_884 = tpu.vector_load %arg9[%swap3A_882, %swap3A_883] {strides = array<i32>} : memref<16x128xf32, #tpu.memory_space<vmem>>, vector<1x16xf32>,
    %swap3A_885 = vector.shape_cast %swap3A_884 : vector<1x16xf32> to vector<16xf32>
    %swap3A_886 = vector.shape_cast %broadcast_in_dim3A_880 : vector<16xf32> to vector<1x16xf32>
    tpu.vector_store %arg9[%swap3A_882, %swap3A_883], %swap3A_886 {strides = array<i32>} : memref<16x128xf32, #tpu.memory_space<vmem>>, vector<1x16xf32>,
    %broadcast_in_dim3A_887 = arith.constant 0.000000e+00 : f32
    %broadcast_in_dim3A_888 = vector.broadcast %broadcast_in_dim3A_887 : f32 to vector<16xf32>
    %swap3A_889 = arith.constant 13 : i32
    %swap3A_890 = arith.index_cast %swap3A_889 : i32 to index
    %swap3A_891 = arith.constant 112 : index
    %swap3A_892 = tpu.vector_load %arg9[%swap3A_890, %swap3A_891] {strides = array<i32>} : memref<16x128xf32, #tpu.memory_space<vmem>>, vector<1x16xf32>,
    %swap3A_893 = vector.shape_cast %swap3A_892 : vector<1x16xf32> to vector<16xf32>
    %swap3A_894 = vector.shape_cast %broadcast_in_dim3A_888 : vector<16xf32> to vector<1x16xf32>
    tpu.vector_store %arg9[%swap3A_890, %swap3A_891], %swap3A_894 {strides = array<i32>} : memref<16x128xf32, #tpu.memory_space<vmem>>, vector<1x16xf32>,
    %broadcast_in_dim3A_895 = arith.constant 0.000000e+00 : f32
    %broadcast_in_dim3A_896 = vector.broadcast %broadcast_in_dim3A_895 : f32 to vector<16xf32>
    %swap3A_897 = arith.constant 14 : i32
    %swap3A_898 = arith.index_cast %swap3A_897 : i32 to index
    %swap3A_899 = arith.constant 0 : index
    %swap3A_900 = tpu.vector_load %arg9[%swap3A_898, %swap3A_899] {strides = array<i32>} : memref<16x128xf32, #tpu.memory_space<vmem>>, vector<1x16xf32>,
    %swap3A_901 = vector.shape_cast %swap3A_900 : vector<1x16xf32> to vector<16xf32>
    %swap3A_902 = vector.shape_cast %broadcast_in_dim3A_896 : vector<16xf32> to vector<1x16xf32>
    tpu.vector_store %arg9[%swap3A_898, %swap3A_899], %swap3A_902 {strides = array<i32>} : memref<16x128xf32, #tpu.memory_space<vmem>>, vector<1x16xf32>,
    %broadcast_in_dim3A_903 = arith.constant 0.000000e+00 : f32
    %broadcast_in_dim3A_904 = vector.broadcast %broadcast_in_dim3A_903 : f32 to vector<16xf32>
    %swap3A_905 = arith.constant 14 : i32
    %swap3A_906 = arith.index_cast %swap3A_905 : i32 to index
    %swap3A_907 = arith.constant 16 : index
    %swap3A_908 = tpu.vector_load %arg9[%swap3A_906, %swap3A_907] {strides = array<i32>} : memref<16x128xf32, #tpu.memory_space<vmem>>, vector<1x16xf32>,
    %swap3A_909 = vector.shape_cast %swap3A_908 : vector<1x16xf32> to vector<16xf32>
    %swap3A_910 = vector.shape_cast %broadcast_in_dim3A_904 : vector<16xf32> to vector<1x16xf32>
    tpu.vector_store %arg9[%swap3A_906, %swap3A_907], %swap3A_910 {strides = array<i32>} : memref<16x128xf32, #tpu.memory_space<vmem>>, vector<1x16xf32>,
    %broadcast_in_dim3A_911 = arith.constant 0.000000e+00 : f32
    %broadcast_in_dim3A_912 = vector.broadcast %broadcast_in_dim3A_911 : f32 to vector<16xf32>
    %swap3A_913 = arith.constant 14 : i32
    %swap3A_914 = arith.index_cast %swap3A_913 : i32 to index
    %swap3A_915 = arith.constant 32 : index
    %swap3A_916 = tpu.vector_load %arg9[%swap3A_914, %swap3A_915] {strides = array<i32>} : memref<16x128xf32, #tpu.memory_space<vmem>>, vector<1x16xf32>,
    %swap3A_917 = vector.shape_cast %swap3A_916 : vector<1x16xf32> to vector<16xf32>
    %swap3A_918 = vector.shape_cast %broadcast_in_dim3A_912 : vector<16xf32> to vector<1x16xf32>
    tpu.vector_store %arg9[%swap3A_914, %swap3A_915], %swap3A_918 {strides = array<i32>} : memref<16x128xf32, #tpu.memory_space<vmem>>, vector<1x16xf32>,
    %broadcast_in_dim3A_919 = arith.constant 0.000000e+00 : f32
    %broadcast_in_dim3A_920 = vector.broadcast %broadcast_in_dim3A_919 : f32 to vector<16xf32>
    %swap3A_921 = arith.constant 14 : i32
    %swap3A_922 = arith.index_cast %swap3A_921 : i32 to index
    %swap3A_923 = arith.constant 48 : index
    %swap3A_924 = tpu.vector_load %arg9[%swap3A_922, %swap3A_923] {strides = array<i32>} : memref<16x128xf32, #tpu.memory_space<vmem>>, vector<1x16xf32>,
    %swap3A_925 = vector.shape_cast %swap3A_924 : vector<1x16xf32> to vector<16xf32>
    %swap3A_926 = vector.shape_cast %broadcast_in_dim3A_920 : vector<16xf32> to vector<1x16xf32>
    tpu.vector_store %arg9[%swap3A_922, %swap3A_923], %swap3A_926 {strides = array<i32>} : memref<16x128xf32, #tpu.memory_space<vmem>>, vector<1x16xf32>,
    %broadcast_in_dim3A_927 = arith.constant 0.000000e+00 : f32
    %broadcast_in_dim3A_928 = vector.broadcast %broadcast_in_dim3A_927 : f32 to vector<16xf32>
    %swap3A_929 = arith.constant 14 : i32
    %swap3A_930 = arith.index_cast %swap3A_929 : i32 to index
    %swap3A_931 = arith.constant 64 : index
    %swap3A_932 = tpu.vector_load %arg9[%swap3A_930, %swap3A_931] {strides = array<i32>} : memref<16x128xf32, #tpu.memory_space<vmem>>, vector<1x16xf32>,
    %swap3A_933 = vector.shape_cast %swap3A_932 : vector<1x16xf32> to vector<16xf32>
    %swap3A_934 = vector.shape_cast %broadcast_in_dim3A_928 : vector<16xf32> to vector<1x16xf32>
    tpu.vector_store %arg9[%swap3A_930, %swap3A_931], %swap3A_934 {strides = array<i32>} : memref<16x128xf32, #tpu.memory_space<vmem>>, vector<1x16xf32>,
    %broadcast_in_dim3A_935 = arith.constant 0.000000e+00 : f32
    %broadcast_in_dim3A_936 = vector.broadcast %broadcast_in_dim3A_935 : f32 to vector<16xf32>
    %swap3A_937 = arith.constant 14 : i32
    %swap3A_938 = arith.index_cast %swap3A_937 : i32 to index
    %swap3A_939 = arith.constant 80 : index
    %swap3A_940 = tpu.vector_load %arg9[%swap3A_938, %swap3A_939] {strides = array<i32>} : memref<16x128xf32, #tpu.memory_space<vmem>>, vector<1x16xf32>,
    %swap3A_941 = vector.shape_cast %swap3A_940 : vector<1x16xf32> to vector<16xf32>
    %swap3A_942 = vector.shape_cast %broadcast_in_dim3A_936 : vector<16xf32> to vector<1x16xf32>
    tpu.vector_store %arg9[%swap3A_938, %swap3A_939], %swap3A_942 {strides = array<i32>} : memref<16x128xf32, #tpu.memory_space<vmem>>, vector<1x16xf32>,
    %broadcast_in_dim3A_943 = arith.constant 0.000000e+00 : f32
    %broadcast_in_dim3A_944 = vector.broadcast %broadcast_in_dim3A_943 : f32 to vector<16xf32>
    %swap3A_945 = arith.constant 14 : i32
    %swap3A_946 = arith.index_cast %swap3A_945 : i32 to index
    %swap3A_947 = arith.constant 96 : index
    %swap3A_948 = tpu.vector_load %arg9[%swap3A_946, %swap3A_947] {strides = array<i32>} : memref<16x128xf32, #tpu.memory_space<vmem>>, vector<1x16xf32>,
    %swap3A_949 = vector.shape_cast %swap3A_948 : vector<1x16xf32> to vector<16xf32>
    %swap3A_950 = vector.shape_cast %broadcast_in_dim3A_944 : vector<16xf32> to vector<1x16xf32>
    tpu.vector_store %arg9[%swap3A_946, %swap3A_947], %swap3A_950 {strides = array<i32>} : memref<16x128xf32, #tpu.memory_space<vmem>>, vector<1x16xf32>,
    %broadcast_in_dim3A_951 = arith.constant 0.000000e+00 : f32
    %broadcast_in_dim3A_952 = vector.broadcast %broadcast_in_dim3A_951 : f32 to vector<16xf32>
    %swap3A_953 = arith.constant 14 : i32
    %swap3A_954 = arith.index_cast %swap3A_953 : i32 to index
    %swap3A_955 = arith.constant 112 : index
    %swap3A_956 = tpu.vector_load %arg9[%swap3A_954, %swap3A_955] {strides = array<i32>} : memref<16x128xf32, #tpu.memory_space<vmem>>, vector<1x16xf32>,
    %swap3A_957 = vector.shape_cast %swap3A_956 : vector<1x16xf32> to vector<16xf32>
    %swap3A_958 = vector.shape_cast %broadcast_in_dim3A_952 : vector<16xf32> to vector<1x16xf32>
    tpu.vector_store %arg9[%swap3A_954, %swap3A_955], %swap3A_958 {strides = array<i32>} : memref<16x128xf32, #tpu.memory_space<vmem>>, vector<1x16xf32>,
    %broadcast_in_dim3A_959 = arith.constant 0.000000e+00 : f32
    %broadcast_in_dim3A_960 = vector.broadcast %broadcast_in_dim3A_959 : f32 to vector<16xf32>
    %swap3A_961 = arith.constant 15 : i32
    %swap3A_962 = arith.index_cast %swap3A_961 : i32 to index
    %swap3A_963 = arith.constant 0 : index
    %swap3A_964 = tpu.vector_load %arg9[%swap3A_962, %swap3A_963] {strides = array<i32>} : memref<16x128xf32, #tpu.memory_space<vmem>>, vector<1x16xf32>,
    %swap3A_965 = vector.shape_cast %swap3A_964 : vector<1x16xf32> to vector<16xf32>
    %swap3A_966 = vector.shape_cast %broadcast_in_dim3A_960 : vector<16xf32> to vector<1x16xf32>
    tpu.vector_store %arg9[%swap3A_962, %swap3A_963], %swap3A_966 {strides = array<i32>} : memref<16x128xf32, #tpu.memory_space<vmem>>, vector<1x16xf32>,
    %broadcast_in_dim3A_967 = arith.constant 0.000000e+00 : f32
    %broadcast_in_dim3A_968 = vector.broadcast %broadcast_in_dim3A_967 : f32 to vector<16xf32>
    %swap3A_969 = arith.constant 15 : i32
    %swap3A_970 = arith.index_cast %swap3A_969 : i32 to index
    %swap3A_971 = arith.constant 16 : index
    %swap3A_972 = tpu.vector_load %arg9[%swap3A_970, %swap3A_971] {strides = array<i32>} : memref<16x128xf32, #tpu.memory_space<vmem>>, vector<1x16xf32>,
    %swap3A_973 = vector.shape_cast %swap3A_972 : vector<1x16xf32> to vector<16xf32>
    %swap3A_974 = vector.shape_cast %broadcast_in_dim3A_968 : vector<16xf32> to vector<1x16xf32>
    tpu.vector_store %arg9[%swap3A_970, %swap3A_971], %swap3A_974 {strides = array<i32>} : memref<16x128xf32, #tpu.memory_space<vmem>>, vector<1x16xf32>,
    %broadcast_in_dim3A_975 = arith.constant 0.000000e+00 : f32
    %broadcast_in_dim3A_976 = vector.broadcast %broadcast_in_dim3A_975 : f32 to vector<16xf32>
    %swap3A_977 = arith.constant 15 : i32
    %swap3A_978 = arith.index_cast %swap3A_977 : i32 to index
    %swap3A_979 = arith.constant 32 : index
    %swap3A_980 = tpu.vector_load %arg9[%swap3A_978, %swap3A_979] {strides = array<i32>} : memref<16x128xf32, #tpu.memory_space<vmem>>, vector<1x16xf32>,
    %swap3A_981 = vector.shape_cast %swap3A_980 : vector<1x16xf32> to vector<16xf32>
    %swap3A_982 = vector.shape_cast %broadcast_in_dim3A_976 : vector<16xf32> to vector<1x16xf32>
    tpu.vector_store %arg9[%swap3A_978, %swap3A_979], %swap3A_982 {strides = array<i32>} : memref<16x128xf32, #tpu.memory_space<vmem>>, vector<1x16xf32>,
    %broadcast_in_dim3A_983 = arith.constant 0.000000e+00 : f32
    %broadcast_in_dim3A_984 = vector.broadcast %broadcast_in_dim3A_983 : f32 to vector<16xf32>
    %swap3A_985 = arith.constant 15 : i32
    %swap3A_986 = arith.index_cast %swap3A_985 : i32 to index
    %swap3A_987 = arith.constant 48 : index
    %swap3A_988 = tpu.vector_load %arg9[%swap3A_986, %swap3A_987] {strides = array<i32>} : memref<16x128xf32, #tpu.memory_space<vmem>>, vector<1x16xf32>,
    %swap3A_989 = vector.shape_cast %swap3A_988 : vector<1x16xf32> to vector<16xf32>
    %swap3A_990 = vector.shape_cast %broadcast_in_dim3A_984 : vector<16xf32> to vector<1x16xf32>
    tpu.vector_store %arg9[%swap3A_986, %swap3A_987], %swap3A_990 {strides = array<i32>} : memref<16x128xf32, #tpu.memory_space<vmem>>, vector<1x16xf32>,
    %broadcast_in_dim3A_991 = arith.constant 0.000000e+00 : f32
    %broadcast_in_dim3A_992 = vector.broadcast %broadcast_in_dim3A_991 : f32 to vector<16xf32>
    %swap3A_993 = arith.constant 15 : i32
    %swap3A_994 = arith.index_cast %swap3A_993 : i32 to index
    %swap3A_995 = arith.constant 64 : index
    %swap3A_996 = tpu.vector_load %arg9[%swap3A_994, %swap3A_995] {strides = array<i32>} : memref<16x128xf32, #tpu.memory_space<vmem>>, vector<1x16xf32>,
    %swap3A_997 = vector.shape_cast %swap3A_996 : vector<1x16xf32> to vector<16xf32>
    %swap3A_998 = vector.shape_cast %broadcast_in_dim3A_992 : vector<16xf32> to vector<1x16xf32>
    tpu.vector_store %arg9[%swap3A_994, %swap3A_995], %swap3A_998 {strides = array<i32>} : memref<16x128xf32, #tpu.memory_space<vmem>>, vector<1x16xf32>,
    %broadcast_in_dim3A_999 = arith.constant 0.000000e+00 : f32
    %broadcast_in_dim3A_1000 = vector.broadcast %broadcast_in_dim3A_999 : f32 to vector<16xf32>
    %swap3A_1001 = arith.constant 15 : i32
    %swap3A_1002 = arith.index_cast %swap3A_1001 : i32 to index
    %swap3A_1003 = arith.constant 80 : index
    %swap3A_1004 = tpu.vector_load %arg9[%swap3A_1002, %swap3A_1003] {strides = array<i32>} : memref<16x128xf32, #tpu.memory_space<vmem>>, vector<1x16xf32>,
    %swap3A_1005 = vector.shape_cast %swap3A_1004 : vector<1x16xf32> to vector<16xf32>
    %swap3A_1006 = vector.shape_cast %broadcast_in_dim3A_1000 : vector<16xf32> to vector<1x16xf32>
    tpu.vector_store %arg9[%swap3A_1002, %swap3A_1003], %swap3A_1006 {strides = array<i32>} : memref<16x128xf32, #tpu.memory_space<vmem>>, vector<1x16xf32>,
    %broadcast_in_dim3A_1007 = arith.constant 0.000000e+00 : f32
    %broadcast_in_dim3A_1008 = vector.broadcast %broadcast_in_dim3A_1007 : f32 to vector<16xf32>
    %swap3A_1009 = arith.constant 15 : i32
    %swap3A_1010 = arith.index_cast %swap3A_1009 : i32 to index
    %swap3A_1011 = arith.constant 96 : index
    %swap3A_1012 = tpu.vector_load %arg9[%swap3A_1010, %swap3A_1011] {strides = array<i32>} : memref<16x128xf32, #tpu.memory_space<vmem>>, vector<1x16xf32>,
    %swap3A_1013 = vector.shape_cast %swap3A_1012 : vector<1x16xf32> to vector<16xf32>
    %swap3A_1014 = vector.shape_cast %broadcast_in_dim3A_1008 : vector<16xf32> to vector<1x16xf32>
    tpu.vector_store %arg9[%swap3A_1010, %swap3A_1011], %swap3A_1014 {strides = array<i32>} : memref<16x128xf32, #tpu.memory_space<vmem>>, vector<1x16xf32>,
    %broadcast_in_dim3A_1015 = arith.constant 0.000000e+00 : f32
    %broadcast_in_dim3A_1016 = vector.broadcast %broadcast_in_dim3A_1015 : f32 to vector<16xf32>
    %swap3A_1017 = arith.constant 15 : i32
    %swap3A_1018 = arith.index_cast %swap3A_1017 : i32 to index
    %swap3A_1019 = arith.constant 112 : index
    %swap3A_1020 = tpu.vector_load %arg9[%swap3A_1018, %swap3A_1019] {strides = array<i32>} : memref<16x128xf32, #tpu.memory_space<vmem>>, vector<1x16xf32>,
    %swap3A_1021 = vector.shape_cast %swap3A_1020 : vector<1x16xf32> to vector<16xf32>
    %swap3A_1022 = vector.shape_cast %broadcast_in_dim3A_1016 : vector<16xf32> to vector<1x16xf32>
    tpu.vector_store %arg9[%swap3A_1018, %swap3A_1019], %swap3A_1022 {strides = array<i32>} : memref<16x128xf32, #tpu.memory_space<vmem>>, vector<1x16xf32>,
    %mul3A_1023 = arith.constant 640 : i32
    %mul3A_1024 = arith.muli %arg1, %mul3A_1023 : i32
    %add3A_1025 = arith.constant 0 : i32
    %add3A_1026 = arith.addi %mul3A_1024, %add3A_1025 : i32
    %multiple_of3A = tpu.assume_multiple %add3A_1026, 8 : i32
    "tpu.region"() ({
      %run_scoped3A_1345 = tpu.sem_alloc : memref<!tpu.dma_semaphore, #tpu.memory_space<semaphore_mem>>
      %dma_start3A_1346 = arith.constant 0 : i32
      %dma_start3A_1347 = tpu.memref_slice %arg18[%multiple_of3A, %dma_start3A_1346] : memref<10240x128xf32, #tpu.memory_space<vmem_shared>> -> memref<16x128xf32, #tpu.memory_space<vmem_shared>>
      %dma_start3A_1348 = arith.constant 0 : i32
      %dma_start3A_1349 = tpu.memref_slice %arg18[%multiple_of3A, %dma_start3A_1348] : memref<10240x128xf32, #tpu.memory_space<vmem_shared>> -> memref<16x128xf32, #tpu.memory_space<vmem_shared>>
      tpu.enqueue_dma source(%arg9 : memref<16x128xf32, #tpu.memory_space<vmem>>) target(%dma_start3A_1349 : memref<16x128xf32, #tpu.memory_space<vmem_shared>>) target_semaphore(%run_scoped3A_1345 : memref<!tpu.dma_semaphore, #tpu.memory_space<semaphore_mem>>)
      %dma_wait3A_1350 = arith.constant 0 : i32
      %dma_wait3A_1351 = tpu.memref_slice %arg18[%multiple_of3A, %dma_wait3A_1350] : memref<10240x128xf32, #tpu.memory_space<vmem_shared>> -> memref<16x128xf32, #tpu.memory_space<vmem_shared>>
      %dma_wait3A_1352 = arith.constant 0 : i32
      %dma_wait3A_1353 = tpu.memref_slice %arg18[%multiple_of3A, %dma_wait3A_1352] : memref<10240x128xf32, #tpu.memory_space<vmem_shared>> -> memref<16x128xf32, #tpu.memory_space<vmem_shared>>
      tpu.wait_dma2 semaphore(%run_scoped3A_1345 : memref<!tpu.dma_semaphore, #tpu.memory_space<semaphore_mem>>) src(%arg9 : memref<16x128xf32, #tpu.memory_space<vmem>>) dst(%dma_wait3A_1353 : memref<16x128xf32, #tpu.memory_space<vmem_shared>>)
      tpu.yield
    }) : () -> ()
    %mul3A_1027 = arith.constant 640 : i32
    %mul3A_1028 = arith.muli %arg1, %mul3A_1027 : i32
    %add3A_1029 = arith.constant 16 : i32
    %add3A_1030 = arith.addi %mul3A_1028, %add3A_1029 : i32
    %multiple_of3A_1031 = tpu.assume_multiple %add3A_1030, 8 : i32
    "tpu.region"() ({
      %run_scoped3A_1345 = tpu.sem_alloc : memref<!tpu.dma_semaphore, #tpu.memory_space<semaphore_mem>>
      %dma_start3A_1346 = arith.constant 0 : i32
      %dma_start3A_1347 = tpu.memref_slice %arg18[%multiple_of3A_1031, %dma_start3A_1346] : memref<10240x128xf32, #tpu.memory_space<vmem_shared>> -> memref<16x128xf32, #tpu.memory_space<vmem_shared>>
      %dma_start3A_1348 = arith.constant 0 : i32
      %dma_start3A_1349 = tpu.memref_slice %arg18[%multiple_of3A_1031, %dma_start3A_1348] : memref<10240x128xf32, #tpu.memory_space<vmem_shared>> -> memref<16x128xf32, #tpu.memory_space<vmem_shared>>
      tpu.enqueue_dma source(%arg9 : memref<16x128xf32, #tpu.memory_space<vmem>>) target(%dma_start3A_1349 : memref<16x128xf32, #tpu.memory_space<vmem_shared>>) target_semaphore(%run_scoped3A_1345 : memref<!tpu.dma_semaphore, #tpu.memory_space<semaphore_mem>>)
      %dma_wait3A_1350 = arith.constant 0 : i32
      %dma_wait3A_1351 = tpu.memref_slice %arg18[%multiple_of3A_1031, %dma_wait3A_1350] : memref<10240x128xf32, #tpu.memory_space<vmem_shared>> -> memref<16x128xf32, #tpu.memory_space<vmem_shared>>
      %dma_wait3A_1352 = arith.constant 0 : i32
      %dma_wait3A_1353 = tpu.memref_slice %arg18[%multiple_of3A_1031, %dma_wait3A_1352] : memref<10240x128xf32, #tpu.memory_space<vmem_shared>> -> memref<16x128xf32, #tpu.memory_space<vmem_shared>>
      tpu.wait_dma2 semaphore(%run_scoped3A_1345 : memref<!tpu.dma_semaphore, #tpu.memory_space<semaphore_mem>>) src(%arg9 : memref<16x128xf32, #tpu.memory_space<vmem>>) dst(%dma_wait3A_1353 : memref<16x128xf32, #tpu.memory_space<vmem_shared>>)
      tpu.yield
    }) : () -> ()
    %mul3A_1032 = arith.constant 640 : i32
    %mul3A_1033 = arith.muli %arg1, %mul3A_1032 : i32
    %add3A_1034 = arith.constant 32 : i32
    %add3A_1035 = arith.addi %mul3A_1033, %add3A_1034 : i32
    %multiple_of3A_1036 = tpu.assume_multiple %add3A_1035, 8 : i32
    "tpu.region"() ({
      %run_scoped3A_1345 = tpu.sem_alloc : memref<!tpu.dma_semaphore, #tpu.memory_space<semaphore_mem>>
      %dma_start3A_1346 = arith.constant 0 : i32
      %dma_start3A_1347 = tpu.memref_slice %arg18[%multiple_of3A_1036, %dma_start3A_1346] : memref<10240x128xf32, #tpu.memory_space<vmem_shared>> -> memref<16x128xf32, #tpu.memory_space<vmem_shared>>
      %dma_start3A_1348 = arith.constant 0 : i32
      %dma_start3A_1349 = tpu.memref_slice %arg18[%multiple_of3A_1036, %dma_start3A_1348] : memref<10240x128xf32, #tpu.memory_space<vmem_shared>> -> memref<16x128xf32, #tpu.memory_space<vmem_shared>>
      tpu.enqueue_dma source(%arg9 : memref<16x128xf32, #tpu.memory_space<vmem>>) target(%dma_start3A_1349 : memref<16x128xf32, #tpu.memory_space<vmem_shared>>) target_semaphore(%run_scoped3A_1345 : memref<!tpu.dma_semaphore, #tpu.memory_space<semaphore_mem>>)
      %dma_wait3A_1350 = arith.constant 0 : i32
      %dma_wait3A_1351 = tpu.memref_slice %arg18[%multiple_of3A_1036, %dma_wait3A_1350] : memref<10240x128xf32, #tpu.memory_space<vmem_shared>> -> memref<16x128xf32, #tpu.memory_space<vmem_shared>>
      %dma_wait3A_1352 = arith.constant 0 : i32
      %dma_wait3A_1353 = tpu.memref_slice %arg18[%multiple_of3A_1036, %dma_wait3A_1352] : memref<10240x128xf32, #tpu.memory_space<vmem_shared>> -> memref<16x128xf32, #tpu.memory_space<vmem_shared>>
      tpu.wait_dma2 semaphore(%run_scoped3A_1345 : memref<!tpu.dma_semaphore, #tpu.memory_space<semaphore_mem>>) src(%arg9 : memref<16x128xf32, #tpu.memory_space<vmem>>) dst(%dma_wait3A_1353 : memref<16x128xf32, #tpu.memory_space<vmem_shared>>)
      tpu.yield
    }) : () -> ()
    %mul3A_1037 = arith.constant 640 : i32
    %mul3A_1038 = arith.muli %arg1, %mul3A_1037 : i32
    %add3A_1039 = arith.constant 48 : i32
    %add3A_1040 = arith.addi %mul3A_1038, %add3A_1039 : i32
    %multiple_of3A_1041 = tpu.assume_multiple %add3A_1040, 8 : i32
    "tpu.region"() ({
      %run_scoped3A_1345 = tpu.sem_alloc : memref<!tpu.dma_semaphore, #tpu.memory_space<semaphore_mem>>
      %dma_start3A_1346 = arith.constant 0 : i32
      %dma_start3A_1347 = tpu.memref_slice %arg18[%multiple_of3A_1041, %dma_start3A_1346] : memref<10240x128xf32, #tpu.memory_space<vmem_shared>> -> memref<16x128xf32, #tpu.memory_space<vmem_shared>>
      %dma_start3A_1348 = arith.constant 0 : i32
      %dma_start3A_1349 = tpu.memref_slice %arg18[%multiple_of3A_1041, %dma_start3A_1348] : memref<10240x128xf32, #tpu.memory_space<vmem_shared>> -> memref<16x128xf32, #tpu.memory_space<vmem_shared>>
      tpu.enqueue_dma source(%arg9 : memref<16x128xf32, #tpu.memory_space<vmem>>) target(%dma_start3A_1349 : memref<16x128xf32, #tpu.memory_space<vmem_shared>>) target_semaphore(%run_scoped3A_1345 : memref<!tpu.dma_semaphore, #tpu.memory_space<semaphore_mem>>)
      %dma_wait3A_1350 = arith.constant 0 : i32
      %dma_wait3A_1351 = tpu.memref_slice %arg18[%multiple_of3A_1041, %dma_wait3A_1350] : memref<10240x128xf32, #tpu.memory_space<vmem_shared>> -> memref<16x128xf32, #tpu.memory_space<vmem_shared>>
      %dma_wait3A_1352 = arith.constant 0 : i32
      %dma_wait3A_1353 = tpu.memref_slice %arg18[%multiple_of3A_1041, %dma_wait3A_1352] : memref<10240x128xf32, #tpu.memory_space<vmem_shared>> -> memref<16x128xf32, #tpu.memory_space<vmem_shared>>
      tpu.wait_dma2 semaphore(%run_scoped3A_1345 : memref<!tpu.dma_semaphore, #tpu.memory_space<semaphore_mem>>) src(%arg9 : memref<16x128xf32, #tpu.memory_space<vmem>>) dst(%dma_wait3A_1353 : memref<16x128xf32, #tpu.memory_space<vmem_shared>>)
      tpu.yield
    }) : () -> ()
    %mul3A_1042 = arith.constant 640 : i32
    %mul3A_1043 = arith.muli %arg1, %mul3A_1042 : i32
    %add3A_1044 = arith.constant 64 : i32
    %add3A_1045 = arith.addi %mul3A_1043, %add3A_1044 : i32
    %multiple_of3A_1046 = tpu.assume_multiple %add3A_1045, 8 : i32
    "tpu.region"() ({
      %run_scoped3A_1345 = tpu.sem_alloc : memref<!tpu.dma_semaphore, #tpu.memory_space<semaphore_mem>>
      %dma_start3A_1346 = arith.constant 0 : i32
      %dma_start3A_1347 = tpu.memref_slice %arg18[%multiple_of3A_1046, %dma_start3A_1346] : memref<10240x128xf32, #tpu.memory_space<vmem_shared>> -> memref<16x128xf32, #tpu.memory_space<vmem_shared>>
      %dma_start3A_1348 = arith.constant 0 : i32
      %dma_start3A_1349 = tpu.memref_slice %arg18[%multiple_of3A_1046, %dma_start3A_1348] : memref<10240x128xf32, #tpu.memory_space<vmem_shared>> -> memref<16x128xf32, #tpu.memory_space<vmem_shared>>
      tpu.enqueue_dma source(%arg9 : memref<16x128xf32, #tpu.memory_space<vmem>>) target(%dma_start3A_1349 : memref<16x128xf32, #tpu.memory_space<vmem_shared>>) target_semaphore(%run_scoped3A_1345 : memref<!tpu.dma_semaphore, #tpu.memory_space<semaphore_mem>>)
      %dma_wait3A_1350 = arith.constant 0 : i32
      %dma_wait3A_1351 = tpu.memref_slice %arg18[%multiple_of3A_1046, %dma_wait3A_1350] : memref<10240x128xf32, #tpu.memory_space<vmem_shared>> -> memref<16x128xf32, #tpu.memory_space<vmem_shared>>
      %dma_wait3A_1352 = arith.constant 0 : i32
      %dma_wait3A_1353 = tpu.memref_slice %arg18[%multiple_of3A_1046, %dma_wait3A_1352] : memref<10240x128xf32, #tpu.memory_space<vmem_shared>> -> memref<16x128xf32, #tpu.memory_space<vmem_shared>>
      tpu.wait_dma2 semaphore(%run_scoped3A_1345 : memref<!tpu.dma_semaphore, #tpu.memory_space<semaphore_mem>>) src(%arg9 : memref<16x128xf32, #tpu.memory_space<vmem>>) dst(%dma_wait3A_1353 : memref<16x128xf32, #tpu.memory_space<vmem_shared>>)
      tpu.yield
    }) : () -> ()
    %mul3A_1047 = arith.constant 640 : i32
    %mul3A_1048 = arith.muli %arg1, %mul3A_1047 : i32
    %add3A_1049 = arith.constant 80 : i32
    %add3A_1050 = arith.addi %mul3A_1048, %add3A_1049 : i32
    %multiple_of3A_1051 = tpu.assume_multiple %add3A_1050, 8 : i32
    "tpu.region"() ({
      %run_scoped3A_1345 = tpu.sem_alloc : memref<!tpu.dma_semaphore, #tpu.memory_space<semaphore_mem>>
      %dma_start3A_1346 = arith.constant 0 : i32
      %dma_start3A_1347 = tpu.memref_slice %arg18[%multiple_of3A_1051, %dma_start3A_1346] : memref<10240x128xf32, #tpu.memory_space<vmem_shared>> -> memref<16x128xf32, #tpu.memory_space<vmem_shared>>
      %dma_start3A_1348 = arith.constant 0 : i32
      %dma_start3A_1349 = tpu.memref_slice %arg18[%multiple_of3A_1051, %dma_start3A_1348] : memref<10240x128xf32, #tpu.memory_space<vmem_shared>> -> memref<16x128xf32, #tpu.memory_space<vmem_shared>>
      tpu.enqueue_dma source(%arg9 : memref<16x128xf32, #tpu.memory_space<vmem>>) target(%dma_start3A_1349 : memref<16x128xf32, #tpu.memory_space<vmem_shared>>) target_semaphore(%run_scoped3A_1345 : memref<!tpu.dma_semaphore, #tpu.memory_space<semaphore_mem>>)
      %dma_wait3A_1350 = arith.constant 0 : i32
      %dma_wait3A_1351 = tpu.memref_slice %arg18[%multiple_of3A_1051, %dma_wait3A_1350] : memref<10240x128xf32, #tpu.memory_space<vmem_shared>> -> memref<16x128xf32, #tpu.memory_space<vmem_shared>>
      %dma_wait3A_1352 = arith.constant 0 : i32
      %dma_wait3A_1353 = tpu.memref_slice %arg18[%multiple_of3A_1051, %dma_wait3A_1352] : memref<10240x128xf32, #tpu.memory_space<vmem_shared>> -> memref<16x128xf32, #tpu.memory_space<vmem_shared>>
      tpu.wait_dma2 semaphore(%run_scoped3A_1345 : memref<!tpu.dma_semaphore, #tpu.memory_space<semaphore_mem>>) src(%arg9 : memref<16x128xf32, #tpu.memory_space<vmem>>) dst(%dma_wait3A_1353 : memref<16x128xf32, #tpu.memory_space<vmem_shared>>)
      tpu.yield
    }) : () -> ()
    %mul3A_1052 = arith.constant 640 : i32
    %mul3A_1053 = arith.muli %arg1, %mul3A_1052 : i32
    %add3A_1054 = arith.constant 96 : i32
    %add3A_1055 = arith.addi %mul3A_1053, %add3A_1054 : i32
    %multiple_of3A_1056 = tpu.assume_multiple %add3A_1055, 8 : i32
    "tpu.region"() ({
      %run_scoped3A_1345 = tpu.sem_alloc : memref<!tpu.dma_semaphore, #tpu.memory_space<semaphore_mem>>
      %dma_start3A_1346 = arith.constant 0 : i32
      %dma_start3A_1347 = tpu.memref_slice %arg18[%multiple_of3A_1056, %dma_start3A_1346] : memref<10240x128xf32, #tpu.memory_space<vmem_shared>> -> memref<16x128xf32, #tpu.memory_space<vmem_shared>>
      %dma_start3A_1348 = arith.constant 0 : i32
      %dma_start3A_1349 = tpu.memref_slice %arg18[%multiple_of3A_1056, %dma_start3A_1348] : memref<10240x128xf32, #tpu.memory_space<vmem_shared>> -> memref<16x128xf32, #tpu.memory_space<vmem_shared>>
      tpu.enqueue_dma source(%arg9 : memref<16x128xf32, #tpu.memory_space<vmem>>) target(%dma_start3A_1349 : memref<16x128xf32, #tpu.memory_space<vmem_shared>>) target_semaphore(%run_scoped3A_1345 : memref<!tpu.dma_semaphore, #tpu.memory_space<semaphore_mem>>)
      %dma_wait3A_1350 = arith.constant 0 : i32
      %dma_wait3A_1351 = tpu.memref_slice %arg18[%multiple_of3A_1056, %dma_wait3A_1350] : memref<10240x128xf32, #tpu.memory_space<vmem_shared>> -> memref<16x128xf32, #tpu.memory_space<vmem_shared>>
      %dma_wait3A_1352 = arith.constant 0 : i32
      %dma_wait3A_1353 = tpu.memref_slice %arg18[%multiple_of3A_1056, %dma_wait3A_1352] : memref<10240x128xf32, #tpu.memory_space<vmem_shared>> -> memref<16x128xf32, #tpu.memory_space<vmem_shared>>
      tpu.wait_dma2 semaphore(%run_scoped3A_1345 : memref<!tpu.dma_semaphore, #tpu.memory_space<semaphore_mem>>) src(%arg9 : memref<16x128xf32, #tpu.memory_space<vmem>>) dst(%dma_wait3A_1353 : memref<16x128xf32, #tpu.memory_space<vmem_shared>>)
      tpu.yield
    }) : () -> ()
    %mul3A_1057 = arith.constant 640 : i32
    %mul3A_1058 = arith.muli %arg1, %mul3A_1057 : i32
    %add3A_1059 = arith.constant 112 : i32
    %add3A_1060 = arith.addi %mul3A_1058, %add3A_1059 : i32
    %multiple_of3A_1061 = tpu.assume_multiple %add3A_1060, 8 : i32
    "tpu.region"() ({
      %run_scoped3A_1345 = tpu.sem_alloc : memref<!tpu.dma_semaphore, #tpu.memory_space<semaphore_mem>>
      %dma_start3A_1346 = arith.constant 0 : i32
      %dma_start3A_1347 = tpu.memref_slice %arg18[%multiple_of3A_1061, %dma_start3A_1346] : memref<10240x128xf32, #tpu.memory_space<vmem_shared>> -> memref<16x128xf32, #tpu.memory_space<vmem_shared>>
      %dma_start3A_1348 = arith.constant 0 : i32
      %dma_start3A_1349 = tpu.memref_slice %arg18[%multiple_of3A_1061, %dma_start3A_1348] : memref<10240x128xf32, #tpu.memory_space<vmem_shared>> -> memref<16x128xf32, #tpu.memory_space<vmem_shared>>
      tpu.enqueue_dma source(%arg9 : memref<16x128xf32, #tpu.memory_space<vmem>>) target(%dma_start3A_1349 : memref<16x128xf32, #tpu.memory_space<vmem_shared>>) target_semaphore(%run_scoped3A_1345 : memref<!tpu.dma_semaphore, #tpu.memory_space<semaphore_mem>>)
      %dma_wait3A_1350 = arith.constant 0 : i32
      %dma_wait3A_1351 = tpu.memref_slice %arg18[%multiple_of3A_1061, %dma_wait3A_1350] : memref<10240x128xf32, #tpu.memory_space<vmem_shared>> -> memref<16x128xf32, #tpu.memory_space<vmem_shared>>
      %dma_wait3A_1352 = arith.constant 0 : i32
      %dma_wait3A_1353 = tpu.memref_slice %arg18[%multiple_of3A_1061, %dma_wait3A_1352] : memref<10240x128xf32, #tpu.memory_space<vmem_shared>> -> memref<16x128xf32, #tpu.memory_space<vmem_shared>>
      tpu.wait_dma2 semaphore(%run_scoped3A_1345 : memref<!tpu.dma_semaphore, #tpu.memory_space<semaphore_mem>>) src(%arg9 : memref<16x128xf32, #tpu.memory_space<vmem>>) dst(%dma_wait3A_1353 : memref<16x128xf32, #tpu.memory_space<vmem_shared>>)
      tpu.yield
    }) : () -> ()
    %mul3A_1062 = arith.constant 640 : i32
    %mul3A_1063 = arith.muli %arg1, %mul3A_1062 : i32
    %add3A_1064 = arith.constant 128 : i32
    %add3A_1065 = arith.addi %mul3A_1063, %add3A_1064 : i32
    %multiple_of3A_1066 = tpu.assume_multiple %add3A_1065, 8 : i32
    "tpu.region"() ({
      %run_scoped3A_1345 = tpu.sem_alloc : memref<!tpu.dma_semaphore, #tpu.memory_space<semaphore_mem>>
      %dma_start3A_1346 = arith.constant 0 : i32
      %dma_start3A_1347 = tpu.memref_slice %arg18[%multiple_of3A_1066, %dma_start3A_1346] : memref<10240x128xf32, #tpu.memory_space<vmem_shared>> -> memref<16x128xf32, #tpu.memory_space<vmem_shared>>
      %dma_start3A_1348 = arith.constant 0 : i32
      %dma_start3A_1349 = tpu.memref_slice %arg18[%multiple_of3A_1066, %dma_start3A_1348] : memref<10240x128xf32, #tpu.memory_space<vmem_shared>> -> memref<16x128xf32, #tpu.memory_space<vmem_shared>>
      tpu.enqueue_dma source(%arg9 : memref<16x128xf32, #tpu.memory_space<vmem>>) target(%dma_start3A_1349 : memref<16x128xf32, #tpu.memory_space<vmem_shared>>) target_semaphore(%run_scoped3A_1345 : memref<!tpu.dma_semaphore, #tpu.memory_space<semaphore_mem>>)
      %dma_wait3A_1350 = arith.constant 0 : i32
      %dma_wait3A_1351 = tpu.memref_slice %arg18[%multiple_of3A_1066, %dma_wait3A_1350] : memref<10240x128xf32, #tpu.memory_space<vmem_shared>> -> memref<16x128xf32, #tpu.memory_space<vmem_shared>>
      %dma_wait3A_1352 = arith.constant 0 : i32
      %dma_wait3A_1353 = tpu.memref_slice %arg18[%multiple_of3A_1066, %dma_wait3A_1352] : memref<10240x128xf32, #tpu.memory_space<vmem_shared>> -> memref<16x128xf32, #tpu.memory_space<vmem_shared>>
      tpu.wait_dma2 semaphore(%run_scoped3A_1345 : memref<!tpu.dma_semaphore, #tpu.memory_space<semaphore_mem>>) src(%arg9 : memref<16x128xf32, #tpu.memory_space<vmem>>) dst(%dma_wait3A_1353 : memref<16x128xf32, #tpu.memory_space<vmem_shared>>)
      tpu.yield
    }) : () -> ()
    %mul3A_1067 = arith.constant 640 : i32
    %mul3A_1068 = arith.muli %arg1, %mul3A_1067 : i32
    %add3A_1069 = arith.constant 144 : i32
    %add3A_1070 = arith.addi %mul3A_1068, %add3A_1069 : i32
    %multiple_of3A_1071 = tpu.assume_multiple %add3A_1070, 8 : i32
    "tpu.region"() ({
      %run_scoped3A_1345 = tpu.sem_alloc : memref<!tpu.dma_semaphore, #tpu.memory_space<semaphore_mem>>
      %dma_start3A_1346 = arith.constant 0 : i32
      %dma_start3A_1347 = tpu.memref_slice %arg18[%multiple_of3A_1071, %dma_start3A_1346] : memref<10240x128xf32, #tpu.memory_space<vmem_shared>> -> memref<16x128xf32, #tpu.memory_space<vmem_shared>>
      %dma_start3A_1348 = arith.constant 0 : i32
      %dma_start3A_1349 = tpu.memref_slice %arg18[%multiple_of3A_1071, %dma_start3A_1348] : memref<10240x128xf32, #tpu.memory_space<vmem_shared>> -> memref<16x128xf32, #tpu.memory_space<vmem_shared>>
      tpu.enqueue_dma source(%arg9 : memref<16x128xf32, #tpu.memory_space<vmem>>) target(%dma_start3A_1349 : memref<16x128xf32, #tpu.memory_space<vmem_shared>>) target_semaphore(%run_scoped3A_1345 : memref<!tpu.dma_semaphore, #tpu.memory_space<semaphore_mem>>)
      %dma_wait3A_1350 = arith.constant 0 : i32
      %dma_wait3A_1351 = tpu.memref_slice %arg18[%multiple_of3A_1071, %dma_wait3A_1350] : memref<10240x128xf32, #tpu.memory_space<vmem_shared>> -> memref<16x128xf32, #tpu.memory_space<vmem_shared>>
      %dma_wait3A_1352 = arith.constant 0 : i32
      %dma_wait3A_1353 = tpu.memref_slice %arg18[%multiple_of3A_1071, %dma_wait3A_1352] : memref<10240x128xf32, #tpu.memory_space<vmem_shared>> -> memref<16x128xf32, #tpu.memory_space<vmem_shared>>
      tpu.wait_dma2 semaphore(%run_scoped3A_1345 : memref<!tpu.dma_semaphore, #tpu.memory_space<semaphore_mem>>) src(%arg9 : memref<16x128xf32, #tpu.memory_space<vmem>>) dst(%dma_wait3A_1353 : memref<16x128xf32, #tpu.memory_space<vmem_shared>>)
      tpu.yield
    }) : () -> ()
    %mul3A_1072 = arith.constant 640 : i32
    %mul3A_1073 = arith.muli %arg1, %mul3A_1072 : i32
    %add3A_1074 = arith.constant 160 : i32
    %add3A_1075 = arith.addi %mul3A_1073, %add3A_1074 : i32
    %multiple_of3A_1076 = tpu.assume_multiple %add3A_1075, 8 : i32
    "tpu.region"() ({
      %run_scoped3A_1345 = tpu.sem_alloc : memref<!tpu.dma_semaphore, #tpu.memory_space<semaphore_mem>>
      %dma_start3A_1346 = arith.constant 0 : i32
      %dma_start3A_1347 = tpu.memref_slice %arg18[%multiple_of3A_1076, %dma_start3A_1346] : memref<10240x128xf32, #tpu.memory_space<vmem_shared>> -> memref<16x128xf32, #tpu.memory_space<vmem_shared>>
      %dma_start3A_1348 = arith.constant 0 : i32
      %dma_start3A_1349 = tpu.memref_slice %arg18[%multiple_of3A_1076, %dma_start3A_1348] : memref<10240x128xf32, #tpu.memory_space<vmem_shared>> -> memref<16x128xf32, #tpu.memory_space<vmem_shared>>
      tpu.enqueue_dma source(%arg9 : memref<16x128xf32, #tpu.memory_space<vmem>>) target(%dma_start3A_1349 : memref<16x128xf32, #tpu.memory_space<vmem_shared>>) target_semaphore(%run_scoped3A_1345 : memref<!tpu.dma_semaphore, #tpu.memory_space<semaphore_mem>>)
      %dma_wait3A_1350 = arith.constant 0 : i32
      %dma_wait3A_1351 = tpu.memref_slice %arg18[%multiple_of3A_1076, %dma_wait3A_1350] : memref<10240x128xf32, #tpu.memory_space<vmem_shared>> -> memref<16x128xf32, #tpu.memory_space<vmem_shared>>
      %dma_wait3A_1352 = arith.constant 0 : i32
      %dma_wait3A_1353 = tpu.memref_slice %arg18[%multiple_of3A_1076, %dma_wait3A_1352] : memref<10240x128xf32, #tpu.memory_space<vmem_shared>> -> memref<16x128xf32, #tpu.memory_space<vmem_shared>>
      tpu.wait_dma2 semaphore(%run_scoped3A_1345 : memref<!tpu.dma_semaphore, #tpu.memory_space<semaphore_mem>>) src(%arg9 : memref<16x128xf32, #tpu.memory_space<vmem>>) dst(%dma_wait3A_1353 : memref<16x128xf32, #tpu.memory_space<vmem_shared>>)
      tpu.yield
    }) : () -> ()
    %mul3A_1077 = arith.constant 640 : i32
    %mul3A_1078 = arith.muli %arg1, %mul3A_1077 : i32
    %add3A_1079 = arith.constant 176 : i32
    %add3A_1080 = arith.addi %mul3A_1078, %add3A_1079 : i32
    %multiple_of3A_1081 = tpu.assume_multiple %add3A_1080, 8 : i32
    "tpu.region"() ({
      %run_scoped3A_1345 = tpu.sem_alloc : memref<!tpu.dma_semaphore, #tpu.memory_space<semaphore_mem>>
      %dma_start3A_1346 = arith.constant 0 : i32
      %dma_start3A_1347 = tpu.memref_slice %arg18[%multiple_of3A_1081, %dma_start3A_1346] : memref<10240x128xf32, #tpu.memory_space<vmem_shared>> -> memref<16x128xf32, #tpu.memory_space<vmem_shared>>
      %dma_start3A_1348 = arith.constant 0 : i32
      %dma_start3A_1349 = tpu.memref_slice %arg18[%multiple_of3A_1081, %dma_start3A_1348] : memref<10240x128xf32, #tpu.memory_space<vmem_shared>> -> memref<16x128xf32, #tpu.memory_space<vmem_shared>>
      tpu.enqueue_dma source(%arg9 : memref<16x128xf32, #tpu.memory_space<vmem>>) target(%dma_start3A_1349 : memref<16x128xf32, #tpu.memory_space<vmem_shared>>) target_semaphore(%run_scoped3A_1345 : memref<!tpu.dma_semaphore, #tpu.memory_space<semaphore_mem>>)
      %dma_wait3A_1350 = arith.constant 0 : i32
      %dma_wait3A_1351 = tpu.memref_slice %arg18[%multiple_of3A_1081, %dma_wait3A_1350] : memref<10240x128xf32, #tpu.memory_space<vmem_shared>> -> memref<16x128xf32, #tpu.memory_space<vmem_shared>>
      %dma_wait3A_1352 = arith.constant 0 : i32
      %dma_wait3A_1353 = tpu.memref_slice %arg18[%multiple_of3A_1081, %dma_wait3A_1352] : memref<10240x128xf32, #tpu.memory_space<vmem_shared>> -> memref<16x128xf32, #tpu.memory_space<vmem_shared>>
      tpu.wait_dma2 semaphore(%run_scoped3A_1345 : memref<!tpu.dma_semaphore, #tpu.memory_space<semaphore_mem>>) src(%arg9 : memref<16x128xf32, #tpu.memory_space<vmem>>) dst(%dma_wait3A_1353 : memref<16x128xf32, #tpu.memory_space<vmem_shared>>)
      tpu.yield
    }) : () -> ()
    %mul3A_1082 = arith.constant 640 : i32
    %mul3A_1083 = arith.muli %arg1, %mul3A_1082 : i32
    %add3A_1084 = arith.constant 192 : i32
    %add3A_1085 = arith.addi %mul3A_1083, %add3A_1084 : i32
    %multiple_of3A_1086 = tpu.assume_multiple %add3A_1085, 8 : i32
    "tpu.region"() ({
      %run_scoped3A_1345 = tpu.sem_alloc : memref<!tpu.dma_semaphore, #tpu.memory_space<semaphore_mem>>
      %dma_start3A_1346 = arith.constant 0 : i32
      %dma_start3A_1347 = tpu.memref_slice %arg18[%multiple_of3A_1086, %dma_start3A_1346] : memref<10240x128xf32, #tpu.memory_space<vmem_shared>> -> memref<16x128xf32, #tpu.memory_space<vmem_shared>>
      %dma_start3A_1348 = arith.constant 0 : i32
      %dma_start3A_1349 = tpu.memref_slice %arg18[%multiple_of3A_1086, %dma_start3A_1348] : memref<10240x128xf32, #tpu.memory_space<vmem_shared>> -> memref<16x128xf32, #tpu.memory_space<vmem_shared>>
      tpu.enqueue_dma source(%arg9 : memref<16x128xf32, #tpu.memory_space<vmem>>) target(%dma_start3A_1349 : memref<16x128xf32, #tpu.memory_space<vmem_shared>>) target_semaphore(%run_scoped3A_1345 : memref<!tpu.dma_semaphore, #tpu.memory_space<semaphore_mem>>)
      %dma_wait3A_1350 = arith.constant 0 : i32
      %dma_wait3A_1351 = tpu.memref_slice %arg18[%multiple_of3A_1086, %dma_wait3A_1350] : memref<10240x128xf32, #tpu.memory_space<vmem_shared>> -> memref<16x128xf32, #tpu.memory_space<vmem_shared>>
      %dma_wait3A_1352 = arith.constant 0 : i32
      %dma_wait3A_1353 = tpu.memref_slice %arg18[%multiple_of3A_1086, %dma_wait3A_1352] : memref<10240x128xf32, #tpu.memory_space<vmem_shared>> -> memref<16x128xf32, #tpu.memory_space<vmem_shared>>
      tpu.wait_dma2 semaphore(%run_scoped3A_1345 : memref<!tpu.dma_semaphore, #tpu.memory_space<semaphore_mem>>) src(%arg9 : memref<16x128xf32, #tpu.memory_space<vmem>>) dst(%dma_wait3A_1353 : memref<16x128xf32, #tpu.memory_space<vmem_shared>>)
      tpu.yield
    }) : () -> ()
    %mul3A_1087 = arith.constant 640 : i32
    %mul3A_1088 = arith.muli %arg1, %mul3A_1087 : i32
    %add3A_1089 = arith.constant 208 : i32
    %add3A_1090 = arith.addi %mul3A_1088, %add3A_1089 : i32
    %multiple_of3A_1091 = tpu.assume_multiple %add3A_1090, 8 : i32
    "tpu.region"() ({
      %run_scoped3A_1345 = tpu.sem_alloc : memref<!tpu.dma_semaphore, #tpu.memory_space<semaphore_mem>>
      %dma_start3A_1346 = arith.constant 0 : i32
      %dma_start3A_1347 = tpu.memref_slice %arg18[%multiple_of3A_1091, %dma_start3A_1346] : memref<10240x128xf32, #tpu.memory_space<vmem_shared>> -> memref<16x128xf32, #tpu.memory_space<vmem_shared>>
      %dma_start3A_1348 = arith.constant 0 : i32
      %dma_start3A_1349 = tpu.memref_slice %arg18[%multiple_of3A_1091, %dma_start3A_1348] : memref<10240x128xf32, #tpu.memory_space<vmem_shared>> -> memref<16x128xf32, #tpu.memory_space<vmem_shared>>
      tpu.enqueue_dma source(%arg9 : memref<16x128xf32, #tpu.memory_space<vmem>>) target(%dma_start3A_1349 : memref<16x128xf32, #tpu.memory_space<vmem_shared>>) target_semaphore(%run_scoped3A_1345 : memref<!tpu.dma_semaphore, #tpu.memory_space<semaphore_mem>>)
      %dma_wait3A_1350 = arith.constant 0 : i32
      %dma_wait3A_1351 = tpu.memref_slice %arg18[%multiple_of3A_1091, %dma_wait3A_1350] : memref<10240x128xf32, #tpu.memory_space<vmem_shared>> -> memref<16x128xf32, #tpu.memory_space<vmem_shared>>
      %dma_wait3A_1352 = arith.constant 0 : i32
      %dma_wait3A_1353 = tpu.memref_slice %arg18[%multiple_of3A_1091, %dma_wait3A_1352] : memref<10240x128xf32, #tpu.memory_space<vmem_shared>> -> memref<16x128xf32, #tpu.memory_space<vmem_shared>>
      tpu.wait_dma2 semaphore(%run_scoped3A_1345 : memref<!tpu.dma_semaphore, #tpu.memory_space<semaphore_mem>>) src(%arg9 : memref<16x128xf32, #tpu.memory_space<vmem>>) dst(%dma_wait3A_1353 : memref<16x128xf32, #tpu.memory_space<vmem_shared>>)
      tpu.yield
    }) : () -> ()
    %mul3A_1092 = arith.constant 640 : i32
    %mul3A_1093 = arith.muli %arg1, %mul3A_1092 : i32
    %add3A_1094 = arith.constant 224 : i32
    %add3A_1095 = arith.addi %mul3A_1093, %add3A_1094 : i32
    %multiple_of3A_1096 = tpu.assume_multiple %add3A_1095, 8 : i32
    "tpu.region"() ({
      %run_scoped3A_1345 = tpu.sem_alloc : memref<!tpu.dma_semaphore, #tpu.memory_space<semaphore_mem>>
      %dma_start3A_1346 = arith.constant 0 : i32
      %dma_start3A_1347 = tpu.memref_slice %arg18[%multiple_of3A_1096, %dma_start3A_1346] : memref<10240x128xf32, #tpu.memory_space<vmem_shared>> -> memref<16x128xf32, #tpu.memory_space<vmem_shared>>
      %dma_start3A_1348 = arith.constant 0 : i32
      %dma_start3A_1349 = tpu.memref_slice %arg18[%multiple_of3A_1096, %dma_start3A_1348] : memref<10240x128xf32, #tpu.memory_space<vmem_shared>> -> memref<16x128xf32, #tpu.memory_space<vmem_shared>>
      tpu.enqueue_dma source(%arg9 : memref<16x128xf32, #tpu.memory_space<vmem>>) target(%dma_start3A_1349 : memref<16x128xf32, #tpu.memory_space<vmem_shared>>) target_semaphore(%run_scoped3A_1345 : memref<!tpu.dma_semaphore, #tpu.memory_space<semaphore_mem>>)
      %dma_wait3A_1350 = arith.constant 0 : i32
      %dma_wait3A_1351 = tpu.memref_slice %arg18[%multiple_of3A_1096, %dma_wait3A_1350] : memref<10240x128xf32, #tpu.memory_space<vmem_shared>> -> memref<16x128xf32, #tpu.memory_space<vmem_shared>>
      %dma_wait3A_1352 = arith.constant 0 : i32
      %dma_wait3A_1353 = tpu.memref_slice %arg18[%multiple_of3A_1096, %dma_wait3A_1352] : memref<10240x128xf32, #tpu.memory_space<vmem_shared>> -> memref<16x128xf32, #tpu.memory_space<vmem_shared>>
      tpu.wait_dma2 semaphore(%run_scoped3A_1345 : memref<!tpu.dma_semaphore, #tpu.memory_space<semaphore_mem>>) src(%arg9 : memref<16x128xf32, #tpu.memory_space<vmem>>) dst(%dma_wait3A_1353 : memref<16x128xf32, #tpu.memory_space<vmem_shared>>)
      tpu.yield
    }) : () -> ()
    %mul3A_1097 = arith.constant 640 : i32
    %mul3A_1098 = arith.muli %arg1, %mul3A_1097 : i32
    %add3A_1099 = arith.constant 240 : i32
    %add3A_1100 = arith.addi %mul3A_1098, %add3A_1099 : i32
    %multiple_of3A_1101 = tpu.assume_multiple %add3A_1100, 8 : i32
    "tpu.region"() ({
      %run_scoped3A_1345 = tpu.sem_alloc : memref<!tpu.dma_semaphore, #tpu.memory_space<semaphore_mem>>
      %dma_start3A_1346 = arith.constant 0 : i32
      %dma_start3A_1347 = tpu.memref_slice %arg18[%multiple_of3A_1101, %dma_start3A_1346] : memref<10240x128xf32, #tpu.memory_space<vmem_shared>> -> memref<16x128xf32, #tpu.memory_space<vmem_shared>>
      %dma_start3A_1348 = arith.constant 0 : i32
      %dma_start3A_1349 = tpu.memref_slice %arg18[%multiple_of3A_1101, %dma_start3A_1348] : memref<10240x128xf32, #tpu.memory_space<vmem_shared>> -> memref<16x128xf32, #tpu.memory_space<vmem_shared>>
      tpu.enqueue_dma source(%arg9 : memref<16x128xf32, #tpu.memory_space<vmem>>) target(%dma_start3A_1349 : memref<16x128xf32, #tpu.memory_space<vmem_shared>>) target_semaphore(%run_scoped3A_1345 : memref<!tpu.dma_semaphore, #tpu.memory_space<semaphore_mem>>)
      %dma_wait3A_1350 = arith.constant 0 : i32
      %dma_wait3A_1351 = tpu.memref_slice %arg18[%multiple_of3A_1101, %dma_wait3A_1350] : memref<10240x128xf32, #tpu.memory_space<vmem_shared>> -> memref<16x128xf32, #tpu.memory_space<vmem_shared>>
      %dma_wait3A_1352 = arith.constant 0 : i32
      %dma_wait3A_1353 = tpu.memref_slice %arg18[%multiple_of3A_1101, %dma_wait3A_1352] : memref<10240x128xf32, #tpu.memory_space<vmem_shared>> -> memref<16x128xf32, #tpu.memory_space<vmem_shared>>
      tpu.wait_dma2 semaphore(%run_scoped3A_1345 : memref<!tpu.dma_semaphore, #tpu.memory_space<semaphore_mem>>) src(%arg9 : memref<16x128xf32, #tpu.memory_space<vmem>>) dst(%dma_wait3A_1353 : memref<16x128xf32, #tpu.memory_space<vmem_shared>>)
      tpu.yield
    }) : () -> ()
    %mul3A_1102 = arith.constant 640 : i32
    %mul3A_1103 = arith.muli %arg1, %mul3A_1102 : i32
    %add3A_1104 = arith.constant 256 : i32
    %add3A_1105 = arith.addi %mul3A_1103, %add3A_1104 : i32
    %multiple_of3A_1106 = tpu.assume_multiple %add3A_1105, 8 : i32
    "tpu.region"() ({
      %run_scoped3A_1345 = tpu.sem_alloc : memref<!tpu.dma_semaphore, #tpu.memory_space<semaphore_mem>>
      %dma_start3A_1346 = arith.constant 0 : i32
      %dma_start3A_1347 = tpu.memref_slice %arg18[%multiple_of3A_1106, %dma_start3A_1346] : memref<10240x128xf32, #tpu.memory_space<vmem_shared>> -> memref<16x128xf32, #tpu.memory_space<vmem_shared>>
      %dma_start3A_1348 = arith.constant 0 : i32
      %dma_start3A_1349 = tpu.memref_slice %arg18[%multiple_of3A_1106, %dma_start3A_1348] : memref<10240x128xf32, #tpu.memory_space<vmem_shared>> -> memref<16x128xf32, #tpu.memory_space<vmem_shared>>
      tpu.enqueue_dma source(%arg9 : memref<16x128xf32, #tpu.memory_space<vmem>>) target(%dma_start3A_1349 : memref<16x128xf32, #tpu.memory_space<vmem_shared>>) target_semaphore(%run_scoped3A_1345 : memref<!tpu.dma_semaphore, #tpu.memory_space<semaphore_mem>>)
      %dma_wait3A_1350 = arith.constant 0 : i32
      %dma_wait3A_1351 = tpu.memref_slice %arg18[%multiple_of3A_1106, %dma_wait3A_1350] : memref<10240x128xf32, #tpu.memory_space<vmem_shared>> -> memref<16x128xf32, #tpu.memory_space<vmem_shared>>
      %dma_wait3A_1352 = arith.constant 0 : i32
      %dma_wait3A_1353 = tpu.memref_slice %arg18[%multiple_of3A_1106, %dma_wait3A_1352] : memref<10240x128xf32, #tpu.memory_space<vmem_shared>> -> memref<16x128xf32, #tpu.memory_space<vmem_shared>>
      tpu.wait_dma2 semaphore(%run_scoped3A_1345 : memref<!tpu.dma_semaphore, #tpu.memory_space<semaphore_mem>>) src(%arg9 : memref<16x128xf32, #tpu.memory_space<vmem>>) dst(%dma_wait3A_1353 : memref<16x128xf32, #tpu.memory_space<vmem_shared>>)
      tpu.yield
    }) : () -> ()
    %mul3A_1107 = arith.constant 640 : i32
    %mul3A_1108 = arith.muli %arg1, %mul3A_1107 : i32
    %add3A_1109 = arith.constant 272 : i32
    %add3A_1110 = arith.addi %mul3A_1108, %add3A_1109 : i32
    %multiple_of3A_1111 = tpu.assume_multiple %add3A_1110, 8 : i32
    "tpu.region"() ({
      %run_scoped3A_1345 = tpu.sem_alloc : memref<!tpu.dma_semaphore, #tpu.memory_space<semaphore_mem>>
      %dma_start3A_1346 = arith.constant 0 : i32
      %dma_start3A_1347 = tpu.memref_slice %arg18[%multiple_of3A_1111, %dma_start3A_1346] : memref<10240x128xf32, #tpu.memory_space<vmem_shared>> -> memref<16x128xf32, #tpu.memory_space<vmem_shared>>
      %dma_start3A_1348 = arith.constant 0 : i32
      %dma_start3A_1349 = tpu.memref_slice %arg18[%multiple_of3A_1111, %dma_start3A_1348] : memref<10240x128xf32, #tpu.memory_space<vmem_shared>> -> memref<16x128xf32, #tpu.memory_space<vmem_shared>>
      tpu.enqueue_dma source(%arg9 : memref<16x128xf32, #tpu.memory_space<vmem>>) target(%dma_start3A_1349 : memref<16x128xf32, #tpu.memory_space<vmem_shared>>) target_semaphore(%run_scoped3A_1345 : memref<!tpu.dma_semaphore, #tpu.memory_space<semaphore_mem>>)
      %dma_wait3A_1350 = arith.constant 0 : i32
      %dma_wait3A_1351 = tpu.memref_slice %arg18[%multiple_of3A_1111, %dma_wait3A_1350] : memref<10240x128xf32, #tpu.memory_space<vmem_shared>> -> memref<16x128xf32, #tpu.memory_space<vmem_shared>>
      %dma_wait3A_1352 = arith.constant 0 : i32
      %dma_wait3A_1353 = tpu.memref_slice %arg18[%multiple_of3A_1111, %dma_wait3A_1352] : memref<10240x128xf32, #tpu.memory_space<vmem_shared>> -> memref<16x128xf32, #tpu.memory_space<vmem_shared>>
      tpu.wait_dma2 semaphore(%run_scoped3A_1345 : memref<!tpu.dma_semaphore, #tpu.memory_space<semaphore_mem>>) src(%arg9 : memref<16x128xf32, #tpu.memory_space<vmem>>) dst(%dma_wait3A_1353 : memref<16x128xf32, #tpu.memory_space<vmem_shared>>)
      tpu.yield
    }) : () -> ()
    %mul3A_1112 = arith.constant 640 : i32
    %mul3A_1113 = arith.muli %arg1, %mul3A_1112 : i32
    %add3A_1114 = arith.constant 288 : i32
    %add3A_1115 = arith.addi %mul3A_1113, %add3A_1114 : i32
    %multiple_of3A_1116 = tpu.assume_multiple %add3A_1115, 8 : i32
    "tpu.region"() ({
      %run_scoped3A_1345 = tpu.sem_alloc : memref<!tpu.dma_semaphore, #tpu.memory_space<semaphore_mem>>
      %dma_start3A_1346 = arith.constant 0 : i32
      %dma_start3A_1347 = tpu.memref_slice %arg18[%multiple_of3A_1116, %dma_start3A_1346] : memref<10240x128xf32, #tpu.memory_space<vmem_shared>> -> memref<16x128xf32, #tpu.memory_space<vmem_shared>>
      %dma_start3A_1348 = arith.constant 0 : i32
      %dma_start3A_1349 = tpu.memref_slice %arg18[%multiple_of3A_1116, %dma_start3A_1348] : memref<10240x128xf32, #tpu.memory_space<vmem_shared>> -> memref<16x128xf32, #tpu.memory_space<vmem_shared>>
      tpu.enqueue_dma source(%arg9 : memref<16x128xf32, #tpu.memory_space<vmem>>) target(%dma_start3A_1349 : memref<16x128xf32, #tpu.memory_space<vmem_shared>>) target_semaphore(%run_scoped3A_1345 : memref<!tpu.dma_semaphore, #tpu.memory_space<semaphore_mem>>)
      %dma_wait3A_1350 = arith.constant 0 : i32
      %dma_wait3A_1351 = tpu.memref_slice %arg18[%multiple_of3A_1116, %dma_wait3A_1350] : memref<10240x128xf32, #tpu.memory_space<vmem_shared>> -> memref<16x128xf32, #tpu.memory_space<vmem_shared>>
      %dma_wait3A_1352 = arith.constant 0 : i32
      %dma_wait3A_1353 = tpu.memref_slice %arg18[%multiple_of3A_1116, %dma_wait3A_1352] : memref<10240x128xf32, #tpu.memory_space<vmem_shared>> -> memref<16x128xf32, #tpu.memory_space<vmem_shared>>
      tpu.wait_dma2 semaphore(%run_scoped3A_1345 : memref<!tpu.dma_semaphore, #tpu.memory_space<semaphore_mem>>) src(%arg9 : memref<16x128xf32, #tpu.memory_space<vmem>>) dst(%dma_wait3A_1353 : memref<16x128xf32, #tpu.memory_space<vmem_shared>>)
      tpu.yield
    }) : () -> ()
    %mul3A_1117 = arith.constant 640 : i32
    %mul3A_1118 = arith.muli %arg1, %mul3A_1117 : i32
    %add3A_1119 = arith.constant 304 : i32
    %add3A_1120 = arith.addi %mul3A_1118, %add3A_1119 : i32
    %multiple_of3A_1121 = tpu.assume_multiple %add3A_1120, 8 : i32
    "tpu.region"() ({
      %run_scoped3A_1345 = tpu.sem_alloc : memref<!tpu.dma_semaphore, #tpu.memory_space<semaphore_mem>>
      %dma_start3A_1346 = arith.constant 0 : i32
      %dma_start3A_1347 = tpu.memref_slice %arg18[%multiple_of3A_1121, %dma_start3A_1346] : memref<10240x128xf32, #tpu.memory_space<vmem_shared>> -> memref<16x128xf32, #tpu.memory_space<vmem_shared>>
      %dma_start3A_1348 = arith.constant 0 : i32
      %dma_start3A_1349 = tpu.memref_slice %arg18[%multiple_of3A_1121, %dma_start3A_1348] : memref<10240x128xf32, #tpu.memory_space<vmem_shared>> -> memref<16x128xf32, #tpu.memory_space<vmem_shared>>
      tpu.enqueue_dma source(%arg9 : memref<16x128xf32, #tpu.memory_space<vmem>>) target(%dma_start3A_1349 : memref<16x128xf32, #tpu.memory_space<vmem_shared>>) target_semaphore(%run_scoped3A_1345 : memref<!tpu.dma_semaphore, #tpu.memory_space<semaphore_mem>>)
      %dma_wait3A_1350 = arith.constant 0 : i32
      %dma_wait3A_1351 = tpu.memref_slice %arg18[%multiple_of3A_1121, %dma_wait3A_1350] : memref<10240x128xf32, #tpu.memory_space<vmem_shared>> -> memref<16x128xf32, #tpu.memory_space<vmem_shared>>
      %dma_wait3A_1352 = arith.constant 0 : i32
      %dma_wait3A_1353 = tpu.memref_slice %arg18[%multiple_of3A_1121, %dma_wait3A_1352] : memref<10240x128xf32, #tpu.memory_space<vmem_shared>> -> memref<16x128xf32, #tpu.memory_space<vmem_shared>>
      tpu.wait_dma2 semaphore(%run_scoped3A_1345 : memref<!tpu.dma_semaphore, #tpu.memory_space<semaphore_mem>>) src(%arg9 : memref<16x128xf32, #tpu.memory_space<vmem>>) dst(%dma_wait3A_1353 : memref<16x128xf32, #tpu.memory_space<vmem_shared>>)
      tpu.yield
    }) : () -> ()
    %mul3A_1122 = arith.constant 640 : i32
    %mul3A_1123 = arith.muli %arg1, %mul3A_1122 : i32
    %add3A_1124 = arith.constant 320 : i32
    %add3A_1125 = arith.addi %mul3A_1123, %add3A_1124 : i32
    %multiple_of3A_1126 = tpu.assume_multiple %add3A_1125, 8 : i32
    "tpu.region"() ({
      %run_scoped3A_1345 = tpu.sem_alloc : memref<!tpu.dma_semaphore, #tpu.memory_space<semaphore_mem>>
      %dma_start3A_1346 = arith.constant 0 : i32
      %dma_start3A_1347 = tpu.memref_slice %arg18[%multiple_of3A_1126, %dma_start3A_1346] : memref<10240x128xf32, #tpu.memory_space<vmem_shared>> -> memref<16x128xf32, #tpu.memory_space<vmem_shared>>
      %dma_start3A_1348 = arith.constant 0 : i32
      %dma_start3A_1349 = tpu.memref_slice %arg18[%multiple_of3A_1126, %dma_start3A_1348] : memref<10240x128xf32, #tpu.memory_space<vmem_shared>> -> memref<16x128xf32, #tpu.memory_space<vmem_shared>>
      tpu.enqueue_dma source(%arg9 : memref<16x128xf32, #tpu.memory_space<vmem>>) target(%dma_start3A_1349 : memref<16x128xf32, #tpu.memory_space<vmem_shared>>) target_semaphore(%run_scoped3A_1345 : memref<!tpu.dma_semaphore, #tpu.memory_space<semaphore_mem>>)
      %dma_wait3A_1350 = arith.constant 0 : i32
      %dma_wait3A_1351 = tpu.memref_slice %arg18[%multiple_of3A_1126, %dma_wait3A_1350] : memref<10240x128xf32, #tpu.memory_space<vmem_shared>> -> memref<16x128xf32, #tpu.memory_space<vmem_shared>>
      %dma_wait3A_1352 = arith.constant 0 : i32
      %dma_wait3A_1353 = tpu.memref_slice %arg18[%multiple_of3A_1126, %dma_wait3A_1352] : memref<10240x128xf32, #tpu.memory_space<vmem_shared>> -> memref<16x128xf32, #tpu.memory_space<vmem_shared>>
      tpu.wait_dma2 semaphore(%run_scoped3A_1345 : memref<!tpu.dma_semaphore, #tpu.memory_space<semaphore_mem>>) src(%arg9 : memref<16x128xf32, #tpu.memory_space<vmem>>) dst(%dma_wait3A_1353 : memref<16x128xf32, #tpu.memory_space<vmem_shared>>)
      tpu.yield
    }) : () -> ()
    %mul3A_1127 = arith.constant 640 : i32
    %mul3A_1128 = arith.muli %arg1, %mul3A_1127 : i32
    %add3A_1129 = arith.constant 336 : i32
    %add3A_1130 = arith.addi %mul3A_1128, %add3A_1129 : i32
    %multiple_of3A_1131 = tpu.assume_multiple %add3A_1130, 8 : i32
    "tpu.region"() ({
      %run_scoped3A_1345 = tpu.sem_alloc : memref<!tpu.dma_semaphore, #tpu.memory_space<semaphore_mem>>
      %dma_start3A_1346 = arith.constant 0 : i32
      %dma_start3A_1347 = tpu.memref_slice %arg18[%multiple_of3A_1131, %dma_start3A_1346] : memref<10240x128xf32, #tpu.memory_space<vmem_shared>> -> memref<16x128xf32, #tpu.memory_space<vmem_shared>>
      %dma_start3A_1348 = arith.constant 0 : i32
      %dma_start3A_1349 = tpu.memref_slice %arg18[%multiple_of3A_1131, %dma_start3A_1348] : memref<10240x128xf32, #tpu.memory_space<vmem_shared>> -> memref<16x128xf32, #tpu.memory_space<vmem_shared>>
      tpu.enqueue_dma source(%arg9 : memref<16x128xf32, #tpu.memory_space<vmem>>) target(%dma_start3A_1349 : memref<16x128xf32, #tpu.memory_space<vmem_shared>>) target_semaphore(%run_scoped3A_1345 : memref<!tpu.dma_semaphore, #tpu.memory_space<semaphore_mem>>)
      %dma_wait3A_1350 = arith.constant 0 : i32
      %dma_wait3A_1351 = tpu.memref_slice %arg18[%multiple_of3A_1131, %dma_wait3A_1350] : memref<10240x128xf32, #tpu.memory_space<vmem_shared>> -> memref<16x128xf32, #tpu.memory_space<vmem_shared>>
      %dma_wait3A_1352 = arith.constant 0 : i32
      %dma_wait3A_1353 = tpu.memref_slice %arg18[%multiple_of3A_1131, %dma_wait3A_1352] : memref<10240x128xf32, #tpu.memory_space<vmem_shared>> -> memref<16x128xf32, #tpu.memory_space<vmem_shared>>
      tpu.wait_dma2 semaphore(%run_scoped3A_1345 : memref<!tpu.dma_semaphore, #tpu.memory_space<semaphore_mem>>) src(%arg9 : memref<16x128xf32, #tpu.memory_space<vmem>>) dst(%dma_wait3A_1353 : memref<16x128xf32, #tpu.memory_space<vmem_shared>>)
      tpu.yield
    }) : () -> ()
    %mul3A_1132 = arith.constant 640 : i32
    %mul3A_1133 = arith.muli %arg1, %mul3A_1132 : i32
    %add3A_1134 = arith.constant 352 : i32
    %add3A_1135 = arith.addi %mul3A_1133, %add3A_1134 : i32
    %multiple_of3A_1136 = tpu.assume_multiple %add3A_1135, 8 : i32
    "tpu.region"() ({
      %run_scoped3A_1345 = tpu.sem_alloc : memref<!tpu.dma_semaphore, #tpu.memory_space<semaphore_mem>>
      %dma_start3A_1346 = arith.constant 0 : i32
      %dma_start3A_1347 = tpu.memref_slice %arg18[%multiple_of3A_1136, %dma_start3A_1346] : memref<10240x128xf32, #tpu.memory_space<vmem_shared>> -> memref<16x128xf32, #tpu.memory_space<vmem_shared>>
      %dma_start3A_1348 = arith.constant 0 : i32
      %dma_start3A_1349 = tpu.memref_slice %arg18[%multiple_of3A_1136, %dma_start3A_1348] : memref<10240x128xf32, #tpu.memory_space<vmem_shared>> -> memref<16x128xf32, #tpu.memory_space<vmem_shared>>
      tpu.enqueue_dma source(%arg9 : memref<16x128xf32, #tpu.memory_space<vmem>>) target(%dma_start3A_1349 : memref<16x128xf32, #tpu.memory_space<vmem_shared>>) target_semaphore(%run_scoped3A_1345 : memref<!tpu.dma_semaphore, #tpu.memory_space<semaphore_mem>>)
      %dma_wait3A_1350 = arith.constant 0 : i32
      %dma_wait3A_1351 = tpu.memref_slice %arg18[%multiple_of3A_1136, %dma_wait3A_1350] : memref<10240x128xf32, #tpu.memory_space<vmem_shared>> -> memref<16x128xf32, #tpu.memory_space<vmem_shared>>
      %dma_wait3A_1352 = arith.constant 0 : i32
      %dma_wait3A_1353 = tpu.memref_slice %arg18[%multiple_of3A_1136, %dma_wait3A_1352] : memref<10240x128xf32, #tpu.memory_space<vmem_shared>> -> memref<16x128xf32, #tpu.memory_space<vmem_shared>>
      tpu.wait_dma2 semaphore(%run_scoped3A_1345 : memref<!tpu.dma_semaphore, #tpu.memory_space<semaphore_mem>>) src(%arg9 : memref<16x128xf32, #tpu.memory_space<vmem>>) dst(%dma_wait3A_1353 : memref<16x128xf32, #tpu.memory_space<vmem_shared>>)
      tpu.yield
    }) : () -> ()
    %mul3A_1137 = arith.constant 640 : i32
    %mul3A_1138 = arith.muli %arg1, %mul3A_1137 : i32
    %add3A_1139 = arith.constant 368 : i32
    %add3A_1140 = arith.addi %mul3A_1138, %add3A_1139 : i32
    %multiple_of3A_1141 = tpu.assume_multiple %add3A_1140, 8 : i32
    "tpu.region"() ({
      %run_scoped3A_1345 = tpu.sem_alloc : memref<!tpu.dma_semaphore, #tpu.memory_space<semaphore_mem>>
      %dma_start3A_1346 = arith.constant 0 : i32
      %dma_start3A_1347 = tpu.memref_slice %arg18[%multiple_of3A_1141, %dma_start3A_1346] : memref<10240x128xf32, #tpu.memory_space<vmem_shared>> -> memref<16x128xf32, #tpu.memory_space<vmem_shared>>
      %dma_start3A_1348 = arith.constant 0 : i32
      %dma_start3A_1349 = tpu.memref_slice %arg18[%multiple_of3A_1141, %dma_start3A_1348] : memref<10240x128xf32, #tpu.memory_space<vmem_shared>> -> memref<16x128xf32, #tpu.memory_space<vmem_shared>>
      tpu.enqueue_dma source(%arg9 : memref<16x128xf32, #tpu.memory_space<vmem>>) target(%dma_start3A_1349 : memref<16x128xf32, #tpu.memory_space<vmem_shared>>) target_semaphore(%run_scoped3A_1345 : memref<!tpu.dma_semaphore, #tpu.memory_space<semaphore_mem>>)
      %dma_wait3A_1350 = arith.constant 0 : i32
      %dma_wait3A_1351 = tpu.memref_slice %arg18[%multiple_of3A_1141, %dma_wait3A_1350] : memref<10240x128xf32, #tpu.memory_space<vmem_shared>> -> memref<16x128xf32, #tpu.memory_space<vmem_shared>>
      %dma_wait3A_1352 = arith.constant 0 : i32
      %dma_wait3A_1353 = tpu.memref_slice %arg18[%multiple_of3A_1141, %dma_wait3A_1352] : memref<10240x128xf32, #tpu.memory_space<vmem_shared>> -> memref<16x128xf32, #tpu.memory_space<vmem_shared>>
      tpu.wait_dma2 semaphore(%run_scoped3A_1345 : memref<!tpu.dma_semaphore, #tpu.memory_space<semaphore_mem>>) src(%arg9 : memref<16x128xf32, #tpu.memory_space<vmem>>) dst(%dma_wait3A_1353 : memref<16x128xf32, #tpu.memory_space<vmem_shared>>)
      tpu.yield
    }) : () -> ()
    %mul3A_1142 = arith.constant 640 : i32
    %mul3A_1143 = arith.muli %arg1, %mul3A_1142 : i32
    %add3A_1144 = arith.constant 384 : i32
    %add3A_1145 = arith.addi %mul3A_1143, %add3A_1144 : i32
    %multiple_of3A_1146 = tpu.assume_multiple %add3A_1145, 8 : i32
    "tpu.region"() ({
      %run_scoped3A_1345 = tpu.sem_alloc : memref<!tpu.dma_semaphore, #tpu.memory_space<semaphore_mem>>
      %dma_start3A_1346 = arith.constant 0 : i32
      %dma_start3A_1347 = tpu.memref_slice %arg18[%multiple_of3A_1146, %dma_start3A_1346] : memref<10240x128xf32, #tpu.memory_space<vmem_shared>> -> memref<16x128xf32, #tpu.memory_space<vmem_shared>>
      %dma_start3A_1348 = arith.constant 0 : i32
      %dma_start3A_1349 = tpu.memref_slice %arg18[%multiple_of3A_1146, %dma_start3A_1348] : memref<10240x128xf32, #tpu.memory_space<vmem_shared>> -> memref<16x128xf32, #tpu.memory_space<vmem_shared>>
      tpu.enqueue_dma source(%arg9 : memref<16x128xf32, #tpu.memory_space<vmem>>) target(%dma_start3A_1349 : memref<16x128xf32, #tpu.memory_space<vmem_shared>>) target_semaphore(%run_scoped3A_1345 : memref<!tpu.dma_semaphore, #tpu.memory_space<semaphore_mem>>)
      %dma_wait3A_1350 = arith.constant 0 : i32
      %dma_wait3A_1351 = tpu.memref_slice %arg18[%multiple_of3A_1146, %dma_wait3A_1350] : memref<10240x128xf32, #tpu.memory_space<vmem_shared>> -> memref<16x128xf32, #tpu.memory_space<vmem_shared>>
      %dma_wait3A_1352 = arith.constant 0 : i32
      %dma_wait3A_1353 = tpu.memref_slice %arg18[%multiple_of3A_1146, %dma_wait3A_1352] : memref<10240x128xf32, #tpu.memory_space<vmem_shared>> -> memref<16x128xf32, #tpu.memory_space<vmem_shared>>
      tpu.wait_dma2 semaphore(%run_scoped3A_1345 : memref<!tpu.dma_semaphore, #tpu.memory_space<semaphore_mem>>) src(%arg9 : memref<16x128xf32, #tpu.memory_space<vmem>>) dst(%dma_wait3A_1353 : memref<16x128xf32, #tpu.memory_space<vmem_shared>>)
      tpu.yield
    }) : () -> ()
    %mul3A_1147 = arith.constant 640 : i32
    %mul3A_1148 = arith.muli %arg1, %mul3A_1147 : i32
    %add3A_1149 = arith.constant 400 : i32
    %add3A_1150 = arith.addi %mul3A_1148, %add3A_1149 : i32
    %multiple_of3A_1151 = tpu.assume_multiple %add3A_1150, 8 : i32
    "tpu.region"() ({
      %run_scoped3A_1345 = tpu.sem_alloc : memref<!tpu.dma_semaphore, #tpu.memory_space<semaphore_mem>>
      %dma_start3A_1346 = arith.constant 0 : i32
      %dma_start3A_1347 = tpu.memref_slice %arg18[%multiple_of3A_1151, %dma_start3A_1346] : memref<10240x128xf32, #tpu.memory_space<vmem_shared>> -> memref<16x128xf32, #tpu.memory_space<vmem_shared>>
      %dma_start3A_1348 = arith.constant 0 : i32
      %dma_start3A_1349 = tpu.memref_slice %arg18[%multiple_of3A_1151, %dma_start3A_1348] : memref<10240x128xf32, #tpu.memory_space<vmem_shared>> -> memref<16x128xf32, #tpu.memory_space<vmem_shared>>
      tpu.enqueue_dma source(%arg9 : memref<16x128xf32, #tpu.memory_space<vmem>>) target(%dma_start3A_1349 : memref<16x128xf32, #tpu.memory_space<vmem_shared>>) target_semaphore(%run_scoped3A_1345 : memref<!tpu.dma_semaphore, #tpu.memory_space<semaphore_mem>>)
      %dma_wait3A_1350 = arith.constant 0 : i32
      %dma_wait3A_1351 = tpu.memref_slice %arg18[%multiple_of3A_1151, %dma_wait3A_1350] : memref<10240x128xf32, #tpu.memory_space<vmem_shared>> -> memref<16x128xf32, #tpu.memory_space<vmem_shared>>
      %dma_wait3A_1352 = arith.constant 0 : i32
      %dma_wait3A_1353 = tpu.memref_slice %arg18[%multiple_of3A_1151, %dma_wait3A_1352] : memref<10240x128xf32, #tpu.memory_space<vmem_shared>> -> memref<16x128xf32, #tpu.memory_space<vmem_shared>>
      tpu.wait_dma2 semaphore(%run_scoped3A_1345 : memref<!tpu.dma_semaphore, #tpu.memory_space<semaphore_mem>>) src(%arg9 : memref<16x128xf32, #tpu.memory_space<vmem>>) dst(%dma_wait3A_1353 : memref<16x128xf32, #tpu.memory_space<vmem_shared>>)
      tpu.yield
    }) : () -> ()
    %mul3A_1152 = arith.constant 640 : i32
    %mul3A_1153 = arith.muli %arg1, %mul3A_1152 : i32
    %add3A_1154 = arith.constant 416 : i32
    %add3A_1155 = arith.addi %mul3A_1153, %add3A_1154 : i32
    %multiple_of3A_1156 = tpu.assume_multiple %add3A_1155, 8 : i32
    "tpu.region"() ({
      %run_scoped3A_1345 = tpu.sem_alloc : memref<!tpu.dma_semaphore, #tpu.memory_space<semaphore_mem>>
      %dma_start3A_1346 = arith.constant 0 : i32
      %dma_start3A_1347 = tpu.memref_slice %arg18[%multiple_of3A_1156, %dma_start3A_1346] : memref<10240x128xf32, #tpu.memory_space<vmem_shared>> -> memref<16x128xf32, #tpu.memory_space<vmem_shared>>
      %dma_start3A_1348 = arith.constant 0 : i32
      %dma_start3A_1349 = tpu.memref_slice %arg18[%multiple_of3A_1156, %dma_start3A_1348] : memref<10240x128xf32, #tpu.memory_space<vmem_shared>> -> memref<16x128xf32, #tpu.memory_space<vmem_shared>>
      tpu.enqueue_dma source(%arg9 : memref<16x128xf32, #tpu.memory_space<vmem>>) target(%dma_start3A_1349 : memref<16x128xf32, #tpu.memory_space<vmem_shared>>) target_semaphore(%run_scoped3A_1345 : memref<!tpu.dma_semaphore, #tpu.memory_space<semaphore_mem>>)
      %dma_wait3A_1350 = arith.constant 0 : i32
      %dma_wait3A_1351 = tpu.memref_slice %arg18[%multiple_of3A_1156, %dma_wait3A_1350] : memref<10240x128xf32, #tpu.memory_space<vmem_shared>> -> memref<16x128xf32, #tpu.memory_space<vmem_shared>>
      %dma_wait3A_1352 = arith.constant 0 : i32
      %dma_wait3A_1353 = tpu.memref_slice %arg18[%multiple_of3A_1156, %dma_wait3A_1352] : memref<10240x128xf32, #tpu.memory_space<vmem_shared>> -> memref<16x128xf32, #tpu.memory_space<vmem_shared>>
      tpu.wait_dma2 semaphore(%run_scoped3A_1345 : memref<!tpu.dma_semaphore, #tpu.memory_space<semaphore_mem>>) src(%arg9 : memref<16x128xf32, #tpu.memory_space<vmem>>) dst(%dma_wait3A_1353 : memref<16x128xf32, #tpu.memory_space<vmem_shared>>)
      tpu.yield
    }) : () -> ()
    %mul3A_1157 = arith.constant 640 : i32
    %mul3A_1158 = arith.muli %arg1, %mul3A_1157 : i32
    %add3A_1159 = arith.constant 432 : i32
    %add3A_1160 = arith.addi %mul3A_1158, %add3A_1159 : i32
    %multiple_of3A_1161 = tpu.assume_multiple %add3A_1160, 8 : i32
    "tpu.region"() ({
      %run_scoped3A_1345 = tpu.sem_alloc : memref<!tpu.dma_semaphore, #tpu.memory_space<semaphore_mem>>
      %dma_start3A_1346 = arith.constant 0 : i32
      %dma_start3A_1347 = tpu.memref_slice %arg18[%multiple_of3A_1161, %dma_start3A_1346] : memref<10240x128xf32, #tpu.memory_space<vmem_shared>> -> memref<16x128xf32, #tpu.memory_space<vmem_shared>>
      %dma_start3A_1348 = arith.constant 0 : i32
      %dma_start3A_1349 = tpu.memref_slice %arg18[%multiple_of3A_1161, %dma_start3A_1348] : memref<10240x128xf32, #tpu.memory_space<vmem_shared>> -> memref<16x128xf32, #tpu.memory_space<vmem_shared>>
      tpu.enqueue_dma source(%arg9 : memref<16x128xf32, #tpu.memory_space<vmem>>) target(%dma_start3A_1349 : memref<16x128xf32, #tpu.memory_space<vmem_shared>>) target_semaphore(%run_scoped3A_1345 : memref<!tpu.dma_semaphore, #tpu.memory_space<semaphore_mem>>)
      %dma_wait3A_1350 = arith.constant 0 : i32
      %dma_wait3A_1351 = tpu.memref_slice %arg18[%multiple_of3A_1161, %dma_wait3A_1350] : memref<10240x128xf32, #tpu.memory_space<vmem_shared>> -> memref<16x128xf32, #tpu.memory_space<vmem_shared>>
      %dma_wait3A_1352 = arith.constant 0 : i32
      %dma_wait3A_1353 = tpu.memref_slice %arg18[%multiple_of3A_1161, %dma_wait3A_1352] : memref<10240x128xf32, #tpu.memory_space<vmem_shared>> -> memref<16x128xf32, #tpu.memory_space<vmem_shared>>
      tpu.wait_dma2 semaphore(%run_scoped3A_1345 : memref<!tpu.dma_semaphore, #tpu.memory_space<semaphore_mem>>) src(%arg9 : memref<16x128xf32, #tpu.memory_space<vmem>>) dst(%dma_wait3A_1353 : memref<16x128xf32, #tpu.memory_space<vmem_shared>>)
      tpu.yield
    }) : () -> ()
    %mul3A_1162 = arith.constant 640 : i32
    %mul3A_1163 = arith.muli %arg1, %mul3A_1162 : i32
    %add3A_1164 = arith.constant 448 : i32
    %add3A_1165 = arith.addi %mul3A_1163, %add3A_1164 : i32
    %multiple_of3A_1166 = tpu.assume_multiple %add3A_1165, 8 : i32
    "tpu.region"() ({
      %run_scoped3A_1345 = tpu.sem_alloc : memref<!tpu.dma_semaphore, #tpu.memory_space<semaphore_mem>>
      %dma_start3A_1346 = arith.constant 0 : i32
      %dma_start3A_1347 = tpu.memref_slice %arg18[%multiple_of3A_1166, %dma_start3A_1346] : memref<10240x128xf32, #tpu.memory_space<vmem_shared>> -> memref<16x128xf32, #tpu.memory_space<vmem_shared>>
      %dma_start3A_1348 = arith.constant 0 : i32
      %dma_start3A_1349 = tpu.memref_slice %arg18[%multiple_of3A_1166, %dma_start3A_1348] : memref<10240x128xf32, #tpu.memory_space<vmem_shared>> -> memref<16x128xf32, #tpu.memory_space<vmem_shared>>
      tpu.enqueue_dma source(%arg9 : memref<16x128xf32, #tpu.memory_space<vmem>>) target(%dma_start3A_1349 : memref<16x128xf32, #tpu.memory_space<vmem_shared>>) target_semaphore(%run_scoped3A_1345 : memref<!tpu.dma_semaphore, #tpu.memory_space<semaphore_mem>>)
      %dma_wait3A_1350 = arith.constant 0 : i32
      %dma_wait3A_1351 = tpu.memref_slice %arg18[%multiple_of3A_1166, %dma_wait3A_1350] : memref<10240x128xf32, #tpu.memory_space<vmem_shared>> -> memref<16x128xf32, #tpu.memory_space<vmem_shared>>
      %dma_wait3A_1352 = arith.constant 0 : i32
      %dma_wait3A_1353 = tpu.memref_slice %arg18[%multiple_of3A_1166, %dma_wait3A_1352] : memref<10240x128xf32, #tpu.memory_space<vmem_shared>> -> memref<16x128xf32, #tpu.memory_space<vmem_shared>>
      tpu.wait_dma2 semaphore(%run_scoped3A_1345 : memref<!tpu.dma_semaphore, #tpu.memory_space<semaphore_mem>>) src(%arg9 : memref<16x128xf32, #tpu.memory_space<vmem>>) dst(%dma_wait3A_1353 : memref<16x128xf32, #tpu.memory_space<vmem_shared>>)
      tpu.yield
    }) : () -> ()
    %mul3A_1167 = arith.constant 640 : i32
    %mul3A_1168 = arith.muli %arg1, %mul3A_1167 : i32
    %add3A_1169 = arith.constant 464 : i32
    %add3A_1170 = arith.addi %mul3A_1168, %add3A_1169 : i32
    %multiple_of3A_1171 = tpu.assume_multiple %add3A_1170, 8 : i32
    "tpu.region"() ({
      %run_scoped3A_1345 = tpu.sem_alloc : memref<!tpu.dma_semaphore, #tpu.memory_space<semaphore_mem>>
      %dma_start3A_1346 = arith.constant 0 : i32
      %dma_start3A_1347 = tpu.memref_slice %arg18[%multiple_of3A_1171, %dma_start3A_1346] : memref<10240x128xf32, #tpu.memory_space<vmem_shared>> -> memref<16x128xf32, #tpu.memory_space<vmem_shared>>
      %dma_start3A_1348 = arith.constant 0 : i32
      %dma_start3A_1349 = tpu.memref_slice %arg18[%multiple_of3A_1171, %dma_start3A_1348] : memref<10240x128xf32, #tpu.memory_space<vmem_shared>> -> memref<16x128xf32, #tpu.memory_space<vmem_shared>>
      tpu.enqueue_dma source(%arg9 : memref<16x128xf32, #tpu.memory_space<vmem>>) target(%dma_start3A_1349 : memref<16x128xf32, #tpu.memory_space<vmem_shared>>) target_semaphore(%run_scoped3A_1345 : memref<!tpu.dma_semaphore, #tpu.memory_space<semaphore_mem>>)
      %dma_wait3A_1350 = arith.constant 0 : i32
      %dma_wait3A_1351 = tpu.memref_slice %arg18[%multiple_of3A_1171, %dma_wait3A_1350] : memref<10240x128xf32, #tpu.memory_space<vmem_shared>> -> memref<16x128xf32, #tpu.memory_space<vmem_shared>>
      %dma_wait3A_1352 = arith.constant 0 : i32
      %dma_wait3A_1353 = tpu.memref_slice %arg18[%multiple_of3A_1171, %dma_wait3A_1352] : memref<10240x128xf32, #tpu.memory_space<vmem_shared>> -> memref<16x128xf32, #tpu.memory_space<vmem_shared>>
      tpu.wait_dma2 semaphore(%run_scoped3A_1345 : memref<!tpu.dma_semaphore, #tpu.memory_space<semaphore_mem>>) src(%arg9 : memref<16x128xf32, #tpu.memory_space<vmem>>) dst(%dma_wait3A_1353 : memref<16x128xf32, #tpu.memory_space<vmem_shared>>)
      tpu.yield
    }) : () -> ()
    %mul3A_1172 = arith.constant 640 : i32
    %mul3A_1173 = arith.muli %arg1, %mul3A_1172 : i32
    %add3A_1174 = arith.constant 480 : i32
    %add3A_1175 = arith.addi %mul3A_1173, %add3A_1174 : i32
    %multiple_of3A_1176 = tpu.assume_multiple %add3A_1175, 8 : i32
    "tpu.region"() ({
      %run_scoped3A_1345 = tpu.sem_alloc : memref<!tpu.dma_semaphore, #tpu.memory_space<semaphore_mem>>
      %dma_start3A_1346 = arith.constant 0 : i32
      %dma_start3A_1347 = tpu.memref_slice %arg18[%multiple_of3A_1176, %dma_start3A_1346] : memref<10240x128xf32, #tpu.memory_space<vmem_shared>> -> memref<16x128xf32, #tpu.memory_space<vmem_shared>>
      %dma_start3A_1348 = arith.constant 0 : i32
      %dma_start3A_1349 = tpu.memref_slice %arg18[%multiple_of3A_1176, %dma_start3A_1348] : memref<10240x128xf32, #tpu.memory_space<vmem_shared>> -> memref<16x128xf32, #tpu.memory_space<vmem_shared>>
      tpu.enqueue_dma source(%arg9 : memref<16x128xf32, #tpu.memory_space<vmem>>) target(%dma_start3A_1349 : memref<16x128xf32, #tpu.memory_space<vmem_shared>>) target_semaphore(%run_scoped3A_1345 : memref<!tpu.dma_semaphore, #tpu.memory_space<semaphore_mem>>)
      %dma_wait3A_1350 = arith.constant 0 : i32
      %dma_wait3A_1351 = tpu.memref_slice %arg18[%multiple_of3A_1176, %dma_wait3A_1350] : memref<10240x128xf32, #tpu.memory_space<vmem_shared>> -> memref<16x128xf32, #tpu.memory_space<vmem_shared>>
      %dma_wait3A_1352 = arith.constant 0 : i32
      %dma_wait3A_1353 = tpu.memref_slice %arg18[%multiple_of3A_1176, %dma_wait3A_1352] : memref<10240x128xf32, #tpu.memory_space<vmem_shared>> -> memref<16x128xf32, #tpu.memory_space<vmem_shared>>
      tpu.wait_dma2 semaphore(%run_scoped3A_1345 : memref<!tpu.dma_semaphore, #tpu.memory_space<semaphore_mem>>) src(%arg9 : memref<16x128xf32, #tpu.memory_space<vmem>>) dst(%dma_wait3A_1353 : memref<16x128xf32, #tpu.memory_space<vmem_shared>>)
      tpu.yield
    }) : () -> ()
    %mul3A_1177 = arith.constant 640 : i32
    %mul3A_1178 = arith.muli %arg1, %mul3A_1177 : i32
    %add3A_1179 = arith.constant 496 : i32
    %add3A_1180 = arith.addi %mul3A_1178, %add3A_1179 : i32
    %multiple_of3A_1181 = tpu.assume_multiple %add3A_1180, 8 : i32
    "tpu.region"() ({
      %run_scoped3A_1345 = tpu.sem_alloc : memref<!tpu.dma_semaphore, #tpu.memory_space<semaphore_mem>>
      %dma_start3A_1346 = arith.constant 0 : i32
      %dma_start3A_1347 = tpu.memref_slice %arg18[%multiple_of3A_1181, %dma_start3A_1346] : memref<10240x128xf32, #tpu.memory_space<vmem_shared>> -> memref<16x128xf32, #tpu.memory_space<vmem_shared>>
      %dma_start3A_1348 = arith.constant 0 : i32
      %dma_start3A_1349 = tpu.memref_slice %arg18[%multiple_of3A_1181, %dma_start3A_1348] : memref<10240x128xf32, #tpu.memory_space<vmem_shared>> -> memref<16x128xf32, #tpu.memory_space<vmem_shared>>
      tpu.enqueue_dma source(%arg9 : memref<16x128xf32, #tpu.memory_space<vmem>>) target(%dma_start3A_1349 : memref<16x128xf32, #tpu.memory_space<vmem_shared>>) target_semaphore(%run_scoped3A_1345 : memref<!tpu.dma_semaphore, #tpu.memory_space<semaphore_mem>>)
      %dma_wait3A_1350 = arith.constant 0 : i32
      %dma_wait3A_1351 = tpu.memref_slice %arg18[%multiple_of3A_1181, %dma_wait3A_1350] : memref<10240x128xf32, #tpu.memory_space<vmem_shared>> -> memref<16x128xf32, #tpu.memory_space<vmem_shared>>
      %dma_wait3A_1352 = arith.constant 0 : i32
      %dma_wait3A_1353 = tpu.memref_slice %arg18[%multiple_of3A_1181, %dma_wait3A_1352] : memref<10240x128xf32, #tpu.memory_space<vmem_shared>> -> memref<16x128xf32, #tpu.memory_space<vmem_shared>>
      tpu.wait_dma2 semaphore(%run_scoped3A_1345 : memref<!tpu.dma_semaphore, #tpu.memory_space<semaphore_mem>>) src(%arg9 : memref<16x128xf32, #tpu.memory_space<vmem>>) dst(%dma_wait3A_1353 : memref<16x128xf32, #tpu.memory_space<vmem_shared>>)
      tpu.yield
    }) : () -> ()
    %mul3A_1182 = arith.constant 640 : i32
    %mul3A_1183 = arith.muli %arg1, %mul3A_1182 : i32
    %add3A_1184 = arith.constant 512 : i32
    %add3A_1185 = arith.addi %mul3A_1183, %add3A_1184 : i32
    %multiple_of3A_1186 = tpu.assume_multiple %add3A_1185, 8 : i32
    "tpu.region"() ({
      %run_scoped3A_1345 = tpu.sem_alloc : memref<!tpu.dma_semaphore, #tpu.memory_space<semaphore_mem>>
      %dma_start3A_1346 = arith.constant 0 : i32
      %dma_start3A_1347 = tpu.memref_slice %arg18[%multiple_of3A_1186, %dma_start3A_1346] : memref<10240x128xf32, #tpu.memory_space<vmem_shared>> -> memref<16x128xf32, #tpu.memory_space<vmem_shared>>
      %dma_start3A_1348 = arith.constant 0 : i32
      %dma_start3A_1349 = tpu.memref_slice %arg18[%multiple_of3A_1186, %dma_start3A_1348] : memref<10240x128xf32, #tpu.memory_space<vmem_shared>> -> memref<16x128xf32, #tpu.memory_space<vmem_shared>>
      tpu.enqueue_dma source(%arg9 : memref<16x128xf32, #tpu.memory_space<vmem>>) target(%dma_start3A_1349 : memref<16x128xf32, #tpu.memory_space<vmem_shared>>) target_semaphore(%run_scoped3A_1345 : memref<!tpu.dma_semaphore, #tpu.memory_space<semaphore_mem>>)
      %dma_wait3A_1350 = arith.constant 0 : i32
      %dma_wait3A_1351 = tpu.memref_slice %arg18[%multiple_of3A_1186, %dma_wait3A_1350] : memref<10240x128xf32, #tpu.memory_space<vmem_shared>> -> memref<16x128xf32, #tpu.memory_space<vmem_shared>>
      %dma_wait3A_1352 = arith.constant 0 : i32
      %dma_wait3A_1353 = tpu.memref_slice %arg18[%multiple_of3A_1186, %dma_wait3A_1352] : memref<10240x128xf32, #tpu.memory_space<vmem_shared>> -> memref<16x128xf32, #tpu.memory_space<vmem_shared>>
      tpu.wait_dma2 semaphore(%run_scoped3A_1345 : memref<!tpu.dma_semaphore, #tpu.memory_space<semaphore_mem>>) src(%arg9 : memref<16x128xf32, #tpu.memory_space<vmem>>) dst(%dma_wait3A_1353 : memref<16x128xf32, #tpu.memory_space<vmem_shared>>)
      tpu.yield
    }) : () -> ()
    %mul3A_1187 = arith.constant 640 : i32
    %mul3A_1188 = arith.muli %arg1, %mul3A_1187 : i32
    %add3A_1189 = arith.constant 528 : i32
    %add3A_1190 = arith.addi %mul3A_1188, %add3A_1189 : i32
    %multiple_of3A_1191 = tpu.assume_multiple %add3A_1190, 8 : i32
    "tpu.region"() ({
      %run_scoped3A_1345 = tpu.sem_alloc : memref<!tpu.dma_semaphore, #tpu.memory_space<semaphore_mem>>
      %dma_start3A_1346 = arith.constant 0 : i32
      %dma_start3A_1347 = tpu.memref_slice %arg18[%multiple_of3A_1191, %dma_start3A_1346] : memref<10240x128xf32, #tpu.memory_space<vmem_shared>> -> memref<16x128xf32, #tpu.memory_space<vmem_shared>>
      %dma_start3A_1348 = arith.constant 0 : i32
      %dma_start3A_1349 = tpu.memref_slice %arg18[%multiple_of3A_1191, %dma_start3A_1348] : memref<10240x128xf32, #tpu.memory_space<vmem_shared>> -> memref<16x128xf32, #tpu.memory_space<vmem_shared>>
      tpu.enqueue_dma source(%arg9 : memref<16x128xf32, #tpu.memory_space<vmem>>) target(%dma_start3A_1349 : memref<16x128xf32, #tpu.memory_space<vmem_shared>>) target_semaphore(%run_scoped3A_1345 : memref<!tpu.dma_semaphore, #tpu.memory_space<semaphore_mem>>)
      %dma_wait3A_1350 = arith.constant 0 : i32
      %dma_wait3A_1351 = tpu.memref_slice %arg18[%multiple_of3A_1191, %dma_wait3A_1350] : memref<10240x128xf32, #tpu.memory_space<vmem_shared>> -> memref<16x128xf32, #tpu.memory_space<vmem_shared>>
      %dma_wait3A_1352 = arith.constant 0 : i32
      %dma_wait3A_1353 = tpu.memref_slice %arg18[%multiple_of3A_1191, %dma_wait3A_1352] : memref<10240x128xf32, #tpu.memory_space<vmem_shared>> -> memref<16x128xf32, #tpu.memory_space<vmem_shared>>
      tpu.wait_dma2 semaphore(%run_scoped3A_1345 : memref<!tpu.dma_semaphore, #tpu.memory_space<semaphore_mem>>) src(%arg9 : memref<16x128xf32, #tpu.memory_space<vmem>>) dst(%dma_wait3A_1353 : memref<16x128xf32, #tpu.memory_space<vmem_shared>>)
      tpu.yield
    }) : () -> ()
    %mul3A_1192 = arith.constant 640 : i32
    %mul3A_1193 = arith.muli %arg1, %mul3A_1192 : i32
    %add3A_1194 = arith.constant 544 : i32
    %add3A_1195 = arith.addi %mul3A_1193, %add3A_1194 : i32
    %multiple_of3A_1196 = tpu.assume_multiple %add3A_1195, 8 : i32
    "tpu.region"() ({
      %run_scoped3A_1345 = tpu.sem_alloc : memref<!tpu.dma_semaphore, #tpu.memory_space<semaphore_mem>>
      %dma_start3A_1346 = arith.constant 0 : i32
      %dma_start3A_1347 = tpu.memref_slice %arg18[%multiple_of3A_1196, %dma_start3A_1346] : memref<10240x128xf32, #tpu.memory_space<vmem_shared>> -> memref<16x128xf32, #tpu.memory_space<vmem_shared>>
      %dma_start3A_1348 = arith.constant 0 : i32
      %dma_start3A_1349 = tpu.memref_slice %arg18[%multiple_of3A_1196, %dma_start3A_1348] : memref<10240x128xf32, #tpu.memory_space<vmem_shared>> -> memref<16x128xf32, #tpu.memory_space<vmem_shared>>
      tpu.enqueue_dma source(%arg9 : memref<16x128xf32, #tpu.memory_space<vmem>>) target(%dma_start3A_1349 : memref<16x128xf32, #tpu.memory_space<vmem_shared>>) target_semaphore(%run_scoped3A_1345 : memref<!tpu.dma_semaphore, #tpu.memory_space<semaphore_mem>>)
      %dma_wait3A_1350 = arith.constant 0 : i32
      %dma_wait3A_1351 = tpu.memref_slice %arg18[%multiple_of3A_1196, %dma_wait3A_1350] : memref<10240x128xf32, #tpu.memory_space<vmem_shared>> -> memref<16x128xf32, #tpu.memory_space<vmem_shared>>
      %dma_wait3A_1352 = arith.constant 0 : i32
      %dma_wait3A_1353 = tpu.memref_slice %arg18[%multiple_of3A_1196, %dma_wait3A_1352] : memref<10240x128xf32, #tpu.memory_space<vmem_shared>> -> memref<16x128xf32, #tpu.memory_space<vmem_shared>>
      tpu.wait_dma2 semaphore(%run_scoped3A_1345 : memref<!tpu.dma_semaphore, #tpu.memory_space<semaphore_mem>>) src(%arg9 : memref<16x128xf32, #tpu.memory_space<vmem>>) dst(%dma_wait3A_1353 : memref<16x128xf32, #tpu.memory_space<vmem_shared>>)
      tpu.yield
    }) : () -> ()
    %mul3A_1197 = arith.constant 640 : i32
    %mul3A_1198 = arith.muli %arg1, %mul3A_1197 : i32
    %add3A_1199 = arith.constant 560 : i32
    %add3A_1200 = arith.addi %mul3A_1198, %add3A_1199 : i32
    %multiple_of3A_1201 = tpu.assume_multiple %add3A_1200, 8 : i32
    "tpu.region"() ({
      %run_scoped3A_1345 = tpu.sem_alloc : memref<!tpu.dma_semaphore, #tpu.memory_space<semaphore_mem>>
      %dma_start3A_1346 = arith.constant 0 : i32
      %dma_start3A_1347 = tpu.memref_slice %arg18[%multiple_of3A_1201, %dma_start3A_1346] : memref<10240x128xf32, #tpu.memory_space<vmem_shared>> -> memref<16x128xf32, #tpu.memory_space<vmem_shared>>
      %dma_start3A_1348 = arith.constant 0 : i32
      %dma_start3A_1349 = tpu.memref_slice %arg18[%multiple_of3A_1201, %dma_start3A_1348] : memref<10240x128xf32, #tpu.memory_space<vmem_shared>> -> memref<16x128xf32, #tpu.memory_space<vmem_shared>>
      tpu.enqueue_dma source(%arg9 : memref<16x128xf32, #tpu.memory_space<vmem>>) target(%dma_start3A_1349 : memref<16x128xf32, #tpu.memory_space<vmem_shared>>) target_semaphore(%run_scoped3A_1345 : memref<!tpu.dma_semaphore, #tpu.memory_space<semaphore_mem>>)
      %dma_wait3A_1350 = arith.constant 0 : i32
      %dma_wait3A_1351 = tpu.memref_slice %arg18[%multiple_of3A_1201, %dma_wait3A_1350] : memref<10240x128xf32, #tpu.memory_space<vmem_shared>> -> memref<16x128xf32, #tpu.memory_space<vmem_shared>>
      %dma_wait3A_1352 = arith.constant 0 : i32
      %dma_wait3A_1353 = tpu.memref_slice %arg18[%multiple_of3A_1201, %dma_wait3A_1352] : memref<10240x128xf32, #tpu.memory_space<vmem_shared>> -> memref<16x128xf32, #tpu.memory_space<vmem_shared>>
      tpu.wait_dma2 semaphore(%run_scoped3A_1345 : memref<!tpu.dma_semaphore, #tpu.memory_space<semaphore_mem>>) src(%arg9 : memref<16x128xf32, #tpu.memory_space<vmem>>) dst(%dma_wait3A_1353 : memref<16x128xf32, #tpu.memory_space<vmem_shared>>)
      tpu.yield
    }) : () -> ()
    %mul3A_1202 = arith.constant 640 : i32
    %mul3A_1203 = arith.muli %arg1, %mul3A_1202 : i32
    %add3A_1204 = arith.constant 576 : i32
    %add3A_1205 = arith.addi %mul3A_1203, %add3A_1204 : i32
    %multiple_of3A_1206 = tpu.assume_multiple %add3A_1205, 8 : i32
    "tpu.region"() ({
      %run_scoped3A_1345 = tpu.sem_alloc : memref<!tpu.dma_semaphore, #tpu.memory_space<semaphore_mem>>
      %dma_start3A_1346 = arith.constant 0 : i32
      %dma_start3A_1347 = tpu.memref_slice %arg18[%multiple_of3A_1206, %dma_start3A_1346] : memref<10240x128xf32, #tpu.memory_space<vmem_shared>> -> memref<16x128xf32, #tpu.memory_space<vmem_shared>>
      %dma_start3A_1348 = arith.constant 0 : i32
      %dma_start3A_1349 = tpu.memref_slice %arg18[%multiple_of3A_1206, %dma_start3A_1348] : memref<10240x128xf32, #tpu.memory_space<vmem_shared>> -> memref<16x128xf32, #tpu.memory_space<vmem_shared>>
      tpu.enqueue_dma source(%arg9 : memref<16x128xf32, #tpu.memory_space<vmem>>) target(%dma_start3A_1349 : memref<16x128xf32, #tpu.memory_space<vmem_shared>>) target_semaphore(%run_scoped3A_1345 : memref<!tpu.dma_semaphore, #tpu.memory_space<semaphore_mem>>)
      %dma_wait3A_1350 = arith.constant 0 : i32
      %dma_wait3A_1351 = tpu.memref_slice %arg18[%multiple_of3A_1206, %dma_wait3A_1350] : memref<10240x128xf32, #tpu.memory_space<vmem_shared>> -> memref<16x128xf32, #tpu.memory_space<vmem_shared>>
      %dma_wait3A_1352 = arith.constant 0 : i32
      %dma_wait3A_1353 = tpu.memref_slice %arg18[%multiple_of3A_1206, %dma_wait3A_1352] : memref<10240x128xf32, #tpu.memory_space<vmem_shared>> -> memref<16x128xf32, #tpu.memory_space<vmem_shared>>
      tpu.wait_dma2 semaphore(%run_scoped3A_1345 : memref<!tpu.dma_semaphore, #tpu.memory_space<semaphore_mem>>) src(%arg9 : memref<16x128xf32, #tpu.memory_space<vmem>>) dst(%dma_wait3A_1353 : memref<16x128xf32, #tpu.memory_space<vmem_shared>>)
      tpu.yield
    }) : () -> ()
    %mul3A_1207 = arith.constant 640 : i32
    %mul3A_1208 = arith.muli %arg1, %mul3A_1207 : i32
    %add3A_1209 = arith.constant 592 : i32
    %add3A_1210 = arith.addi %mul3A_1208, %add3A_1209 : i32
    %multiple_of3A_1211 = tpu.assume_multiple %add3A_1210, 8 : i32
    "tpu.region"() ({
      %run_scoped3A_1345 = tpu.sem_alloc : memref<!tpu.dma_semaphore, #tpu.memory_space<semaphore_mem>>
      %dma_start3A_1346 = arith.constant 0 : i32
      %dma_start3A_1347 = tpu.memref_slice %arg18[%multiple_of3A_1211, %dma_start3A_1346] : memref<10240x128xf32, #tpu.memory_space<vmem_shared>> -> memref<16x128xf32, #tpu.memory_space<vmem_shared>>
      %dma_start3A_1348 = arith.constant 0 : i32
      %dma_start3A_1349 = tpu.memref_slice %arg18[%multiple_of3A_1211, %dma_start3A_1348] : memref<10240x128xf32, #tpu.memory_space<vmem_shared>> -> memref<16x128xf32, #tpu.memory_space<vmem_shared>>
      tpu.enqueue_dma source(%arg9 : memref<16x128xf32, #tpu.memory_space<vmem>>) target(%dma_start3A_1349 : memref<16x128xf32, #tpu.memory_space<vmem_shared>>) target_semaphore(%run_scoped3A_1345 : memref<!tpu.dma_semaphore, #tpu.memory_space<semaphore_mem>>)
      %dma_wait3A_1350 = arith.constant 0 : i32
      %dma_wait3A_1351 = tpu.memref_slice %arg18[%multiple_of3A_1211, %dma_wait3A_1350] : memref<10240x128xf32, #tpu.memory_space<vmem_shared>> -> memref<16x128xf32, #tpu.memory_space<vmem_shared>>
      %dma_wait3A_1352 = arith.constant 0 : i32
      %dma_wait3A_1353 = tpu.memref_slice %arg18[%multiple_of3A_1211, %dma_wait3A_1352] : memref<10240x128xf32, #tpu.memory_space<vmem_shared>> -> memref<16x128xf32, #tpu.memory_space<vmem_shared>>
      tpu.wait_dma2 semaphore(%run_scoped3A_1345 : memref<!tpu.dma_semaphore, #tpu.memory_space<semaphore_mem>>) src(%arg9 : memref<16x128xf32, #tpu.memory_space<vmem>>) dst(%dma_wait3A_1353 : memref<16x128xf32, #tpu.memory_space<vmem_shared>>)
      tpu.yield
    }) : () -> ()
    %mul3A_1212 = arith.constant 640 : i32
    %mul3A_1213 = arith.muli %arg1, %mul3A_1212 : i32
    %add3A_1214 = arith.constant 608 : i32
    %add3A_1215 = arith.addi %mul3A_1213, %add3A_1214 : i32
    %multiple_of3A_1216 = tpu.assume_multiple %add3A_1215, 8 : i32
    "tpu.region"() ({
      %run_scoped3A_1345 = tpu.sem_alloc : memref<!tpu.dma_semaphore, #tpu.memory_space<semaphore_mem>>
      %dma_start3A_1346 = arith.constant 0 : i32
      %dma_start3A_1347 = tpu.memref_slice %arg18[%multiple_of3A_1216, %dma_start3A_1346] : memref<10240x128xf32, #tpu.memory_space<vmem_shared>> -> memref<16x128xf32, #tpu.memory_space<vmem_shared>>
      %dma_start3A_1348 = arith.constant 0 : i32
      %dma_start3A_1349 = tpu.memref_slice %arg18[%multiple_of3A_1216, %dma_start3A_1348] : memref<10240x128xf32, #tpu.memory_space<vmem_shared>> -> memref<16x128xf32, #tpu.memory_space<vmem_shared>>
      tpu.enqueue_dma source(%arg9 : memref<16x128xf32, #tpu.memory_space<vmem>>) target(%dma_start3A_1349 : memref<16x128xf32, #tpu.memory_space<vmem_shared>>) target_semaphore(%run_scoped3A_1345 : memref<!tpu.dma_semaphore, #tpu.memory_space<semaphore_mem>>)
      %dma_wait3A_1350 = arith.constant 0 : i32
      %dma_wait3A_1351 = tpu.memref_slice %arg18[%multiple_of3A_1216, %dma_wait3A_1350] : memref<10240x128xf32, #tpu.memory_space<vmem_shared>> -> memref<16x128xf32, #tpu.memory_space<vmem_shared>>
      %dma_wait3A_1352 = arith.constant 0 : i32
      %dma_wait3A_1353 = tpu.memref_slice %arg18[%multiple_of3A_1216, %dma_wait3A_1352] : memref<10240x128xf32, #tpu.memory_space<vmem_shared>> -> memref<16x128xf32, #tpu.memory_space<vmem_shared>>
      tpu.wait_dma2 semaphore(%run_scoped3A_1345 : memref<!tpu.dma_semaphore, #tpu.memory_space<semaphore_mem>>) src(%arg9 : memref<16x128xf32, #tpu.memory_space<vmem>>) dst(%dma_wait3A_1353 : memref<16x128xf32, #tpu.memory_space<vmem_shared>>)
      tpu.yield
    }) : () -> ()
    %mul3A_1217 = arith.constant 640 : i32
    %mul3A_1218 = arith.muli %arg1, %mul3A_1217 : i32
    %add3A_1219 = arith.constant 624 : i32
    %add3A_1220 = arith.addi %mul3A_1218, %add3A_1219 : i32
    %multiple_of3A_1221 = tpu.assume_multiple %add3A_1220, 8 : i32
    "tpu.region"() ({
      %run_scoped3A_1345 = tpu.sem_alloc : memref<!tpu.dma_semaphore, #tpu.memory_space<semaphore_mem>>
      %dma_start3A_1346 = arith.constant 0 : i32
      %dma_start3A_1347 = tpu.memref_slice %arg18[%multiple_of3A_1221, %dma_start3A_1346] : memref<10240x128xf32, #tpu.memory_space<vmem_shared>> -> memref<16x128xf32, #tpu.memory_space<vmem_shared>>
      %dma_start3A_1348 = arith.constant 0 : i32
      %dma_start3A_1349 = tpu.memref_slice %arg18[%multiple_of3A_1221, %dma_start3A_1348] : memref<10240x128xf32, #tpu.memory_space<vmem_shared>> -> memref<16x128xf32, #tpu.memory_space<vmem_shared>>
      tpu.enqueue_dma source(%arg9 : memref<16x128xf32, #tpu.memory_space<vmem>>) target(%dma_start3A_1349 : memref<16x128xf32, #tpu.memory_space<vmem_shared>>) target_semaphore(%run_scoped3A_1345 : memref<!tpu.dma_semaphore, #tpu.memory_space<semaphore_mem>>)
      %dma_wait3A_1350 = arith.constant 0 : i32
      %dma_wait3A_1351 = tpu.memref_slice %arg18[%multiple_of3A_1221, %dma_wait3A_1350] : memref<10240x128xf32, #tpu.memory_space<vmem_shared>> -> memref<16x128xf32, #tpu.memory_space<vmem_shared>>
      %dma_wait3A_1352 = arith.constant 0 : i32
      %dma_wait3A_1353 = tpu.memref_slice %arg18[%multiple_of3A_1221, %dma_wait3A_1352] : memref<10240x128xf32, #tpu.memory_space<vmem_shared>> -> memref<16x128xf32, #tpu.memory_space<vmem_shared>>
      tpu.wait_dma2 semaphore(%run_scoped3A_1345 : memref<!tpu.dma_semaphore, #tpu.memory_space<semaphore_mem>>) src(%arg9 : memref<16x128xf32, #tpu.memory_space<vmem>>) dst(%dma_wait3A_1353 : memref<16x128xf32, #tpu.memory_space<vmem_shared>>)
      tpu.yield
    }) : () -> ()
    %mul3A_1222 = arith.constant 32 : i32
    %mul3A_1223 = arith.muli %add3A, %mul3A_1222 : i32
    "tpu.region"() ({
      %run_scoped3A_1345 = tpu.sem_alloc : memref<!tpu.dma_semaphore, #tpu.memory_space<semaphore_mem>>
      %dma_start3A_1346 = tpu.memref_slice %arg4[%mul3A_1223] : memref<1024xi32, #tpu.memory_space<hbm>> -> memref<32xi32, #tpu.memory_space<hbm>>
      %dma_start3A_1347 = tpu.memref_slice %arg4[%mul3A_1223] : memref<1024xi32, #tpu.memory_space<hbm>> -> memref<32xi32, #tpu.memory_space<hbm>>
      tpu.enqueue_dma source(%dma_start3A_1347 : memref<32xi32, #tpu.memory_space<hbm>>) target(%arg14 : memref<32xi32, #tpu.memory_space<vmem>>) target_semaphore(%run_scoped3A_1345 : memref<!tpu.dma_semaphore, #tpu.memory_space<semaphore_mem>>)
      %dma_wait3A_1348 = tpu.memref_slice %arg4[%mul3A_1223] : memref<1024xi32, #tpu.memory_space<hbm>> -> memref<32xi32, #tpu.memory_space<hbm>>
      %dma_wait3A_1349 = tpu.memref_slice %arg4[%mul3A_1223] : memref<1024xi32, #tpu.memory_space<hbm>> -> memref<32xi32, #tpu.memory_space<hbm>>
      tpu.wait_dma2 semaphore(%run_scoped3A_1345 : memref<!tpu.dma_semaphore, #tpu.memory_space<semaphore_mem>>) src(%dma_wait3A_1349 : memref<32xi32, #tpu.memory_space<hbm>>) dst(%arg14 : memref<32xi32, #tpu.memory_space<vmem>>)
      tpu.yield
    }) : () -> ()
    %dma_start3A = arith.constant 0 : i32
    %dma_start3A_1224 = tpu.memref_slice %arg5[%dma_start3A] : memref<10240xf32, #tpu.memory_space<hbm>> -> memref<10240xf32, #tpu.memory_space<hbm>>
    tpu.enqueue_indirect_dma source(%dma_start3A_1224 : memref<10240xf32, #tpu.memory_space<hbm>>) target(%arg15 : memref<32xf32, #tpu.memory_space<vmem>>) offsets(%arg14 : memref<32xi32, #tpu.memory_space<vmem>>) semaphore(%arg21 : memref<!tpu.dma_semaphore, #tpu.memory_space<semaphore_mem>>)
    %dma_wait3A = arith.constant 0 : i32
    %dma_wait3A_1225 = tpu.memref_slice %arg5[%dma_wait3A] : memref<10240xf32, #tpu.memory_space<hbm>> -> memref<10240xf32, #tpu.memory_space<hbm>>
    tpu.wait_indirect_dma semaphore(%arg21 : memref<!tpu.dma_semaphore, #tpu.memory_space<semaphore_mem>>) src(%dma_wait3A_1225 : memref<10240xf32, #tpu.memory_space<hbm>>) dst(%arg15 : memref<32xf32, #tpu.memory_space<vmem>>)
    %mul3A_1226 = arith.constant 32 : i32
    %mul3A_1227 = arith.muli %add3A, %mul3A_1226 : i32
    "tpu.region"() ({
      %run_scoped3A_1345 = tpu.sem_alloc : memref<!tpu.dma_semaphore, #tpu.memory_space<semaphore_mem>>
      %dma_start3A_1346 = tpu.memref_slice %arg8[%mul3A_1227] : memref<1024xf32, #tpu.memory_space<hbm>> -> memref<32xf32, #tpu.memory_space<hbm>>
      %dma_start3A_1347 = tpu.memref_slice %arg8[%mul3A_1227] : memref<1024xf32, #tpu.memory_space<hbm>> -> memref<32xf32, #tpu.memory_space<hbm>>
      tpu.enqueue_dma source(%arg15 : memref<32xf32, #tpu.memory_space<vmem>>) target(%dma_start3A_1347 : memref<32xf32, #tpu.memory_space<hbm>>) target_semaphore(%run_scoped3A_1345 : memref<!tpu.dma_semaphore, #tpu.memory_space<semaphore_mem>>)
      %dma_wait3A_1348 = tpu.memref_slice %arg8[%mul3A_1227] : memref<1024xf32, #tpu.memory_space<hbm>> -> memref<32xf32, #tpu.memory_space<hbm>>
      %dma_wait3A_1349 = tpu.memref_slice %arg8[%mul3A_1227] : memref<1024xf32, #tpu.memory_space<hbm>> -> memref<32xf32, #tpu.memory_space<hbm>>
      tpu.wait_dma2 semaphore(%run_scoped3A_1345 : memref<!tpu.dma_semaphore, #tpu.memory_space<semaphore_mem>>) src(%arg15 : memref<32xf32, #tpu.memory_space<vmem>>) dst(%dma_wait3A_1349 : memref<32xf32, #tpu.memory_space<hbm>>)
      tpu.yield
    }) : () -> ()
    %barrier3A = arith.constant 0 : index
    tpu.barrier barrier_id(%barrier3A)
    %run_scoped3A = arith.constant 0 : i32
    %run_scoped3A_1228 = arith.constant 0 : i32
    "tpu.region"() ({
      %run_scoped3A_1345 = tpu.sem_alloc : memref<!tpu.dma_semaphore, #tpu.memory_space<semaphore_mem>>
      %dma_start3A_1346 = arith.constant 0 : i32
      %dma_start3A_1347 = arith.constant 0 : i32
      %dma_start3A_1348 = tpu.memref_slice %arg3[%run_scoped3A, %add3A, %run_scoped3A_1228, %dma_start3A_1346, %dma_start3A_1347] : memref<2x32x4x20x125xi32, #tpu.memory_space<hbm>> -> memref<1x1x1x20x125xi32, #tpu.memory_space<hbm>>
      %dma_start3A_1349 = tpu.memref_squeeze %dma_start3A_1348 : memref<1x1x1x20x125xi32, #tpu.memory_space<hbm>> -> memref<20x125xi32, #tpu.memory_space<hbm>>
      %dma_start3A_1350 = arith.constant 0 : i32
      %dma_start3A_1351 = arith.constant 0 : i32
      %dma_start3A_1352 = tpu.memref_slice %arg3[%run_scoped3A, %add3A, %run_scoped3A_1228, %dma_start3A_1350, %dma_start3A_1351] : memref<2x32x4x20x125xi32, #tpu.memory_space<hbm>> -> memref<1x1x1x20x125xi32, #tpu.memory_space<hbm>>
      %dma_start3A_1353 = tpu.memref_squeeze %dma_start3A_1352 : memref<1x1x1x20x125xi32, #tpu.memory_space<hbm>> -> memref<20x125xi32, #tpu.memory_space<hbm>>
      tpu.enqueue_dma source(%dma_start3A_1353 : memref<20x125xi32, #tpu.memory_space<hbm>>) target(%arg10 : memref<20x125xi32, #tpu.memory_space<vmem>>) target_semaphore(%run_scoped3A_1345 : memref<!tpu.dma_semaphore, #tpu.memory_space<semaphore_mem>>)
      %dma_wait3A_1354 = arith.constant 0 : i32
      %dma_wait3A_1355 = arith.constant 0 : i32
      %dma_wait3A_1356 = tpu.memref_slice %arg3[%run_scoped3A, %add3A, %run_scoped3A_1228, %dma_wait3A_1354, %dma_wait3A_1355] : memref<2x32x4x20x125xi32, #tpu.memory_space<hbm>> -> memref<1x1x1x20x125xi32, #tpu.memory_space<hbm>>
      %dma_wait3A_1357 = tpu.memref_squeeze %dma_wait3A_1356 : memref<1x1x1x20x125xi32, #tpu.memory_space<hbm>> -> memref<20x125xi32, #tpu.memory_space<hbm>>
      %dma_wait3A_1358 = arith.constant 0 : i32
      %dma_wait3A_1359 = arith.constant 0 : i32
      %dma_wait3A_1360 = tpu.memref_slice %arg3[%run_scoped3A, %add3A, %run_scoped3A_1228, %dma_wait3A_1358, %dma_wait3A_1359] : memref<2x32x4x20x125xi32, #tpu.memory_space<hbm>> -> memref<1x1x1x20x125xi32, #tpu.memory_space<hbm>>
      %dma_wait3A_1361 = tpu.memref_squeeze %dma_wait3A_1360 : memref<1x1x1x20x125xi32, #tpu.memory_space<hbm>> -> memref<20x125xi32, #tpu.memory_space<hbm>>
      tpu.wait_dma2 semaphore(%run_scoped3A_1345 : memref<!tpu.dma_semaphore, #tpu.memory_space<semaphore_mem>>) src(%dma_wait3A_1361 : memref<20x125xi32, #tpu.memory_space<hbm>>) dst(%arg10 : memref<20x125xi32, #tpu.memory_space<vmem>>)
      tpu.yield
    }) : () -> ()
    %run_scoped3A_1229 = arith.constant 1 : i32
    %run_scoped3A_1230 = arith.constant 0 : i32
    "tpu.region"() ({
      %run_scoped3A_1345 = tpu.sem_alloc : memref<!tpu.dma_semaphore, #tpu.memory_space<semaphore_mem>>
      %dma_start3A_1346 = arith.constant 0 : i32
      %dma_start3A_1347 = arith.constant 0 : i32
      %dma_start3A_1348 = tpu.memref_slice %arg3[%run_scoped3A_1229, %add3A, %run_scoped3A_1230, %dma_start3A_1346, %dma_start3A_1347] : memref<2x32x4x20x125xi32, #tpu.memory_space<hbm>> -> memref<1x1x1x20x125xi32, #tpu.memory_space<hbm>>
      %dma_start3A_1349 = tpu.memref_squeeze %dma_start3A_1348 : memref<1x1x1x20x125xi32, #tpu.memory_space<hbm>> -> memref<20x125xi32, #tpu.memory_space<hbm>>
      %dma_start3A_1350 = arith.constant 0 : i32
      %dma_start3A_1351 = arith.constant 0 : i32
      %dma_start3A_1352 = tpu.memref_slice %arg3[%run_scoped3A_1229, %add3A, %run_scoped3A_1230, %dma_start3A_1350, %dma_start3A_1351] : memref<2x32x4x20x125xi32, #tpu.memory_space<hbm>> -> memref<1x1x1x20x125xi32, #tpu.memory_space<hbm>>
      %dma_start3A_1353 = tpu.memref_squeeze %dma_start3A_1352 : memref<1x1x1x20x125xi32, #tpu.memory_space<hbm>> -> memref<20x125xi32, #tpu.memory_space<hbm>>
      tpu.enqueue_dma source(%dma_start3A_1353 : memref<20x125xi32, #tpu.memory_space<hbm>>) target(%arg11 : memref<20x125xi32, #tpu.memory_space<vmem>>) target_semaphore(%run_scoped3A_1345 : memref<!tpu.dma_semaphore, #tpu.memory_space<semaphore_mem>>)
      %dma_wait3A_1354 = arith.constant 0 : i32
      %dma_wait3A_1355 = arith.constant 0 : i32
      %dma_wait3A_1356 = tpu.memref_slice %arg3[%run_scoped3A_1229, %add3A, %run_scoped3A_1230, %dma_wait3A_1354, %dma_wait3A_1355] : memref<2x32x4x20x125xi32, #tpu.memory_space<hbm>> -> memref<1x1x1x20x125xi32, #tpu.memory_space<hbm>>
      %dma_wait3A_1357 = tpu.memref_squeeze %dma_wait3A_1356 : memref<1x1x1x20x125xi32, #tpu.memory_space<hbm>> -> memref<20x125xi32, #tpu.memory_space<hbm>>
      %dma_wait3A_1358 = arith.constant 0 : i32
      %dma_wait3A_1359 = arith.constant 0 : i32
      %dma_wait3A_1360 = tpu.memref_slice %arg3[%run_scoped3A_1229, %add3A, %run_scoped3A_1230, %dma_wait3A_1358, %dma_wait3A_1359] : memref<2x32x4x20x125xi32, #tpu.memory_space<hbm>> -> memref<1x1x1x20x125xi32, #tpu.memory_space<hbm>>
      %dma_wait3A_1361 = tpu.memref_squeeze %dma_wait3A_1360 : memref<1x1x1x20x125xi32, #tpu.memory_space<hbm>> -> memref<20x125xi32, #tpu.memory_space<hbm>>
      tpu.wait_dma2 semaphore(%run_scoped3A_1345 : memref<!tpu.dma_semaphore, #tpu.memory_space<semaphore_mem>>) src(%dma_wait3A_1361 : memref<20x125xi32, #tpu.memory_space<hbm>>) dst(%arg11 : memref<20x125xi32, #tpu.memory_space<vmem>>)
      tpu.yield
    }) : () -> ()
    %dma_start3A_1231 = arith.constant 0 : i32
    %dma_start3A_1232 = arith.constant 0 : i32
    %dma_start3A_1233 = tpu.memref_slice %arg10[%dma_start3A_1231, %dma_start3A_1232] : memref<20x125xi32, #tpu.memory_space<vmem>> -> memref<1x125xi32, #tpu.memory_space<vmem>>
    %dma_start3A_1234 = tpu.memref_squeeze %dma_start3A_1233 : memref<1x125xi32, #tpu.memory_space<vmem>> -> memref<125xi32, #tpu.memory_space<vmem>>
    %dma_start3A_1235 = arith.constant 0 : i32
    %dma_start3A_1236 = arith.constant 0 : i32
    %dma_start3A_1237 = tpu.memref_slice %arg2[%dma_start3A_1235, %dma_start3A_1236] : memref<10000x128xf32, #tpu.memory_space<hbm>> -> memref<10000x128xf32, #tpu.memory_space<hbm>>
    tpu.enqueue_indirect_dma source(%dma_start3A_1237 : memref<10000x128xf32, #tpu.memory_space<hbm>>) target(%arg12 : memref<125x128xf32, #tpu.memory_space<vmem>>) offsets(%dma_start3A_1234 : memref<125xi32, #tpu.memory_space<vmem>>) semaphore(%arg19 : memref<!tpu.dma_semaphore, #tpu.memory_space<semaphore_mem>>)
    %scan3A = arith.constant 0 : i32
    %scan3A_1238 = arith.constant 0 : i32
    %scan3A_1239 = arith.constant 10 : i32
    %scan3A_1240 = arith.addi %scan3A_1238, %scan3A_1239 : i32
    %scan3A_1241 = arith.constant 1 : i32
    scf.for %scan3A_1345 = %scan3A_1238 to %scan3A_1240 step %scan3A_1241  : i32 {
      %mul3A_1346 = arith.constant 2 : i32
      %mul3A_1347 = arith.muli %mul3A_1346, %scan3A_1345 : i32
      %add3A_1348 = arith.constant 1 : i32
      %add3A_1349 = arith.addi %mul3A_1347, %add3A_1348 : i32
      %dma_start3A_1350 = arith.constant 0 : i32
      %dma_start3A_1351 = tpu.memref_slice %arg10[%add3A_1349, %dma_start3A_1350] : memref<20x125xi32, #tpu.memory_space<vmem>> -> memref<1x125xi32, #tpu.memory_space<vmem>>
      %dma_start3A_1352 = tpu.memref_squeeze %dma_start3A_1351 : memref<1x125xi32, #tpu.memory_space<vmem>> -> memref<125xi32, #tpu.memory_space<vmem>>
      %dma_start3A_1353 = arith.constant 0 : i32
      %dma_start3A_1354 = arith.constant 0 : i32
      %dma_start3A_1355 = tpu.memref_slice %arg2[%dma_start3A_1353, %dma_start3A_1354] : memref<10000x128xf32, #tpu.memory_space<hbm>> -> memref<10000x128xf32, #tpu.memory_space<hbm>>
      tpu.enqueue_indirect_dma source(%dma_start3A_1355 : memref<10000x128xf32, #tpu.memory_space<hbm>>) target(%arg13 : memref<125x128xf32, #tpu.memory_space<vmem>>) offsets(%dma_start3A_1352 : memref<125xi32, #tpu.memory_space<vmem>>) semaphore(%arg20 : memref<!tpu.dma_semaphore, #tpu.memory_space<semaphore_mem>>)
      %dma_wait3A_1356 = arith.constant 0 : i32
      %dma_wait3A_1357 = tpu.memref_slice %arg10[%mul3A_1347, %dma_wait3A_1356] : memref<20x125xi32, #tpu.memory_space<vmem>> -> memref<1x125xi32, #tpu.memory_space<vmem>>
      %dma_wait3A_1358 = tpu.memref_squeeze %dma_wait3A_1357 : memref<1x125xi32, #tpu.memory_space<vmem>> -> memref<125xi32, #tpu.memory_space<vmem>>
      %dma_wait3A_1359 = arith.constant 0 : i32
      %dma_wait3A_1360 = arith.constant 0 : i32
      %dma_wait3A_1361 = tpu.memref_slice %arg2[%dma_wait3A_1359, %dma_wait3A_1360] : memref<10000x128xf32, #tpu.memory_space<hbm>> -> memref<10000x128xf32, #tpu.memory_space<hbm>>
      tpu.wait_indirect_dma semaphore(%arg19 : memref<!tpu.dma_semaphore, #tpu.memory_space<semaphore_mem>>) src(%dma_wait3A_1361 : memref<10000x128xf32, #tpu.memory_space<hbm>>) dst(%arg12 : memref<125x128xf32, #tpu.memory_space<vmem>>)
      %dma_start3A_1362 = arith.constant 0 : i32
      %dma_start3A_1363 = tpu.memref_slice %arg11[%mul3A_1347, %dma_start3A_1362] : memref<20x125xi32, #tpu.memory_space<vmem>> -> memref<1x125xi32, #tpu.memory_space<vmem>>
      %dma_start3A_1364 = tpu.memref_squeeze %dma_start3A_1363 : memref<1x125xi32, #tpu.memory_space<vmem>> -> memref<125xi32, #tpu.memory_space<vmem>>
      %dma_start3A_1365 = arith.constant 0 : i32
      %dma_start3A_1366 = arith.constant 0 : i32
      %dma_start3A_1367 = tpu.memref_slice %arg18[%dma_start3A_1365, %dma_start3A_1366] : memref<10240x128xf32, #tpu.memory_space<vmem_shared>> -> memref<10240x128xf32, #tpu.memory_space<vmem_shared>>
      tpu.enqueue_indirect_dma source(%arg12 : memref<125x128xf32, #tpu.memory_space<vmem>>) target(%dma_start3A_1367 : memref<10240x128xf32, #tpu.memory_space<vmem_shared>>) offsets(%dma_start3A_1364 : memref<125xi32, #tpu.memory_space<vmem>>) semaphore(%arg21 : memref<!tpu.dma_semaphore, #tpu.memory_space<semaphore_mem>>) {add = true}
      %dma_wait3A_1368 = arith.constant 0 : i32
      %dma_wait3A_1369 = tpu.memref_slice %arg11[%mul3A_1347, %dma_wait3A_1368] : memref<20x125xi32, #tpu.memory_space<vmem>> -> memref<1x125xi32, #tpu.memory_space<vmem>>
      %dma_wait3A_1370 = tpu.memref_squeeze %dma_wait3A_1369 : memref<1x125xi32, #tpu.memory_space<vmem>> -> memref<125xi32, #tpu.memory_space<vmem>>
      %dma_wait3A_1371 = arith.constant 0 : i32
      %dma_wait3A_1372 = arith.constant 0 : i32
      %dma_wait3A_1373 = tpu.memref_slice %arg18[%dma_wait3A_1371, %dma_wait3A_1372] : memref<10240x128xf32, #tpu.memory_space<vmem_shared>> -> memref<10240x128xf32, #tpu.memory_space<vmem_shared>>
      tpu.wait_indirect_dma semaphore(%arg21 : memref<!tpu.dma_semaphore, #tpu.memory_space<semaphore_mem>>) src(%arg12 : memref<125x128xf32, #tpu.memory_space<vmem>>) dst(%dma_wait3A_1373 : memref<10240x128xf32, #tpu.memory_space<vmem_shared>>)
      %add3A_1374 = arith.constant 2 : i32
      %add3A_1375 = arith.addi %mul3A_1347, %add3A_1374 : i32
      %lt3A = arith.constant 20 : i32
      %lt3A_1376 = arith.cmpi slt, %add3A_1375, %lt3A : i32
      %convert_element_type3A = arith.extui %lt3A_1376 : i1 to i32
      %cond3A = arith.constant 0 : i32
      %cond3A_1377 = arith.cmpi ne, %convert_element_type3A, %cond3A : i32
      scf.if %cond3A_1377 {
        %add3A_1400 = arith.constant 2 : i32
        %add3A_1401 = arith.addi %mul3A_1347, %add3A_1400 : i32
        %dma_start3A_1402 = arith.constant 0 : i32
        %dma_start3A_1403 = tpu.memref_slice %arg10[%add3A_1401, %dma_start3A_1402] : memref<20x125xi32, #tpu.memory_space<vmem>> -> memref<1x125xi32, #tpu.memory_space<vmem>>
        %dma_start3A_1404 = tpu.memref_squeeze %dma_start3A_1403 : memref<1x125xi32, #tpu.memory_space<vmem>> -> memref<125xi32, #tpu.memory_space<vmem>>
        %dma_start3A_1405 = arith.constant 0 : i32
        %dma_start3A_1406 = arith.constant 0 : i32
        %dma_start3A_1407 = tpu.memref_slice %arg2[%dma_start3A_1405, %dma_start3A_1406] : memref<10000x128xf32, #tpu.memory_space<hbm>> -> memref<10000x128xf32, #tpu.memory_space<hbm>>
        tpu.enqueue_indirect_dma source(%dma_start3A_1407 : memref<10000x128xf32, #tpu.memory_space<hbm>>) target(%arg12 : memref<125x128xf32, #tpu.memory_space<vmem>>) offsets(%dma_start3A_1404 : memref<125xi32, #tpu.memory_space<vmem>>) semaphore(%arg19 : memref<!tpu.dma_semaphore, #tpu.memory_space<semaphore_mem>>)
      } else {
      }
      %add3A_1378 = arith.constant 1 : i32
      %add3A_1379 = arith.addi %mul3A_1347, %add3A_1378 : i32
      %dma_wait3A_1380 = arith.constant 0 : i32
      %dma_wait3A_1381 = tpu.memref_slice %arg10[%add3A_1379, %dma_wait3A_1380] : memref<20x125xi32, #tpu.memory_space<vmem>> -> memref<1x125xi32, #tpu.memory_space<vmem>>
      %dma_wait3A_1382 = tpu.memref_squeeze %dma_wait3A_1381 : memref<1x125xi32, #tpu.memory_space<vmem>> -> memref<125xi32, #tpu.memory_space<vmem>>
      %dma_wait3A_1383 = arith.constant 0 : i32
      %dma_wait3A_1384 = arith.constant 0 : i32
      %dma_wait3A_1385 = tpu.memref_slice %arg2[%dma_wait3A_1383, %dma_wait3A_1384] : memref<10000x128xf32, #tpu.memory_space<hbm>> -> memref<10000x128xf32, #tpu.memory_space<hbm>>
      tpu.wait_indirect_dma semaphore(%arg20 : memref<!tpu.dma_semaphore, #tpu.memory_space<semaphore_mem>>) src(%dma_wait3A_1385 : memref<10000x128xf32, #tpu.memory_space<hbm>>) dst(%arg13 : memref<125x128xf32, #tpu.memory_space<vmem>>)
      %add3A_1386 = arith.constant 1 : i32
      %add3A_1387 = arith.addi %mul3A_1347, %add3A_1386 : i32
      %dma_start3A_1388 = arith.constant 0 : i32
      %dma_start3A_1389 = tpu.memref_slice %arg11[%add3A_1387, %dma_start3A_1388] : memref<20x125xi32, #tpu.memory_space<vmem>> -> memref<1x125xi32, #tpu.memory_space<vmem>>
      %dma_start3A_1390 = tpu.memref_squeeze %dma_start3A_1389 : memref<1x125xi32, #tpu.memory_space<vmem>> -> memref<125xi32, #tpu.memory_space<vmem>>
      %dma_start3A_1391 = arith.constant 0 : i32
      %dma_start3A_1392 = arith.constant 0 : i32
      %dma_start3A_1393 = tpu.memref_slice %arg18[%dma_start3A_1391, %dma_start3A_1392] : memref<10240x128xf32, #tpu.memory_space<vmem_shared>> -> memref<10240x128xf32, #tpu.memory_space<vmem_shared>>
      tpu.enqueue_indirect_dma source(%arg13 : memref<125x128xf32, #tpu.memory_space<vmem>>) target(%dma_start3A_1393 : memref<10240x128xf32, #tpu.memory_space<vmem_shared>>) offsets(%dma_start3A_1390 : memref<125xi32, #tpu.memory_space<vmem>>) semaphore(%arg21 : memref<!tpu.dma_semaphore, #tpu.memory_space<semaphore_mem>>) {add = true}
      %dma_wait3A_1394 = arith.constant 0 : i32
      %dma_wait3A_1395 = tpu.memref_slice %arg11[%add3A_1387, %dma_wait3A_1394] : memref<20x125xi32, #tpu.memory_space<vmem>> -> memref<1x125xi32, #tpu.memory_space<vmem>>
      %dma_wait3A_1396 = tpu.memref_squeeze %dma_wait3A_1395 : memref<1x125xi32, #tpu.memory_space<vmem>> -> memref<125xi32, #tpu.memory_space<vmem>>
      %dma_wait3A_1397 = arith.constant 0 : i32
      %dma_wait3A_1398 = arith.constant 0 : i32
      %dma_wait3A_1399 = tpu.memref_slice %arg18[%dma_wait3A_1397, %dma_wait3A_1398] : memref<10240x128xf32, #tpu.memory_space<vmem_shared>> -> memref<10240x128xf32, #tpu.memory_space<vmem_shared>>
      tpu.wait_indirect_dma semaphore(%arg21 : memref<!tpu.dma_semaphore, #tpu.memory_space<semaphore_mem>>) src(%arg13 : memref<125x128xf32, #tpu.memory_space<vmem>>) dst(%dma_wait3A_1399 : memref<10240x128xf32, #tpu.memory_space<vmem_shared>>)
    }
    %scan3A_1242 = arith.constant 10 : i32
    %run_scoped3A_1243 = arith.constant 0 : i32
    %run_scoped3A_1244 = arith.constant 1 : i32
    "tpu.region"() ({
      %run_scoped3A_1345 = tpu.sem_alloc : memref<!tpu.dma_semaphore, #tpu.memory_space<semaphore_mem>>
      %dma_start3A_1346 = arith.constant 0 : i32
      %dma_start3A_1347 = arith.constant 0 : i32
      %dma_start3A_1348 = tpu.memref_slice %arg3[%run_scoped3A_1243, %add3A, %run_scoped3A_1244, %dma_start3A_1346, %dma_start3A_1347] : memref<2x32x4x20x125xi32, #tpu.memory_space<hbm>> -> memref<1x1x1x20x125xi32, #tpu.memory_space<hbm>>
      %dma_start3A_1349 = tpu.memref_squeeze %dma_start3A_1348 : memref<1x1x1x20x125xi32, #tpu.memory_space<hbm>> -> memref<20x125xi32, #tpu.memory_space<hbm>>
      %dma_start3A_1350 = arith.constant 0 : i32
      %dma_start3A_1351 = arith.constant 0 : i32
      %dma_start3A_1352 = tpu.memref_slice %arg3[%run_scoped3A_1243, %add3A, %run_scoped3A_1244, %dma_start3A_1350, %dma_start3A_1351] : memref<2x32x4x20x125xi32, #tpu.memory_space<hbm>> -> memref<1x1x1x20x125xi32, #tpu.memory_space<hbm>>
      %dma_start3A_1353 = tpu.memref_squeeze %dma_start3A_1352 : memref<1x1x1x20x125xi32, #tpu.memory_space<hbm>> -> memref<20x125xi32, #tpu.memory_space<hbm>>
      tpu.enqueue_dma source(%dma_start3A_1353 : memref<20x125xi32, #tpu.memory_space<hbm>>) target(%arg10 : memref<20x125xi32, #tpu.memory_space<vmem>>) target_semaphore(%run_scoped3A_1345 : memref<!tpu.dma_semaphore, #tpu.memory_space<semaphore_mem>>)
      %dma_wait3A_1354 = arith.constant 0 : i32
      %dma_wait3A_1355 = arith.constant 0 : i32
      %dma_wait3A_1356 = tpu.memref_slice %arg3[%run_scoped3A_1243, %add3A, %run_scoped3A_1244, %dma_wait3A_1354, %dma_wait3A_1355] : memref<2x32x4x20x125xi32, #tpu.memory_space<hbm>> -> memref<1x1x1x20x125xi32, #tpu.memory_space<hbm>>
      %dma_wait3A_1357 = tpu.memref_squeeze %dma_wait3A_1356 : memref<1x1x1x20x125xi32, #tpu.memory_space<hbm>> -> memref<20x125xi32, #tpu.memory_space<hbm>>
      %dma_wait3A_1358 = arith.constant 0 : i32
      %dma_wait3A_1359 = arith.constant 0 : i32
      %dma_wait3A_1360 = tpu.memref_slice %arg3[%run_scoped3A_1243, %add3A, %run_scoped3A_1244, %dma_wait3A_1358, %dma_wait3A_1359] : memref<2x32x4x20x125xi32, #tpu.memory_space<hbm>> -> memref<1x1x1x20x125xi32, #tpu.memory_space<hbm>>
      %dma_wait3A_1361 = tpu.memref_squeeze %dma_wait3A_1360 : memref<1x1x1x20x125xi32, #tpu.memory_space<hbm>> -> memref<20x125xi32, #tpu.memory_space<hbm>>
      tpu.wait_dma2 semaphore(%run_scoped3A_1345 : memref<!tpu.dma_semaphore, #tpu.memory_space<semaphore_mem>>) src(%dma_wait3A_1361 : memref<20x125xi32, #tpu.memory_space<hbm>>) dst(%arg10 : memref<20x125xi32, #tpu.memory_space<vmem>>)
      tpu.yield
    }) : () -> ()
    %run_scoped3A_1245 = arith.constant 1 : i32
    %run_scoped3A_1246 = arith.constant 1 : i32
    "tpu.region"() ({
      %run_scoped3A_1345 = tpu.sem_alloc : memref<!tpu.dma_semaphore, #tpu.memory_space<semaphore_mem>>
      %dma_start3A_1346 = arith.constant 0 : i32
      %dma_start3A_1347 = arith.constant 0 : i32
      %dma_start3A_1348 = tpu.memref_slice %arg3[%run_scoped3A_1245, %add3A, %run_scoped3A_1246, %dma_start3A_1346, %dma_start3A_1347] : memref<2x32x4x20x125xi32, #tpu.memory_space<hbm>> -> memref<1x1x1x20x125xi32, #tpu.memory_space<hbm>>
      %dma_start3A_1349 = tpu.memref_squeeze %dma_start3A_1348 : memref<1x1x1x20x125xi32, #tpu.memory_space<hbm>> -> memref<20x125xi32, #tpu.memory_space<hbm>>
      %dma_start3A_1350 = arith.constant 0 : i32
      %dma_start3A_1351 = arith.constant 0 : i32
      %dma_start3A_1352 = tpu.memref_slice %arg3[%run_scoped3A_1245, %add3A, %run_scoped3A_1246, %dma_start3A_1350, %dma_start3A_1351] : memref<2x32x4x20x125xi32, #tpu.memory_space<hbm>> -> memref<1x1x1x20x125xi32, #tpu.memory_space<hbm>>
      %dma_start3A_1353 = tpu.memref_squeeze %dma_start3A_1352 : memref<1x1x1x20x125xi32, #tpu.memory_space<hbm>> -> memref<20x125xi32, #tpu.memory_space<hbm>>
      tpu.enqueue_dma source(%dma_start3A_1353 : memref<20x125xi32, #tpu.memory_space<hbm>>) target(%arg11 : memref<20x125xi32, #tpu.memory_space<vmem>>) target_semaphore(%run_scoped3A_1345 : memref<!tpu.dma_semaphore, #tpu.memory_space<semaphore_mem>>)
      %dma_wait3A_1354 = arith.constant 0 : i32
      %dma_wait3A_1355 = arith.constant 0 : i32
      %dma_wait3A_1356 = tpu.memref_slice %arg3[%run_scoped3A_1245, %add3A, %run_scoped3A_1246, %dma_wait3A_1354, %dma_wait3A_1355] : memref<2x32x4x20x125xi32, #tpu.memory_space<hbm>> -> memref<1x1x1x20x125xi32, #tpu.memory_space<hbm>>
      %dma_wait3A_1357 = tpu.memref_squeeze %dma_wait3A_1356 : memref<1x1x1x20x125xi32, #tpu.memory_space<hbm>> -> memref<20x125xi32, #tpu.memory_space<hbm>>
      %dma_wait3A_1358 = arith.constant 0 : i32
      %dma_wait3A_1359 = arith.constant 0 : i32
      %dma_wait3A_1360 = tpu.memref_slice %arg3[%run_scoped3A_1245, %add3A, %run_scoped3A_1246, %dma_wait3A_1358, %dma_wait3A_1359] : memref<2x32x4x20x125xi32, #tpu.memory_space<hbm>> -> memref<1x1x1x20x125xi32, #tpu.memory_space<hbm>>
      %dma_wait3A_1361 = tpu.memref_squeeze %dma_wait3A_1360 : memref<1x1x1x20x125xi32, #tpu.memory_space<hbm>> -> memref<20x125xi32, #tpu.memory_space<hbm>>
      tpu.wait_dma2 semaphore(%run_scoped3A_1345 : memref<!tpu.dma_semaphore, #tpu.memory_space<semaphore_mem>>) src(%dma_wait3A_1361 : memref<20x125xi32, #tpu.memory_space<hbm>>) dst(%arg11 : memref<20x125xi32, #tpu.memory_space<vmem>>)
      tpu.yield
    }) : () -> ()
    %dma_start3A_1247 = arith.constant 0 : i32
    %dma_start3A_1248 = arith.constant 0 : i32
    %dma_start3A_1249 = tpu.memref_slice %arg10[%dma_start3A_1247, %dma_start3A_1248] : memref<20x125xi32, #tpu.memory_space<vmem>> -> memref<1x125xi32, #tpu.memory_space<vmem>>
    %dma_start3A_1250 = tpu.memref_squeeze %dma_start3A_1249 : memref<1x125xi32, #tpu.memory_space<vmem>> -> memref<125xi32, #tpu.memory_space<vmem>>
    %dma_start3A_1251 = arith.constant 0 : i32
    %dma_start3A_1252 = arith.constant 0 : i32
    %dma_start3A_1253 = tpu.memref_slice %arg2[%dma_start3A_1251, %dma_start3A_1252] : memref<10000x128xf32, #tpu.memory_space<hbm>> -> memref<10000x128xf32, #tpu.memory_space<hbm>>
    tpu.enqueue_indirect_dma source(%dma_start3A_1253 : memref<10000x128xf32, #tpu.memory_space<hbm>>) target(%arg12 : memref<125x128xf32, #tpu.memory_space<vmem>>) offsets(%dma_start3A_1250 : memref<125xi32, #tpu.memory_space<vmem>>) semaphore(%arg19 : memref<!tpu.dma_semaphore, #tpu.memory_space<semaphore_mem>>)
    %scan3A_1254 = arith.constant 0 : i32
    %scan3A_1255 = arith.constant 0 : i32
    %scan3A_1256 = arith.constant 10 : i32
    %scan3A_1257 = arith.addi %scan3A_1255, %scan3A_1256 : i32
    %scan3A_1258 = arith.constant 1 : i32
    scf.for %scan3A_1345 = %scan3A_1255 to %scan3A_1257 step %scan3A_1258  : i32 {
      %mul3A_1346 = arith.constant 2 : i32
      %mul3A_1347 = arith.muli %mul3A_1346, %scan3A_1345 : i32
      %add3A_1348 = arith.constant 1 : i32
      %add3A_1349 = arith.addi %mul3A_1347, %add3A_1348 : i32
      %dma_start3A_1350 = arith.constant 0 : i32
      %dma_start3A_1351 = tpu.memref_slice %arg10[%add3A_1349, %dma_start3A_1350] : memref<20x125xi32, #tpu.memory_space<vmem>> -> memref<1x125xi32, #tpu.memory_space<vmem>>
      %dma_start3A_1352 = tpu.memref_squeeze %dma_start3A_1351 : memref<1x125xi32, #tpu.memory_space<vmem>> -> memref<125xi32, #tpu.memory_space<vmem>>
      %dma_start3A_1353 = arith.constant 0 : i32
      %dma_start3A_1354 = arith.constant 0 : i32
      %dma_start3A_1355 = tpu.memref_slice %arg2[%dma_start3A_1353, %dma_start3A_1354] : memref<10000x128xf32, #tpu.memory_space<hbm>> -> memref<10000x128xf32, #tpu.memory_space<hbm>>
      tpu.enqueue_indirect_dma source(%dma_start3A_1355 : memref<10000x128xf32, #tpu.memory_space<hbm>>) target(%arg13 : memref<125x128xf32, #tpu.memory_space<vmem>>) offsets(%dma_start3A_1352 : memref<125xi32, #tpu.memory_space<vmem>>) semaphore(%arg20 : memref<!tpu.dma_semaphore, #tpu.memory_space<semaphore_mem>>)
      %dma_wait3A_1356 = arith.constant 0 : i32
      %dma_wait3A_1357 = tpu.memref_slice %arg10[%mul3A_1347, %dma_wait3A_1356] : memref<20x125xi32, #tpu.memory_space<vmem>> -> memref<1x125xi32, #tpu.memory_space<vmem>>
      %dma_wait3A_1358 = tpu.memref_squeeze %dma_wait3A_1357 : memref<1x125xi32, #tpu.memory_space<vmem>> -> memref<125xi32, #tpu.memory_space<vmem>>
      %dma_wait3A_1359 = arith.constant 0 : i32
      %dma_wait3A_1360 = arith.constant 0 : i32
      %dma_wait3A_1361 = tpu.memref_slice %arg2[%dma_wait3A_1359, %dma_wait3A_1360] : memref<10000x128xf32, #tpu.memory_space<hbm>> -> memref<10000x128xf32, #tpu.memory_space<hbm>>
      tpu.wait_indirect_dma semaphore(%arg19 : memref<!tpu.dma_semaphore, #tpu.memory_space<semaphore_mem>>) src(%dma_wait3A_1361 : memref<10000x128xf32, #tpu.memory_space<hbm>>) dst(%arg12 : memref<125x128xf32, #tpu.memory_space<vmem>>)
      %dma_start3A_1362 = arith.constant 0 : i32
      %dma_start3A_1363 = tpu.memref_slice %arg11[%mul3A_1347, %dma_start3A_1362] : memref<20x125xi32, #tpu.memory_space<vmem>> -> memref<1x125xi32, #tpu.memory_space<vmem>>
      %dma_start3A_1364 = tpu.memref_squeeze %dma_start3A_1363 : memref<1x125xi32, #tpu.memory_space<vmem>> -> memref<125xi32, #tpu.memory_space<vmem>>
      %dma_start3A_1365 = arith.constant 0 : i32
      %dma_start3A_1366 = arith.constant 0 : i32
      %dma_start3A_1367 = tpu.memref_slice %arg18[%dma_start3A_1365, %dma_start3A_1366] : memref<10240x128xf32, #tpu.memory_space<vmem_shared>> -> memref<10240x128xf32, #tpu.memory_space<vmem_shared>>
      tpu.enqueue_indirect_dma source(%arg12 : memref<125x128xf32, #tpu.memory_space<vmem>>) target(%dma_start3A_1367 : memref<10240x128xf32, #tpu.memory_space<vmem_shared>>) offsets(%dma_start3A_1364 : memref<125xi32, #tpu.memory_space<vmem>>) semaphore(%arg21 : memref<!tpu.dma_semaphore, #tpu.memory_space<semaphore_mem>>) {add = true}
      %dma_wait3A_1368 = arith.constant 0 : i32
      %dma_wait3A_1369 = tpu.memref_slice %arg11[%mul3A_1347, %dma_wait3A_1368] : memref<20x125xi32, #tpu.memory_space<vmem>> -> memref<1x125xi32, #tpu.memory_space<vmem>>
      %dma_wait3A_1370 = tpu.memref_squeeze %dma_wait3A_1369 : memref<1x125xi32, #tpu.memory_space<vmem>> -> memref<125xi32, #tpu.memory_space<vmem>>
      %dma_wait3A_1371 = arith.constant 0 : i32
      %dma_wait3A_1372 = arith.constant 0 : i32
      %dma_wait3A_1373 = tpu.memref_slice %arg18[%dma_wait3A_1371, %dma_wait3A_1372] : memref<10240x128xf32, #tpu.memory_space<vmem_shared>> -> memref<10240x128xf32, #tpu.memory_space<vmem_shared>>
      tpu.wait_indirect_dma semaphore(%arg21 : memref<!tpu.dma_semaphore, #tpu.memory_space<semaphore_mem>>) src(%arg12 : memref<125x128xf32, #tpu.memory_space<vmem>>) dst(%dma_wait3A_1373 : memref<10240x128xf32, #tpu.memory_space<vmem_shared>>)
      %add3A_1374 = arith.constant 2 : i32
      %add3A_1375 = arith.addi %mul3A_1347, %add3A_1374 : i32
      %lt3A = arith.constant 20 : i32
      %lt3A_1376 = arith.cmpi slt, %add3A_1375, %lt3A : i32
      %convert_element_type3A = arith.extui %lt3A_1376 : i1 to i32
      %cond3A = arith.constant 0 : i32
      %cond3A_1377 = arith.cmpi ne, %convert_element_type3A, %cond3A : i32
      scf.if %cond3A_1377 {
        %add3A_1400 = arith.constant 2 : i32
        %add3A_1401 = arith.addi %mul3A_1347, %add3A_1400 : i32
        %dma_start3A_1402 = arith.constant 0 : i32
        %dma_start3A_1403 = tpu.memref_slice %arg10[%add3A_1401, %dma_start3A_1402] : memref<20x125xi32, #tpu.memory_space<vmem>> -> memref<1x125xi32, #tpu.memory_space<vmem>>
        %dma_start3A_1404 = tpu.memref_squeeze %dma_start3A_1403 : memref<1x125xi32, #tpu.memory_space<vmem>> -> memref<125xi32, #tpu.memory_space<vmem>>
        %dma_start3A_1405 = arith.constant 0 : i32
        %dma_start3A_1406 = arith.constant 0 : i32
        %dma_start3A_1407 = tpu.memref_slice %arg2[%dma_start3A_1405, %dma_start3A_1406] : memref<10000x128xf32, #tpu.memory_space<hbm>> -> memref<10000x128xf32, #tpu.memory_space<hbm>>
        tpu.enqueue_indirect_dma source(%dma_start3A_1407 : memref<10000x128xf32, #tpu.memory_space<hbm>>) target(%arg12 : memref<125x128xf32, #tpu.memory_space<vmem>>) offsets(%dma_start3A_1404 : memref<125xi32, #tpu.memory_space<vmem>>) semaphore(%arg19 : memref<!tpu.dma_semaphore, #tpu.memory_space<semaphore_mem>>)
      } else {
      }
      %add3A_1378 = arith.constant 1 : i32
      %add3A_1379 = arith.addi %mul3A_1347, %add3A_1378 : i32
      %dma_wait3A_1380 = arith.constant 0 : i32
      %dma_wait3A_1381 = tpu.memref_slice %arg10[%add3A_1379, %dma_wait3A_1380] : memref<20x125xi32, #tpu.memory_space<vmem>> -> memref<1x125xi32, #tpu.memory_space<vmem>>
      %dma_wait3A_1382 = tpu.memref_squeeze %dma_wait3A_1381 : memref<1x125xi32, #tpu.memory_space<vmem>> -> memref<125xi32, #tpu.memory_space<vmem>>
      %dma_wait3A_1383 = arith.constant 0 : i32
      %dma_wait3A_1384 = arith.constant 0 : i32
      %dma_wait3A_1385 = tpu.memref_slice %arg2[%dma_wait3A_1383, %dma_wait3A_1384] : memref<10000x128xf32, #tpu.memory_space<hbm>> -> memref<10000x128xf32, #tpu.memory_space<hbm>>
      tpu.wait_indirect_dma semaphore(%arg20 : memref<!tpu.dma_semaphore, #tpu.memory_space<semaphore_mem>>) src(%dma_wait3A_1385 : memref<10000x128xf32, #tpu.memory_space<hbm>>) dst(%arg13 : memref<125x128xf32, #tpu.memory_space<vmem>>)
      %add3A_1386 = arith.constant 1 : i32
      %add3A_1387 = arith.addi %mul3A_1347, %add3A_1386 : i32
      %dma_start3A_1388 = arith.constant 0 : i32
      %dma_start3A_1389 = tpu.memref_slice %arg11[%add3A_1387, %dma_start3A_1388] : memref<20x125xi32, #tpu.memory_space<vmem>> -> memref<1x125xi32, #tpu.memory_space<vmem>>
      %dma_start3A_1390 = tpu.memref_squeeze %dma_start3A_1389 : memref<1x125xi32, #tpu.memory_space<vmem>> -> memref<125xi32, #tpu.memory_space<vmem>>
      %dma_start3A_1391 = arith.constant 0 : i32
      %dma_start3A_1392 = arith.constant 0 : i32
      %dma_start3A_1393 = tpu.memref_slice %arg18[%dma_start3A_1391, %dma_start3A_1392] : memref<10240x128xf32, #tpu.memory_space<vmem_shared>> -> memref<10240x128xf32, #tpu.memory_space<vmem_shared>>
      tpu.enqueue_indirect_dma source(%arg13 : memref<125x128xf32, #tpu.memory_space<vmem>>) target(%dma_start3A_1393 : memref<10240x128xf32, #tpu.memory_space<vmem_shared>>) offsets(%dma_start3A_1390 : memref<125xi32, #tpu.memory_space<vmem>>) semaphore(%arg21 : memref<!tpu.dma_semaphore, #tpu.memory_space<semaphore_mem>>) {add = true}
      %dma_wait3A_1394 = arith.constant 0 : i32
      %dma_wait3A_1395 = tpu.memref_slice %arg11[%add3A_1387, %dma_wait3A_1394] : memref<20x125xi32, #tpu.memory_space<vmem>> -> memref<1x125xi32, #tpu.memory_space<vmem>>
      %dma_wait3A_1396 = tpu.memref_squeeze %dma_wait3A_1395 : memref<1x125xi32, #tpu.memory_space<vmem>> -> memref<125xi32, #tpu.memory_space<vmem>>
      %dma_wait3A_1397 = arith.constant 0 : i32
      %dma_wait3A_1398 = arith.constant 0 : i32
      %dma_wait3A_1399 = tpu.memref_slice %arg18[%dma_wait3A_1397, %dma_wait3A_1398] : memref<10240x128xf32, #tpu.memory_space<vmem_shared>> -> memref<10240x128xf32, #tpu.memory_space<vmem_shared>>
      tpu.wait_indirect_dma semaphore(%arg21 : memref<!tpu.dma_semaphore, #tpu.memory_space<semaphore_mem>>) src(%arg13 : memref<125x128xf32, #tpu.memory_space<vmem>>) dst(%dma_wait3A_1399 : memref<10240x128xf32, #tpu.memory_space<vmem_shared>>)
    }
    %scan3A_1259 = arith.constant 10 : i32
    %run_scoped3A_1260 = arith.constant 0 : i32
    %run_scoped3A_1261 = arith.constant 2 : i32
    "tpu.region"() ({
      %run_scoped3A_1345 = tpu.sem_alloc : memref<!tpu.dma_semaphore, #tpu.memory_space<semaphore_mem>>
      %dma_start3A_1346 = arith.constant 0 : i32
      %dma_start3A_1347 = arith.constant 0 : i32
      %dma_start3A_1348 = tpu.memref_slice %arg3[%run_scoped3A_1260, %add3A, %run_scoped3A_1261, %dma_start3A_1346, %dma_start3A_1347] : memref<2x32x4x20x125xi32, #tpu.memory_space<hbm>> -> memref<1x1x1x20x125xi32, #tpu.memory_space<hbm>>
      %dma_start3A_1349 = tpu.memref_squeeze %dma_start3A_1348 : memref<1x1x1x20x125xi32, #tpu.memory_space<hbm>> -> memref<20x125xi32, #tpu.memory_space<hbm>>
      %dma_start3A_1350 = arith.constant 0 : i32
      %dma_start3A_1351 = arith.constant 0 : i32
      %dma_start3A_1352 = tpu.memref_slice %arg3[%run_scoped3A_1260, %add3A, %run_scoped3A_1261, %dma_start3A_1350, %dma_start3A_1351] : memref<2x32x4x20x125xi32, #tpu.memory_space<hbm>> -> memref<1x1x1x20x125xi32, #tpu.memory_space<hbm>>
      %dma_start3A_1353 = tpu.memref_squeeze %dma_start3A_1352 : memref<1x1x1x20x125xi32, #tpu.memory_space<hbm>> -> memref<20x125xi32, #tpu.memory_space<hbm>>
      tpu.enqueue_dma source(%dma_start3A_1353 : memref<20x125xi32, #tpu.memory_space<hbm>>) target(%arg10 : memref<20x125xi32, #tpu.memory_space<vmem>>) target_semaphore(%run_scoped3A_1345 : memref<!tpu.dma_semaphore, #tpu.memory_space<semaphore_mem>>)
      %dma_wait3A_1354 = arith.constant 0 : i32
      %dma_wait3A_1355 = arith.constant 0 : i32
      %dma_wait3A_1356 = tpu.memref_slice %arg3[%run_scoped3A_1260, %add3A, %run_scoped3A_1261, %dma_wait3A_1354, %dma_wait3A_1355] : memref<2x32x4x20x125xi32, #tpu.memory_space<hbm>> -> memref<1x1x1x20x125xi32, #tpu.memory_space<hbm>>
      %dma_wait3A_1357 = tpu.memref_squeeze %dma_wait3A_1356 : memref<1x1x1x20x125xi32, #tpu.memory_space<hbm>> -> memref<20x125xi32, #tpu.memory_space<hbm>>
      %dma_wait3A_1358 = arith.constant 0 : i32
      %dma_wait3A_1359 = arith.constant 0 : i32
      %dma_wait3A_1360 = tpu.memref_slice %arg3[%run_scoped3A_1260, %add3A, %run_scoped3A_1261, %dma_wait3A_1358, %dma_wait3A_1359] : memref<2x32x4x20x125xi32, #tpu.memory_space<hbm>> -> memref<1x1x1x20x125xi32, #tpu.memory_space<hbm>>
      %dma_wait3A_1361 = tpu.memref_squeeze %dma_wait3A_1360 : memref<1x1x1x20x125xi32, #tpu.memory_space<hbm>> -> memref<20x125xi32, #tpu.memory_space<hbm>>
      tpu.wait_dma2 semaphore(%run_scoped3A_1345 : memref<!tpu.dma_semaphore, #tpu.memory_space<semaphore_mem>>) src(%dma_wait3A_1361 : memref<20x125xi32, #tpu.memory_space<hbm>>) dst(%arg10 : memref<20x125xi32, #tpu.memory_space<vmem>>)
      tpu.yield
    }) : () -> ()
    %run_scoped3A_1262 = arith.constant 1 : i32
    %run_scoped3A_1263 = arith.constant 2 : i32
    "tpu.region"() ({
      %run_scoped3A_1345 = tpu.sem_alloc : memref<!tpu.dma_semaphore, #tpu.memory_space<semaphore_mem>>
      %dma_start3A_1346 = arith.constant 0 : i32
      %dma_start3A_1347 = arith.constant 0 : i32
      %dma_start3A_1348 = tpu.memref_slice %arg3[%run_scoped3A_1262, %add3A, %run_scoped3A_1263, %dma_start3A_1346, %dma_start3A_1347] : memref<2x32x4x20x125xi32, #tpu.memory_space<hbm>> -> memref<1x1x1x20x125xi32, #tpu.memory_space<hbm>>
      %dma_start3A_1349 = tpu.memref_squeeze %dma_start3A_1348 : memref<1x1x1x20x125xi32, #tpu.memory_space<hbm>> -> memref<20x125xi32, #tpu.memory_space<hbm>>
      %dma_start3A_1350 = arith.constant 0 : i32
      %dma_start3A_1351 = arith.constant 0 : i32
      %dma_start3A_1352 = tpu.memref_slice %arg3[%run_scoped3A_1262, %add3A, %run_scoped3A_1263, %dma_start3A_1350, %dma_start3A_1351] : memref<2x32x4x20x125xi32, #tpu.memory_space<hbm>> -> memref<1x1x1x20x125xi32, #tpu.memory_space<hbm>>
      %dma_start3A_1353 = tpu.memref_squeeze %dma_start3A_1352 : memref<1x1x1x20x125xi32, #tpu.memory_space<hbm>> -> memref<20x125xi32, #tpu.memory_space<hbm>>
      tpu.enqueue_dma source(%dma_start3A_1353 : memref<20x125xi32, #tpu.memory_space<hbm>>) target(%arg11 : memref<20x125xi32, #tpu.memory_space<vmem>>) target_semaphore(%run_scoped3A_1345 : memref<!tpu.dma_semaphore, #tpu.memory_space<semaphore_mem>>)
      %dma_wait3A_1354 = arith.constant 0 : i32
      %dma_wait3A_1355 = arith.constant 0 : i32
      %dma_wait3A_1356 = tpu.memref_slice %arg3[%run_scoped3A_1262, %add3A, %run_scoped3A_1263, %dma_wait3A_1354, %dma_wait3A_1355] : memref<2x32x4x20x125xi32, #tpu.memory_space<hbm>> -> memref<1x1x1x20x125xi32, #tpu.memory_space<hbm>>
      %dma_wait3A_1357 = tpu.memref_squeeze %dma_wait3A_1356 : memref<1x1x1x20x125xi32, #tpu.memory_space<hbm>> -> memref<20x125xi32, #tpu.memory_space<hbm>>
      %dma_wait3A_1358 = arith.constant 0 : i32
      %dma_wait3A_1359 = arith.constant 0 : i32
      %dma_wait3A_1360 = tpu.memref_slice %arg3[%run_scoped3A_1262, %add3A, %run_scoped3A_1263, %dma_wait3A_1358, %dma_wait3A_1359] : memref<2x32x4x20x125xi32, #tpu.memory_space<hbm>> -> memref<1x1x1x20x125xi32, #tpu.memory_space<hbm>>
      %dma_wait3A_1361 = tpu.memref_squeeze %dma_wait3A_1360 : memref<1x1x1x20x125xi32, #tpu.memory_space<hbm>> -> memref<20x125xi32, #tpu.memory_space<hbm>>
      tpu.wait_dma2 semaphore(%run_scoped3A_1345 : memref<!tpu.dma_semaphore, #tpu.memory_space<semaphore_mem>>) src(%dma_wait3A_1361 : memref<20x125xi32, #tpu.memory_space<hbm>>) dst(%arg11 : memref<20x125xi32, #tpu.memory_space<vmem>>)
      tpu.yield
    }) : () -> ()
    %dma_start3A_1264 = arith.constant 0 : i32
    %dma_start3A_1265 = arith.constant 0 : i32
    %dma_start3A_1266 = tpu.memref_slice %arg10[%dma_start3A_1264, %dma_start3A_1265] : memref<20x125xi32, #tpu.memory_space<vmem>> -> memref<1x125xi32, #tpu.memory_space<vmem>>
    %dma_start3A_1267 = tpu.memref_squeeze %dma_start3A_1266 : memref<1x125xi32, #tpu.memory_space<vmem>> -> memref<125xi32, #tpu.memory_space<vmem>>
    %dma_start3A_1268 = arith.constant 0 : i32
    %dma_start3A_1269 = arith.constant 0 : i32
    %dma_start3A_1270 = tpu.memref_slice %arg2[%dma_start3A_1268, %dma_start3A_1269] : memref<10000x128xf32, #tpu.memory_space<hbm>> -> memref<10000x128xf32, #tpu.memory_space<hbm>>
    tpu.enqueue_indirect_dma source(%dma_start3A_1270 : memref<10000x128xf32, #tpu.memory_space<hbm>>) target(%arg12 : memref<125x128xf32, #tpu.memory_space<vmem>>) offsets(%dma_start3A_1267 : memref<125xi32, #tpu.memory_space<vmem>>) semaphore(%arg19 : memref<!tpu.dma_semaphore, #tpu.memory_space<semaphore_mem>>)
    %scan3A_1271 = arith.constant 0 : i32
    %scan3A_1272 = arith.constant 0 : i32
    %scan3A_1273 = arith.constant 10 : i32
    %scan3A_1274 = arith.addi %scan3A_1272, %scan3A_1273 : i32
    %scan3A_1275 = arith.constant 1 : i32
    scf.for %scan3A_1345 = %scan3A_1272 to %scan3A_1274 step %scan3A_1275  : i32 {
      %mul3A_1346 = arith.constant 2 : i32
      %mul3A_1347 = arith.muli %mul3A_1346, %scan3A_1345 : i32
      %add3A_1348 = arith.constant 1 : i32
      %add3A_1349 = arith.addi %mul3A_1347, %add3A_1348 : i32
      %dma_start3A_1350 = arith.constant 0 : i32
      %dma_start3A_1351 = tpu.memref_slice %arg10[%add3A_1349, %dma_start3A_1350] : memref<20x125xi32, #tpu.memory_space<vmem>> -> memref<1x125xi32, #tpu.memory_space<vmem>>
      %dma_start3A_1352 = tpu.memref_squeeze %dma_start3A_1351 : memref<1x125xi32, #tpu.memory_space<vmem>> -> memref<125xi32, #tpu.memory_space<vmem>>
      %dma_start3A_1353 = arith.constant 0 : i32
      %dma_start3A_1354 = arith.constant 0 : i32
      %dma_start3A_1355 = tpu.memref_slice %arg2[%dma_start3A_1353, %dma_start3A_1354] : memref<10000x128xf32, #tpu.memory_space<hbm>> -> memref<10000x128xf32, #tpu.memory_space<hbm>>
      tpu.enqueue_indirect_dma source(%dma_start3A_1355 : memref<10000x128xf32, #tpu.memory_space<hbm>>) target(%arg13 : memref<125x128xf32, #tpu.memory_space<vmem>>) offsets(%dma_start3A_1352 : memref<125xi32, #tpu.memory_space<vmem>>) semaphore(%arg20 : memref<!tpu.dma_semaphore, #tpu.memory_space<semaphore_mem>>)
      %dma_wait3A_1356 = arith.constant 0 : i32
      %dma_wait3A_1357 = tpu.memref_slice %arg10[%mul3A_1347, %dma_wait3A_1356] : memref<20x125xi32, #tpu.memory_space<vmem>> -> memref<1x125xi32, #tpu.memory_space<vmem>>
      %dma_wait3A_1358 = tpu.memref_squeeze %dma_wait3A_1357 : memref<1x125xi32, #tpu.memory_space<vmem>> -> memref<125xi32, #tpu.memory_space<vmem>>
      %dma_wait3A_1359 = arith.constant 0 : i32
      %dma_wait3A_1360 = arith.constant 0 : i32
      %dma_wait3A_1361 = tpu.memref_slice %arg2[%dma_wait3A_1359, %dma_wait3A_1360] : memref<10000x128xf32, #tpu.memory_space<hbm>> -> memref<10000x128xf32, #tpu.memory_space<hbm>>
      tpu.wait_indirect_dma semaphore(%arg19 : memref<!tpu.dma_semaphore, #tpu.memory_space<semaphore_mem>>) src(%dma_wait3A_1361 : memref<10000x128xf32, #tpu.memory_space<hbm>>) dst(%arg12 : memref<125x128xf32, #tpu.memory_space<vmem>>)
      %dma_start3A_1362 = arith.constant 0 : i32
      %dma_start3A_1363 = tpu.memref_slice %arg11[%mul3A_1347, %dma_start3A_1362] : memref<20x125xi32, #tpu.memory_space<vmem>> -> memref<1x125xi32, #tpu.memory_space<vmem>>
      %dma_start3A_1364 = tpu.memref_squeeze %dma_start3A_1363 : memref<1x125xi32, #tpu.memory_space<vmem>> -> memref<125xi32, #tpu.memory_space<vmem>>
      %dma_start3A_1365 = arith.constant 0 : i32
      %dma_start3A_1366 = arith.constant 0 : i32
      %dma_start3A_1367 = tpu.memref_slice %arg18[%dma_start3A_1365, %dma_start3A_1366] : memref<10240x128xf32, #tpu.memory_space<vmem_shared>> -> memref<10240x128xf32, #tpu.memory_space<vmem_shared>>
      tpu.enqueue_indirect_dma source(%arg12 : memref<125x128xf32, #tpu.memory_space<vmem>>) target(%dma_start3A_1367 : memref<10240x128xf32, #tpu.memory_space<vmem_shared>>) offsets(%dma_start3A_1364 : memref<125xi32, #tpu.memory_space<vmem>>) semaphore(%arg21 : memref<!tpu.dma_semaphore, #tpu.memory_space<semaphore_mem>>) {add = true}
      %dma_wait3A_1368 = arith.constant 0 : i32
      %dma_wait3A_1369 = tpu.memref_slice %arg11[%mul3A_1347, %dma_wait3A_1368] : memref<20x125xi32, #tpu.memory_space<vmem>> -> memref<1x125xi32, #tpu.memory_space<vmem>>
      %dma_wait3A_1370 = tpu.memref_squeeze %dma_wait3A_1369 : memref<1x125xi32, #tpu.memory_space<vmem>> -> memref<125xi32, #tpu.memory_space<vmem>>
      %dma_wait3A_1371 = arith.constant 0 : i32
      %dma_wait3A_1372 = arith.constant 0 : i32
      %dma_wait3A_1373 = tpu.memref_slice %arg18[%dma_wait3A_1371, %dma_wait3A_1372] : memref<10240x128xf32, #tpu.memory_space<vmem_shared>> -> memref<10240x128xf32, #tpu.memory_space<vmem_shared>>
      tpu.wait_indirect_dma semaphore(%arg21 : memref<!tpu.dma_semaphore, #tpu.memory_space<semaphore_mem>>) src(%arg12 : memref<125x128xf32, #tpu.memory_space<vmem>>) dst(%dma_wait3A_1373 : memref<10240x128xf32, #tpu.memory_space<vmem_shared>>)
      %add3A_1374 = arith.constant 2 : i32
      %add3A_1375 = arith.addi %mul3A_1347, %add3A_1374 : i32
      %lt3A = arith.constant 20 : i32
      %lt3A_1376 = arith.cmpi slt, %add3A_1375, %lt3A : i32
      %convert_element_type3A = arith.extui %lt3A_1376 : i1 to i32
      %cond3A = arith.constant 0 : i32
      %cond3A_1377 = arith.cmpi ne, %convert_element_type3A, %cond3A : i32
      scf.if %cond3A_1377 {
        %add3A_1400 = arith.constant 2 : i32
        %add3A_1401 = arith.addi %mul3A_1347, %add3A_1400 : i32
        %dma_start3A_1402 = arith.constant 0 : i32
        %dma_start3A_1403 = tpu.memref_slice %arg10[%add3A_1401, %dma_start3A_1402] : memref<20x125xi32, #tpu.memory_space<vmem>> -> memref<1x125xi32, #tpu.memory_space<vmem>>
        %dma_start3A_1404 = tpu.memref_squeeze %dma_start3A_1403 : memref<1x125xi32, #tpu.memory_space<vmem>> -> memref<125xi32, #tpu.memory_space<vmem>>
        %dma_start3A_1405 = arith.constant 0 : i32
        %dma_start3A_1406 = arith.constant 0 : i32
        %dma_start3A_1407 = tpu.memref_slice %arg2[%dma_start3A_1405, %dma_start3A_1406] : memref<10000x128xf32, #tpu.memory_space<hbm>> -> memref<10000x128xf32, #tpu.memory_space<hbm>>
        tpu.enqueue_indirect_dma source(%dma_start3A_1407 : memref<10000x128xf32, #tpu.memory_space<hbm>>) target(%arg12 : memref<125x128xf32, #tpu.memory_space<vmem>>) offsets(%dma_start3A_1404 : memref<125xi32, #tpu.memory_space<vmem>>) semaphore(%arg19 : memref<!tpu.dma_semaphore, #tpu.memory_space<semaphore_mem>>)
      } else {
      }
      %add3A_1378 = arith.constant 1 : i32
      %add3A_1379 = arith.addi %mul3A_1347, %add3A_1378 : i32
      %dma_wait3A_1380 = arith.constant 0 : i32
      %dma_wait3A_1381 = tpu.memref_slice %arg10[%add3A_1379, %dma_wait3A_1380] : memref<20x125xi32, #tpu.memory_space<vmem>> -> memref<1x125xi32, #tpu.memory_space<vmem>>
      %dma_wait3A_1382 = tpu.memref_squeeze %dma_wait3A_1381 : memref<1x125xi32, #tpu.memory_space<vmem>> -> memref<125xi32, #tpu.memory_space<vmem>>
      %dma_wait3A_1383 = arith.constant 0 : i32
      %dma_wait3A_1384 = arith.constant 0 : i32
      %dma_wait3A_1385 = tpu.memref_slice %arg2[%dma_wait3A_1383, %dma_wait3A_1384] : memref<10000x128xf32, #tpu.memory_space<hbm>> -> memref<10000x128xf32, #tpu.memory_space<hbm>>
      tpu.wait_indirect_dma semaphore(%arg20 : memref<!tpu.dma_semaphore, #tpu.memory_space<semaphore_mem>>) src(%dma_wait3A_1385 : memref<10000x128xf32, #tpu.memory_space<hbm>>) dst(%arg13 : memref<125x128xf32, #tpu.memory_space<vmem>>)
      %add3A_1386 = arith.constant 1 : i32
      %add3A_1387 = arith.addi %mul3A_1347, %add3A_1386 : i32
      %dma_start3A_1388 = arith.constant 0 : i32
      %dma_start3A_1389 = tpu.memref_slice %arg11[%add3A_1387, %dma_start3A_1388] : memref<20x125xi32, #tpu.memory_space<vmem>> -> memref<1x125xi32, #tpu.memory_space<vmem>>
      %dma_start3A_1390 = tpu.memref_squeeze %dma_start3A_1389 : memref<1x125xi32, #tpu.memory_space<vmem>> -> memref<125xi32, #tpu.memory_space<vmem>>
      %dma_start3A_1391 = arith.constant 0 : i32
      %dma_start3A_1392 = arith.constant 0 : i32
      %dma_start3A_1393 = tpu.memref_slice %arg18[%dma_start3A_1391, %dma_start3A_1392] : memref<10240x128xf32, #tpu.memory_space<vmem_shared>> -> memref<10240x128xf32, #tpu.memory_space<vmem_shared>>
      tpu.enqueue_indirect_dma source(%arg13 : memref<125x128xf32, #tpu.memory_space<vmem>>) target(%dma_start3A_1393 : memref<10240x128xf32, #tpu.memory_space<vmem_shared>>) offsets(%dma_start3A_1390 : memref<125xi32, #tpu.memory_space<vmem>>) semaphore(%arg21 : memref<!tpu.dma_semaphore, #tpu.memory_space<semaphore_mem>>) {add = true}
      %dma_wait3A_1394 = arith.constant 0 : i32
      %dma_wait3A_1395 = tpu.memref_slice %arg11[%add3A_1387, %dma_wait3A_1394] : memref<20x125xi32, #tpu.memory_space<vmem>> -> memref<1x125xi32, #tpu.memory_space<vmem>>
      %dma_wait3A_1396 = tpu.memref_squeeze %dma_wait3A_1395 : memref<1x125xi32, #tpu.memory_space<vmem>> -> memref<125xi32, #tpu.memory_space<vmem>>
      %dma_wait3A_1397 = arith.constant 0 : i32
      %dma_wait3A_1398 = arith.constant 0 : i32
      %dma_wait3A_1399 = tpu.memref_slice %arg18[%dma_wait3A_1397, %dma_wait3A_1398] : memref<10240x128xf32, #tpu.memory_space<vmem_shared>> -> memref<10240x128xf32, #tpu.memory_space<vmem_shared>>
      tpu.wait_indirect_dma semaphore(%arg21 : memref<!tpu.dma_semaphore, #tpu.memory_space<semaphore_mem>>) src(%arg13 : memref<125x128xf32, #tpu.memory_space<vmem>>) dst(%dma_wait3A_1399 : memref<10240x128xf32, #tpu.memory_space<vmem_shared>>)
    }
    %scan3A_1276 = arith.constant 10 : i32
    %run_scoped3A_1277 = arith.constant 0 : i32
    %run_scoped3A_1278 = arith.constant 3 : i32
    "tpu.region"() ({
      %run_scoped3A_1345 = tpu.sem_alloc : memref<!tpu.dma_semaphore, #tpu.memory_space<semaphore_mem>>
      %dma_start3A_1346 = arith.constant 0 : i32
      %dma_start3A_1347 = arith.constant 0 : i32
      %dma_start3A_1348 = tpu.memref_slice %arg3[%run_scoped3A_1277, %add3A, %run_scoped3A_1278, %dma_start3A_1346, %dma_start3A_1347] : memref<2x32x4x20x125xi32, #tpu.memory_space<hbm>> -> memref<1x1x1x20x125xi32, #tpu.memory_space<hbm>>
      %dma_start3A_1349 = tpu.memref_squeeze %dma_start3A_1348 : memref<1x1x1x20x125xi32, #tpu.memory_space<hbm>> -> memref<20x125xi32, #tpu.memory_space<hbm>>
      %dma_start3A_1350 = arith.constant 0 : i32
      %dma_start3A_1351 = arith.constant 0 : i32
      %dma_start3A_1352 = tpu.memref_slice %arg3[%run_scoped3A_1277, %add3A, %run_scoped3A_1278, %dma_start3A_1350, %dma_start3A_1351] : memref<2x32x4x20x125xi32, #tpu.memory_space<hbm>> -> memref<1x1x1x20x125xi32, #tpu.memory_space<hbm>>
      %dma_start3A_1353 = tpu.memref_squeeze %dma_start3A_1352 : memref<1x1x1x20x125xi32, #tpu.memory_space<hbm>> -> memref<20x125xi32, #tpu.memory_space<hbm>>
      tpu.enqueue_dma source(%dma_start3A_1353 : memref<20x125xi32, #tpu.memory_space<hbm>>) target(%arg10 : memref<20x125xi32, #tpu.memory_space<vmem>>) target_semaphore(%run_scoped3A_1345 : memref<!tpu.dma_semaphore, #tpu.memory_space<semaphore_mem>>)
      %dma_wait3A_1354 = arith.constant 0 : i32
      %dma_wait3A_1355 = arith.constant 0 : i32
      %dma_wait3A_1356 = tpu.memref_slice %arg3[%run_scoped3A_1277, %add3A, %run_scoped3A_1278, %dma_wait3A_1354, %dma_wait3A_1355] : memref<2x32x4x20x125xi32, #tpu.memory_space<hbm>> -> memref<1x1x1x20x125xi32, #tpu.memory_space<hbm>>
      %dma_wait3A_1357 = tpu.memref_squeeze %dma_wait3A_1356 : memref<1x1x1x20x125xi32, #tpu.memory_space<hbm>> -> memref<20x125xi32, #tpu.memory_space<hbm>>
      %dma_wait3A_1358 = arith.constant 0 : i32
      %dma_wait3A_1359 = arith.constant 0 : i32
      %dma_wait3A_1360 = tpu.memref_slice %arg3[%run_scoped3A_1277, %add3A, %run_scoped3A_1278, %dma_wait3A_1358, %dma_wait3A_1359] : memref<2x32x4x20x125xi32, #tpu.memory_space<hbm>> -> memref<1x1x1x20x125xi32, #tpu.memory_space<hbm>>
      %dma_wait3A_1361 = tpu.memref_squeeze %dma_wait3A_1360 : memref<1x1x1x20x125xi32, #tpu.memory_space<hbm>> -> memref<20x125xi32, #tpu.memory_space<hbm>>
      tpu.wait_dma2 semaphore(%run_scoped3A_1345 : memref<!tpu.dma_semaphore, #tpu.memory_space<semaphore_mem>>) src(%dma_wait3A_1361 : memref<20x125xi32, #tpu.memory_space<hbm>>) dst(%arg10 : memref<20x125xi32, #tpu.memory_space<vmem>>)
      tpu.yield
    }) : () -> ()
    %run_scoped3A_1279 = arith.constant 1 : i32
    %run_scoped3A_1280 = arith.constant 3 : i32
    "tpu.region"() ({
      %run_scoped3A_1345 = tpu.sem_alloc : memref<!tpu.dma_semaphore, #tpu.memory_space<semaphore_mem>>
      %dma_start3A_1346 = arith.constant 0 : i32
      %dma_start3A_1347 = arith.constant 0 : i32
      %dma_start3A_1348 = tpu.memref_slice %arg3[%run_scoped3A_1279, %add3A, %run_scoped3A_1280, %dma_start3A_1346, %dma_start3A_1347] : memref<2x32x4x20x125xi32, #tpu.memory_space<hbm>> -> memref<1x1x1x20x125xi32, #tpu.memory_space<hbm>>
      %dma_start3A_1349 = tpu.memref_squeeze %dma_start3A_1348 : memref<1x1x1x20x125xi32, #tpu.memory_space<hbm>> -> memref<20x125xi32, #tpu.memory_space<hbm>>
      %dma_start3A_1350 = arith.constant 0 : i32
      %dma_start3A_1351 = arith.constant 0 : i32
      %dma_start3A_1352 = tpu.memref_slice %arg3[%run_scoped3A_1279, %add3A, %run_scoped3A_1280, %dma_start3A_1350, %dma_start3A_1351] : memref<2x32x4x20x125xi32, #tpu.memory_space<hbm>> -> memref<1x1x1x20x125xi32, #tpu.memory_space<hbm>>
      %dma_start3A_1353 = tpu.memref_squeeze %dma_start3A_1352 : memref<1x1x1x20x125xi32, #tpu.memory_space<hbm>> -> memref<20x125xi32, #tpu.memory_space<hbm>>
      tpu.enqueue_dma source(%dma_start3A_1353 : memref<20x125xi32, #tpu.memory_space<hbm>>) target(%arg11 : memref<20x125xi32, #tpu.memory_space<vmem>>) target_semaphore(%run_scoped3A_1345 : memref<!tpu.dma_semaphore, #tpu.memory_space<semaphore_mem>>)
      %dma_wait3A_1354 = arith.constant 0 : i32
      %dma_wait3A_1355 = arith.constant 0 : i32
      %dma_wait3A_1356 = tpu.memref_slice %arg3[%run_scoped3A_1279, %add3A, %run_scoped3A_1280, %dma_wait3A_1354, %dma_wait3A_1355] : memref<2x32x4x20x125xi32, #tpu.memory_space<hbm>> -> memref<1x1x1x20x125xi32, #tpu.memory_space<hbm>>
      %dma_wait3A_1357 = tpu.memref_squeeze %dma_wait3A_1356 : memref<1x1x1x20x125xi32, #tpu.memory_space<hbm>> -> memref<20x125xi32, #tpu.memory_space<hbm>>
      %dma_wait3A_1358 = arith.constant 0 : i32
      %dma_wait3A_1359 = arith.constant 0 : i32
      %dma_wait3A_1360 = tpu.memref_slice %arg3[%run_scoped3A_1279, %add3A, %run_scoped3A_1280, %dma_wait3A_1358, %dma_wait3A_1359] : memref<2x32x4x20x125xi32, #tpu.memory_space<hbm>> -> memref<1x1x1x20x125xi32, #tpu.memory_space<hbm>>
      %dma_wait3A_1361 = tpu.memref_squeeze %dma_wait3A_1360 : memref<1x1x1x20x125xi32, #tpu.memory_space<hbm>> -> memref<20x125xi32, #tpu.memory_space<hbm>>
      tpu.wait_dma2 semaphore(%run_scoped3A_1345 : memref<!tpu.dma_semaphore, #tpu.memory_space<semaphore_mem>>) src(%dma_wait3A_1361 : memref<20x125xi32, #tpu.memory_space<hbm>>) dst(%arg11 : memref<20x125xi32, #tpu.memory_space<vmem>>)
      tpu.yield
    }) : () -> ()
    %dma_start3A_1281 = arith.constant 0 : i32
    %dma_start3A_1282 = arith.constant 0 : i32
    %dma_start3A_1283 = tpu.memref_slice %arg10[%dma_start3A_1281, %dma_start3A_1282] : memref<20x125xi32, #tpu.memory_space<vmem>> -> memref<1x125xi32, #tpu.memory_space<vmem>>
    %dma_start3A_1284 = tpu.memref_squeeze %dma_start3A_1283 : memref<1x125xi32, #tpu.memory_space<vmem>> -> memref<125xi32, #tpu.memory_space<vmem>>
    %dma_start3A_1285 = arith.constant 0 : i32
    %dma_start3A_1286 = arith.constant 0 : i32
    %dma_start3A_1287 = tpu.memref_slice %arg2[%dma_start3A_1285, %dma_start3A_1286] : memref<10000x128xf32, #tpu.memory_space<hbm>> -> memref<10000x128xf32, #tpu.memory_space<hbm>>
    tpu.enqueue_indirect_dma source(%dma_start3A_1287 : memref<10000x128xf32, #tpu.memory_space<hbm>>) target(%arg12 : memref<125x128xf32, #tpu.memory_space<vmem>>) offsets(%dma_start3A_1284 : memref<125xi32, #tpu.memory_space<vmem>>) semaphore(%arg19 : memref<!tpu.dma_semaphore, #tpu.memory_space<semaphore_mem>>)
    %scan3A_1288 = arith.constant 0 : i32
    %scan3A_1289 = arith.constant 0 : i32
    %scan3A_1290 = arith.constant 10 : i32
    %scan3A_1291 = arith.addi %scan3A_1289, %scan3A_1290 : i32
    %scan3A_1292 = arith.constant 1 : i32
    scf.for %scan3A_1345 = %scan3A_1289 to %scan3A_1291 step %scan3A_1292  : i32 {
      %mul3A_1346 = arith.constant 2 : i32
      %mul3A_1347 = arith.muli %mul3A_1346, %scan3A_1345 : i32
      %add3A_1348 = arith.constant 1 : i32
      %add3A_1349 = arith.addi %mul3A_1347, %add3A_1348 : i32
      %dma_start3A_1350 = arith.constant 0 : i32
      %dma_start3A_1351 = tpu.memref_slice %arg10[%add3A_1349, %dma_start3A_1350] : memref<20x125xi32, #tpu.memory_space<vmem>> -> memref<1x125xi32, #tpu.memory_space<vmem>>
      %dma_start3A_1352 = tpu.memref_squeeze %dma_start3A_1351 : memref<1x125xi32, #tpu.memory_space<vmem>> -> memref<125xi32, #tpu.memory_space<vmem>>
      %dma_start3A_1353 = arith.constant 0 : i32
      %dma_start3A_1354 = arith.constant 0 : i32
      %dma_start3A_1355 = tpu.memref_slice %arg2[%dma_start3A_1353, %dma_start3A_1354] : memref<10000x128xf32, #tpu.memory_space<hbm>> -> memref<10000x128xf32, #tpu.memory_space<hbm>>
      tpu.enqueue_indirect_dma source(%dma_start3A_1355 : memref<10000x128xf32, #tpu.memory_space<hbm>>) target(%arg13 : memref<125x128xf32, #tpu.memory_space<vmem>>) offsets(%dma_start3A_1352 : memref<125xi32, #tpu.memory_space<vmem>>) semaphore(%arg20 : memref<!tpu.dma_semaphore, #tpu.memory_space<semaphore_mem>>)
      %dma_wait3A_1356 = arith.constant 0 : i32
      %dma_wait3A_1357 = tpu.memref_slice %arg10[%mul3A_1347, %dma_wait3A_1356] : memref<20x125xi32, #tpu.memory_space<vmem>> -> memref<1x125xi32, #tpu.memory_space<vmem>>
      %dma_wait3A_1358 = tpu.memref_squeeze %dma_wait3A_1357 : memref<1x125xi32, #tpu.memory_space<vmem>> -> memref<125xi32, #tpu.memory_space<vmem>>
      %dma_wait3A_1359 = arith.constant 0 : i32
      %dma_wait3A_1360 = arith.constant 0 : i32
      %dma_wait3A_1361 = tpu.memref_slice %arg2[%dma_wait3A_1359, %dma_wait3A_1360] : memref<10000x128xf32, #tpu.memory_space<hbm>> -> memref<10000x128xf32, #tpu.memory_space<hbm>>
      tpu.wait_indirect_dma semaphore(%arg19 : memref<!tpu.dma_semaphore, #tpu.memory_space<semaphore_mem>>) src(%dma_wait3A_1361 : memref<10000x128xf32, #tpu.memory_space<hbm>>) dst(%arg12 : memref<125x128xf32, #tpu.memory_space<vmem>>)
      %dma_start3A_1362 = arith.constant 0 : i32
      %dma_start3A_1363 = tpu.memref_slice %arg11[%mul3A_1347, %dma_start3A_1362] : memref<20x125xi32, #tpu.memory_space<vmem>> -> memref<1x125xi32, #tpu.memory_space<vmem>>
      %dma_start3A_1364 = tpu.memref_squeeze %dma_start3A_1363 : memref<1x125xi32, #tpu.memory_space<vmem>> -> memref<125xi32, #tpu.memory_space<vmem>>
      %dma_start3A_1365 = arith.constant 0 : i32
      %dma_start3A_1366 = arith.constant 0 : i32
      %dma_start3A_1367 = tpu.memref_slice %arg18[%dma_start3A_1365, %dma_start3A_1366] : memref<10240x128xf32, #tpu.memory_space<vmem_shared>> -> memref<10240x128xf32, #tpu.memory_space<vmem_shared>>
      tpu.enqueue_indirect_dma source(%arg12 : memref<125x128xf32, #tpu.memory_space<vmem>>) target(%dma_start3A_1367 : memref<10240x128xf32, #tpu.memory_space<vmem_shared>>) offsets(%dma_start3A_1364 : memref<125xi32, #tpu.memory_space<vmem>>) semaphore(%arg21 : memref<!tpu.dma_semaphore, #tpu.memory_space<semaphore_mem>>) {add = true}
      %dma_wait3A_1368 = arith.constant 0 : i32
      %dma_wait3A_1369 = tpu.memref_slice %arg11[%mul3A_1347, %dma_wait3A_1368] : memref<20x125xi32, #tpu.memory_space<vmem>> -> memref<1x125xi32, #tpu.memory_space<vmem>>
      %dma_wait3A_1370 = tpu.memref_squeeze %dma_wait3A_1369 : memref<1x125xi32, #tpu.memory_space<vmem>> -> memref<125xi32, #tpu.memory_space<vmem>>
      %dma_wait3A_1371 = arith.constant 0 : i32
      %dma_wait3A_1372 = arith.constant 0 : i32
      %dma_wait3A_1373 = tpu.memref_slice %arg18[%dma_wait3A_1371, %dma_wait3A_1372] : memref<10240x128xf32, #tpu.memory_space<vmem_shared>> -> memref<10240x128xf32, #tpu.memory_space<vmem_shared>>
      tpu.wait_indirect_dma semaphore(%arg21 : memref<!tpu.dma_semaphore, #tpu.memory_space<semaphore_mem>>) src(%arg12 : memref<125x128xf32, #tpu.memory_space<vmem>>) dst(%dma_wait3A_1373 : memref<10240x128xf32, #tpu.memory_space<vmem_shared>>)
      %add3A_1374 = arith.constant 2 : i32
      %add3A_1375 = arith.addi %mul3A_1347, %add3A_1374 : i32
      %lt3A = arith.constant 20 : i32
      %lt3A_1376 = arith.cmpi slt, %add3A_1375, %lt3A : i32
      %convert_element_type3A = arith.extui %lt3A_1376 : i1 to i32
      %cond3A = arith.constant 0 : i32
      %cond3A_1377 = arith.cmpi ne, %convert_element_type3A, %cond3A : i32
      scf.if %cond3A_1377 {
        %add3A_1400 = arith.constant 2 : i32
        %add3A_1401 = arith.addi %mul3A_1347, %add3A_1400 : i32
        %dma_start3A_1402 = arith.constant 0 : i32
        %dma_start3A_1403 = tpu.memref_slice %arg10[%add3A_1401, %dma_start3A_1402] : memref<20x125xi32, #tpu.memory_space<vmem>> -> memref<1x125xi32, #tpu.memory_space<vmem>>
        %dma_start3A_1404 = tpu.memref_squeeze %dma_start3A_1403 : memref<1x125xi32, #tpu.memory_space<vmem>> -> memref<125xi32, #tpu.memory_space<vmem>>
        %dma_start3A_1405 = arith.constant 0 : i32
        %dma_start3A_1406 = arith.constant 0 : i32
        %dma_start3A_1407 = tpu.memref_slice %arg2[%dma_start3A_1405, %dma_start3A_1406] : memref<10000x128xf32, #tpu.memory_space<hbm>> -> memref<10000x128xf32, #tpu.memory_space<hbm>>
        tpu.enqueue_indirect_dma source(%dma_start3A_1407 : memref<10000x128xf32, #tpu.memory_space<hbm>>) target(%arg12 : memref<125x128xf32, #tpu.memory_space<vmem>>) offsets(%dma_start3A_1404 : memref<125xi32, #tpu.memory_space<vmem>>) semaphore(%arg19 : memref<!tpu.dma_semaphore, #tpu.memory_space<semaphore_mem>>)
      } else {
      }
      %add3A_1378 = arith.constant 1 : i32
      %add3A_1379 = arith.addi %mul3A_1347, %add3A_1378 : i32
      %dma_wait3A_1380 = arith.constant 0 : i32
      %dma_wait3A_1381 = tpu.memref_slice %arg10[%add3A_1379, %dma_wait3A_1380] : memref<20x125xi32, #tpu.memory_space<vmem>> -> memref<1x125xi32, #tpu.memory_space<vmem>>
      %dma_wait3A_1382 = tpu.memref_squeeze %dma_wait3A_1381 : memref<1x125xi32, #tpu.memory_space<vmem>> -> memref<125xi32, #tpu.memory_space<vmem>>
      %dma_wait3A_1383 = arith.constant 0 : i32
      %dma_wait3A_1384 = arith.constant 0 : i32
      %dma_wait3A_1385 = tpu.memref_slice %arg2[%dma_wait3A_1383, %dma_wait3A_1384] : memref<10000x128xf32, #tpu.memory_space<hbm>> -> memref<10000x128xf32, #tpu.memory_space<hbm>>
      tpu.wait_indirect_dma semaphore(%arg20 : memref<!tpu.dma_semaphore, #tpu.memory_space<semaphore_mem>>) src(%dma_wait3A_1385 : memref<10000x128xf32, #tpu.memory_space<hbm>>) dst(%arg13 : memref<125x128xf32, #tpu.memory_space<vmem>>)
      %add3A_1386 = arith.constant 1 : i32
      %add3A_1387 = arith.addi %mul3A_1347, %add3A_1386 : i32
      %dma_start3A_1388 = arith.constant 0 : i32
      %dma_start3A_1389 = tpu.memref_slice %arg11[%add3A_1387, %dma_start3A_1388] : memref<20x125xi32, #tpu.memory_space<vmem>> -> memref<1x125xi32, #tpu.memory_space<vmem>>
      %dma_start3A_1390 = tpu.memref_squeeze %dma_start3A_1389 : memref<1x125xi32, #tpu.memory_space<vmem>> -> memref<125xi32, #tpu.memory_space<vmem>>
      %dma_start3A_1391 = arith.constant 0 : i32
      %dma_start3A_1392 = arith.constant 0 : i32
      %dma_start3A_1393 = tpu.memref_slice %arg18[%dma_start3A_1391, %dma_start3A_1392] : memref<10240x128xf32, #tpu.memory_space<vmem_shared>> -> memref<10240x128xf32, #tpu.memory_space<vmem_shared>>
      tpu.enqueue_indirect_dma source(%arg13 : memref<125x128xf32, #tpu.memory_space<vmem>>) target(%dma_start3A_1393 : memref<10240x128xf32, #tpu.memory_space<vmem_shared>>) offsets(%dma_start3A_1390 : memref<125xi32, #tpu.memory_space<vmem>>) semaphore(%arg21 : memref<!tpu.dma_semaphore, #tpu.memory_space<semaphore_mem>>) {add = true}
      %dma_wait3A_1394 = arith.constant 0 : i32
      %dma_wait3A_1395 = tpu.memref_slice %arg11[%add3A_1387, %dma_wait3A_1394] : memref<20x125xi32, #tpu.memory_space<vmem>> -> memref<1x125xi32, #tpu.memory_space<vmem>>
      %dma_wait3A_1396 = tpu.memref_squeeze %dma_wait3A_1395 : memref<1x125xi32, #tpu.memory_space<vmem>> -> memref<125xi32, #tpu.memory_space<vmem>>
      %dma_wait3A_1397 = arith.constant 0 : i32
      %dma_wait3A_1398 = arith.constant 0 : i32
      %dma_wait3A_1399 = tpu.memref_slice %arg18[%dma_wait3A_1397, %dma_wait3A_1398] : memref<10240x128xf32, #tpu.memory_space<vmem_shared>> -> memref<10240x128xf32, #tpu.memory_space<vmem_shared>>
      tpu.wait_indirect_dma semaphore(%arg21 : memref<!tpu.dma_semaphore, #tpu.memory_space<semaphore_mem>>) src(%arg13 : memref<125x128xf32, #tpu.memory_space<vmem>>) dst(%dma_wait3A_1399 : memref<10240x128xf32, #tpu.memory_space<vmem_shared>>)
    }
    %scan3A_1293 = arith.constant 10 : i32
    %barrier3A_1294 = arith.constant 0 : index
    tpu.barrier barrier_id(%barrier3A_1294)
    %mul3A_1295 = arith.constant 640 : i32
    %mul3A_1296 = arith.muli %arg1, %mul3A_1295 : i32
    %multiple_of3A_1297 = tpu.assume_multiple %mul3A_1296, 8 : i32
    "tpu.region"() ({
      %run_scoped3A_1345 = tpu.sem_alloc : memref<!tpu.dma_semaphore, #tpu.memory_space<semaphore_mem>>
      %dma_start3A_1346 = arith.constant 0 : i32
      %dma_start3A_1347 = tpu.memref_slice %arg6[%arg0, %multiple_of3A_1297, %dma_start3A_1346] : memref<2x10240x128xf32, #tpu.memory_space<hbm>> -> memref<1x640x128xf32, #tpu.memory_space<hbm>>
      %dma_start3A_1348 = tpu.memref_squeeze %dma_start3A_1347 : memref<1x640x128xf32, #tpu.memory_space<hbm>> -> memref<640x128xf32, #tpu.memory_space<hbm>>
      %dma_start3A_1349 = arith.constant 0 : i32
      %dma_start3A_1350 = tpu.memref_slice %arg18[%multiple_of3A_1297, %dma_start3A_1349] : memref<10240x128xf32, #tpu.memory_space<vmem_shared>> -> memref<640x128xf32, #tpu.memory_space<vmem_shared>>
      tpu.enqueue_dma source(%dma_start3A_1350 : memref<640x128xf32, #tpu.memory_space<vmem_shared>>) target(%dma_start3A_1348 : memref<640x128xf32, #tpu.memory_space<hbm>>) target_semaphore(%run_scoped3A_1345 : memref<!tpu.dma_semaphore, #tpu.memory_space<semaphore_mem>>)
      %dma_wait3A_1351 = arith.constant 0 : i32
      %dma_wait3A_1352 = tpu.memref_slice %arg6[%arg0, %multiple_of3A_1297, %dma_wait3A_1351] : memref<2x10240x128xf32, #tpu.memory_space<hbm>> -> memref<1x640x128xf32, #tpu.memory_space<hbm>>
      %dma_wait3A_1353 = tpu.memref_squeeze %dma_wait3A_1352 : memref<1x640x128xf32, #tpu.memory_space<hbm>> -> memref<640x128xf32, #tpu.memory_space<hbm>>
      %dma_wait3A_1354 = arith.constant 0 : i32
      %dma_wait3A_1355 = tpu.memref_slice %arg18[%multiple_of3A_1297, %dma_wait3A_1354] : memref<10240x128xf32, #tpu.memory_space<vmem_shared>> -> memref<640x128xf32, #tpu.memory_space<vmem_shared>>
      tpu.wait_dma2 semaphore(%run_scoped3A_1345 : memref<!tpu.dma_semaphore, #tpu.memory_space<semaphore_mem>>) src(%dma_wait3A_1355 : memref<640x128xf32, #tpu.memory_space<vmem_shared>>) dst(%dma_wait3A_1353 : memref<640x128xf32, #tpu.memory_space<hbm>>)
      tpu.yield
    }) : () -> ()
    %barrier3A_1298 = arith.constant 0 : index
    tpu.barrier barrier_id(%barrier3A_1298)
    %mul3A_1299 = arith.constant 64 : i32
    %mul3A_1300 = arith.muli %arg1, %mul3A_1299 : i32
    "tpu.region"() ({
      %run_scoped3A_1345 = tpu.sem_alloc : memref<!tpu.dma_semaphore, #tpu.memory_space<semaphore_mem>>
      %dma_start3A_1346 = tpu.memref_slice %arg4[%mul3A_1300] : memref<1024xi32, #tpu.memory_space<hbm>> -> memref<64xi32, #tpu.memory_space<hbm>>
      %dma_start3A_1347 = tpu.memref_slice %arg4[%mul3A_1300] : memref<1024xi32, #tpu.memory_space<hbm>> -> memref<64xi32, #tpu.memory_space<hbm>>
      tpu.enqueue_dma source(%dma_start3A_1347 : memref<64xi32, #tpu.memory_space<hbm>>) target(%arg16 : memref<64xi32, #tpu.memory_space<vmem>>) target_semaphore(%run_scoped3A_1345 : memref<!tpu.dma_semaphore, #tpu.memory_space<semaphore_mem>>)
      %dma_wait3A_1348 = tpu.memref_slice %arg4[%mul3A_1300] : memref<1024xi32, #tpu.memory_space<hbm>> -> memref<64xi32, #tpu.memory_space<hbm>>
      %dma_wait3A_1349 = tpu.memref_slice %arg4[%mul3A_1300] : memref<1024xi32, #tpu.memory_space<hbm>> -> memref<64xi32, #tpu.memory_space<hbm>>
      tpu.wait_dma2 semaphore(%run_scoped3A_1345 : memref<!tpu.dma_semaphore, #tpu.memory_space<semaphore_mem>>) src(%dma_wait3A_1349 : memref<64xi32, #tpu.memory_space<hbm>>) dst(%arg16 : memref<64xi32, #tpu.memory_space<vmem>>)
      tpu.yield
    }) : () -> ()
    %dma_start3A_1301 = arith.constant 0 : i32
    %dma_start3A_1302 = tpu.memref_slice %arg16[%dma_start3A_1301] : memref<64xi32, #tpu.memory_space<vmem>> -> memref<32xi32, #tpu.memory_space<vmem>>
    %dma_start3A_1303 = arith.constant 0 : i32
    %dma_start3A_1304 = arith.constant 0 : i32
    %dma_start3A_1305 = tpu.memref_slice %arg6[%arg0, %dma_start3A_1303, %dma_start3A_1304] : memref<2x10240x128xf32, #tpu.memory_space<hbm>> -> memref<1x10240x128xf32, #tpu.memory_space<hbm>>
    %dma_start3A_1306 = tpu.memref_squeeze %dma_start3A_1305 : memref<1x10240x128xf32, #tpu.memory_space<hbm>> -> memref<10240x128xf32, #tpu.memory_space<hbm>>
    %dma_start3A_1307 = arith.constant 0 : i32
    %dma_start3A_1308 = arith.constant 0 : i32
    %dma_start3A_1309 = tpu.memref_slice %dma_start3A_1306[%dma_start3A_1307, %dma_start3A_1308] : memref<10240x128xf32, #tpu.memory_space<hbm>> -> memref<10240x128xf32, #tpu.memory_space<hbm>>
    tpu.enqueue_indirect_dma source(%dma_start3A_1309 : memref<10240x128xf32, #tpu.memory_space<hbm>>) target(%arg17 : memref<32x128xf32, #tpu.memory_space<vmem>>) offsets(%dma_start3A_1302 : memref<32xi32, #tpu.memory_space<vmem>>) semaphore(%arg21 : memref<!tpu.dma_semaphore, #tpu.memory_space<semaphore_mem>>)
    %dma_wait3A_1310 = arith.constant 0 : i32
    %dma_wait3A_1311 = tpu.memref_slice %arg16[%dma_wait3A_1310] : memref<64xi32, #tpu.memory_space<vmem>> -> memref<32xi32, #tpu.memory_space<vmem>>
    %dma_wait3A_1312 = arith.constant 0 : i32
    %dma_wait3A_1313 = arith.constant 0 : i32
    %dma_wait3A_1314 = tpu.memref_slice %arg6[%arg0, %dma_wait3A_1312, %dma_wait3A_1313] : memref<2x10240x128xf32, #tpu.memory_space<hbm>> -> memref<1x10240x128xf32, #tpu.memory_space<hbm>>
    %dma_wait3A_1315 = tpu.memref_squeeze %dma_wait3A_1314 : memref<1x10240x128xf32, #tpu.memory_space<hbm>> -> memref<10240x128xf32, #tpu.memory_space<hbm>>
    %dma_wait3A_1316 = arith.constant 0 : i32
    %dma_wait3A_1317 = arith.constant 0 : i32
    %dma_wait3A_1318 = tpu.memref_slice %dma_wait3A_1315[%dma_wait3A_1316, %dma_wait3A_1317] : memref<10240x128xf32, #tpu.memory_space<hbm>> -> memref<10240x128xf32, #tpu.memory_space<hbm>>
    tpu.wait_indirect_dma semaphore(%arg21 : memref<!tpu.dma_semaphore, #tpu.memory_space<semaphore_mem>>) src(%dma_wait3A_1318 : memref<10240x128xf32, #tpu.memory_space<hbm>>) dst(%arg17 : memref<32x128xf32, #tpu.memory_space<vmem>>)
    %mul3A_1319 = arith.constant 64 : i32
    %mul3A_1320 = arith.muli %arg1, %mul3A_1319 : i32
    %add3A_1321 = arith.constant 0 : i32
    %add3A_1322 = arith.addi %mul3A_1320, %add3A_1321 : i32
    "tpu.region"() ({
      %run_scoped3A_1345 = tpu.sem_alloc : memref<!tpu.dma_semaphore, #tpu.memory_space<semaphore_mem>>
      %dma_start3A_1346 = arith.constant 0 : i32
      %dma_start3A_1347 = tpu.memref_slice %arg7[%arg0, %add3A_1322, %dma_start3A_1346] : memref<2x1024x128xf32, #tpu.memory_space<hbm>> -> memref<1x32x128xf32, #tpu.memory_space<hbm>>
      %dma_start3A_1348 = tpu.memref_squeeze %dma_start3A_1347 : memref<1x32x128xf32, #tpu.memory_space<hbm>> -> memref<32x128xf32, #tpu.memory_space<hbm>>
      %dma_start3A_1349 = arith.constant 0 : i32
      %dma_start3A_1350 = tpu.memref_slice %arg7[%arg0, %add3A_1322, %dma_start3A_1349] : memref<2x1024x128xf32, #tpu.memory_space<hbm>> -> memref<1x32x128xf32, #tpu.memory_space<hbm>>
      %dma_start3A_1351 = tpu.memref_squeeze %dma_start3A_1350 : memref<1x32x128xf32, #tpu.memory_space<hbm>> -> memref<32x128xf32, #tpu.memory_space<hbm>>
      tpu.enqueue_dma source(%arg17 : memref<32x128xf32, #tpu.memory_space<vmem>>) target(%dma_start3A_1351 : memref<32x128xf32, #tpu.memory_space<hbm>>) target_semaphore(%run_scoped3A_1345 : memref<!tpu.dma_semaphore, #tpu.memory_space<semaphore_mem>>)
      %dma_wait3A_1352 = arith.constant 0 : i32
      %dma_wait3A_1353 = tpu.memref_slice %arg7[%arg0, %add3A_1322, %dma_wait3A_1352] : memref<2x1024x128xf32, #tpu.memory_space<hbm>> -> memref<1x32x128xf32, #tpu.memory_space<hbm>>
      %dma_wait3A_1354 = tpu.memref_squeeze %dma_wait3A_1353 : memref<1x32x128xf32, #tpu.memory_space<hbm>> -> memref<32x128xf32, #tpu.memory_space<hbm>>
      %dma_wait3A_1355 = arith.constant 0 : i32
      %dma_wait3A_1356 = tpu.memref_slice %arg7[%arg0, %add3A_1322, %dma_wait3A_1355] : memref<2x1024x128xf32, #tpu.memory_space<hbm>> -> memref<1x32x128xf32, #tpu.memory_space<hbm>>
      %dma_wait3A_1357 = tpu.memref_squeeze %dma_wait3A_1356 : memref<1x32x128xf32, #tpu.memory_space<hbm>> -> memref<32x128xf32, #tpu.memory_space<hbm>>
      tpu.wait_dma2 semaphore(%run_scoped3A_1345 : memref<!tpu.dma_semaphore, #tpu.memory_space<semaphore_mem>>) src(%arg17 : memref<32x128xf32, #tpu.memory_space<vmem>>) dst(%dma_wait3A_1357 : memref<32x128xf32, #tpu.memory_space<hbm>>)
      tpu.yield
    }) : () -> ()
    %dma_start3A_1323 = arith.constant 32 : i32
    %dma_start3A_1324 = tpu.memref_slice %arg16[%dma_start3A_1323] : memref<64xi32, #tpu.memory_space<vmem>> -> memref<32xi32, #tpu.memory_space<vmem>>
    %dma_start3A_1325 = arith.constant 0 : i32
    %dma_start3A_1326 = arith.constant 0 : i32
    %dma_start3A_1327 = tpu.memref_slice %arg6[%arg0, %dma_start3A_1325, %dma_start3A_1326] : memref<2x10240x128xf32, #tpu.memory_space<hbm>> -> memref<1x10240x128xf32, #tpu.memory_space<hbm>>
    %dma_start3A_1328 = tpu.memref_squeeze %dma_start3A_1327 : memref<1x10240x128xf32, #tpu.memory_space<hbm>> -> memref<10240x128xf32, #tpu.memory_space<hbm>>
    %dma_start3A_1329 = arith.constant 0 : i32
    %dma_start3A_1330 = arith.constant 0 : i32
    %dma_start3A_1331 = tpu.memref_slice %dma_start3A_1328[%dma_start3A_1329, %dma_start3A_1330] : memref<10240x128xf32, #tpu.memory_space<hbm>> -> memref<10240x128xf32, #tpu.memory_space<hbm>>
    tpu.enqueue_indirect_dma source(%dma_start3A_1331 : memref<10240x128xf32, #tpu.memory_space<hbm>>) target(%arg17 : memref<32x128xf32, #tpu.memory_space<vmem>>) offsets(%dma_start3A_1324 : memref<32xi32, #tpu.memory_space<vmem>>) semaphore(%arg21 : memref<!tpu.dma_semaphore, #tpu.memory_space<semaphore_mem>>)
    %dma_wait3A_1332 = arith.constant 32 : i32
    %dma_wait3A_1333 = tpu.memref_slice %arg16[%dma_wait3A_1332] : memref<64xi32, #tpu.memory_space<vmem>> -> memref<32xi32, #tpu.memory_space<vmem>>
    %dma_wait3A_1334 = arith.constant 0 : i32
    %dma_wait3A_1335 = arith.constant 0 : i32
    %dma_wait3A_1336 = tpu.memref_slice %arg6[%arg0, %dma_wait3A_1334, %dma_wait3A_1335] : memref<2x10240x128xf32, #tpu.memory_space<hbm>> -> memref<1x10240x128xf32, #tpu.memory_space<hbm>>
    %dma_wait3A_1337 = tpu.memref_squeeze %dma_wait3A_1336 : memref<1x10240x128xf32, #tpu.memory_space<hbm>> -> memref<10240x128xf32, #tpu.memory_space<hbm>>
    %dma_wait3A_1338 = arith.constant 0 : i32
    %dma_wait3A_1339 = arith.constant 0 : i32
    %dma_wait3A_1340 = tpu.memref_slice %dma_wait3A_1337[%dma_wait3A_1338, %dma_wait3A_1339] : memref<10240x128xf32, #tpu.memory_space<hbm>> -> memref<10240x128xf32, #tpu.memory_space<hbm>>
    tpu.wait_indirect_dma semaphore(%arg21 : memref<!tpu.dma_semaphore, #tpu.memory_space<semaphore_mem>>) src(%dma_wait3A_1340 : memref<10240x128xf32, #tpu.memory_space<hbm>>) dst(%arg17 : memref<32x128xf32, #tpu.memory_space<vmem>>)
    %mul3A_1341 = arith.constant 64 : i32
    %mul3A_1342 = arith.muli %arg1, %mul3A_1341 : i32
    %add3A_1343 = arith.constant 32 : i32
    %add3A_1344 = arith.addi %mul3A_1342, %add3A_1343 : i32
    "tpu.region"() ({
      %run_scoped3A_1345 = tpu.sem_alloc : memref<!tpu.dma_semaphore, #tpu.memory_space<semaphore_mem>>
      %dma_start3A_1346 = arith.constant 0 : i32
      %dma_start3A_1347 = tpu.memref_slice %arg7[%arg0, %add3A_1344, %dma_start3A_1346] : memref<2x1024x128xf32, #tpu.memory_space<hbm>> -> memref<1x32x128xf32, #tpu.memory_space<hbm>>
      %dma_start3A_1348 = tpu.memref_squeeze %dma_start3A_1347 : memref<1x32x128xf32, #tpu.memory_space<hbm>> -> memref<32x128xf32, #tpu.memory_space<hbm>>
      %dma_start3A_1349 = arith.constant 0 : i32
      %dma_start3A_1350 = tpu.memref_slice %arg7[%arg0, %add3A_1344, %dma_start3A_1349] : memref<2x1024x128xf32, #tpu.memory_space<hbm>> -> memref<1x32x128xf32, #tpu.memory_space<hbm>>
      %dma_start3A_1351 = tpu.memref_squeeze %dma_start3A_1350 : memref<1x32x128xf32, #tpu.memory_space<hbm>> -> memref<32x128xf32, #tpu.memory_space<hbm>>
      tpu.enqueue_dma source(%arg17 : memref<32x128xf32, #tpu.memory_space<vmem>>) target(%dma_start3A_1351 : memref<32x128xf32, #tpu.memory_space<hbm>>) target_semaphore(%run_scoped3A_1345 : memref<!tpu.dma_semaphore, #tpu.memory_space<semaphore_mem>>)
      %dma_wait3A_1352 = arith.constant 0 : i32
      %dma_wait3A_1353 = tpu.memref_slice %arg7[%arg0, %add3A_1344, %dma_wait3A_1352] : memref<2x1024x128xf32, #tpu.memory_space<hbm>> -> memref<1x32x128xf32, #tpu.memory_space<hbm>>
      %dma_wait3A_1354 = tpu.memref_squeeze %dma_wait3A_1353 : memref<1x32x128xf32, #tpu.memory_space<hbm>> -> memref<32x128xf32, #tpu.memory_space<hbm>>
      %dma_wait3A_1355 = arith.constant 0 : i32
      %dma_wait3A_1356 = tpu.memref_slice %arg7[%arg0, %add3A_1344, %dma_wait3A_1355] : memref<2x1024x128xf32, #tpu.memory_space<hbm>> -> memref<1x32x128xf32, #tpu.memory_space<hbm>>
      %dma_wait3A_1357 = tpu.memref_squeeze %dma_wait3A_1356 : memref<1x32x128xf32, #tpu.memory_space<hbm>> -> memref<32x128xf32, #tpu.memory_space<hbm>>
      tpu.wait_dma2 semaphore(%run_scoped3A_1345 : memref<!tpu.dma_semaphore, #tpu.memory_space<semaphore_mem>>) src(%arg17 : memref<32x128xf32, #tpu.memory_space<vmem>>) dst(%dma_wait3A_1357 : memref<32x128xf32, #tpu.memory_space<hbm>>)
      tpu.yield
    }) : () -> ()
    return
  }
}

module attributes {stable_mosaic.version = 14 : i64} {
  func.func @body(%arg0: i32, %arg1: memref<1024x128xf32, #tpu.memory_space<vmem>>, %arg2: memref<2x1024x1xf32, #tpu.memory_space<vmem>>, %arg3: memref<2x1024x1xf32, #tpu.memory_space<vmem>>, %arg4: memref<1024x128xf32, #tpu.memory_space<vmem>>, %arg5: memref<1024x1xf32, #tpu.memory_space<vmem>>) attributes {dimension_semantics = [#tpu.dimension_semantics<arbitrary>], iteration_bounds = array<i64: 10>, scalar_prefetch = 0 : i64, scratch_operands = 0 : i64, tpu.core_type = #tpu.core_type<tc>, window_params = [{transform_indices = @transform_0, window_bounds = array<i64: 1024, 128>}, {transform_indices = @transform_1, window_bounds = array<i64: 2, 1024, 1>}, {transform_indices = @transform_2, window_bounds = array<i64: 2, 1024, 1>}, {transform_indices = @transform_3, window_bounds = array<i64: 1024, 128>}, {transform_indices = @transform_4, window_bounds = array<i64: 1024, 1>}]} {
    %get3A = arith.constant 0 : index
    %get3A_0 = arith.constant 0 : index
    %get3A_1 = arith.constant 0 : index
    %get3A_2 = vector.load %arg2[%get3A, %get3A_0, %get3A_1] : memref<2x1024x1xf32, #tpu.memory_space<vmem>>, vector<1x1024x1xf32>
    %get3A_3 = vector.shape_cast %get3A_2 : vector<1x1024x1xf32> to vector<1024x1xf32>
    %get3A_4 = arith.constant 1 : index
    %get3A_5 = arith.constant 0 : index
    %get3A_6 = arith.constant 0 : index
    %get3A_7 = vector.load %arg2[%get3A_4, %get3A_5, %get3A_6] : memref<2x1024x1xf32, #tpu.memory_space<vmem>>, vector<1x1024x1xf32>
    %get3A_8 = vector.shape_cast %get3A_7 : vector<1x1024x1xf32> to vector<1024x1xf32>
    %add3A = arith.addf %get3A_3, %get3A_8 : vector<1024x1xf32>
    %get3A_9 = arith.constant 0 : index
    %get3A_10 = arith.constant 0 : index
    %get3A_11 = arith.constant 0 : index
    %get3A_12 = vector.load %arg3[%get3A_9, %get3A_10, %get3A_11] : memref<2x1024x1xf32, #tpu.memory_space<vmem>>, vector<1x1024x1xf32>
    %get3A_13 = vector.shape_cast %get3A_12 : vector<1x1024x1xf32> to vector<1024x1xf32>
    %get3A_14 = arith.constant 1 : index
    %get3A_15 = arith.constant 0 : index
    %get3A_16 = arith.constant 0 : index
    %get3A_17 = vector.load %arg3[%get3A_14, %get3A_15, %get3A_16] : memref<2x1024x1xf32, #tpu.memory_space<vmem>>, vector<1x1024x1xf32>
    %get3A_18 = vector.shape_cast %get3A_17 : vector<1x1024x1xf32> to vector<1024x1xf32>
    %add3A_19 = arith.addf %get3A_13, %get3A_18 : vector<1024x1xf32>
    %max3A = arith.constant 1.000000e+00 : f32
    %max3A_20 = vector.broadcast %max3A : f32 to vector<1024x1xf32>
    %max3A_21 = arith.maximumf %add3A, %max3A_20 : vector<1024x1xf32>
    %rsqrt3A = math.rsqrt %max3A_21 : vector<1024x1xf32>
    %get3A_22 = arith.constant 0 : index
    %get3A_23 = arith.constant 0 : index
    %get3A_24 = vector.load %arg1[%get3A_22, %get3A_23] : memref<1024x128xf32, #tpu.memory_space<vmem>>, vector<1024x128xf32>
    %mul3A = vector.broadcast %rsqrt3A : vector<1024x1xf32> to vector<1024x128xf32>
    %mul3A_25 = arith.mulf %get3A_24, %mul3A : vector<1024x128xf32>
    %swap3A = arith.constant 0 : index
    %swap3A_26 = arith.constant 0 : index
    %swap3A_27 = vector.load %arg4[%swap3A, %swap3A_26] : memref<1024x128xf32, #tpu.memory_space<vmem>>, vector<1024x128xf32>
    tpu.vector_store %arg4[%swap3A, %swap3A_26], %mul3A_25 {strides = array<i32>} : memref<1024x128xf32, #tpu.memory_space<vmem>>, vector<1024x128xf32>,
    %max3A_28 = arith.constant 1.000000e+00 : f32
    %max3A_29 = vector.broadcast %max3A_28 : f32 to vector<1024x1xf32>
    %max3A_30 = arith.maximumf %add3A_19, %max3A_29 : vector<1024x1xf32>
    %rsqrt3A_31 = math.rsqrt %max3A_30 : vector<1024x1xf32>
    %swap3A_32 = arith.constant 0 : index
    %swap3A_33 = arith.constant 0 : index
    %swap3A_34 = vector.load %arg5[%swap3A_32, %swap3A_33] : memref<1024x1xf32, #tpu.memory_space<vmem>>, vector<1024x1xf32>
    tpu.vector_store %arg5[%swap3A_32, %swap3A_33], %rsqrt3A_31 {strides = array<i32>} : memref<1024x1xf32, #tpu.memory_space<vmem>>, vector<1024x1xf32>,
    return
  }
  func.func @transform_0(%arg0: i32) -> (i32, i32) {
    %c0_i32 = arith.constant 0 : i32
    %c0_i32_0 = arith.constant 0 : i32
    return %arg0, %c0_i32 : i32, i32
  }
  func.func @transform_1(%arg0: i32) -> (i32, i32, i32) {
    %c0_i32 = arith.constant 0 : i32
    %c0_i32_0 = arith.constant 0 : i32
    %c0_i32_1 = arith.constant 0 : i32
    return %c0_i32, %arg0, %c0_i32_0 : i32, i32, i32
  }
  func.func @transform_2(%arg0: i32) -> (i32, i32, i32) {
    %c0_i32 = arith.constant 0 : i32
    %c0_i32_0 = arith.constant 0 : i32
    %c0_i32_1 = arith.constant 0 : i32
    return %c0_i32, %arg0, %c0_i32_0 : i32, i32, i32
  }
  func.func @transform_3(%arg0: i32) -> (i32, i32) {
    %c0_i32 = arith.constant 0 : i32
    %c0_i32_0 = arith.constant 0 : i32
    return %arg0, %c0_i32 : i32, i32
  }
  func.func @transform_4(%arg0: i32) -> (i32, i32) {
    %c0_i32 = arith.constant 0 : i32
    %c0_i32_0 = arith.constant 0 : i32
    return %arg0, %c0_i32 : i32, i32
  }
}

module attributes {stable_mosaic.version = 14 : i64} {
  func.func @body(%arg0: i32, %arg1: i32, %arg2: memref<2x1024x128xf32, #tpu.memory_space<vmem>>, %arg3: memref<1024x1xf32, #tpu.memory_space<vmem>>, %arg4: memref<128x128xf32, #tpu.memory_space<vmem>>, %arg5: memref<1x128xf32, #tpu.memory_space<vmem>>, %arg6: memref<1x128xf32, #tpu.memory_space<vmem>>, %arg7: memref<1x128xf32, #tpu.memory_space<vmem>>, %arg8: memref<2x1024x128xf32, #tpu.memory_space<vmem>>, %arg9: memref<1024x1xf32, #tpu.memory_space<vmem>>, %arg10: memref<1024x128xf32, #tpu.memory_space<vmem>>, %arg11: memref<1024x1024xf32, #tpu.memory_space<vmem>>, %arg12: memref<10240x128xf32, #tpu.memory_space<vmem>>, %arg13: memref<1x128xf32, #tpu.memory_space<vmem>>, %arg14: memref<1x128xf32, #tpu.memory_space<vmem>>, %arg15: memref<1x128xf32, #tpu.memory_space<vmem>>, %arg16: memref<1x128xf32, #tpu.memory_space<vmem>>, %arg17: memref<1024x128xf32, #tpu.memory_space<vmem>>) attributes {dimension_semantics = [#tpu.dimension_semantics<arbitrary>, #tpu.dimension_semantics<arbitrary>], iteration_bounds = array<i64: 2, 10>, scalar_prefetch = 0 : i64, scratch_operands = 6 : i64, tpu.core_type = #tpu.core_type<tc>, window_params = [{transform_indices = @transform_0, window_bounds = array<i64: 2, 1024, 128>}, {transform_indices = @transform_1, window_bounds = array<i64: 1024, 1>}, {pipeline_mode = #tpu.pipeline_mode<synchronous>, transform_indices = @transform_2, window_bounds = array<i64: 128, 128>}, {pipeline_mode = #tpu.pipeline_mode<synchronous>, transform_indices = @transform_3, window_bounds = array<i64: 1, 128>}, {pipeline_mode = #tpu.pipeline_mode<synchronous>, transform_indices = @transform_4, window_bounds = array<i64: 1, 128>}, {pipeline_mode = #tpu.pipeline_mode<synchronous>, transform_indices = @transform_5, window_bounds = array<i64: 1, 128>}, {pipeline_mode = #tpu.pipeline_mode<synchronous>, transform_indices = @transform_6, window_bounds = array<i64: 2, 1024, 128>}, {pipeline_mode = #tpu.pipeline_mode<synchronous>, transform_indices = @transform_7, window_bounds = array<i64: 1024, 1>}, {pipeline_mode = #tpu.pipeline_mode<synchronous>, transform_indices = @transform_8, window_bounds = array<i64: 1024, 128>}, {transform_indices = @transform_9, window_bounds = array<i64: 1024, 1024>}]} {
    %eq3A = arith.constant 0 : i32
    %eq3A_0 = arith.cmpi eq, %arg0, %eq3A : i32
    %convert_element_type3A = arith.extui %eq3A_0 : i1 to i32
    %cond3A = arith.constant 0 : i32
    %cond3A_1 = arith.cmpi ne, %convert_element_type3A, %cond3A : i32
    scf.if %cond3A_1 {
      %get3A = arith.constant 0 : index
      %get3A_7 = arith.constant 0 : index
      %get3A_8 = arith.constant 0 : index
      %get3A_9 = vector.load %arg2[%get3A, %get3A_7, %get3A_8] : memref<2x1024x128xf32, #tpu.memory_space<vmem>>, vector<1x1024x128xf32>
      %get3A_10 = vector.shape_cast %get3A_9 : vector<1x1024x128xf32> to vector<1024x128xf32>
      %get3A_11 = arith.constant 1 : index
      %get3A_12 = arith.constant 0 : index
      %get3A_13 = arith.constant 0 : index
      %get3A_14 = vector.load %arg2[%get3A_11, %get3A_12, %get3A_13] : memref<2x1024x128xf32, #tpu.memory_space<vmem>>, vector<1x1024x128xf32>
      %get3A_15 = vector.shape_cast %get3A_14 : vector<1x1024x128xf32> to vector<1024x128xf32>
      %add3A = arith.addf %get3A_10, %get3A_15 : vector<1024x128xf32>
      %get3A_16 = arith.constant 0 : index
      %get3A_17 = arith.constant 0 : index
      %get3A_18 = vector.load %arg3[%get3A_16, %get3A_17] : memref<1024x1xf32, #tpu.memory_space<vmem>>, vector<1024x1xf32>
      %mul3A = vector.broadcast %get3A_18 : vector<1024x1xf32> to vector<1024x128xf32>
      %mul3A_19 = arith.mulf %add3A, %mul3A : vector<1024x128xf32>
      %get3A_20 = arith.constant 0 : index
      %get3A_21 = arith.constant 0 : index
      %get3A_22 = vector.load %arg4[%get3A_20, %get3A_21] : memref<128x128xf32, #tpu.memory_space<vmem>>, vector<128x128xf32>
      %dot_general3A = arith.constant dense<0.000000e+00> : vector<1024x128xf32>
      %dot_general3A_23 = tpu.matmul %mul3A_19, %get3A_22, %dot_general3A {dimension_numbers = #tpu.dot_dimension_numbers<[1], [0], [0], [1], [0, 0, 1, 1], [], []>, transpose_lhs_hint = false} : vector<1024x128xf32>, vector<128x128xf32>, vector<1024x128xf32> -> vector<1024x128xf32>
      %get3A_24 = arith.constant 0 : index
      %get3A_25 = arith.constant 0 : index
      %get3A_26 = vector.load %arg5[%get3A_24, %get3A_25] : memref<1x128xf32, #tpu.memory_space<vmem>>, vector<1x128xf32>
      %add3A_27 = vector.broadcast %get3A_26 : vector<1x128xf32> to vector<1024x128xf32>
      %add3A_28 = arith.addf %dot_general3A_23, %add3A_27 : vector<1024x128xf32>
      %iota3A = tpu.iota {dimensions = array<i32: 0>} : vector<1024x1xi32>
      %mul3A_29 = arith.constant 1024 : i32
      %mul3A_30 = arith.muli %arg1, %mul3A_29 : i32
      %add3A_31 = vector.broadcast %mul3A_30 : i32 to vector<1024x1xi32>
      %add3A_32 = arith.addi %iota3A, %add3A_31 : vector<1024x1xi32>
      %lt3A = arith.constant 10000 : i32
      %lt3A_33 = vector.broadcast %lt3A : i32 to vector<1024x1xi32>
      %lt3A_34 = arith.cmpi slt, %add3A_32, %lt3A_33 : vector<1024x1xi32>
      %jit3A = arith.constant 0.000000e+00 : f32
      %broadcast_in_dim3A = vector.shape_cast %lt3A_34 : vector<1024x1xi1> to vector<1024x1xi1>
      %broadcast_in_dim3A_35 = vector.broadcast %broadcast_in_dim3A : vector<1024x1xi1> to vector<1024x128xi1>
      %broadcast_in_dim3A_36 = vector.broadcast %jit3A : f32 to vector<1024x128xf32>
      %select_n3A = arith.select %broadcast_in_dim3A_35, %add3A_28, %broadcast_in_dim3A_36 : vector<1024x128xi1>, vector<1024x128xf32>
      %eq3A_37 = arith.constant 0 : i32
      %eq3A_38 = arith.cmpi eq, %arg1, %eq3A_37 : i32
      %convert_element_type3A_39 = arith.extui %eq3A_38 : i1 to i32
      %cond3A_40 = arith.constant 0 : i32
      %cond3A_41 = arith.cmpi ne, %convert_element_type3A_39, %cond3A_40 : i32
      scf.if %cond3A_41 {
        %broadcast_in_dim3A_66 = arith.constant 0.000000e+00 : f32
        %broadcast_in_dim3A_67 = vector.broadcast %broadcast_in_dim3A_66 : f32 to vector<1x128xf32>
        %swap3A_68 = arith.constant 0 : index
        %swap3A_69 = arith.constant 0 : index
        %swap3A_70 = vector.load %arg13[%swap3A_68, %swap3A_69] : memref<1x128xf32, #tpu.memory_space<vmem>>, vector<1x128xf32>
        tpu.vector_store %arg13[%swap3A_68, %swap3A_69], %broadcast_in_dim3A_67 {strides = array<i32>} : memref<1x128xf32, #tpu.memory_space<vmem>>, vector<1x128xf32>,
        %broadcast_in_dim3A_71 = arith.constant 0.000000e+00 : f32
        %broadcast_in_dim3A_72 = vector.broadcast %broadcast_in_dim3A_71 : f32 to vector<1x128xf32>
        %swap3A_73 = arith.constant 0 : index
        %swap3A_74 = arith.constant 0 : index
        %swap3A_75 = vector.load %arg14[%swap3A_73, %swap3A_74] : memref<1x128xf32, #tpu.memory_space<vmem>>, vector<1x128xf32>
        tpu.vector_store %arg14[%swap3A_73, %swap3A_74], %broadcast_in_dim3A_72 {strides = array<i32>} : memref<1x128xf32, #tpu.memory_space<vmem>>, vector<1x128xf32>,
      } else {
      }
      %get3A_42 = arith.constant 0 : index
      %get3A_43 = arith.constant 0 : index
      %get3A_44 = vector.load %arg13[%get3A_42, %get3A_43] : memref<1x128xf32, #tpu.memory_space<vmem>>, vector<1x128xf32>
      %reduce_sum3A = arith.constant dense<0.000000e+00> : vector<128xf32>
      %reduce_sum3A_45 = vector.multi_reduction <add>, %select_n3A, %reduce_sum3A [0] : vector<1024x128xf32> to vector<128xf32>
      %broadcast_in_dim3A_46 = vector.shape_cast %reduce_sum3A_45 : vector<128xf32> to vector<1x128xf32>
      %add3A_47 = arith.addf %get3A_44, %broadcast_in_dim3A_46 : vector<1x128xf32>
      %swap3A = arith.constant 0 : index
      %swap3A_48 = arith.constant 0 : index
      %swap3A_49 = vector.load %arg13[%swap3A, %swap3A_48] : memref<1x128xf32, #tpu.memory_space<vmem>>, vector<1x128xf32>
      tpu.vector_store %arg13[%swap3A, %swap3A_48], %add3A_47 {strides = array<i32>} : memref<1x128xf32, #tpu.memory_space<vmem>>, vector<1x128xf32>,
      %get3A_50 = arith.constant 0 : index
      %get3A_51 = arith.constant 0 : index
      %get3A_52 = vector.load %arg14[%get3A_50, %get3A_51] : memref<1x128xf32, #tpu.memory_space<vmem>>, vector<1x128xf32>
      %mul3A_53 = arith.mulf %select_n3A, %select_n3A : vector<1024x128xf32>
      %reduce_sum3A_54 = arith.constant dense<0.000000e+00> : vector<128xf32>
      %reduce_sum3A_55 = vector.multi_reduction <add>, %mul3A_53, %reduce_sum3A_54 [0] : vector<1024x128xf32> to vector<128xf32>
      %broadcast_in_dim3A_56 = vector.shape_cast %reduce_sum3A_55 : vector<128xf32> to vector<1x128xf32>
      %add3A_57 = arith.addf %get3A_52, %broadcast_in_dim3A_56 : vector<1x128xf32>
      %swap3A_58 = arith.constant 0 : index
      %swap3A_59 = arith.constant 0 : index
      %swap3A_60 = vector.load %arg14[%swap3A_58, %swap3A_59] : memref<1x128xf32, #tpu.memory_space<vmem>>, vector<1x128xf32>
      tpu.vector_store %arg14[%swap3A_58, %swap3A_59], %add3A_57 {strides = array<i32>} : memref<1x128xf32, #tpu.memory_space<vmem>>, vector<1x128xf32>,
      %mul3A_61 = arith.constant 1024 : i32
      %mul3A_62 = arith.muli %arg1, %mul3A_61 : i32
      %swap3A_63 = arith.index_cast %mul3A_62 : i32 to index
      %swap3A_64 = arith.constant 0 : index
      %swap3A_65 = vector.load %arg12[%swap3A_63, %swap3A_64] : memref<10240x128xf32, #tpu.memory_space<vmem>>, vector<1024x128xf32>
      tpu.vector_store %arg12[%swap3A_63, %swap3A_64], %add3A_28 {strides = array<i32>} : memref<10240x128xf32, #tpu.memory_space<vmem>>, vector<1024x128xf32>,
    } else {
    }
    %eq3A_2 = arith.constant 1 : i32
    %eq3A_3 = arith.cmpi eq, %arg0, %eq3A_2 : i32
    %convert_element_type3A_4 = arith.extui %eq3A_3 : i1 to i32
    %cond3A_5 = arith.constant 0 : i32
    %cond3A_6 = arith.cmpi ne, %convert_element_type3A_4, %cond3A_5 : i32
    scf.if %cond3A_6 {
      %eq3A_7 = arith.constant 0 : i32
      %eq3A_8 = arith.cmpi eq, %arg1, %eq3A_7 : i32
      %convert_element_type3A_9 = arith.extui %eq3A_8 : i1 to i32
      %cond3A_10 = arith.constant 0 : i32
      %cond3A_11 = arith.cmpi ne, %convert_element_type3A_9, %cond3A_10 : i32
      scf.if %cond3A_11 {
        %get3A_44 = arith.constant 0 : index
        %get3A_45 = arith.constant 0 : index
        %get3A_46 = vector.load %arg13[%get3A_44, %get3A_45] : memref<1x128xf32, #tpu.memory_space<vmem>>, vector<1x128xf32>
        %mul3A_47 = arith.constant 9.99999974E-5 : f32
        %mul3A_48 = vector.broadcast %mul3A_47 : f32 to vector<1x128xf32>
        %mul3A_49 = arith.mulf %get3A_46, %mul3A_48 : vector<1x128xf32>
        %get3A_50 = arith.constant 0 : index
        %get3A_51 = arith.constant 0 : index
        %get3A_52 = vector.load %arg14[%get3A_50, %get3A_51] : memref<1x128xf32, #tpu.memory_space<vmem>>, vector<1x128xf32>
        %mul3A_53 = arith.constant 9.99999974E-5 : f32
        %mul3A_54 = vector.broadcast %mul3A_53 : f32 to vector<1x128xf32>
        %mul3A_55 = arith.mulf %get3A_52, %mul3A_54 : vector<1x128xf32>
        %mul3A_56 = arith.mulf %mul3A_49, %mul3A_49 : vector<1x128xf32>
        %sub3A_57 = arith.subf %mul3A_55, %mul3A_56 : vector<1x128xf32>
        %add3A_58 = arith.constant 9.99999974E-6 : f32
        %add3A_59 = vector.broadcast %add3A_58 : f32 to vector<1x128xf32>
        %add3A_60 = arith.addf %sub3A_57, %add3A_59 : vector<1x128xf32>
        %rsqrt3A = math.rsqrt %add3A_60 : vector<1x128xf32>
        %swap3A_61 = arith.constant 0 : index
        %swap3A_62 = arith.constant 0 : index
        %swap3A_63 = vector.load %arg15[%swap3A_61, %swap3A_62] : memref<1x128xf32, #tpu.memory_space<vmem>>, vector<1x128xf32>
        tpu.vector_store %arg15[%swap3A_61, %swap3A_62], %mul3A_49 {strides = array<i32>} : memref<1x128xf32, #tpu.memory_space<vmem>>, vector<1x128xf32>,
        %swap3A_64 = arith.constant 0 : index
        %swap3A_65 = arith.constant 0 : index
        %swap3A_66 = vector.load %arg16[%swap3A_64, %swap3A_65] : memref<1x128xf32, #tpu.memory_space<vmem>>, vector<1x128xf32>
        tpu.vector_store %arg16[%swap3A_64, %swap3A_65], %rsqrt3A {strides = array<i32>} : memref<1x128xf32, #tpu.memory_space<vmem>>, vector<1x128xf32>,
        %get3A_67 = arith.constant 0 : index
        %get3A_68 = arith.constant 0 : index
        %get3A_69 = arith.constant 0 : index
        %get3A_70 = vector.load %arg8[%get3A_67, %get3A_68, %get3A_69] : memref<2x1024x128xf32, #tpu.memory_space<vmem>>, vector<1x1024x128xf32>
        %get3A_71 = vector.shape_cast %get3A_70 : vector<1x1024x128xf32> to vector<1024x128xf32>
        %get3A_72 = arith.constant 1 : index
        %get3A_73 = arith.constant 0 : index
        %get3A_74 = arith.constant 0 : index
        %get3A_75 = vector.load %arg8[%get3A_72, %get3A_73, %get3A_74] : memref<2x1024x128xf32, #tpu.memory_space<vmem>>, vector<1x1024x128xf32>
        %get3A_76 = vector.shape_cast %get3A_75 : vector<1x1024x128xf32> to vector<1024x128xf32>
        %add3A_77 = arith.addf %get3A_71, %get3A_76 : vector<1024x128xf32>
        %get3A_78 = arith.constant 0 : index
        %get3A_79 = arith.constant 0 : index
        %get3A_80 = vector.load %arg9[%get3A_78, %get3A_79] : memref<1024x1xf32, #tpu.memory_space<vmem>>, vector<1024x1xf32>
        %mul3A_81 = vector.broadcast %get3A_80 : vector<1024x1xf32> to vector<1024x128xf32>
        %mul3A_82 = arith.mulf %add3A_77, %mul3A_81 : vector<1024x128xf32>
        %get3A_83 = arith.constant 0 : index
        %get3A_84 = arith.constant 0 : index
        %get3A_85 = vector.load %arg4[%get3A_83, %get3A_84] : memref<128x128xf32, #tpu.memory_space<vmem>>, vector<128x128xf32>
        %dot_general3A_86 = arith.constant dense<0.000000e+00> : vector<1024x128xf32>
        %dot_general3A_87 = tpu.matmul %mul3A_82, %get3A_85, %dot_general3A_86 {dimension_numbers = #tpu.dot_dimension_numbers<[1], [0], [0], [1], [0, 0, 1, 1], [], []>, transpose_lhs_hint = false} : vector<1024x128xf32>, vector<128x128xf32>, vector<1024x128xf32> -> vector<1024x128xf32>
        %get3A_88 = arith.constant 0 : index
        %get3A_89 = arith.constant 0 : index
        %get3A_90 = vector.load %arg5[%get3A_88, %get3A_89] : memref<1x128xf32, #tpu.memory_space<vmem>>, vector<1x128xf32>
        %add3A_91 = vector.broadcast %get3A_90 : vector<1x128xf32> to vector<1024x128xf32>
        %add3A_92 = arith.addf %dot_general3A_87, %add3A_91 : vector<1024x128xf32>
        %sub3A_93 = vector.broadcast %mul3A_49 : vector<1x128xf32> to vector<1024x128xf32>
        %sub3A_94 = arith.subf %add3A_92, %sub3A_93 : vector<1024x128xf32>
        %mul3A_95 = vector.broadcast %rsqrt3A : vector<1x128xf32> to vector<1024x128xf32>
        %mul3A_96 = arith.mulf %sub3A_94, %mul3A_95 : vector<1024x128xf32>
        %get3A_97 = arith.constant 0 : index
        %get3A_98 = arith.constant 0 : index
        %get3A_99 = vector.load %arg6[%get3A_97, %get3A_98] : memref<1x128xf32, #tpu.memory_space<vmem>>, vector<1x128xf32>
        %mul3A_100 = vector.broadcast %get3A_99 : vector<1x128xf32> to vector<1024x128xf32>
        %mul3A_101 = arith.mulf %mul3A_96, %mul3A_100 : vector<1024x128xf32>
        %get3A_102 = arith.constant 0 : index
        %get3A_103 = arith.constant 0 : index
        %get3A_104 = vector.load %arg7[%get3A_102, %get3A_103] : memref<1x128xf32, #tpu.memory_space<vmem>>, vector<1x128xf32>
        %add3A_105 = vector.broadcast %get3A_104 : vector<1x128xf32> to vector<1024x128xf32>
        %add3A_106 = arith.addf %mul3A_101, %add3A_105 : vector<1024x128xf32>
        %tanh3A_107 = math.tanh %add3A_106 : vector<1024x128xf32>
        %get3A_108 = arith.constant 0 : index
        %get3A_109 = arith.constant 0 : index
        %get3A_110 = vector.load %arg10[%get3A_108, %get3A_109] : memref<1024x128xf32, #tpu.memory_space<vmem>>, vector<1024x128xf32>
        %mul3A_111 = arith.mulf %tanh3A_107, %get3A_110 : vector<1024x128xf32>
        %swap3A_112 = arith.constant 0 : index
        %swap3A_113 = arith.constant 0 : index
        %swap3A_114 = vector.load %arg17[%swap3A_112, %swap3A_113] : memref<1024x128xf32, #tpu.memory_space<vmem>>, vector<1024x128xf32>
        tpu.vector_store %arg17[%swap3A_112, %swap3A_113], %mul3A_111 {strides = array<i32>} : memref<1024x128xf32, #tpu.memory_space<vmem>>, vector<1024x128xf32>,
      } else {
      }
      %mul3A = arith.constant 1024 : i32
      %mul3A_12 = arith.muli %arg1, %mul3A : i32
      %get3A = arith.index_cast %mul3A_12 : i32 to index
      %get3A_13 = arith.constant 0 : index
      %get3A_14 = vector.load %arg12[%get3A, %get3A_13] : memref<10240x128xf32, #tpu.memory_space<vmem>>, vector<1024x128xf32>
      %get3A_15 = arith.constant 0 : index
      %get3A_16 = arith.constant 0 : index
      %get3A_17 = vector.load %arg15[%get3A_15, %get3A_16] : memref<1x128xf32, #tpu.memory_space<vmem>>, vector<1x128xf32>
      %sub3A = vector.broadcast %get3A_17 : vector<1x128xf32> to vector<1024x128xf32>
      %sub3A_18 = arith.subf %get3A_14, %sub3A : vector<1024x128xf32>
      %get3A_19 = arith.constant 0 : index
      %get3A_20 = arith.constant 0 : index
      %get3A_21 = vector.load %arg16[%get3A_19, %get3A_20] : memref<1x128xf32, #tpu.memory_space<vmem>>, vector<1x128xf32>
      %mul3A_22 = vector.broadcast %get3A_21 : vector<1x128xf32> to vector<1024x128xf32>
      %mul3A_23 = arith.mulf %sub3A_18, %mul3A_22 : vector<1024x128xf32>
      %get3A_24 = arith.constant 0 : index
      %get3A_25 = arith.constant 0 : index
      %get3A_26 = vector.load %arg6[%get3A_24, %get3A_25] : memref<1x128xf32, #tpu.memory_space<vmem>>, vector<1x128xf32>
      %mul3A_27 = vector.broadcast %get3A_26 : vector<1x128xf32> to vector<1024x128xf32>
      %mul3A_28 = arith.mulf %mul3A_23, %mul3A_27 : vector<1024x128xf32>
      %get3A_29 = arith.constant 0 : index
      %get3A_30 = arith.constant 0 : index
      %get3A_31 = vector.load %arg7[%get3A_29, %get3A_30] : memref<1x128xf32, #tpu.memory_space<vmem>>, vector<1x128xf32>
      %add3A = vector.broadcast %get3A_31 : vector<1x128xf32> to vector<1024x128xf32>
      %add3A_32 = arith.addf %mul3A_28, %add3A : vector<1024x128xf32>
      %tanh3A = math.tanh %add3A_32 : vector<1024x128xf32>
      %get3A_33 = arith.constant 0 : index
      %get3A_34 = arith.constant 0 : index
      %get3A_35 = vector.load %arg17[%get3A_33, %get3A_34] : memref<1024x128xf32, #tpu.memory_space<vmem>>, vector<1024x128xf32>
      %dot_general3A = arith.constant dense<0.000000e+00> : vector<1024x1024xf32>
      %dot_general3A_36 = tpu.matmul %get3A_35, %tanh3A, %dot_general3A {dimension_numbers = #tpu.dot_dimension_numbers<[1], [1], [0], [0], [0, 0, 1, 0], [], []>, transpose_lhs_hint = false} : vector<1024x128xf32>, vector<1024x128xf32>, vector<1024x1024xf32> -> vector<1024x1024xf32>
      %logistic3A = arith.negf %dot_general3A_36 : vector<1024x1024xf32>
      %logistic3A_37 = math.exp %logistic3A : vector<1024x1024xf32>
      %logistic3A_38 = arith.constant 1.000000e+00 : f32
      %logistic3A_39 = vector.broadcast %logistic3A_38 : f32 to vector<1024x1024xf32>
      %logistic3A_40 = arith.addf %logistic3A_39, %logistic3A_37 : vector<1024x1024xf32>
      %logistic3A_41 = arith.divf %logistic3A_39, %logistic3A_40 : vector<1024x1024xf32>
      %swap3A = arith.constant 0 : index
      %swap3A_42 = arith.constant 0 : index
      %swap3A_43 = vector.load %arg11[%swap3A, %swap3A_42] : memref<1024x1024xf32, #tpu.memory_space<vmem>>, vector<1024x1024xf32>
      tpu.vector_store %arg11[%swap3A, %swap3A_42], %logistic3A_41 {strides = array<i32>} : memref<1024x1024xf32, #tpu.memory_space<vmem>>, vector<1024x1024xf32>,
    } else {
    }
    return
  }
  func.func @transform_0(%arg0: i32, %arg1: i32) -> (i32, i32, i32) {
    %sub3A = arith.constant 1 : i32
    %sub3A_0 = arith.subi %sub3A, %arg0 : i32
    %mul3A = arith.muli %arg1, %sub3A_0 : i32
    %c0_i32 = arith.constant 0 : i32
    %c0_i32_1 = arith.constant 0 : i32
    %c0_i32_2 = arith.constant 0 : i32
    return %c0_i32, %mul3A, %c0_i32_1 : i32, i32, i32
  }
  func.func @transform_1(%arg0: i32, %arg1: i32) -> (i32, i32) {
    %sub3A = arith.constant 1 : i32
    %sub3A_0 = arith.subi %sub3A, %arg0 : i32
    %mul3A = arith.muli %arg1, %sub3A_0 : i32
    %c0_i32 = arith.constant 0 : i32
    %c0_i32_1 = arith.constant 0 : i32
    return %mul3A, %c0_i32 : i32, i32
  }
  func.func @transform_2(%arg0: i32, %arg1: i32) -> (i32, i32) {
    %c0_i32 = arith.constant 0 : i32
    %c0_i32_0 = arith.constant 0 : i32
    %c0_i32_1 = arith.constant 0 : i32
    return %c0_i32, %c0_i32_0 : i32, i32
  }
  func.func @transform_3(%arg0: i32, %arg1: i32) -> (i32, i32) {
    %c0_i32 = arith.constant 0 : i32
    %c0_i32_0 = arith.constant 0 : i32
    %c0_i32_1 = arith.constant 0 : i32
    return %c0_i32, %c0_i32_0 : i32, i32
  }
  func.func @transform_4(%arg0: i32, %arg1: i32) -> (i32, i32) {
    %c0_i32 = arith.constant 0 : i32
    %c0_i32_0 = arith.constant 0 : i32
    %c0_i32_1 = arith.constant 0 : i32
    return %c0_i32, %c0_i32_0 : i32, i32
  }
  func.func @transform_5(%arg0: i32, %arg1: i32) -> (i32, i32) {
    %c0_i32 = arith.constant 0 : i32
    %c0_i32_0 = arith.constant 0 : i32
    %c0_i32_1 = arith.constant 0 : i32
    return %c0_i32, %c0_i32_0 : i32, i32
  }
  func.func @transform_6(%arg0: i32, %arg1: i32) -> (i32, i32, i32) {
    %c0_i32 = arith.constant 0 : i32
    %c0_i32_0 = arith.constant 0 : i32
    %c0_i32_1 = arith.constant 0 : i32
    %c0_i32_2 = arith.constant 0 : i32
    return %c0_i32, %c0_i32_0, %c0_i32_1 : i32, i32, i32
  }
  func.func @transform_7(%arg0: i32, %arg1: i32) -> (i32, i32) {
    %c0_i32 = arith.constant 0 : i32
    %c0_i32_0 = arith.constant 0 : i32
    %c0_i32_1 = arith.constant 0 : i32
    return %c0_i32, %c0_i32_0 : i32, i32
  }
  func.func @transform_8(%arg0: i32, %arg1: i32) -> (i32, i32) {
    %c0_i32 = arith.constant 0 : i32
    %c0_i32_0 = arith.constant 0 : i32
    %c0_i32_1 = arith.constant 0 : i32
    return %c0_i32, %c0_i32_0 : i32, i32
  }
  func.func @transform_9(%arg0: i32, %arg1: i32) -> (i32, i32) {
    %mul3A = arith.muli %arg0, %arg1 : i32
    %c0_i32 = arith.constant 0 : i32
    %c0_i32_0 = arith.constant 0 : i32
    return %c0_i32, %mul3A : i32, i32
  }
}

</mosaic_0001>

<sc_bundles>
// kernel: kernel.6.cloned.1.call-start
scs
__scs_entry_jumppad:
0x0: {  	(pc) =	sbr.rel $0x88, $3  }
0x1: {  	(tag) =	ssettag $0x0;
	lr =	simm.s32 $0x1  }
0x2: {  	[smem:$0x3F98] =	sst lr;
	_ =	strace $0xD0000000  }
0x3: {  	_ = 	snop  }
0x4: {  	_ = 	snop  }
0x5: {  	_ = 	snop  }
0x6: {  	_ = 	snop  }
0x7: {  	_ = 	snop  }
__scs_overlays_trampoline_lowered:
0x8: {  	[smem:$0x3FA7] =	sst s0  }
0x9: {  	[smem:$0x3FA8] =	sst s1  }
0xa: {  	[smem:$0x3FA9] =	sst s2  }
0xb: {  	[smem:$0x3FAA] =	sst s3  }
0xc: {  	[smem:$0x3FAB] =	sst s4  }
0xd: {  	[smem:$0x3FAC] =	sst s5  }
0xe: {  	[smem:$0x3FAD] =	sst s6  }
0xf: {  	[smem:$0x3FAE] =	sst s7  }
0x10: {  	[smem:$0x3FAF] =	sst s8  }
0x11: {  	[smem:$0x3FB0] =	sst s9;
	s0 =	simm.s32 @!p0 $0x0  }
0x12: {  	s1 =	sld [smem:$0x3F96];
	s0 =	simm.s32 @p0 $0x1  }
0x13: {  	[smem:$0x3FB1] =	sst s0;
	s0 =	simm.s32 @!p1 $0x0  }
0x14: {  	s2 =	sld [smem:$0x3F95];
	s0 =	simm.s32 @p1 $0x1  }
0x15: {  	[smem:$0x3FB2] =	sst s0;
	s0 =	simm.s32 @!p2 $0x0  }
0x16: {  	s3 =	sld [smem:$0x3FDB];
	s0 =	simm.s32 @p2 $0x1  }
0x17: {  	s4 =	simm.s32 $0x1BF5;
	[smem:$0x3FB4] =	sst s0  }
0x18: {  	s0 =	sld [smem:$0x3F97];
	_ =	swait.ge [sflag:s4], $0x0  }
0x19: {  	s7 =	sld [smem:$0x3F98]  }
0x1a: {  	s8 =	sadd.s32 $0xFFFFE003, lr  }
0x1b: {  	s9 =	sadd.s32 $0xFFFFFEF7, lr;
	s5 =	simm.s32 $0xFFFFFFFF;
	p2 =	slt.u32 s8, $0xFFFFF086  }
0x1c: {  	p1 =	slt.u32 s9, $0xF7A;
	s5 =	simm.s32 @!p2 $0x0  }
0x1d: {  	s5 =	simm.s32 @p1 $0x1;
	p0 =	seq.s32 s7, s2  }
0x1e: {  	s7 =	smul.u32 @!p0 $0xF7A, s2;
	p2 =	seq.s32 @!p0 s5, $0x0  }
0x1f: {  	s9 =	smul.u32 $0xF7A, s1;
	s8 =	simm.s32 @!p0 $0x1BF5;
	p2 =	por !p2, p0  }
0x20: {  	[sflag:s8] =	ssyncset.s32 @!p0 $0xFFFFF086;
	s6 =	sadd.s32 @!p0 s3, s7;
	s7 =	simm.s32 @!p0 $0x108  }
0x21: {  	s3 =	sadd.s32 s3, s9;
	s6 =	sadd.s32 @!p0 $0x88, s6;
	s7 =	simm.s32 @p2 $0x1082  }
0x22: {  	[simem:s7], [sflag:s8] =	dma.local @!p0 [hbm:s6], $0xF7A  }
0x23: {  	s9 =	sor.u32 $0xD0000000, s2;
	s6 =	simm.s32 $0x108;
	_ =	swait.ge @!p0 [sflag:s8], $0x0  }
0x24: {  	s3 =	sadd.s32 $0x88, s3;
	s6 =	simm.s32 @!p1 $0x1082;
	[sflag:s4] =	ssyncset.s32 $0xFFFFF086  }
0x25: {  	[simem:s6], [sflag:s4] =	dma.local [hbm:s3], $0xF7A  }
0x26: {  	[smem:$0x3F98] =	sst s1;
	(tag) =	ssettag s2;
	_ =	strace s9  }
0x27: {  	s1 =	sld [smem:$0x3FA8]  }
0x28: {  	s2 =	sld [smem:$0x3FA9]  }
0x29: {  	s4 =	sld [smem:$0x3FAB]  }
0x2a: {  	p0 =	seq.s32 s5, $0x0;
	s5 =	sld [smem:$0x3FAC]  }
0x2b: {  	s6 =	sld [smem:$0x3FAD]  }
0x2c: {  	s7 =	sld [smem:$0x3FAE]  }
0x2d: {  	s3 =	simm.s32 $0x108;
	s8 =	sld [smem:$0x3FAF]  }
0x2e: {  	s3 =	simm.s32 @!p0 $0x1082;
	s9 =	sld [smem:$0x3FB0]  }
0x2f: {  	lr =	sadd.s32 s0, s3;
	s0 =	sld [smem:$0x3FA7]  }
0x30: {  	s3 =	sld [smem:$0x3FAA]  }
0x31: {  	[smem:$0x3FB3] =	sst s10  }
0x32: {  	s10 =	sld [smem:$0x3FB1];
	_ =	sdelay $0x3  }
0x33: {  	p0 =	seq.s32 s10, $0x1;
	s10 =	sld [smem:$0x3FB3];
	_ =	sdelay $0x3  }
0x34: {  	[smem:$0x3FB3] =	sst s10  }
0x35: {  	s10 =	sld [smem:$0x3FB2];
	_ =	sdelay $0x3  }
0x36: {  	p1 =	seq.s32 s10, $0x1;
	s10 =	sld [smem:$0x3FB3];
	_ =	sdelay $0x3  }
0x37: {  	[smem:$0x3FB3] =	sst s10  }
0x38: {  	s10 =	sld [smem:$0x3FB4]  }
0x39: {  	_ = 	snop;
	(pc) =	sbr.ind lr, $3  }
0x3a: {  	_ = 	snop  }
0x3b: {  	_ = 	snop  }
0x3c: {  	p2 =	seq.s32 s10, $0x1;
	s10 =	sld [smem:$0x3FB3]  }
0x3d: {  	_ =	shalt  }
0x3e: {  	_ =	shalt  }
0x3f: {  	_ =	shalt  }
0x40: {  	_ =	shalt  }
0x41: {  	_ =	shalt  }
0x42: {  	_ =	shalt  }
0x43: {  	_ =	shalt  }
0x44: {  	_ =	shalt  }
0x45: {  	_ =	shalt  }
0x46: {  	_ =	shalt  }
0x47: {  	_ =	shalt  }
0x48: {  	_ =	shalt  }
0x49: {  	_ =	shalt  }
0x4a: {  	_ =	shalt  }
0x4b: {  	_ =	shalt  }
0x4c: {  	_ =	shalt  }
0x4d: {  	_ =	shalt  }
0x4e: {  	_ =	shalt  }
0x4f: {  	_ =	shalt  }
0x50: {  	_ =	shalt  }
0x51: {  	_ =	shalt  }
0x52: {  	_ =	shalt  }
0x53: {  	_ =	shalt  }
0x54: {  	_ =	shalt  }
0x55: {  	_ =	shalt  }
0x56: {  	_ =	shalt  }
0x57: {  	_ =	shalt  }
0x58: {  	_ =	shalt  }
0x59: {  	_ =	shalt  }
0x5a: {  	_ =	shalt  }
0x5b: {  	_ =	shalt  }
0x5c: {  	_ =	shalt  }
0x5d: {  	_ =	shalt  }
0x5e: {  	_ =	shalt  }
0x5f: {  	_ =	shalt  }
0x60: {  	_ =	shalt  }
0x61: {  	_ =	shalt  }
0x62: {  	_ =	shalt  }
0x63: {  	_ =	shalt  }
0x64: {  	_ =	shalt  }
0x65: {  	_ =	shalt  }
0x66: {  	_ =	shalt  }
0x67: {  	_ =	shalt  }
0x68: {  	_ =	shalt  }
0x69: {  	_ =	shalt  }
0x6a: {  	_ =	shalt  }
0x6b: {  	_ =	shalt  }
0x6c: {  	_ =	shalt  }
0x6d: {  	_ =	shalt  }
0x6e: {  	_ =	shalt  }
0x6f: {  	_ =	shalt  }
0x70: {  	_ =	shalt  }
0x71: {  	_ =	shalt  }
0x72: {  	_ =	shalt  }
0x73: {  	_ =	shalt  }
0x74: {  	_ =	shalt  }
0x75: {  	_ =	shalt  }
0x76: {  	_ =	shalt  }
0x77: {  	_ =	shalt  }
0x78: {  	_ =	shalt  }
0x79: {  	_ =	shalt  }
0x7a: {  	_ =	shalt  }
0x7b: {  	_ =	shalt  }
0x7c: {  	_ =	shalt  }
0x7d: {  	_ =	shalt  }
0x7e: {  	_ =	shalt  }
0x7f: {  	_ =	shalt  }
0x80: {  	_ =	shalt  }
0x81: {  	_ =	shalt  }
0x82: {  	_ =	shalt  }
0x83: {  	_ =	shalt  }
0x84: {  	_ =	shalt  }
0x85: {  	_ =	shalt  }
0x86: {  	_ =	shalt  }
0x87: {  	_ =	shalt  }
.Lfunc_end0:
.L_simem_size_0:
called_computation_lowered:
.L_overlay_start_0:
0x88: {  	s2 =	sld [smem:$0x3FD9]  }
0x89: {  	s3 =	sld [smem:$0x3FFE];
	_ =	sdelay $0x1  }
0x8a: {  	s1 =	srdreg.scid  }
0x8b: {  	s0 =	sand.u32 $0x1, s1  }
0x8c: {  	s17 =	sshll.u32 s0, $0xA;
	s2 =	sadd.s32 s3, s2  }
0x8d: {  	s2 =	sadd.s32 s2, s17  }
0x8e: {  	[smem:$0x3FBF] =	sst s2  }
0x8f: {  	_ = 	snop  }
0x90: {  	s2 =	sld [smem:$0x3FC4]  }
0x91: {  	s18 =	sld [smem:$0x3FC1]  }
0x92: {  	s4 =	sld [smem:$0x3FD0];
	(tm) =	ssettm $0x1  }
0x93: {  	s5 =	sld [smem:$0x3FFB];
	_ =	sdelay $0x3  }
0x94: {  	_ =	strace s5  }
0x95: {  	s5 =	sld [smem:$0x3FFC];
	_ =	sdelay $0x3  }
0x96: {  	_ =	strace s5  }
0x97: {  	s5 =	sld [smem:$0x3FFD];
	_ =	sdelay $0x3  }
0x98: {  	_ =	strace s5  }
0x99: {  	_ =	strace $0x8FFFFFFF  }
0x9a: {  	s19 =	sld [smem:$0x3FDB];
	_ =	sdelay $0x1  }
0x9b: {  	s6 =	simm.s32 $_scs_section_size  }
0x9c: {  	s7 =	simm.s32 $_size__tile_overlayer_lowered;
	s8 =	simm.s32 $_tile_overlayer_lowered  }
0x9d: {  	s22 =	simm.s32 $0x1BFF;
	s21 =	sshll.u32 s8, $0x1;
	s5 =	sadd.s32 s6, s19  }
0x9e: {  	s9 =	simm.s32 $0x0;
	s20 =	sshll.u32 s7, $0x1;
	s7 =	sadd.s32 s21, s5  }
0x9f: {  	[timem:s9], [sflag:s22] =	dma.local [hbm:s7], s20  }
0xa0: {  	_ =	swait.ge [sflag:s22], s20  }
0xa1: {  	s6 =	ssub.s32 $0x0, s20;
	[sflag:s22] =	ssyncset.done $0x0  }
0xa2: {  	[sflag:s22] =	ssyncadd.s32 s6;
	_ =	sdelay $0x1  }
0xa3: {  	s23 =	simm.s32 $0x1B8B  }
0xa4: {  	_ =	swait.ge [sflag:s23], $0x1  }
0xa5: {  	[sflag:s23] =	ssyncset.done $0x0  }
0xa6: {  	s25 =	simm.s32 $0x1B8E;
	s24 =	sld [smem:$0x3FFE];
	[sflag:s23] =	ssyncadd.s32 $0xFFFFFFFF  }
0xa7: {  	s26 =	simm.s32 $execute0_lowered;
	[smem:$0x3FD2] =	sst s25  }
0xa8: {  	s7 =	sshll.u32 s26, $0x1;
	_ =	strace $0x80000046;
	[dreg:$0x1] =	wrdreg $0xFFFFFFFF  }
0xa9: {  	s28 =	simm.s32 $_size_execute0_lowered;
	s5 =	sadd.s32 s5, s7;
	[dreg:$0x0] =	wrdreg $0x0  }
0xaa: {  	s7 =	sshll.u32 s28, $0x1;
	[dreg:$0x2] =	wrdreg s5  }
0xab: {  	[dreg:$0x3] =	wrdreg s7  }
0xac: {  	[dreg:$0x4] =	wrdreg $0xC0  }
0xad: {  	_ =	task [dreg:s9], $0x5FFFF  }
0xae: {  	[dreg:$0x1] =	wrdreg $0xFFFFFFFF  }
0xaf: {  	[dreg:$0x0] =	wrdreg $0x60  }
0xb0: {  	[dreg:$0x2] =	wrdreg s24  }
0xb1: {  	[dreg:$0x3] =	wrdreg s18  }
0xb2: {  	[dreg:$0x4] =	wrdreg s2  }
0xb3: {  	[dreg:$0x5] =	wrdreg s4  }
0xb4: {  	[dreg:$0x6] =	wrdreg $0x73800  }
0xb5: {  	[dreg:$0x7] =	wrdreg $0x76000  }
0xb6: {  	[dreg:$0x8] =	wrdreg $0x9  }
0xb7: {  	_ =	task.clear_ibuf [dreg:s9], $0x9FFFF;
	_ =	strace $0x90000046  }
0xb8: {  	s29 =	simm.s32 $0x9;
	_ =	strace $0x80000048  }
0xb9: {  	_ =	swait.ge [sflag:s29], $0x1  }
0xba: {  	[sflag:s29] =	ssyncadd.s32 $0xFFFFFFFF  }
0xbb: {  	_ =	strace $0x90000048  }
0xbc: {  	_ =	sfence  }
0xbd: {  	s30 =	sld [smem:$0x0];
	_ =	sdelay $0x2  }
0xbe: {  	s31 =	sshll.u32 s1, $0xD;
	s1 =	sshrl.u32 s1, $0x2  }
0xbf: {  	s3 =	sand.u32 $0x4000, s31;
	s1 =	sadd.s32 s1, s30  }
0xc0: {  	s0 =	sor.u32 s3, s0;
	s1 =	sshll.u32 s1, $0x11  }
0xc1: {  	s0 =	sor.u32 s1, s0  }
0xc2: {  	s0 =	sadd.s32 $0x8F2B, s0  }
0xc3: {  	[sflag:s0] =	ssyncadd.remote.s32 $0x1  }
0xc4: {  	_ =	sfence.sel $0xFFFF  }
0xc5: {  	[dreg:$0x0] =	wrdreg $0xFFFFFFFF;
	(pc) =	sbr.abs _section_cstart, $3  }
0xc6: {  	[dreg:$0x1] =	wrdreg $0xFFFFFFFF  }
0xc7: {  	_ =	task.clear_ibuf [dreg:s9], $0x2FFFF;
	_ =	strace $0x9FFFFFFF  }
0xc8: {  	(tm) =	ssettm $0x7FFFFFFF  }
0xc9: {  	_ =	shalt  }
tec
execute0_lowered:
.L_overlay_start_1:
0x0: {  	(tag) =	ssettag $0x1  }
0x1: {  	s0 =	rddreg [dreg:$0x0]  }
0x2: {  	s1 =	rddreg [dreg:$0x1];
	s2 =	srdreg.scid  }
0x3: {  	s11 =	stileid.u32;
	s6 =	rddreg [dreg:$0x3]  }
0x4: {  	s4 =	rddreg [dreg:$0x5];
	s5 =	simm.s32 $0x0;
	s16 =	simm.s32 $0x2  }
0x5: {  	s17 =	simm.s32 $0x20;
	s18 =	simm.s32 $0x6380;
	s19 =	simm.s32 $0x1  }
0x6: {  	s30 =	simm.s32 $0x6080;
	s31 =	simm.s32 $0x7D;
	s21 =	simm.s32 $0x0  }
0x7: {  	s2 =	sand.u32 $0x1, s2;
	s3 =	sshll.u32 s11, $0x1;
	s9 =	smul.u32 $0x500, s11  }
0x8: {  	[smem:$0x7FF] =	sst s5;
	s29 =	smul.u32 $0x280, s11;
	s7 =	sor.u32 s2, s3  }
0x9: {  	s3 =	rddreg [dreg:$0x4];
	s10 =	sshll.u32 s2, $0x7;
	_ =	strace $0x80000047  }
0xa: {  	s2 =	ssub.s32 $0x2, s2;
	s8 =	smul.u32 $0x3000, s7;
	s9 =	sor.u32 s10, s9  }
0xb: {  	s26 =	sshll.u32 s7, $0x9;
	s28 =	sshrl.u32 s2, $0x1;
	s7 =	sshll.u32 s7, $0x2  }
0xc: {  	s10 =	sadd.s32 s29, s3;
	s11 =	sadd.s32 s29, s4;
	s12 =	sshrl.u32 s9, $0x3  }
0xd: {  	s2 =	ssub.s32 s2, s28;
	s1 =	sadd.s32 s1, s7;
	s8 =	sshrl.u32 s8, $0x3  }
0xe: {  	s13 =	sadd.s32 s12, s0;
	[dreg:$0x7] =	wrdreg s1;
	s12 =	sadd.s32 s6, s12  }
0xf: {  	s14 =	smax.u32 s2, $0x1;
	s2 =	simm.s32 $0x6000;
	s1 =	simm.s32 $0x10  }
0x10: {  	s25 =	sadd.s32 s8, s0;
	s0 =	sadd.s32 s26, s0;
	s13 =	sadd.s32 $0x1A800, s13  }
0x11: {  	s0 =	sadd.s32 $0x1B200, s0;
	s8 =	sadd.s32 $0x2800, s25;
	s9 =	sadd.s32 $0xE800, s25  }
0x12: {  	v0 =	vimm.f32 $1.000000000e+00;
	v1 =	vimm.f32 $0.0e+00;
	[dreg:$0x8] =	wrdreg s0;
	s20 =	sadd.s32 $0x180, s8;
	s22 =	sadd.s32 $0x300, s8  }
.LBB2_1:
0x13: {  	[tilespmem:$0x6000] =	vst v0  }
0x14: {  	[tilespmem:$0x6010] =	vst v0  }
0x15: {  	[tilespmem:$0x6020] =	vst v0  }
0x16: {  	[tilespmem:$0x6030] =	vst v0  }
0x17: {  	[tilespmem:$0x6040] =	vst v0  }
0x18: {  	[tilespmem:$0x6050] =	vst v0  }
0x19: {  	[tilespmem:$0x6060] =	vst v0  }
0x1a: {  	[tilespmem:$0x6070] =	vst v0  }
0x1b: {  	[tilespmem:$0x6080] =	vst v1  }
0x1c: {  	[tilespmem:$0x6090] =	vst v1  }
0x1d: {  	[tilespmem:$0x60A0] =	vst v1  }
0x1e: {  	[tilespmem:$0x60B0] =	vst v1  }
0x1f: {  	[tilespmem:$0x60C0] =	vst v1  }
0x20: {  	[tilespmem:$0x60D0] =	vst v1  }
0x21: {  	[tilespmem:$0x60E0] =	vst v1  }
0x22: {  	[tilespmem:$0x60F0] =	vst v1  }
0x23: {  	[tilespmem:$0x6100] =	vst v1  }
0x24: {  	[tilespmem:$0x6110] =	vst v1  }
0x25: {  	[tilespmem:$0x6120] =	vst v1  }
0x26: {  	[tilespmem:$0x6130] =	vst v1  }
0x27: {  	[tilespmem:$0x6140] =	vst v1  }
0x28: {  	[tilespmem:$0x6150] =	vst v1  }
0x29: {  	[tilespmem:$0x6160] =	vst v1  }
0x2a: {  	[tilespmem:$0x6170] =	vst v1  }
0x2b: {  	[tilespmem:$0x6180] =	vst v1  }
0x2c: {  	[tilespmem:$0x6190] =	vst v1  }
0x2d: {  	[tilespmem:$0x61A0] =	vst v1  }
0x2e: {  	[tilespmem:$0x61B0] =	vst v1  }
0x2f: {  	[tilespmem:$0x61C0] =	vst v1  }
0x30: {  	[tilespmem:$0x61D0] =	vst v1  }
0x31: {  	[tilespmem:$0x61E0] =	vst v1  }
0x32: {  	[tilespmem:$0x61F0] =	vst v1  }
0x33: {  	[tilespmem:$0x6200] =	vst v1  }
0x34: {  	[tilespmem:$0x6210] =	vst v1  }
0x35: {  	[tilespmem:$0x6220] =	vst v1  }
0x36: {  	[tilespmem:$0x6230] =	vst v1  }
0x37: {  	[tilespmem:$0x6240] =	vst v1  }
0x38: {  	[tilespmem:$0x6250] =	vst v1  }
0x39: {  	[tilespmem:$0x6260] =	vst v1  }
0x3a: {  	[tilespmem:$0x6270] =	vst v1  }
0x3b: {  	[tilespmem:$0x6280] =	vst v1  }
0x3c: {  	[tilespmem:$0x6290] =	vst v1  }
0x3d: {  	[tilespmem:$0x62A0] =	vst v1  }
0x3e: {  	[tilespmem:$0x62B0] =	vst v1  }
0x3f: {  	[tilespmem:$0x62C0] =	vst v1  }
0x40: {  	[tilespmem:$0x62D0] =	vst v1  }
0x41: {  	[tilespmem:$0x62E0] =	vst v1  }
0x42: {  	[tilespmem:$0x62F0] =	vst v1;
	s0 =	rddreg [dreg:$0x7];
	s6 =	simm.s32 $0x6300  }
0x43: {  	[tilespmem:s6], [sflag:$0x2] =	stream.linear.gather [hbm4b:s0+s5], $0x20, $0x38;
	[tilespmem:$0x7880] =	vst v63  }
0x44: {  	_ =	swait.ge [sflag:s16], $0x20  }
0x45: {  	[sflag:s16] =	ssyncset.done $0x0  }
0x46: {  	[sflag:s16] =	ssyncadd.s32 $0xFFFFFFE0  }
0x47: {  	s23 =	rddreg [dreg:$0x2]  }
0x48: {  	[tilespmem:s18], [sflag:$0x1] =	stream.indirect.gather [hbm4b:s23+s17], $0x80, s6, s17, $0xb8;
	[tilespmem:$0x7880] =	vst v63  }
0x49: {  	_ =	swait.ge [sflag:s19], $0x1000  }
0x4a: {  	[sflag:s19] =	ssyncset.done $0x0  }
0x4b: {  	s24 =	rddreg [dreg:$0x8];
	[sflag:s19] =	ssyncadd.s32 $0xFFFFF000  }
0x4c: {  	[hbm4b:s24+s5] =	stream.linear.scatter [tilespmem:s18], [sflag:$0x2], $0x1000, $0x38;
	[tilespmem:$0x7880] =	vst v63  }
0x4d: {  	_ =	swait.ge [sflag:s16], $0x1000  }
0x4e: {  	[sflag:s16] =	ssyncset.done $0x0  }
0x4f: {  	[sflag:s16] =	ssyncadd.s32 $0xFFFFF000  }
0x50: {  	[tilespmem:s5], [sflag:$0x2] =	stream.linear.gather [hbm4b:s8+s5], $0xA00, $0x38;
	[tilespmem:$0x7880] =	vst v63  }
0x51: {  	s25 =	simm.s32 $0xC00  }
0x52: {  	[tilespmem:s25], [sflag:$0x2] =	stream.linear.gather [hbm4b:s20+s5], $0xA00, $0x38;
	[tilespmem:$0x7880] =	vst v63  }
0x53: {  	s26 =	simm.s32 $0x1800  }
0x54: {  	[tilespmem:s26], [sflag:$0x2] =	stream.linear.gather [hbm4b:s22+s5], $0xA00, $0x38;
	[tilespmem:$0x7880] =	vst v63  }
0x55: {  	s7 =	simm.s32 $0x2400;
	s6 =	sadd.s32 $0x480, s8  }
0x56: {  	[tilespmem:s7], [sflag:$0x2] =	stream.linear.gather [hbm4b:s6+s5], $0xA00, $0x38;
	[tilespmem:$0x7880] =	vst v63  }
0x57: {  	_ =	swait.ge [sflag:s16], $0x2800  }
0x58: {  	[sflag:s16] =	ssyncset.done $0x0  }
0x59: {  	s15 =	simm.s32 $0x3000;
	[sflag:s16] =	ssyncadd.s32 $0xFFFFD800  }
0x5a: {  	[tilespmem:s15], [sflag:$0x2] =	stream.linear.gather [hbm4b:s9+s5], $0xA00, $0x38;
	[tilespmem:$0x7880] =	vst v63  }
0x5b: {  	s23 =	sadd.s32 $0x180, s9;
	s24 =	simm.s32 $0x3C00;
	s15 =	simm.s32 $0x0  }
0x5c: {  	[tilespmem:s24], [sflag:$0x2] =	stream.linear.gather [hbm4b:s23+s5], $0xA00, $0x38;
	[tilespmem:$0x7880] =	vst v63  }
0x5d: {  	s25 =	sadd.s32 $0x300, s9;
	s26 =	simm.s32 $0x4800;
	s0 =	sor.u32 $0x2, s15  }
0x5e: {  	[tilespmem:s26], [sflag:$0x2] =	stream.linear.gather [hbm4b:s25+s5], $0xA00, $0x38;
	[tilespmem:$0x7880] =	vst v63  }
0x5f: {  	s25 =	sand.u32 $0xFE, s0  }
0x60: {  	s6 =	sadd.s32 $0x480, s9;
	s26 =	sand.u32 $0xFF, s5;
	s25 =	smul.u32 $0xCD, s25  }
0x61: {  	s7 =	simm.s32 $0x5400;
	s24 =	sand.u32 $0xFC, s15;
	s26 =	smul.u32 $0xCD, s26  }
0x62: {  	[tilespmem:s7], [sflag:$0x2] =	stream.linear.gather [hbm4b:s6+s5], $0xA00, $0x38;
	[tilespmem:$0x7880] =	vst v63  }
0x63: {  	s23 =	sor.u32 $0x1, s15;
	s6 =	smul.u32 $0xCD, s24;
	_ =	swait.ge [sflag:s16], $0x2800  }
0x64: {  	s24 =	sand.u32 $0xFD, s23;
	s7 =	sshllo.u32 s5, $0x2;
	[sflag:s16] =	ssyncset.done $0x0  }
0x65: {  	s24 =	smul.u32 $0xCD, s24;
	s26 =	sshrl.u32 s26, $0xA;
	[sflag:s16] =	ssyncadd.s32 $0xFFFFD800  }
0x66: {  	[spmem:s10] =	stream.linear.scatter [tilespmem:s30], [sflag:$0x2], $0x280, $0x38;
	[tilespmem:$0x7880] =	vst v63  }
0x67: {  	s25 =	sshrl.u32 s25, $0xC;
	s28 =	sand.u32 $0xFF, s7;
	_ =	swait.ge [sflag:s16], $0x280  }
0x68: {  	s6 =	sshrl.u32 s6, $0xC;
	s26 =	smul.u32 $0xC00, s26;
	[sflag:s16] =	ssyncset.done $0x0  }
0x69: {  	s6 =	smul.u32 $0x14, s6;
	s24 =	sshrl.u32 s24, $0xC;
	[sflag:s16] =	ssyncadd.s32 $0xFFFFFD80  }
0x6a: {  	[spmem:s11] =	stream.linear.scatter [tilespmem:s30], [sflag:$0x2], $0x280, $0x38;
	[tilespmem:$0x7880] =	vst v63  }
0x6b: {  	s24 =	smul.u32 $0x14, s24;
	s6 =	ssub.s32 $0x0, s6;
	_ =	swait.ge [sflag:s16], $0x280  }
0x6c: {  	s25 =	smul.u32 $0x14, s25;
	s6 =	sand.u32 $0xFC, s6;
	[sflag:s16] =	ssyncset.done $0x0  }
0x6d: {  	s23 =	ssub.s32 s23, s24;
	s6 =	sshll.u32 s6, $0x7;
	[sflag:s16] =	ssyncadd.s32 $0xFFFFFD80  }
0x6e: {  	s23 =	sand.u32 $0xFD, s23;
	s6 =	sadd.s32 s26, s6;
	[bflag:$0x0] =	sbarrier.arrive $0xFFFF  }
0x6f: {  	[spmem:s3] =	stream.indirect.scatter.add.f32 [tilespmem:s2], [sflag:$0x1], $0x1, s6, s31, $0xb8;
	[tilespmem:$0x7880] =	vst v63  }
0x70: {  	s15 =	smul.u32 $0xCD, s28;
	s23 =	sshll.u32 s23, $0x7;
	s6 =	sadd.s32 $0x3000, s6  }
0x71: {  	[spmem:s4] =	stream.indirect.scatter.add.f32 [tilespmem:s2], [sflag:$0x1], $0x1, s6, s31, $0xb8;
	[tilespmem:$0x7880] =	vst v63  }
0x72: {  	s0 =	ssub.s32 s0, s25;
	s24 =	sshrl.u32 s15, $0xC;
	s23 =	sadd.s32 s26, s23  }
0x73: {  	[spmem:s3] =	stream.indirect.scatter.add.f32 [tilespmem:s2], [sflag:$0x1], $0x1, s23, s31, $0xb8;
	[tilespmem:$0x7880] =	vst v63  }
0x74: {  	s0 =	sand.u32 $0xFE, s0;
	s6 =	sadd.s32 $0x3000, s23;
	s23 =	smul.u32 $0x14, s24  }
0x75: {  	[spmem:s4] =	stream.indirect.scatter.add.f32 [tilespmem:s2], [sflag:$0x1], $0x1, s6, s31, $0xb8;
	[tilespmem:$0x7880] =	vst v63  }
0x76: {  	s0 =	sshll.u32 s0, $0x7;
	s25 =	ssub.s32 s7, s23  }
0x77: {  	s0 =	sadd.s32 s26, s0;
	s6 =	sand.u32 $0xFF, s25  }
0x78: {  	[spmem:s3] =	stream.indirect.scatter.add.f32 [tilespmem:s2], [sflag:$0x1], $0x1, s0, s31, $0xb8;
	[tilespmem:$0x7880] =	vst v63  }
0x79: {  	s0 =	sadd.s32 $0x3000, s0;
	s7 =	sshll.u32 s6, $0x7  }
0x7a: {  	[spmem:s4] =	stream.indirect.scatter.add.f32 [tilespmem:s2], [sflag:$0x1], $0x1, s0, s31, $0xb8;
	[tilespmem:$0x7880] =	vst v63  }
0x7b: {  	s0 =	sadd.s32 s26, s7  }
0x7c: {  	[spmem:s3] =	stream.indirect.scatter.add.f32 [tilespmem:s2], [sflag:$0x1], $0x1, s0, s31, $0xb8;
	[tilespmem:$0x7880] =	vst v63  }
0x7d: {  	s0 =	sadd.s32 $0x3000, s0  }
0x7e: {  	[spmem:s4] =	stream.indirect.scatter.add.f32 [tilespmem:s2], [sflag:$0x1], $0x1, s0, s31, $0xb8;
	[tilespmem:$0x7880] =	vst v63  }
0x7f: {  	_ =	swait.ge [sflag:s19], $0x7D  }
0x80: {  	[sflag:s19] =	ssyncset.done $0x0  }
0x81: {  	s15 =	simm.s32 $0x4;
	[sflag:s19] =	ssyncadd.s32 $0xFFFFFF83  }
0x82: {  	s26 =	sand.u32 $0xFC, s15;
	_ =	swait.ge [sflag:s19], $0x7D  }
0x83: {  	s24 =	simm.s32 $0x2;
	s7 =	smul.u32 $0xCD, s26;
	[sflag:s19] =	ssyncset.done $0x0  }
0x84: {  	s23 =	simm.s32 $0x1;
	s25 =	sor.u32 $0x2, s15;
	[sflag:s19] =	ssyncadd.s32 $0xFFFFFF83  }
0x85: {  	s29 =	sshrl.u32 s7, $0xC;
	s0 =	sor.u32 $0x1, s15;
	_ =	swait.ge [sflag:s19], $0x7D  }
0x86: {  	s7 =	smul.u32 $0x14, s29;
	s28 =	sand.u32 $0xFD, s0;
	[sflag:s19] =	ssyncset.done $0x0  }
0x87: {  	s29 =	sand.u32 $0xFF, s23;
	s15 =	smul.u32 $0xCD, s28;
	[sflag:s19] =	ssyncadd.s32 $0xFFFFFF83  }
0x88: {  	s29 =	smul.u32 $0xCD, s29;
	s28 =	sand.u32 $0xFE, s25;
	_ =	swait.ge [sflag:s19], $0x7D  }
0x89: {  	s26 =	smul.u32 $0xCD, s28;
	s6 =	sshrl.u32 s15, $0xC;
	[sflag:s19] =	ssyncset.done $0x0  }
0x8a: {  	s28 =	smul.u32 $0x14, s6;
	s6 =	ssub.s32 $0x4, s7;
	[sflag:s19] =	ssyncadd.s32 $0xFFFFFF83  }
.LBB2_2:
0x8b: {  	p0 =	sne.s32 s24, $0x13  }
0x8c: {  	_ =	swait.ge [sflag:s19], $0x7D;
	s7 =	smov.u32 s24;
	s24 =	sadd.s32 $0x1, s24  }
0x8d: {  	s6 =	sand.u32 $0xFC, s6;
	s29 =	sshrl.u32 s29, $0xA;
	[sflag:s19] =	ssyncset.done $0x0  }
0x8e: {  	s26 =	sshrl.u32 s26, $0xC;
	s6 =	sshll.u32 s6, $0x7;
	[sflag:s19] =	ssyncadd.s32 $0xFFFFFF83  }
0x8f: {  	s29 =	smul.u32 $0xC00, s29;
	_ =	swait.ge [sflag:s19], $0x7D  }
0x90: {  	s0 =	ssub.s32 s0, s28;
	[sflag:s19] =	ssyncset.done $0x0  }
0x91: {  	s0 =	sand.u32 $0xFD, s0;
	s26 =	smul.u32 $0x14, s26;
	[sflag:s19] =	ssyncadd.s32 $0xFFFFFF83  }
0x92: {  	s0 =	sshll.u32 s0, $0x7;
	s6 =	sadd.s32 s29, s6;
	_ =	swait.ge [sflag:s19], $0x7D  }
0x93: {  	s25 =	ssub.s32 s25, s26;
	s0 =	sadd.s32 s29, s0;
	[sflag:s19] =	ssyncset.done $0x0  }
0x94: {  	s25 =	sand.u32 $0xFE, s25;
	[sflag:s19] =	ssyncadd.s32 $0xFFFFFF83  }
0x95: {  	s25 =	sshll.u32 s25, $0x7;
	_ =	swait.ge [sflag:s19], $0x7D  }
0x96: {  	s26 =	sshllo.u32 s23, $0x2;
	s25 =	sadd.s32 s29, s25;
	[sflag:s19] =	ssyncset.done $0x0  }
0x97: {  	s23 =	smov.u32 s7;
	s28 =	sand.u32 $0xFF, s26;
	[sflag:s19] =	ssyncadd.s32 $0xFFFFFF83  }
0x98: {  	[spmem:s3] =	stream.indirect.scatter.add.f32 [tilespmem:s2], [sflag:$0x1], $0x1, s6, s31, $0xb8;
	[tilespmem:$0x7880] =	vst v63  }
0x99: {  	s7 =	smul.u32 $0xCD, s28;
	s6 =	sadd.s32 $0x3000, s6  }
0x9a: {  	[spmem:s4] =	stream.indirect.scatter.add.f32 [tilespmem:s2], [sflag:$0x1], $0x1, s6, s31, $0xb8;
	[tilespmem:$0x7880] =	vst v63  }
0x9b: {  	s6 =	sshrl.u32 s7, $0xC  }
0x9c: {  	[spmem:s3] =	stream.indirect.scatter.add.f32 [tilespmem:s2], [sflag:$0x1], $0x1, s0, s31, $0xb8;
	[tilespmem:$0x7880] =	vst v63  }
0x9d: {  	s6 =	smul.u32 $0x14, s6;
	s0 =	sadd.s32 $0x3000, s0  }
0x9e: {  	[spmem:s4] =	stream.indirect.scatter.add.f32 [tilespmem:s2], [sflag:$0x1], $0x1, s0, s31, $0xb8;
	[tilespmem:$0x7880] =	vst v63  }
0x9f: {  	s0 =	ssub.s32 s26, s6  }
0xa0: {  	[spmem:s3] =	stream.indirect.scatter.add.f32 [tilespmem:s2], [sflag:$0x1], $0x1, s25, s31, $0xb8;
	[tilespmem:$0x7880] =	vst v63  }
0xa1: {  	s6 =	sadd.s32 $0x3000, s25;
	s0 =	sand.u32 $0xFF, s0  }
0xa2: {  	[spmem:s4] =	stream.indirect.scatter.add.f32 [tilespmem:s2], [sflag:$0x1], $0x1, s6, s31, $0xb8;
	[tilespmem:$0x7880] =	vst v63  }
0xa3: {  	s0 =	sshll.u32 s0, $0x7  }
0xa4: {  	s0 =	sadd.s32 s29, s0  }
0xa5: {  	[spmem:s3] =	stream.indirect.scatter.add.f32 [tilespmem:s2], [sflag:$0x1], $0x1, s0, s31, $0xb8;
	[tilespmem:$0x7880] =	vst v63  }
0xa6: {  	s0 =	sadd.s32 $0x3000, s0  }
0xa7: {  	[spmem:s4] =	stream.indirect.scatter.add.f32 [tilespmem:s2], [sflag:$0x1], $0x1, s0, s31, $0xb8;
	[tilespmem:$0x7880] =	vst v63  }
0xa8: {  	_ =	swait.ge [sflag:s19], $0x7D  }
0xa9: {  	s7 =	sshll.u32 s23, $0x2;
	[sflag:s19] =	ssyncset.done $0x0  }
0xaa: {  	s25 =	sand.u32 $0xFC, s7;
	[sflag:s19] =	ssyncadd.s32 $0xFFFFFF83  }
0xab: {  	s26 =	smul.u32 $0xCD, s25;
	s6 =	sand.u32 $0xFF, s23;
	_ =	swait.ge [sflag:s19], $0x7D  }
0xac: {  	s0 =	sor.u32 $0x1, s7;
	[sflag:s19] =	ssyncset.done $0x0  }
0xad: {  	s29 =	sshrl.u32 s26, $0xC;
	s25 =	sand.u32 $0xFD, s0;
	[sflag:s19] =	ssyncadd.s32 $0xFFFFFF83  }
0xae: {  	s28 =	smul.u32 $0xCD, s25;
	s25 =	sor.u32 $0x2, s7;
	_ =	swait.ge [sflag:s19], $0x7D  }
.Ltmp0:
0xaf: {  	s26 =	sand.u32 $0xFE, s25;
	[sflag:s19] =	ssyncset.done $0x0;
	(pc) =	sbr.rel @p0 .LBB2_2-.Ltmp0, $4  }
0xb0: {  	s28 =	sshrl.u32 s28, $0xC;
	s26 =	smul.u32 $0xCD, s26;
	[sflag:s19] =	ssyncadd.s32 $0xFFFFFF83  }
0xb1: {  	s15 =	smul.u32 $0x14, s29;
	_ =	swait.ge [sflag:s19], $0x7D  }
0xb2: {  	s28 =	smul.u32 $0x14, s28;
	[sflag:s19] =	ssyncset.done $0x0  }
0xb3: {  	s29 =	smul.u32 $0xCD, s6;
	s6 =	ssub.s32 s7, s15;
	[sflag:s19] =	ssyncadd.s32 $0xFFFFFF83  }
0xb4: {  	_ =	swait.ge [sflag:s19], $0x7D  }
0xb5: {  	[sflag:s19] =	ssyncset.done $0x0  }
0xb6: {  	[sflag:s19] =	ssyncadd.s32 $0xFFFFFF83  }
0xb7: {  	_ =	swait.ge [sflag:s19], $0x7D  }
0xb8: {  	[sflag:s19] =	ssyncset.done $0x0  }
0xb9: {  	[sflag:s19] =	ssyncadd.s32 $0xFFFFFF83  }
0xba: {  	s6 =	sand.u32 $0xFC, s6;
	s15 =	sshrl.u32 s26, $0xC;
	_ =	swait.ge [sflag:s19], $0x7D  }
0xbb: {  	s0 =	ssub.s32 s0, s28;
	s23 =	sshllo.u32 s23, $0x2;
	[sflag:s19] =	ssyncset.done $0x0  }
0xbc: {  	s7 =	sshrl.u32 s29, $0xA;
	s6 =	sshll.u32 s6, $0x7;
	[sflag:s19] =	ssyncadd.s32 $0xFFFFFF83  }
0xbd: {  	s0 =	sand.u32 $0xFD, s0;
	s7 =	smul.u32 $0xC00, s7;
	_ =	swait.ge [sflag:s19], $0x7D  }
0xbe: {  	s15 =	smul.u32 $0x14, s15;
	s24 =	sand.u32 $0xFF, s23;
	[sflag:s19] =	ssyncset.done $0x0  }
0xbf: {  	s0 =	sshll.u32 s0, $0x7;
	s6 =	sadd.s32 s7, s6;
	[sflag:s19] =	ssyncadd.s32 $0xFFFFFF83  }
0xc0: {  	[spmem:s3] =	stream.indirect.scatter.add.f32 [tilespmem:s2], [sflag:$0x1], $0x1, s6, s31, $0xb8;
	[tilespmem:$0x7880] =	vst v63  }
0xc1: {  	s24 =	smul.u32 $0xCD, s24;
	s15 =	ssub.s32 s25, s15;
	s6 =	sadd.s32 $0x3000, s6  }
0xc2: {  	[spmem:s4] =	stream.indirect.scatter.add.f32 [tilespmem:s2], [sflag:$0x1], $0x1, s6, s31, $0xb8;
	[tilespmem:$0x7880] =	vst v63  }
0xc3: {  	s0 =	sadd.s32 s7, s0;
	s28 =	sand.u32 $0xFE, s15;
	s29 =	sshrl.u32 s24, $0xC  }
0xc4: {  	[spmem:s3] =	stream.indirect.scatter.add.f32 [tilespmem:s2], [sflag:$0x1], $0x1, s0, s31, $0xb8;
	[tilespmem:$0x7880] =	vst v63  }
0xc5: {  	s15 =	smul.u32 $0x14, s29;
	s6 =	sshll.u32 s28, $0x7;
	s0 =	sadd.s32 $0x3000, s0  }
0xc6: {  	[spmem:s4] =	stream.indirect.scatter.add.f32 [tilespmem:s2], [sflag:$0x1], $0x1, s0, s31, $0xb8;
	[tilespmem:$0x7880] =	vst v63  }
0xc7: {  	s24 =	ssub.s32 s23, s15;
	s6 =	sadd.s32 s7, s6  }
0xc8: {  	[spmem:s3] =	stream.indirect.scatter.add.f32 [tilespmem:s2], [sflag:$0x1], $0x1, s6, s31, $0xb8;
	[tilespmem:$0x7880] =	vst v63  }
0xc9: {  	s0 =	sadd.s32 $0x3000, s6;
	s6 =	sand.u32 $0xFF, s24  }
0xca: {  	s25 =	sshll.u32 s6, $0x7  }
0xcb: {  	[spmem:s4] =	stream.indirect.scatter.add.f32 [tilespmem:s2], [sflag:$0x1], $0x1, s0, s31, $0xb8;
	[tilespmem:$0x7880] =	vst v63  }
0xcc: {  	s0 =	sadd.s32 s7, s25  }
0xcd: {  	[spmem:s3] =	stream.indirect.scatter.add.f32 [tilespmem:s2], [sflag:$0x1], $0x1, s0, s31, $0xb8;
	[tilespmem:$0x7880] =	vst v63  }
0xce: {  	s0 =	sadd.s32 $0x3000, s0  }
0xcf: {  	[spmem:s4] =	stream.indirect.scatter.add.f32 [tilespmem:s2], [sflag:$0x1], $0x1, s0, s31, $0xb8;
	[tilespmem:$0x7880] =	vst v63  }
0xd0: {  	_ =	swait.ge [sflag:s19], $0x7D  }
0xd1: {  	[sflag:s19] =	ssyncset.done $0x0  }
0xd2: {  	[sflag:s19] =	ssyncadd.s32 $0xFFFFFF83  }
0xd3: {  	_ =	swait.ge [sflag:s19], $0x7D  }
0xd4: {  	[sflag:s19] =	ssyncset.done $0x0  }
0xd5: {  	[sflag:s19] =	ssyncadd.s32 $0xFFFFFF83  }
0xd6: {  	_ =	swait.ge [sflag:s19], $0x7D  }
0xd7: {  	[sflag:s19] =	ssyncset.done $0x0  }
0xd8: {  	[sflag:s19] =	ssyncadd.s32 $0xFFFFFF83  }
0xd9: {  	_ =	swait.ge [sflag:s19], $0x7D  }
0xda: {  	[sflag:s19] =	ssyncset.done $0x0  }
0xdb: {  	[sflag:s19] =	ssyncadd.s32 $0xFFFFFF83  }
0xdc: {  	_ =	swait.ge [sflag:s19], $0x7D  }
0xdd: {  	[sflag:s19] =	ssyncset.done $0x0  }
0xde: {  	[sflag:s19] =	ssyncadd.s32 $0xFFFFFF83  }
0xdf: {  	_ =	swait.ge [sflag:s19], $0x7D  }
0xe0: {  	[sflag:s19] =	ssyncset.done $0x0  }
0xe1: {  	[sflag:s19] =	ssyncadd.s32 $0xFFFFFF83  }
0xe2: {  	_ =	swait.ge [sflag:s19], $0x7D  }
0xe3: {  	[sflag:s19] =	ssyncset.done $0x0  }
0xe4: {  	[sflag:s19] =	ssyncadd.s32 $0xFFFFFF83  }
0xe5: {  	_ =	swait.ge [sflag:s19], $0x7D  }
0xe6: {  	s26 =	stileid.u32;
	[sflag:s19] =	ssyncset.done $0x0  }
0xe7: {  	s0 =	sshll.u32 s26, $0x6;
	[sflag:s19] =	ssyncadd.s32 $0xFFFFFF83  }
0xe8: {  	s28 =	sshrl.u32 s10, $0x3;
	s0 =	sor.u32 $0x1C02, s0;
	[bflag:$0x0] =	sbarrier.arrive $0xFFFF  }
0xe9: {  	[hbm:s12@s17], [sflag:s0] =	dma.strided [spmem:s28@s1], $0x50, s19, $0x10   }
0xea: {  	s21 =	sadd.s32 $0x1, s21;
	_ =	swait.ge [sflag:s16], $0x50  }
0xeb: {  	p0 =	sne.s32 s21, s14;
	[sflag:s16] =	ssyncset.done $0x0  }
.Ltmp1:
0xec: {  	s29 =	sshrl.u32 s11, $0x3;
	[sflag:s16] =	ssyncadd.s32 $0xFFFFFFB0;
	(pc) =	sbr.rel @p0 .LBB2_1-.Ltmp1, $4  }
0xed: {  	[hbm:s13@s17], [sflag:s0] =	dma.strided [spmem:s29@s1], $0x50, s19, $0x10   }
0xee: {  	_ =	swait.ge [sflag:s16], $0x50  }
0xef: {  	[sflag:s16] =	ssyncset.done $0x0  }
0xf0: {  	[sflag:s16] =	ssyncadd.s32 $0xFFFFFFB0  }
0xf1: {  	_ =	sfence.sel $0x180000  }
0xf2: {  	[bflag:$0x0] =	sbarrier.arrive $0xFFFF  }
0xf3: {  	_ =	strace $0x90000047  }
0xf4: {  	s0 =	stileid.u32;
	[bflag:$0x2] =	sbarrier.arrive $0xFFFF  }
0xf5: {  	p0 =	sne.s32 s0, $0x0;
	s0 =	rddreg [dreg:$0x6]  }
0xf6: {  	s0 =	sadd.s32 @!p0 $0x100000, s0  }
0xf7: {  	[sflag:s0] =	ssyncadd.tile.s32 @!p0 $0x1;
	_ =	shalt  }
.Lfunc_end2:
_tile_overlayer_lowered:
.L_overlay_start_2:
0xf8: {  	(tag) =	ssettag $0x2  }
0xf9: {  	s0 =	rddreg [dreg:$0x0];
	s2 =	stileid.u32  }
0xfa: {  	s1 =	rddreg [dreg:$0x1];
	p0 =	sne.s32 s2, $0x0  }
0xfb: {  	s3 =	rddreg [dreg:$0x2];
	[bflag:$0x3] =	sbarrier.arrive $0xFFFF;
	s2 =	simm.s32 @!p0 $0x1C02  }
0xfc: {  	[timem:s3], [sflag:s2] =	dma.local @!p0 [hbm:s0], s1  }
0xfd: {  	s0 =	simm.s32 @!p0 $0x2  }
0xfe: {  	_ =	swait.ge @!p0 [sflag:s0], s1  }
0xff: {  	s1 =	ssub.s32 @!p0 $0x0, s1;
	[sflag:s0] =	ssyncset.done @!p0 $0x0  }
0x100: {  	[sflag:s0] =	ssyncadd.s32 @!p0 s1  }
0x101: {  	[bflag:$0x3] =	sbarrier.arrive $0xFFFF  }
0x102: {  	_ =	shalt  }

// kernel: kernel.9.cloned.1.call-start
scs
__scs_entry_jumppad:
0x0: {  	(pc) =	sbr.rel $0x88, $3  }
0x1: {  	(tag) =	ssettag $0x0;
	lr =	simm.s32 $0x1  }
0x2: {  	[smem:$0x3F98] =	sst lr;
	_ =	strace $0xD0000000  }
0x3: {  	_ = 	snop  }
0x4: {  	_ = 	snop  }
0x5: {  	_ = 	snop  }
0x6: {  	_ = 	snop  }
0x7: {  	_ = 	snop  }
__scs_overlays_trampoline_lowered:
0x8: {  	[smem:$0x3FA7] =	sst s0  }
0x9: {  	[smem:$0x3FA8] =	sst s1  }
0xa: {  	[smem:$0x3FA9] =	sst s2  }
0xb: {  	[smem:$0x3FAA] =	sst s3  }
0xc: {  	[smem:$0x3FAB] =	sst s4  }
0xd: {  	[smem:$0x3FAC] =	sst s5  }
0xe: {  	[smem:$0x3FAD] =	sst s6  }
0xf: {  	[smem:$0x3FAE] =	sst s7  }
0x10: {  	[smem:$0x3FAF] =	sst s8  }
0x11: {  	[smem:$0x3FB0] =	sst s9;
	s0 =	simm.s32 @!p0 $0x0  }
0x12: {  	s1 =	sld [smem:$0x3F96];
	s0 =	simm.s32 @p0 $0x1  }
0x13: {  	[smem:$0x3FB1] =	sst s0;
	s0 =	simm.s32 @!p1 $0x0  }
0x14: {  	s2 =	sld [smem:$0x3F95];
	s0 =	simm.s32 @p1 $0x1  }
0x15: {  	[smem:$0x3FB2] =	sst s0;
	s0 =	simm.s32 @!p2 $0x0  }
0x16: {  	s3 =	sld [smem:$0x3FDB];
	s0 =	simm.s32 @p2 $0x1  }
0x17: {  	s4 =	simm.s32 $0x1BF5;
	[smem:$0x3FB4] =	sst s0  }
0x18: {  	s0 =	sld [smem:$0x3F97];
	_ =	swait.ge [sflag:s4], $0x0  }
0x19: {  	s7 =	sld [smem:$0x3F98]  }
0x1a: {  	s8 =	sadd.s32 $0xFFFFE003, lr  }
0x1b: {  	s9 =	sadd.s32 $0xFFFFFEF7, lr;
	s5 =	simm.s32 $0xFFFFFFFF;
	p2 =	slt.u32 s8, $0xFFFFF086  }
0x1c: {  	p1 =	slt.u32 s9, $0xF7A;
	s5 =	simm.s32 @!p2 $0x0  }
0x1d: {  	s5 =	simm.s32 @p1 $0x1;
	p0 =	seq.s32 s7, s2  }
0x1e: {  	s7 =	smul.u32 @!p0 $0xF7A, s2;
	p2 =	seq.s32 @!p0 s5, $0x0  }
0x1f: {  	s9 =	smul.u32 $0xF7A, s1;
	s8 =	simm.s32 @!p0 $0x1BF5;
	p2 =	por !p2, p0  }
0x20: {  	[sflag:s8] =	ssyncset.s32 @!p0 $0xFFFFF086;
	s6 =	sadd.s32 @!p0 s3, s7;
	s7 =	simm.s32 @!p0 $0x108  }
0x21: {  	s3 =	sadd.s32 s3, s9;
	s6 =	sadd.s32 @!p0 $0x88, s6;
	s7 =	simm.s32 @p2 $0x1082  }
0x22: {  	[simem:s7], [sflag:s8] =	dma.local @!p0 [hbm:s6], $0xF7A  }
0x23: {  	s9 =	sor.u32 $0xD0000000, s2;
	s6 =	simm.s32 $0x108;
	_ =	swait.ge @!p0 [sflag:s8], $0x0  }
0x24: {  	s3 =	sadd.s32 $0x88, s3;
	s6 =	simm.s32 @!p1 $0x1082;
	[sflag:s4] =	ssyncset.s32 $0xFFFFF086  }
0x25: {  	[simem:s6], [sflag:s4] =	dma.local [hbm:s3], $0xF7A  }
0x26: {  	[smem:$0x3F98] =	sst s1;
	(tag) =	ssettag s2;
	_ =	strace s9  }
0x27: {  	s1 =	sld [smem:$0x3FA8]  }
0x28: {  	s2 =	sld [smem:$0x3FA9]  }
0x29: {  	s4 =	sld [smem:$0x3FAB]  }
0x2a: {  	p0 =	seq.s32 s5, $0x0;
	s5 =	sld [smem:$0x3FAC]  }
0x2b: {  	s6 =	sld [smem:$0x3FAD]  }
0x2c: {  	s7 =	sld [smem:$0x3FAE]  }
0x2d: {  	s3 =	simm.s32 $0x108;
	s8 =	sld [smem:$0x3FAF]  }
0x2e: {  	s3 =	simm.s32 @!p0 $0x1082;
	s9 =	sld [smem:$0x3FB0]  }
0x2f: {  	lr =	sadd.s32 s0, s3;
	s0 =	sld [smem:$0x3FA7]  }
0x30: {  	s3 =	sld [smem:$0x3FAA]  }
0x31: {  	[smem:$0x3FB3] =	sst s10  }
0x32: {  	s10 =	sld [smem:$0x3FB1];
	_ =	sdelay $0x3  }
0x33: {  	p0 =	seq.s32 s10, $0x1;
	s10 =	sld [smem:$0x3FB3];
	_ =	sdelay $0x3  }
0x34: {  	[smem:$0x3FB3] =	sst s10  }
0x35: {  	s10 =	sld [smem:$0x3FB2];
	_ =	sdelay $0x3  }
0x36: {  	p1 =	seq.s32 s10, $0x1;
	s10 =	sld [smem:$0x3FB3];
	_ =	sdelay $0x3  }
0x37: {  	[smem:$0x3FB3] =	sst s10  }
0x38: {  	s10 =	sld [smem:$0x3FB4]  }
0x39: {  	_ = 	snop;
	(pc) =	sbr.ind lr, $3  }
0x3a: {  	_ = 	snop  }
0x3b: {  	_ = 	snop  }
0x3c: {  	p2 =	seq.s32 s10, $0x1;
	s10 =	sld [smem:$0x3FB3]  }
0x3d: {  	_ =	shalt  }
0x3e: {  	_ =	shalt  }
0x3f: {  	_ =	shalt  }
0x40: {  	_ =	shalt  }
0x41: {  	_ =	shalt  }
0x42: {  	_ =	shalt  }
0x43: {  	_ =	shalt  }
0x44: {  	_ =	shalt  }
0x45: {  	_ =	shalt  }
0x46: {  	_ =	shalt  }
0x47: {  	_ =	shalt  }
0x48: {  	_ =	shalt  }
0x49: {  	_ =	shalt  }
0x4a: {  	_ =	shalt  }
0x4b: {  	_ =	shalt  }
0x4c: {  	_ =	shalt  }
0x4d: {  	_ =	shalt  }
0x4e: {  	_ =	shalt  }
0x4f: {  	_ =	shalt  }
0x50: {  	_ =	shalt  }
0x51: {  	_ =	shalt  }
0x52: {  	_ =	shalt  }
0x53: {  	_ =	shalt  }
0x54: {  	_ =	shalt  }
0x55: {  	_ =	shalt  }
0x56: {  	_ =	shalt  }
0x57: {  	_ =	shalt  }
0x58: {  	_ =	shalt  }
0x59: {  	_ =	shalt  }
0x5a: {  	_ =	shalt  }
0x5b: {  	_ =	shalt  }
0x5c: {  	_ =	shalt  }
0x5d: {  	_ =	shalt  }
0x5e: {  	_ =	shalt  }
0x5f: {  	_ =	shalt  }
0x60: {  	_ =	shalt  }
0x61: {  	_ =	shalt  }
0x62: {  	_ =	shalt  }
0x63: {  	_ =	shalt  }
0x64: {  	_ =	shalt  }
0x65: {  	_ =	shalt  }
0x66: {  	_ =	shalt  }
0x67: {  	_ =	shalt  }
0x68: {  	_ =	shalt  }
0x69: {  	_ =	shalt  }
0x6a: {  	_ =	shalt  }
0x6b: {  	_ =	shalt  }
0x6c: {  	_ =	shalt  }
0x6d: {  	_ =	shalt  }
0x6e: {  	_ =	shalt  }
0x6f: {  	_ =	shalt  }
0x70: {  	_ =	shalt  }
0x71: {  	_ =	shalt  }
0x72: {  	_ =	shalt  }
0x73: {  	_ =	shalt  }
0x74: {  	_ =	shalt  }
0x75: {  	_ =	shalt  }
0x76: {  	_ =	shalt  }
0x77: {  	_ =	shalt  }
0x78: {  	_ =	shalt  }
0x79: {  	_ =	shalt  }
0x7a: {  	_ =	shalt  }
0x7b: {  	_ =	shalt  }
0x7c: {  	_ =	shalt  }
0x7d: {  	_ =	shalt  }
0x7e: {  	_ =	shalt  }
0x7f: {  	_ =	shalt  }
0x80: {  	_ =	shalt  }
0x81: {  	_ =	shalt  }
0x82: {  	_ =	shalt  }
0x83: {  	_ =	shalt  }
0x84: {  	_ =	shalt  }
0x85: {  	_ =	shalt  }
0x86: {  	_ =	shalt  }
0x87: {  	_ =	shalt  }
.Lfunc_end0:
.L_simem_size_0:
called_computation.1_lowered:
.L_overlay_start_0:
0x88: {  	s2 =	sld [smem:$0x3FD9]  }
0x89: {  	s3 =	sld [smem:$0x3FFE];
	_ =	sdelay $0x1  }
0x8a: {  	s1 =	srdreg.scid  }
0x8b: {  	s0 =	sand.u32 $0x1, s1  }
0x8c: {  	s17 =	sshll.u32 s0, $0xA;
	s2 =	sadd.s32 s3, s2  }
0x8d: {  	s2 =	sadd.s32 s2, s17  }
0x8e: {  	[smem:$0x3FBF] =	sst s2  }
0x8f: {  	_ = 	snop  }
0x90: {  	s2 =	sld [smem:$0x3FC2]  }
0x91: {  	s18 =	sld [smem:$0x3FD0];
	(tm) =	ssettm $0x1  }
0x92: {  	s4 =	sld [smem:$0x3FFB];
	_ =	sdelay $0x3  }
0x93: {  	_ =	strace s4  }
0x94: {  	s4 =	sld [smem:$0x3FFC];
	_ =	sdelay $0x3  }
0x95: {  	_ =	strace s4  }
0x96: {  	s4 =	sld [smem:$0x3FFD];
	_ =	sdelay $0x3  }
0x97: {  	_ =	strace s4  }
0x98: {  	_ =	strace $0x8FFFFFFF  }
0x99: {  	s19 =	sld [smem:$0x3FDB];
	_ =	sdelay $0x1  }
0x9a: {  	s5 =	simm.s32 $_scs_section_size  }
0x9b: {  	s6 =	simm.s32 $_size__tile_overlayer_lowered;
	s7 =	simm.s32 $_tile_overlayer_lowered  }
0x9c: {  	s22 =	simm.s32 $0x1BFF;
	s21 =	sshll.u32 s7, $0x1;
	s4 =	sadd.s32 s5, s19  }
0x9d: {  	s8 =	simm.s32 $0x0;
	s20 =	sshll.u32 s6, $0x1;
	s6 =	sadd.s32 s21, s4  }
0x9e: {  	[timem:s8], [sflag:s22] =	dma.local [hbm:s6], s20  }
0x9f: {  	_ =	swait.ge [sflag:s22], s20  }
0xa0: {  	s5 =	ssub.s32 $0x0, s20;
	[sflag:s22] =	ssyncset.done $0x0  }
0xa1: {  	[sflag:s22] =	ssyncadd.s32 s5;
	_ =	sdelay $0x1  }
0xa2: {  	s23 =	simm.s32 $0x1B8B  }
0xa3: {  	_ =	swait.ge [sflag:s23], $0x1  }
0xa4: {  	[sflag:s23] =	ssyncset.done $0x0  }
0xa5: {  	s25 =	simm.s32 $0x1B8E;
	s24 =	sld [smem:$0x3FFE];
	[sflag:s23] =	ssyncadd.s32 $0xFFFFFFFF  }
0xa6: {  	s26 =	simm.s32 $execute0_lowered;
	[smem:$0x3FD2] =	sst s25  }
0xa7: {  	s6 =	sshll.u32 s26, $0x1;
	_ =	strace $0x80000049;
	[dreg:$0x1] =	wrdreg $0xFFFFFFFF  }
0xa8: {  	s28 =	simm.s32 $_size_execute0_lowered;
	s4 =	sadd.s32 s4, s6;
	[dreg:$0x0] =	wrdreg $0x0  }
0xa9: {  	s6 =	sshll.u32 s28, $0x1;
	[dreg:$0x2] =	wrdreg s4  }
0xaa: {  	[dreg:$0x3] =	wrdreg s6  }
0xab: {  	[dreg:$0x4] =	wrdreg $0xC0  }
0xac: {  	_ =	task [dreg:s8], $0x5FFFF  }
0xad: {  	[dreg:$0x1] =	wrdreg $0xFFFFFFFF  }
0xae: {  	[dreg:$0x0] =	wrdreg $0x60  }
0xaf: {  	[dreg:$0x2] =	wrdreg s24  }
0xb0: {  	[dreg:$0x3] =	wrdreg s2  }
0xb1: {  	[dreg:$0x4] =	wrdreg s18  }
0xb2: {  	[dreg:$0x5] =	wrdreg $0xB1800  }
0xb3: {  	[dreg:$0x6] =	wrdreg $0x9  }
0xb4: {  	_ =	task.clear_ibuf [dreg:s8], $0x7FFFF;
	_ =	strace $0x90000049  }
0xb5: {  	s29 =	simm.s32 $0x9;
	_ =	strace $0x8000004B  }
0xb6: {  	_ =	swait.ge [sflag:s29], $0x1  }
0xb7: {  	[sflag:s29] =	ssyncadd.s32 $0xFFFFFFFF  }
0xb8: {  	_ =	strace $0x9000004B  }
0xb9: {  	_ =	sfence  }
0xba: {  	s30 =	sld [smem:$0x0];
	_ =	sdelay $0x2  }
0xbb: {  	s31 =	sshll.u32 s1, $0xD;
	s1 =	sshrl.u32 s1, $0x2  }
0xbc: {  	s3 =	sand.u32 $0x4000, s31;
	s1 =	sadd.s32 s1, s30  }
0xbd: {  	s0 =	sor.u32 s3, s0;
	s1 =	sshll.u32 s1, $0x11  }
0xbe: {  	s0 =	sor.u32 s1, s0  }
0xbf: {  	s0 =	sadd.s32 $0x8F2B, s0  }
0xc0: {  	[sflag:s0] =	ssyncadd.remote.s32 $0x1  }
0xc1: {  	_ =	sfence.sel $0xFFFF  }
0xc2: {  	[dreg:$0x0] =	wrdreg $0xFFFFFFFF;
	(pc) =	sbr.abs _section_cstart, $3  }
0xc3: {  	[dreg:$0x1] =	wrdreg $0xFFFFFFFF  }
0xc4: {  	_ =	task.clear_ibuf [dreg:s8], $0x2FFFF;
	_ =	strace $0x9FFFFFFF  }
0xc5: {  	(tm) =	ssettm $0x7FFFFFFF  }
tec
execute0_lowered:
.L_overlay_start_1:
0x0: {  	(tag) =	ssettag $0x1  }
0x1: {  	s6 =	rddreg [dreg:$0x0]  }
0x2: {  	s1 =	rddreg [dreg:$0x1];
	s12 =	stileid.u32  }
0x3: {  	s0 =	rddreg [dreg:$0x2];
	s4 =	smul.u32 $0x50000, s12  }
0x4: {  	s2 =	rddreg [dreg:$0x3];
	s3 =	simm.s32 $0x0  }
0x5: {  	[smem:$0x7FF] =	sst s3;
	s5 =	sadd.s32 $0x1A800, s6;
	s4 =	sshrl.u32 s4, $0x2  }
0x6: {  	_ =	strace $0x8000004A;
	[dreg:$0x5] =	wrdreg s5;
	s4 =	sadd.s32 s4, s2  }
0x7: {  	s14 =	sadd.s32 $0x800, s4;
	[smem:$0x7EC] =	sst s4  }
0x8: {  	s15 =	sadd.s32 $0x1000, s4;
	[dreg:$0x6] =	wrdreg s14  }
0x9: {  	s16 =	sadd.s32 $0x1800, s4;
	[dreg:$0x7] =	wrdreg s15  }
0xa: {  	s17 =	sadd.s32 $0x2000, s4;
	[dreg:$0x8] =	wrdreg s16  }
0xb: {  	s18 =	sadd.s32 $0x2800, s4;
	[dreg:$0x9] =	wrdreg s17  }
0xc: {  	s19 =	sadd.s32 $0x3000, s4;
	[dreg:$0xa] =	wrdreg s18  }
0xd: {  	s20 =	sadd.s32 $0x3800, s4;
	[dreg:$0xb] =	wrdreg s19  }
0xe: {  	s21 =	sadd.s32 $0x4000, s4;
	[dreg:$0xc] =	wrdreg s20  }
0xf: {  	s22 =	sadd.s32 $0x4800, s4;
	[dreg:$0xd] =	wrdreg s21  }
0x10: {  	s23 =	sadd.s32 $0x5000, s4;
	[dreg:$0xe] =	wrdreg s22  }
0x11: {  	s24 =	sadd.s32 $0x5800, s4;
	[dreg:$0xf] =	wrdreg s23  }
0x12: {  	s25 =	sadd.s32 $0x6000, s4;
	[dreg:$0x10] =	wrdreg s24  }
0x13: {  	s26 =	sadd.s32 $0x6800, s4;
	[dreg:$0x11] =	wrdreg s25  }
0x14: {  	s28 =	sadd.s32 $0x7000, s4;
	[dreg:$0x12] =	wrdreg s26  }
0x15: {  	s29 =	sadd.s32 $0x7800, s4;
	[dreg:$0x13] =	wrdreg s28  }
0x16: {  	s30 =	sadd.s32 $0x8000, s4;
	[dreg:$0x14] =	wrdreg s29  }
0x17: {  	s31 =	sadd.s32 $0x8800, s4;
	[dreg:$0x15] =	wrdreg s30  }
0x18: {  	s7 =	sadd.s32 $0x9000, s4;
	[dreg:$0x16] =	wrdreg s31  }
0x19: {  	s8 =	sadd.s32 $0x9800, s4;
	[dreg:$0x17] =	wrdreg s7  }
0x1a: {  	s9 =	sadd.s32 $0xA000, s4;
	[dreg:$0x18] =	wrdreg s8  }
0x1b: {  	s10 =	sadd.s32 $0xA800, s4;
	[dreg:$0x19] =	wrdreg s9  }
0x1c: {  	s11 =	sadd.s32 $0xB000, s4;
	[dreg:$0x1a] =	wrdreg s10  }
0x1d: {  	s13 =	sadd.s32 $0xB800, s4;
	[dreg:$0x1b] =	wrdreg s11  }
0x1e: {  	[dreg:$0x1c] =	wrdreg s13;
	s14 =	sadd.s32 $0xC000, s4  }
0x1f: {  	s15 =	sadd.s32 $0xC800, s4;
	[dreg:$0x1d] =	wrdreg s14  }
0x20: {  	s16 =	sadd.s32 $0xD000, s4;
	[dreg:$0x1e] =	wrdreg s15  }
0x21: {  	s17 =	sadd.s32 $0xD800, s4;
	[dreg:$0x1f] =	wrdreg s16  }
0x22: {  	s18 =	sadd.s32 $0xE000, s4;
	[smem:$0x7E0] =	sst s17  }
0x23: {  	s19 =	sadd.s32 $0xE800, s4;
	[smem:$0x7E1] =	sst s18  }
0x24: {  	s20 =	sadd.s32 $0xF000, s4;
	[smem:$0x7E2] =	sst s19  }
0x25: {  	s21 =	sadd.s32 $0xF800, s4;
	[smem:$0x7E3] =	sst s20  }
0x26: {  	s22 =	sadd.s32 $0x10000, s4;
	[smem:$0x7E4] =	sst s21  }
0x27: {  	s5 =	sadd.s32 $0x1F200, s6;
	s23 =	sadd.s32 $0x10800, s4;
	[smem:$0x7E5] =	sst s22  }
0x28: {  	s7 =	srdreg.scid;
	s24 =	sadd.s32 $0x11000, s4;
	[smem:$0x7E6] =	sst s23  }
0x29: {  	s8 =	sshll.u32 s12, $0x1;
	s10 =	sadd.s32 $0x11800, s4;
	[smem:$0x7E7] =	sst s24  }
0x2a: {  	s25 =	sadd.s32 $0x12000, s4;
	s26 =	sadd.s32 $0x12800, s4;
	[smem:$0x7E8] =	sst s10  }
0x2b: {  	s28 =	sadd.s32 $0x13000, s4;
	s29 =	sadd.s32 $0x13800, s4;
	[smem:$0x7E9] =	sst s25  }
0x2c: {  	s4 =	sshll.u32 s12, $0xA;
	s7 =	sand.u32 $0x1, s7;
	[smem:$0x7EA] =	sst s26  }
0x2d: {  	[smem:$0x7EB] =	sst s28;
	s19 =	smul.u32 $0x14000, s12;
	s8 =	sor.u32 s7, s8  }
0x2e: {  	[smem:$0x7ED] =	sst s29;
	s9 =	smul.u32 $0x3000, s8;
	s8 =	sshll.u32 s8, $0x2  }
0x2f: {  	s25 =	sshll.u32 s12, $0x3;
	s11 =	sadd.s32 s8, s6;
	s8 =	sadd.s32 s1, s8  }
0x30: {  	s12 =	simm.s32 $0x3;
	s1 =	sadd.s32 s1, s25;
	[smem:$0x7EE] =	sst s8  }
0x31: {  	s9 =	sshrl.u32 s9, $0x3;
	s31 =	sadd.s32 $0x1AE00, s11;
	[smem:$0x7F9] =	sst s1  }
0x32: {  	s9 =	sadd.s32 s9, s6;
	[smem:$0x7EF] =	sst s31;
	s31 =	simm.s32 $0xA120  }
0x33: {  	s30 =	sshll.u32 s7, $0xE;
	s13 =	sadd.s32 $0x2800, s9;
	[smem:$0x7FD] =	sst s31  }
0x34: {  	s17 =	smul.u32 $0x140000, s7;
	s14 =	sadd.s32 $0xE800, s9;
	[smem:$0x7F0] =	sst s13  }
0x35: {  	s7 =	ssub.s32 $0x2, s7;
	s15 =	sadd.s32 $0x2980, s9;
	[smem:$0x7F1] =	sst s14  }
0x36: {  	s10 =	sor.u32 s4, s30;
	s16 =	sadd.s32 $0xE980, s9;
	[smem:$0x7F2] =	sst s15  }
0x37: {  	s26 =	sshrl.u32 s7, $0x1;
	s18 =	sadd.s32 $0x2B00, s9;
	[smem:$0x7F3] =	sst s16  }
0x38: {  	s7 =	ssub.s32 s7, s26;
	s20 =	sadd.s32 $0xEB00, s9;
	[smem:$0x7F4] =	sst s18  }
0x39: {  	s11 =	sadd.s32 s19, s17;
	s21 =	sadd.s32 $0x2C80, s9;
	[smem:$0x7F5] =	sst s20  }
0x3a: {  	s23 =	sshrl.u32 s11, $0x3;
	s22 =	sadd.s32 $0xEC80, s9;
	[smem:$0x7F6] =	sst s21  }
0x3b: {  	s6 =	sadd.s32 s10, s6;
	s24 =	sadd.s32 s0, s23;
	[smem:$0x7F7] =	sst s22  }
0x3c: {  	s29 =	sshrl.u32 s17, $0x3;
	s28 =	sadd.s32 $0x46400, s6;
	[smem:$0x7F8] =	sst s24  }
0x3d: {  	s8 =	simm.s32 $0x4;
	s0 =	sadd.s32 s0, s29;
	[smem:$0x7FA] =	sst s28  }
0x3e: {  	s19 =	simm.s32 $0x1;
	s30 =	sadd.s32 $0x46600, s6;
	[smem:$0x7FB] =	sst s0  }
0x3f: {  	[smem:$0x7FC] =	sst s30;
	s20 =	smax.u32 s7, $0x1;
	s15 =	simm.s32 $0x7D  }
0x40: {  	v0 =	vimm.f32 $0.0e+00;
	s16 =	simm.s32 $0x2000;
	s18 =	simm.s32 $0x6000;
	s21 =	simm.s32 $0x2  }
.LBB2_1:
0x41: {  	[tilespmem:$0x0] =	vst v0  }
0x42: {  	[tilespmem:$0x10] =	vst v0  }
0x43: {  	[tilespmem:$0x20] =	vst v0  }
0x44: {  	[tilespmem:$0x30] =	vst v0  }
0x45: {  	[tilespmem:$0x40] =	vst v0  }
0x46: {  	[tilespmem:$0x50] =	vst v0  }
0x47: {  	[tilespmem:$0x60] =	vst v0  }
0x48: {  	[tilespmem:$0x70] =	vst v0  }
0x49: {  	[tilespmem:$0x80] =	vst v0  }
0x4a: {  	[tilespmem:$0x90] =	vst v0  }
0x4b: {  	[tilespmem:$0xA0] =	vst v0  }
0x4c: {  	[tilespmem:$0xB0] =	vst v0  }
0x4d: {  	[tilespmem:$0xC0] =	vst v0  }
0x4e: {  	[tilespmem:$0xD0] =	vst v0  }
0x4f: {  	[tilespmem:$0xE0] =	vst v0  }
0x50: {  	[tilespmem:$0xF0] =	vst v0  }
0x51: {  	[tilespmem:$0x100] =	vst v0  }
0x52: {  	[tilespmem:$0x110] =	vst v0  }
0x53: {  	[tilespmem:$0x120] =	vst v0  }
0x54: {  	[tilespmem:$0x130] =	vst v0  }
0x55: {  	[tilespmem:$0x140] =	vst v0  }
0x56: {  	[tilespmem:$0x150] =	vst v0  }
0x57: {  	[tilespmem:$0x160] =	vst v0  }
0x58: {  	[tilespmem:$0x170] =	vst v0  }
0x59: {  	[tilespmem:$0x180] =	vst v0  }
0x5a: {  	[tilespmem:$0x190] =	vst v0  }
0x5b: {  	[tilespmem:$0x1A0] =	vst v0  }
0x5c: {  	[tilespmem:$0x1B0] =	vst v0  }
0x5d: {  	[tilespmem:$0x1C0] =	vst v0  }
0x5e: {  	[tilespmem:$0x1D0] =	vst v0  }
0x5f: {  	[tilespmem:$0x1E0] =	vst v0  }
0x60: {  	[tilespmem:$0x1F0] =	vst v0  }
0x61: {  	[tilespmem:$0x200] =	vst v0  }
0x62: {  	[tilespmem:$0x210] =	vst v0  }
0x63: {  	[tilespmem:$0x220] =	vst v0  }
0x64: {  	[tilespmem:$0x230] =	vst v0  }
0x65: {  	[tilespmem:$0x240] =	vst v0  }
0x66: {  	[tilespmem:$0x250] =	vst v0  }
0x67: {  	[tilespmem:$0x260] =	vst v0  }
0x68: {  	[tilespmem:$0x270] =	vst v0  }
0x69: {  	[tilespmem:$0x280] =	vst v0  }
0x6a: {  	[tilespmem:$0x290] =	vst v0  }
0x6b: {  	[tilespmem:$0x2A0] =	vst v0  }
0x6c: {  	[tilespmem:$0x2B0] =	vst v0  }
0x6d: {  	[tilespmem:$0x2C0] =	vst v0  }
0x6e: {  	[tilespmem:$0x2D0] =	vst v0  }
0x6f: {  	[tilespmem:$0x2E0] =	vst v0  }
0x70: {  	[tilespmem:$0x2F0] =	vst v0  }
0x71: {  	[tilespmem:$0x300] =	vst v0  }
0x72: {  	[tilespmem:$0x310] =	vst v0  }
0x73: {  	[tilespmem:$0x320] =	vst v0  }
0x74: {  	[tilespmem:$0x330] =	vst v0  }
0x75: {  	[tilespmem:$0x340] =	vst v0  }
0x76: {  	[tilespmem:$0x350] =	vst v0  }
0x77: {  	[tilespmem:$0x360] =	vst v0  }
0x78: {  	[tilespmem:$0x370] =	vst v0  }
0x79: {  	[tilespmem:$0x380] =	vst v0  }
0x7a: {  	[tilespmem:$0x390] =	vst v0  }
0x7b: {  	[tilespmem:$0x3A0] =	vst v0  }
0x7c: {  	[tilespmem:$0x3B0] =	vst v0  }
0x7d: {  	[tilespmem:$0x3C0] =	vst v0  }
0x7e: {  	[tilespmem:$0x3D0] =	vst v0  }
0x7f: {  	[tilespmem:$0x3E0] =	vst v0  }
0x80: {  	[tilespmem:$0x3F0] =	vst v0  }
0x81: {  	[tilespmem:$0x400] =	vst v0  }
0x82: {  	[tilespmem:$0x410] =	vst v0  }
0x83: {  	[tilespmem:$0x420] =	vst v0  }
0x84: {  	[tilespmem:$0x430] =	vst v0  }
0x85: {  	[tilespmem:$0x440] =	vst v0  }
0x86: {  	[tilespmem:$0x450] =	vst v0  }
0x87: {  	[tilespmem:$0x460] =	vst v0  }
0x88: {  	[tilespmem:$0x470] =	vst v0  }
0x89: {  	[tilespmem:$0x480] =	vst v0  }
0x8a: {  	[tilespmem:$0x490] =	vst v0  }
0x8b: {  	[tilespmem:$0x4A0] =	vst v0  }
0x8c: {  	[tilespmem:$0x4B0] =	vst v0  }
0x8d: {  	[tilespmem:$0x4C0] =	vst v0  }
0x8e: {  	[tilespmem:$0x4D0] =	vst v0  }
0x8f: {  	[tilespmem:$0x4E0] =	vst v0  }
0x90: {  	[tilespmem:$0x4F0] =	vst v0  }
0x91: {  	[tilespmem:$0x500] =	vst v0  }
0x92: {  	[tilespmem:$0x510] =	vst v0  }
0x93: {  	[tilespmem:$0x520] =	vst v0  }
0x94: {  	[tilespmem:$0x530] =	vst v0  }
0x95: {  	[tilespmem:$0x540] =	vst v0  }
0x96: {  	[tilespmem:$0x550] =	vst v0  }
0x97: {  	[tilespmem:$0x560] =	vst v0  }
0x98: {  	[tilespmem:$0x570] =	vst v0  }
0x99: {  	[tilespmem:$0x580] =	vst v0  }
0x9a: {  	[tilespmem:$0x590] =	vst v0  }
0x9b: {  	[tilespmem:$0x5A0] =	vst v0  }
0x9c: {  	[tilespmem:$0x5B0] =	vst v0  }
0x9d: {  	[tilespmem:$0x5C0] =	vst v0  }
0x9e: {  	[tilespmem:$0x5D0] =	vst v0  }
0x9f: {  	[tilespmem:$0x5E0] =	vst v0  }
0xa0: {  	[tilespmem:$0x5F0] =	vst v0  }
0xa1: {  	[tilespmem:$0x600] =	vst v0  }
0xa2: {  	[tilespmem:$0x610] =	vst v0  }
0xa3: {  	[tilespmem:$0x620] =	vst v0  }
0xa4: {  	[tilespmem:$0x630] =	vst v0  }
0xa5: {  	[tilespmem:$0x640] =	vst v0  }
0xa6: {  	[tilespmem:$0x650] =	vst v0  }
0xa7: {  	[tilespmem:$0x660] =	vst v0  }
0xa8: {  	[tilespmem:$0x670] =	vst v0  }
0xa9: {  	[tilespmem:$0x680] =	vst v0  }
0xaa: {  	[tilespmem:$0x690] =	vst v0  }
0xab: {  	[tilespmem:$0x6A0] =	vst v0  }
0xac: {  	[tilespmem:$0x6B0] =	vst v0  }
0xad: {  	[tilespmem:$0x6C0] =	vst v0  }
0xae: {  	[tilespmem:$0x6D0] =	vst v0  }
0xaf: {  	[tilespmem:$0x6E0] =	vst v0  }
0xb0: {  	[tilespmem:$0x6F0] =	vst v0  }
0xb1: {  	[tilespmem:$0x700] =	vst v0  }
0xb2: {  	[tilespmem:$0x710] =	vst v0  }
0xb3: {  	[tilespmem:$0x720] =	vst v0  }
0xb4: {  	[tilespmem:$0x730] =	vst v0  }
0xb5: {  	[tilespmem:$0x740] =	vst v0  }
0xb6: {  	[tilespmem:$0x750] =	vst v0  }
0xb7: {  	[tilespmem:$0x760] =	vst v0  }
0xb8: {  	[tilespmem:$0x770] =	vst v0  }
0xb9: {  	[tilespmem:$0x780] =	vst v0  }
0xba: {  	[tilespmem:$0x790] =	vst v0  }
0xbb: {  	[tilespmem:$0x7A0] =	vst v0  }
0xbc: {  	[tilespmem:$0x7B0] =	vst v0  }
0xbd: {  	[tilespmem:$0x7C0] =	vst v0  }
0xbe: {  	[tilespmem:$0x7D0] =	vst v0;
	s0 =	sld [smem:$0x7EC]  }
0xbf: {  	[tilespmem:$0x7E0] =	vst v0  }
0xc0: {  	[tilespmem:$0x7F0] =	vst v0  }
0xc1: {  	[spmem:s0] =	stream.linear.scatter [tilespmem:s3], [sflag:$0x4], $0x800, $0x38;
	[tilespmem:$0x1F180] =	vst v63  }
0xc2: {  	_ =	swait.ge [sflag:s8], $0x800  }
0xc3: {  	[sflag:s8] =	ssyncset.done $0x0  }
0xc4: {  	s25 =	rddreg [dreg:$0x6];
	[sflag:s8] =	ssyncadd.s32 $0xFFFFF800  }
0xc5: {  	[spmem:s25] =	stream.linear.scatter [tilespmem:s3], [sflag:$0x4], $0x800, $0x38;
	[tilespmem:$0x1F180] =	vst v63  }
0xc6: {  	_ =	swait.ge [sflag:s8], $0x800  }
0xc7: {  	[sflag:s8] =	ssyncset.done $0x0  }
0xc8: {  	s28 =	rddreg [dreg:$0x7];
	[sflag:s8] =	ssyncadd.s32 $0xFFFFF800  }
0xc9: {  	[spmem:s28] =	stream.linear.scatter [tilespmem:s3], [sflag:$0x4], $0x800, $0x38;
	[tilespmem:$0x1F180] =	vst v63  }
0xca: {  	_ =	swait.ge [sflag:s8], $0x800  }
0xcb: {  	[sflag:s8] =	ssyncset.done $0x0  }
0xcc: {  	s29 =	rddreg [dreg:$0x8];
	[sflag:s8] =	ssyncadd.s32 $0xFFFFF800  }
0xcd: {  	[spmem:s29] =	stream.linear.scatter [tilespmem:s3], [sflag:$0x4], $0x800, $0x38;
	[tilespmem:$0x1F180] =	vst v63  }
0xce: {  	_ =	swait.ge [sflag:s8], $0x800  }
0xcf: {  	[sflag:s8] =	ssyncset.done $0x0  }
0xd0: {  	s30 =	rddreg [dreg:$0x9];
	[sflag:s8] =	ssyncadd.s32 $0xFFFFF800  }
0xd1: {  	[spmem:s30] =	stream.linear.scatter [tilespmem:s3], [sflag:$0x4], $0x800, $0x38;
	[tilespmem:$0x1F180] =	vst v63  }
0xd2: {  	_ =	swait.ge [sflag:s8], $0x800  }
0xd3: {  	[sflag:s8] =	ssyncset.done $0x0  }
0xd4: {  	s31 =	rddreg [dreg:$0xa];
	[sflag:s8] =	ssyncadd.s32 $0xFFFFF800  }
0xd5: {  	[spmem:s31] =	stream.linear.scatter [tilespmem:s3], [sflag:$0x4], $0x800, $0x38;
	[tilespmem:$0x1F180] =	vst v63  }
0xd6: {  	_ =	swait.ge [sflag:s8], $0x800  }
0xd7: {  	[sflag:s8] =	ssyncset.done $0x0  }
0xd8: {  	s0 =	rddreg [dreg:$0xb];
	[sflag:s8] =	ssyncadd.s32 $0xFFFFF800  }
0xd9: {  	[spmem:s0] =	stream.linear.scatter [tilespmem:s3], [sflag:$0x4], $0x800, $0x38;
	[tilespmem:$0x1F180] =	vst v63  }
0xda: {  	_ =	swait.ge [sflag:s8], $0x800  }
0xdb: {  	[sflag:s8] =	ssyncset.done $0x0  }
0xdc: {  	s1 =	rddreg [dreg:$0xc];
	[sflag:s8] =	ssyncadd.s32 $0xFFFFF800  }
0xdd: {  	[spmem:s1] =	stream.linear.scatter [tilespmem:s3], [sflag:$0x4], $0x800, $0x38;
	[tilespmem:$0x1F180] =	vst v63  }
0xde: {  	_ =	swait.ge [sflag:s8], $0x800  }
0xdf: {  	[sflag:s8] =	ssyncset.done $0x0  }
0xe0: {  	s4 =	rddreg [dreg:$0xd];
	[sflag:s8] =	ssyncadd.s32 $0xFFFFF800  }
0xe1: {  	[spmem:s4] =	stream.linear.scatter [tilespmem:s3], [sflag:$0x4], $0x800, $0x38;
	[tilespmem:$0x1F180] =	vst v63  }
0xe2: {  	_ =	swait.ge [sflag:s8], $0x800  }
0xe3: {  	[sflag:s8] =	ssyncset.done $0x0  }
0xe4: {  	s6 =	rddreg [dreg:$0xe];
	[sflag:s8] =	ssyncadd.s32 $0xFFFFF800  }
0xe5: {  	[spmem:s6] =	stream.linear.scatter [tilespmem:s3], [sflag:$0x4], $0x800, $0x38;
	[tilespmem:$0x1F180] =	vst v63  }
0xe6: {  	_ =	swait.ge [sflag:s8], $0x800  }
0xe7: {  	[sflag:s8] =	ssyncset.done $0x0  }
0xe8: {  	s7 =	rddreg [dreg:$0xf];
	[sflag:s8] =	ssyncadd.s32 $0xFFFFF800  }
0xe9: {  	[spmem:s7] =	stream.linear.scatter [tilespmem:s3], [sflag:$0x4], $0x800, $0x38;
	[tilespmem:$0x1F180] =	vst v63  }
0xea: {  	_ =	swait.ge [sflag:s8], $0x800  }
0xeb: {  	[sflag:s8] =	ssyncset.done $0x0  }
0xec: {  	s9 =	rddreg [dreg:$0x10];
	[sflag:s8] =	ssyncadd.s32 $0xFFFFF800  }
0xed: {  	[spmem:s9] =	stream.linear.scatter [tilespmem:s3], [sflag:$0x4], $0x800, $0x38;
	[tilespmem:$0x1F180] =	vst v63  }
0xee: {  	_ =	swait.ge [sflag:s8], $0x800  }
0xef: {  	[sflag:s8] =	ssyncset.done $0x0  }
0xf0: {  	s10 =	rddreg [dreg:$0x11];
	[sflag:s8] =	ssyncadd.s32 $0xFFFFF800  }
0xf1: {  	[spmem:s10] =	stream.linear.scatter [tilespmem:s3], [sflag:$0x4], $0x800, $0x38;
	[tilespmem:$0x1F180] =	vst v63  }
0xf2: {  	_ =	swait.ge [sflag:s8], $0x800  }
0xf3: {  	[sflag:s8] =	ssyncset.done $0x0  }
0xf4: {  	s11 =	rddreg [dreg:$0x12];
	[sflag:s8] =	ssyncadd.s32 $0xFFFFF800  }
0xf5: {  	[spmem:s11] =	stream.linear.scatter [tilespmem:s3], [sflag:$0x4], $0x800, $0x38;
	[tilespmem:$0x1F180] =	vst v63  }
0xf6: {  	_ =	swait.ge [sflag:s8], $0x800  }
0xf7: {  	[sflag:s8] =	ssyncset.done $0x0  }
0xf8: {  	s13 =	rddreg [dreg:$0x13];
	[sflag:s8] =	ssyncadd.s32 $0xFFFFF800  }
0xf9: {  	[spmem:s13] =	stream.linear.scatter [tilespmem:s3], [sflag:$0x4], $0x800, $0x38;
	[tilespmem:$0x1F180] =	vst v63  }
0xfa: {  	_ =	swait.ge [sflag:s8], $0x800  }
0xfb: {  	[sflag:s8] =	ssyncset.done $0x0  }
0xfc: {  	s14 =	rddreg [dreg:$0x14];
	[sflag:s8] =	ssyncadd.s32 $0xFFFFF800  }
0xfd: {  	[spmem:s14] =	stream.linear.scatter [tilespmem:s3], [sflag:$0x4], $0x800, $0x38;
	[tilespmem:$0x1F180] =	vst v63  }
0xfe: {  	_ =	swait.ge [sflag:s8], $0x800  }
0xff: {  	[sflag:s8] =	ssyncset.done $0x0  }
0x100: {  	s17 =	rddreg [dreg:$0x15];
	[sflag:s8] =	ssyncadd.s32 $0xFFFFF800  }
0x101: {  	[spmem:s17] =	stream.linear.scatter [tilespmem:s3], [sflag:$0x4], $0x800, $0x38;
	[tilespmem:$0x1F180] =	vst v63  }
0x102: {  	_ =	swait.ge [sflag:s8], $0x800  }
0x103: {  	[sflag:s8] =	ssyncset.done $0x0  }
0x104: {  	s22 =	rddreg [dreg:$0x16];
	[sflag:s8] =	ssyncadd.s32 $0xFFFFF800  }
0x105: {  	[spmem:s22] =	stream.linear.scatter [tilespmem:s3], [sflag:$0x4], $0x800, $0x38;
	[tilespmem:$0x1F180] =	vst v63  }
0x106: {  	_ =	swait.ge [sflag:s8], $0x800  }
0x107: {  	[sflag:s8] =	ssyncset.done $0x0  }
0x108: {  	s23 =	rddreg [dreg:$0x17];
	[sflag:s8] =	ssyncadd.s32 $0xFFFFF800  }
0x109: {  	[spmem:s23] =	stream.linear.scatter [tilespmem:s3], [sflag:$0x4], $0x800, $0x38;
	[tilespmem:$0x1F180] =	vst v63  }
0x10a: {  	_ =	swait.ge [sflag:s8], $0x800  }
0x10b: {  	[sflag:s8] =	ssyncset.done $0x0  }
0x10c: {  	s24 =	rddreg [dreg:$0x18];
	[sflag:s8] =	ssyncadd.s32 $0xFFFFF800  }
0x10d: {  	[spmem:s24] =	stream.linear.scatter [tilespmem:s3], [sflag:$0x4], $0x800, $0x38;
	[tilespmem:$0x1F180] =	vst v63  }
0x10e: {  	_ =	swait.ge [sflag:s8], $0x800  }
0x10f: {  	[sflag:s8] =	ssyncset.done $0x0  }
0x110: {  	s26 =	rddreg [dreg:$0x19];
	[sflag:s8] =	ssyncadd.s32 $0xFFFFF800  }
0x111: {  	[spmem:s26] =	stream.linear.scatter [tilespmem:s3], [sflag:$0x4], $0x800, $0x38;
	[tilespmem:$0x1F180] =	vst v63  }
0x112: {  	_ =	swait.ge [sflag:s8], $0x800  }
0x113: {  	[sflag:s8] =	ssyncset.done $0x0  }
0x114: {  	s28 =	rddreg [dreg:$0x1a];
	[sflag:s8] =	ssyncadd.s32 $0xFFFFF800  }
0x115: {  	[spmem:s28] =	stream.linear.scatter [tilespmem:s3], [sflag:$0x4], $0x800, $0x38;
	[tilespmem:$0x1F180] =	vst v63  }
0x116: {  	_ =	swait.ge [sflag:s8], $0x800  }
0x117: {  	[sflag:s8] =	ssyncset.done $0x0  }
0x118: {  	s29 =	rddreg [dreg:$0x1b];
	[sflag:s8] =	ssyncadd.s32 $0xFFFFF800  }
0x119: {  	[spmem:s29] =	stream.linear.scatter [tilespmem:s3], [sflag:$0x4], $0x800, $0x38;
	[tilespmem:$0x1F180] =	vst v63  }
0x11a: {  	_ =	swait.ge [sflag:s8], $0x800  }
0x11b: {  	[sflag:s8] =	ssyncset.done $0x0  }
0x11c: {  	s30 =	rddreg [dreg:$0x1c];
	[sflag:s8] =	ssyncadd.s32 $0xFFFFF800  }
0x11d: {  	[spmem:s30] =	stream.linear.scatter [tilespmem:s3], [sflag:$0x4], $0x800, $0x38;
	[tilespmem:$0x1F180] =	vst v63  }
0x11e: {  	_ =	swait.ge [sflag:s8], $0x800  }
0x11f: {  	[sflag:s8] =	ssyncset.done $0x0  }
0x120: {  	s31 =	rddreg [dreg:$0x1d];
	[sflag:s8] =	ssyncadd.s32 $0xFFFFF800  }
0x121: {  	[spmem:s31] =	stream.linear.scatter [tilespmem:s3], [sflag:$0x4], $0x800, $0x38;
	[tilespmem:$0x1F180] =	vst v63  }
0x122: {  	_ =	swait.ge [sflag:s8], $0x800  }
0x123: {  	[sflag:s8] =	ssyncset.done $0x0  }
0x124: {  	s0 =	rddreg [dreg:$0x1e];
	[sflag:s8] =	ssyncadd.s32 $0xFFFFF800  }
0x125: {  	[spmem:s0] =	stream.linear.scatter [tilespmem:s3], [sflag:$0x4], $0x800, $0x38;
	[tilespmem:$0x1F180] =	vst v63  }
0x126: {  	_ =	swait.ge [sflag:s8], $0x800  }
0x127: {  	[sflag:s8] =	ssyncset.done $0x0  }
0x128: {  	s1 =	rddreg [dreg:$0x1f];
	[sflag:s8] =	ssyncadd.s32 $0xFFFFF800  }
0x129: {  	[spmem:s1] =	stream.linear.scatter [tilespmem:s3], [sflag:$0x4], $0x800, $0x38;
	[tilespmem:$0x1F180] =	vst v63  }
0x12a: {  	_ =	swait.ge [sflag:s8], $0x800  }
0x12b: {  	s4 =	sld [smem:$0x7E0]  }
0x12c: {  	[sflag:s8] =	ssyncset.done $0x0  }
0x12d: {  	[sflag:s8] =	ssyncadd.s32 $0xFFFFF800  }
0x12e: {  	[spmem:s4] =	stream.linear.scatter [tilespmem:s3], [sflag:$0x4], $0x800, $0x38;
	[tilespmem:$0x1F180] =	vst v63  }
0x12f: {  	_ =	swait.ge [sflag:s8], $0x800  }
0x130: {  	s6 =	sld [smem:$0x7E1]  }
0x131: {  	[sflag:s8] =	ssyncset.done $0x0  }
0x132: {  	[sflag:s8] =	ssyncadd.s32 $0xFFFFF800  }
0x133: {  	[spmem:s6] =	stream.linear.scatter [tilespmem:s3], [sflag:$0x4], $0x800, $0x38;
	[tilespmem:$0x1F180] =	vst v63  }
0x134: {  	_ =	swait.ge [sflag:s8], $0x800  }
0x135: {  	s7 =	sld [smem:$0x7E2]  }
0x136: {  	[sflag:s8] =	ssyncset.done $0x0  }
0x137: {  	[sflag:s8] =	ssyncadd.s32 $0xFFFFF800  }
0x138: {  	[spmem:s7] =	stream.linear.scatter [tilespmem:s3], [sflag:$0x4], $0x800, $0x38;
	[tilespmem:$0x1F180] =	vst v63  }
0x139: {  	_ =	swait.ge [sflag:s8], $0x800  }
0x13a: {  	s9 =	sld [smem:$0x7E3]  }
0x13b: {  	[sflag:s8] =	ssyncset.done $0x0  }
0x13c: {  	[sflag:s8] =	ssyncadd.s32 $0xFFFFF800  }
0x13d: {  	[spmem:s9] =	stream.linear.scatter [tilespmem:s3], [sflag:$0x4], $0x800, $0x38;
	[tilespmem:$0x1F180] =	vst v63  }
0x13e: {  	_ =	swait.ge [sflag:s8], $0x800  }
0x13f: {  	s10 =	sld [smem:$0x7E4]  }
0x140: {  	[sflag:s8] =	ssyncset.done $0x0  }
0x141: {  	[sflag:s8] =	ssyncadd.s32 $0xFFFFF800  }
0x142: {  	[spmem:s10] =	stream.linear.scatter [tilespmem:s3], [sflag:$0x4], $0x800, $0x38;
	[tilespmem:$0x1F180] =	vst v63  }
0x143: {  	_ =	swait.ge [sflag:s8], $0x800  }
0x144: {  	s11 =	sld [smem:$0x7E5]  }
0x145: {  	[sflag:s8] =	ssyncset.done $0x0  }
0x146: {  	[sflag:s8] =	ssyncadd.s32 $0xFFFFF800  }
0x147: {  	[spmem:s11] =	stream.linear.scatter [tilespmem:s3], [sflag:$0x4], $0x800, $0x38;
	[tilespmem:$0x1F180] =	vst v63  }
0x148: {  	_ =	swait.ge [sflag:s8], $0x800  }
0x149: {  	s13 =	sld [smem:$0x7E6]  }
0x14a: {  	[sflag:s8] =	ssyncset.done $0x0  }
0x14b: {  	[sflag:s8] =	ssyncadd.s32 $0xFFFFF800  }
0x14c: {  	[spmem:s13] =	stream.linear.scatter [tilespmem:s3], [sflag:$0x4], $0x800, $0x38;
	[tilespmem:$0x1F180] =	vst v63  }
0x14d: {  	_ =	swait.ge [sflag:s8], $0x800  }
0x14e: {  	s14 =	sld [smem:$0x7E7]  }
0x14f: {  	[sflag:s8] =	ssyncset.done $0x0  }
0x150: {  	[sflag:s8] =	ssyncadd.s32 $0xFFFFF800  }
0x151: {  	[spmem:s14] =	stream.linear.scatter [tilespmem:s3], [sflag:$0x4], $0x800, $0x38;
	[tilespmem:$0x1F180] =	vst v63  }
0x152: {  	_ =	swait.ge [sflag:s8], $0x800  }
0x153: {  	s17 =	sld [smem:$0x7E8]  }
0x154: {  	[sflag:s8] =	ssyncset.done $0x0  }
0x155: {  	[sflag:s8] =	ssyncadd.s32 $0xFFFFF800  }
0x156: {  	[spmem:s17] =	stream.linear.scatter [tilespmem:s3], [sflag:$0x4], $0x800, $0x38;
	[tilespmem:$0x1F180] =	vst v63  }
0x157: {  	_ =	swait.ge [sflag:s8], $0x800  }
0x158: {  	s22 =	sld [smem:$0x7E9]  }
0x159: {  	[sflag:s8] =	ssyncset.done $0x0  }
0x15a: {  	[sflag:s8] =	ssyncadd.s32 $0xFFFFF800  }
0x15b: {  	[spmem:s22] =	stream.linear.scatter [tilespmem:s3], [sflag:$0x4], $0x800, $0x38;
	[tilespmem:$0x1F180] =	vst v63  }
0x15c: {  	_ =	swait.ge [sflag:s8], $0x800  }
0x15d: {  	s23 =	sld [smem:$0x7EA]  }
0x15e: {  	[sflag:s8] =	ssyncset.done $0x0  }
0x15f: {  	[sflag:s8] =	ssyncadd.s32 $0xFFFFF800  }
0x160: {  	[spmem:s23] =	stream.linear.scatter [tilespmem:s3], [sflag:$0x4], $0x800, $0x38;
	[tilespmem:$0x1F180] =	vst v63  }
0x161: {  	_ =	swait.ge [sflag:s8], $0x800  }
0x162: {  	s24 =	sld [smem:$0x7EB]  }
0x163: {  	[sflag:s8] =	ssyncset.done $0x0  }
0x164: {  	[sflag:s8] =	ssyncadd.s32 $0xFFFFF800  }
0x165: {  	[spmem:s24] =	stream.linear.scatter [tilespmem:s3], [sflag:$0x4], $0x800, $0x38;
	[tilespmem:$0x1F180] =	vst v63  }
0x166: {  	_ =	swait.ge [sflag:s8], $0x800  }
0x167: {  	s26 =	sld [smem:$0x7ED]  }
0x168: {  	[sflag:s8] =	ssyncset.done $0x0  }
0x169: {  	[sflag:s8] =	ssyncadd.s32 $0xFFFFF800  }
0x16a: {  	[spmem:s26] =	stream.linear.scatter [tilespmem:s3], [sflag:$0x4], $0x800, $0x38;
	[tilespmem:$0x1F180] =	vst v63  }
0x16b: {  	_ =	swait.ge [sflag:s8], $0x800  }
0x16c: {  	s28 =	sld [smem:$0x7EE]  }
0x16d: {  	[sflag:s8] =	ssyncset.done $0x0  }
0x16e: {  	s26 =	simm.s32 $0xA000;
	[sflag:s8] =	ssyncadd.s32 $0xFFFFF800  }
0x16f: {  	[tilespmem:s26], [sflag:$0x4] =	stream.linear.gather [hbm4b:s28+s3], $0x20, $0x38;
	[tilespmem:$0x1F180] =	vst v63  }
0x170: {  	_ =	swait.ge [sflag:s8], $0x20  }
0x171: {  	s30 =	simm.s32 $0x20;
	[sflag:s8] =	ssyncset.done $0x0  }
0x172: {  	s28 =	simm.s32 $0xA080;
	s29 =	rddreg [dreg:$0x5];
	[sflag:s8] =	ssyncadd.s32 $0xFFFFFFE0  }
0x173: {  	[tilespmem:s28], [sflag:$0x3] =	stream.indirect.gather [hbm4b:s29+s30], $0x1, s26, s30, $0xb8;
	[tilespmem:$0x1F180] =	vst v63  }
0x174: {  	_ =	swait.ge [sflag:s12], $0x20  }
0x175: {  	s31 =	sld [smem:$0x7EF]  }
0x176: {  	[sflag:s12] =	ssyncset.done $0x0  }
0x177: {  	[sflag:s12] =	ssyncadd.s32 $0xFFFFFFE0  }
0x178: {  	[hbm4b:s31+s3] =	stream.linear.scatter [tilespmem:s28], [sflag:$0x4], $0x20, $0x38;
	[tilespmem:$0x1F180] =	vst v63  }
0x179: {  	_ =	swait.ge [sflag:s8], $0x20  }
0x17a: {  	[sflag:s8] =	ssyncset.done $0x0  }
0x17b: {  	[sflag:s8] =	ssyncadd.s32 $0xFFFFFFE0  }
0x17c: {  	[bflag:$0x0] =	sbarrier.arrive $0xFFFF  }
0x17d: {  	s0 =	sld [smem:$0x7F0];
	_ =	sdelay $0x1  }
0x17e: {  	s14 =	simm.s32 $0x800  }
0x17f: {  	[tilespmem:s14], [sflag:$0x4] =	stream.linear.gather [hbm4b:s0+s3], $0xA00, $0x38;
	[tilespmem:$0x1F180] =	vst v63  }
0x180: {  	_ =	swait.ge [sflag:s8], $0xA00  }
0x181: {  	s1 =	sld [smem:$0x7F1]  }
0x182: {  	[sflag:s8] =	ssyncset.done $0x0  }
0x183: {  	s0 =	simm.s32 $0x1400;
	[sflag:s8] =	ssyncadd.s32 $0xFFFFF600  }
0x184: {  	[tilespmem:s0], [sflag:$0x4] =	stream.linear.gather [hbm4b:s1+s3], $0xA00, $0x38;
	[tilespmem:$0x1F180] =	vst v63  }
0x185: {  	_ =	swait.ge [sflag:s8], $0xA00  }
0x186: {  	[sflag:s8] =	ssyncset.done $0x0  }
0x187: {  	[sflag:s8] =	ssyncadd.s32 $0xFFFFF600  }
0x188: {  	[tilespmem:s16], [sflag:$0x1] =	stream.indirect.gather [hbm4b:s5+s15], $0x80, s14, s15, $0xb8;
	[tilespmem:$0x1F180] =	vst v63  }
0x189: {  	s1 =	simm.s32 $0x880  }
0x18a: {  	[tilespmem:s18], [sflag:$0x2] =	stream.indirect.gather [hbm4b:s5+s15], $0x80, s1, s15, $0xb8;
	[tilespmem:$0x1F180] =	vst v63  }
0x18b: {  	_ =	swait.ge [sflag:s19], $0x3E80  }
0x18c: {  	[sflag:s19] =	ssyncset.done $0x0  }
0x18d: {  	[sflag:s19] =	ssyncadd.s32 $0xFFFFC180  }
0x18e: {  	[spmem:s2] =	stream.indirect.scatter.add.f32 [tilespmem:s16], [sflag:$0x3], $0x80, s0, s15, $0xb8;
	[tilespmem:$0x1F180] =	vst v63  }
0x18f: {  	_ =	swait.ge [sflag:s12], $0x3E80  }
0x190: {  	[sflag:s12] =	ssyncset.done $0x0  }
0x191: {  	s4 =	simm.s32 $0x900;
	[sflag:s12] =	ssyncadd.s32 $0xFFFFC180  }
0x192: {  	[tilespmem:s16], [sflag:$0x1] =	stream.indirect.gather [hbm4b:s5+s15], $0x80, s4, s15, $0xb8;
	[tilespmem:$0x1F180] =	vst v63  }
0x193: {  	_ =	swait.ge [sflag:s21], $0x3E80  }
0x194: {  	[sflag:s21] =	ssyncset.done $0x0  }
0x195: {  	s6 =	simm.s32 $0x1480;
	[sflag:s21] =	ssyncadd.s32 $0xFFFFC180  }
0x196: {  	[spmem:s2] =	stream.indirect.scatter.add.f32 [tilespmem:s18], [sflag:$0x3], $0x80, s6, s15, $0xb8;
	[tilespmem:$0x1F180] =	vst v63  }
0x197: {  	_ =	swait.ge [sflag:s12], $0x3E80  }
0x198: {  	[sflag:s12] =	ssyncset.done $0x0  }
0x199: {  	s7 =	simm.s32 $0x980;
	[sflag:s12] =	ssyncadd.s32 $0xFFFFC180  }
0x19a: {  	[tilespmem:s18], [sflag:$0x2] =	stream.indirect.gather [hbm4b:s5+s15], $0x80, s7, s15, $0xb8;
	[tilespmem:$0x1F180] =	vst v63  }
0x19b: {  	_ =	swait.ge [sflag:s19], $0x3E80  }
0x19c: {  	[sflag:s19] =	ssyncset.done $0x0  }
0x19d: {  	s9 =	simm.s32 $0x1500;
	[sflag:s19] =	ssyncadd.s32 $0xFFFFC180  }
0x19e: {  	[spmem:s2] =	stream.indirect.scatter.add.f32 [tilespmem:s16], [sflag:$0x3], $0x80, s9, s15, $0xb8;
	[tilespmem:$0x1F180] =	vst v63  }
0x19f: {  	_ =	swait.ge [sflag:s12], $0x3E80  }
0x1a0: {  	[sflag:s12] =	ssyncset.done $0x0  }
0x1a1: {  	s4 =	simm.s32 $0xA00;
	[sflag:s12] =	ssyncadd.s32 $0xFFFFC180  }
0x1a2: {  	[tilespmem:s16], [sflag:$0x1] =	stream.indirect.gather [hbm4b:s5+s15], $0x80, s4, s15, $0xb8;
	[tilespmem:$0x1F180] =	vst v63  }
0x1a3: {  	_ =	swait.ge [sflag:s21], $0x3E80  }
0x1a4: {  	[sflag:s21] =	ssyncset.done $0x0  }
0x1a5: {  	s22 =	simm.s32 $0x1580;
	[sflag:s21] =	ssyncadd.s32 $0xFFFFC180  }
0x1a6: {  	[spmem:s2] =	stream.indirect.scatter.add.f32 [tilespmem:s18], [sflag:$0x3], $0x80, s22, s15, $0xb8;
	[tilespmem:$0x1F180] =	vst v63  }
0x1a7: {  	_ =	swait.ge [sflag:s12], $0x3E80  }
0x1a8: {  	[sflag:s12] =	ssyncset.done $0x0  }
0x1a9: {  	s23 =	simm.s32 $0xA80;
	[sflag:s12] =	ssyncadd.s32 $0xFFFFC180  }
0x1aa: {  	[tilespmem:s18], [sflag:$0x2] =	stream.indirect.gather [hbm4b:s5+s15], $0x80, s23, s15, $0xb8;
	[tilespmem:$0x1F180] =	vst v63  }
0x1ab: {  	_ =	swait.ge [sflag:s19], $0x3E80  }
0x1ac: {  	[sflag:s19] =	ssyncset.done $0x0  }
0x1ad: {  	s24 =	simm.s32 $0x1600;
	[sflag:s19] =	ssyncadd.s32 $0xFFFFC180  }
0x1ae: {  	[spmem:s2] =	stream.indirect.scatter.add.f32 [tilespmem:s16], [sflag:$0x3], $0x80, s24, s15, $0xb8;
	[tilespmem:$0x1F180] =	vst v63  }
0x1af: {  	_ =	swait.ge [sflag:s12], $0x3E80  }
0x1b0: {  	[sflag:s12] =	ssyncset.done $0x0  }
0x1b1: {  	s25 =	simm.s32 $0xB00;
	[sflag:s12] =	ssyncadd.s32 $0xFFFFC180  }
0x1b2: {  	[tilespmem:s16], [sflag:$0x1] =	stream.indirect.gather [hbm4b:s5+s15], $0x80, s25, s15, $0xb8;
	[tilespmem:$0x1F180] =	vst v63  }
0x1b3: {  	_ =	swait.ge [sflag:s21], $0x3E80  }
0x1b4: {  	[sflag:s21] =	ssyncset.done $0x0  }
0x1b5: {  	s26 =	simm.s32 $0x1680;
	[sflag:s21] =	ssyncadd.s32 $0xFFFFC180  }
0x1b6: {  	[spmem:s2] =	stream.indirect.scatter.add.f32 [tilespmem:s18], [sflag:$0x3], $0x80, s26, s15, $0xb8;
	[tilespmem:$0x1F180] =	vst v63  }
0x1b7: {  	_ =	swait.ge [sflag:s12], $0x3E80  }
0x1b8: {  	[sflag:s12] =	ssyncset.done $0x0  }
0x1b9: {  	s28 =	simm.s32 $0xB80;
	[sflag:s12] =	ssyncadd.s32 $0xFFFFC180  }
0x1ba: {  	[tilespmem:s18], [sflag:$0x2] =	stream.indirect.gather [hbm4b:s5+s15], $0x80, s28, s15, $0xb8;
	[tilespmem:$0x1F180] =	vst v63  }
0x1bb: {  	_ =	swait.ge [sflag:s19], $0x3E80  }
0x1bc: {  	[sflag:s19] =	ssyncset.done $0x0  }
0x1bd: {  	s29 =	simm.s32 $0x1700;
	[sflag:s19] =	ssyncadd.s32 $0xFFFFC180  }
0x1be: {  	[spmem:s2] =	stream.indirect.scatter.add.f32 [tilespmem:s16], [sflag:$0x3], $0x80, s29, s15, $0xb8;
	[tilespmem:$0x1F180] =	vst v63  }
0x1bf: {  	_ =	swait.ge [sflag:s12], $0x3E80  }
0x1c0: {  	[sflag:s12] =	ssyncset.done $0x0  }
0x1c1: {  	s30 =	simm.s32 $0xC00;
	[sflag:s12] =	ssyncadd.s32 $0xFFFFC180  }
0x1c2: {  	[tilespmem:s16], [sflag:$0x1] =	stream.indirect.gather [hbm4b:s5+s15], $0x80, s30, s15, $0xb8;
	[tilespmem:$0x1F180] =	vst v63  }
0x1c3: {  	_ =	swait.ge [sflag:s21], $0x3E80  }
0x1c4: {  	[sflag:s21] =	ssyncset.done $0x0  }
0x1c5: {  	s31 =	simm.s32 $0x1780;
	[sflag:s21] =	ssyncadd.s32 $0xFFFFC180  }
0x1c6: {  	[spmem:s2] =	stream.indirect.scatter.add.f32 [tilespmem:s18], [sflag:$0x3], $0x80, s31, s15, $0xb8;
	[tilespmem:$0x1F180] =	vst v63  }
0x1c7: {  	_ =	swait.ge [sflag:s12], $0x3E80  }
0x1c8: {  	[sflag:s12] =	ssyncset.done $0x0  }
0x1c9: {  	s1 =	simm.s32 $0xC80;
	[sflag:s12] =	ssyncadd.s32 $0xFFFFC180  }
0x1ca: {  	[tilespmem:s18], [sflag:$0x2] =	stream.indirect.gather [hbm4b:s5+s15], $0x80, s1, s15, $0xb8;
	[tilespmem:$0x1F180] =	vst v63  }
0x1cb: {  	_ =	swait.ge [sflag:s19], $0x3E80  }
0x1cc: {  	[sflag:s19] =	ssyncset.done $0x0  }
0x1cd: {  	s22 =	simm.s32 $0x1800;
	[sflag:s19] =	ssyncadd.s32 $0xFFFFC180  }
0x1ce: {  	[spmem:s2] =	stream.indirect.scatter.add.f32 [tilespmem:s16], [sflag:$0x3], $0x80, s22, s15, $0xb8;
	[tilespmem:$0x1F180] =	vst v63  }
0x1cf: {  	_ =	swait.ge [sflag:s12], $0x3E80  }
0x1d0: {  	[sflag:s12] =	ssyncset.done $0x0  }
0x1d1: {  	s23 =	simm.s32 $0xD00;
	[sflag:s12] =	ssyncadd.s32 $0xFFFFC180  }
0x1d2: {  	[tilespmem:s16], [sflag:$0x1] =	stream.indirect.gather [hbm4b:s5+s15], $0x80, s23, s15, $0xb8;
	[tilespmem:$0x1F180] =	vst v63  }
0x1d3: {  	_ =	swait.ge [sflag:s21], $0x3E80  }
0x1d4: {  	[sflag:s21] =	ssyncset.done $0x0  }
0x1d5: {  	s24 =	simm.s32 $0x1880;
	[sflag:s21] =	ssyncadd.s32 $0xFFFFC180  }
0x1d6: {  	[spmem:s2] =	stream.indirect.scatter.add.f32 [tilespmem:s18], [sflag:$0x3], $0x80, s24, s15, $0xb8;
	[tilespmem:$0x1F180] =	vst v63  }
0x1d7: {  	_ =	swait.ge [sflag:s12], $0x3E80  }
0x1d8: {  	[sflag:s12] =	ssyncset.done $0x0  }
0x1d9: {  	s26 =	simm.s32 $0xD80;
	[sflag:s12] =	ssyncadd.s32 $0xFFFFC180  }
0x1da: {  	[tilespmem:s18], [sflag:$0x2] =	stream.indirect.gather [hbm4b:s5+s15], $0x80, s26, s15, $0xb8;
	[tilespmem:$0x1F180] =	vst v63  }
0x1db: {  	_ =	swait.ge [sflag:s19], $0x3E80  }
0x1dc: {  	[sflag:s19] =	ssyncset.done $0x0  }
0x1dd: {  	s28 =	simm.s32 $0x1900;
	[sflag:s19] =	ssyncadd.s32 $0xFFFFC180  }
0x1de: {  	[spmem:s2] =	stream.indirect.scatter.add.f32 [tilespmem:s16], [sflag:$0x3], $0x80, s28, s15, $0xb8;
	[tilespmem:$0x1F180] =	vst v63  }
0x1df: {  	_ =	swait.ge [sflag:s12], $0x3E80  }
0x1e0: {  	[sflag:s12] =	ssyncset.done $0x0  }
0x1e1: {  	s29 =	simm.s32 $0xE00;
	[sflag:s12] =	ssyncadd.s32 $0xFFFFC180  }
0x1e2: {  	[tilespmem:s16], [sflag:$0x1] =	stream.indirect.gather [hbm4b:s5+s15], $0x80, s29, s15, $0xb8;
	[tilespmem:$0x1F180] =	vst v63  }
0x1e3: {  	_ =	swait.ge [sflag:s21], $0x3E80  }
0x1e4: {  	[sflag:s21] =	ssyncset.done $0x0  }
0x1e5: {  	s30 =	simm.s32 $0x1980;
	[sflag:s21] =	ssyncadd.s32 $0xFFFFC180  }
0x1e6: {  	[spmem:s2] =	stream.indirect.scatter.add.f32 [tilespmem:s18], [sflag:$0x3], $0x80, s30, s15, $0xb8;
	[tilespmem:$0x1F180] =	vst v63  }
0x1e7: {  	_ =	swait.ge [sflag:s12], $0x3E80  }
0x1e8: {  	[sflag:s12] =	ssyncset.done $0x0  }
0x1e9: {  	s31 =	simm.s32 $0xE80;
	[sflag:s12] =	ssyncadd.s32 $0xFFFFC180  }
0x1ea: {  	[tilespmem:s18], [sflag:$0x2] =	stream.indirect.gather [hbm4b:s5+s15], $0x80, s31, s15, $0xb8;
	[tilespmem:$0x1F180] =	vst v63  }
0x1eb: {  	_ =	swait.ge [sflag:s19], $0x3E80  }
0x1ec: {  	[sflag:s19] =	ssyncset.done $0x0  }
0x1ed: {  	s1 =	simm.s32 $0x1A00;
	[sflag:s19] =	ssyncadd.s32 $0xFFFFC180  }
0x1ee: {  	[spmem:s2] =	stream.indirect.scatter.add.f32 [tilespmem:s16], [sflag:$0x3], $0x80, s1, s15, $0xb8;
	[tilespmem:$0x1F180] =	vst v63  }
0x1ef: {  	_ =	swait.ge [sflag:s12], $0x3E80  }
0x1f0: {  	[sflag:s12] =	ssyncset.done $0x0  }
0x1f1: {  	s4 =	simm.s32 $0xF00;
	[sflag:s12] =	ssyncadd.s32 $0xFFFFC180  }
0x1f2: {  	[tilespmem:s16], [sflag:$0x1] =	stream.indirect.gather [hbm4b:s5+s15], $0x80, s4, s15, $0xb8;
	[tilespmem:$0x1F180] =	vst v63  }
0x1f3: {  	_ =	swait.ge [sflag:s21], $0x3E80  }
0x1f4: {  	[sflag:s21] =	ssyncset.done $0x0  }
0x1f5: {  	s22 =	simm.s32 $0x1A80;
	[sflag:s21] =	ssyncadd.s32 $0xFFFFC180  }
0x1f6: {  	[spmem:s2] =	stream.indirect.scatter.add.f32 [tilespmem:s18], [sflag:$0x3], $0x80, s22, s15, $0xb8;
	[tilespmem:$0x1F180] =	vst v63  }
0x1f7: {  	_ =	swait.ge [sflag:s12], $0x3E80  }
0x1f8: {  	[sflag:s12] =	ssyncset.done $0x0  }
0x1f9: {  	s23 =	simm.s32 $0xF80;
	[sflag:s12] =	ssyncadd.s32 $0xFFFFC180  }
0x1fa: {  	[tilespmem:s18], [sflag:$0x2] =	stream.indirect.gather [hbm4b:s5+s15], $0x80, s23, s15, $0xb8;
	[tilespmem:$0x1F180] =	vst v63  }
0x1fb: {  	_ =	swait.ge [sflag:s19], $0x3E80  }
0x1fc: {  	[sflag:s19] =	ssyncset.done $0x0  }
0x1fd: {  	s24 =	simm.s32 $0x1B00;
	[sflag:s19] =	ssyncadd.s32 $0xFFFFC180  }
0x1fe: {  	[spmem:s2] =	stream.indirect.scatter.add.f32 [tilespmem:s16], [sflag:$0x3], $0x80, s24, s15, $0xb8;
	[tilespmem:$0x1F180] =	vst v63  }
0x1ff: {  	_ =	swait.ge [sflag:s12], $0x3E80  }
0x200: {  	[sflag:s12] =	ssyncset.done $0x0  }
0x201: {  	s26 =	simm.s32 $0x1000;
	[sflag:s12] =	ssyncadd.s32 $0xFFFFC180  }
0x202: {  	[tilespmem:s16], [sflag:$0x1] =	stream.indirect.gather [hbm4b:s5+s15], $0x80, s26, s15, $0xb8;
	[tilespmem:$0x1F180] =	vst v63  }
0x203: {  	_ =	swait.ge [sflag:s21], $0x3E80  }
0x204: {  	[sflag:s21] =	ssyncset.done $0x0  }
0x205: {  	s28 =	simm.s32 $0x1B80;
	[sflag:s21] =	ssyncadd.s32 $0xFFFFC180  }
0x206: {  	[spmem:s2] =	stream.indirect.scatter.add.f32 [tilespmem:s18], [sflag:$0x3], $0x80, s28, s15, $0xb8;
	[tilespmem:$0x1F180] =	vst v63  }
0x207: {  	_ =	swait.ge [sflag:s12], $0x3E80  }
0x208: {  	[sflag:s12] =	ssyncset.done $0x0  }
0x209: {  	s29 =	simm.s32 $0x1080;
	[sflag:s12] =	ssyncadd.s32 $0xFFFFC180  }
0x20a: {  	[tilespmem:s18], [sflag:$0x2] =	stream.indirect.gather [hbm4b:s5+s15], $0x80, s29, s15, $0xb8;
	[tilespmem:$0x1F180] =	vst v63  }
0x20b: {  	_ =	swait.ge [sflag:s19], $0x3E80  }
0x20c: {  	[sflag:s19] =	ssyncset.done $0x0  }
0x20d: {  	s30 =	simm.s32 $0x1C00;
	[sflag:s19] =	ssyncadd.s32 $0xFFFFC180  }
0x20e: {  	[spmem:s2] =	stream.indirect.scatter.add.f32 [tilespmem:s16], [sflag:$0x3], $0x80, s30, s15, $0xb8;
	[tilespmem:$0x1F180] =	vst v63  }
0x20f: {  	_ =	swait.ge [sflag:s12], $0x3E80  }
0x210: {  	[sflag:s12] =	ssyncset.done $0x0  }
0x211: {  	s31 =	simm.s32 $0x1100;
	[sflag:s12] =	ssyncadd.s32 $0xFFFFC180  }
0x212: {  	[tilespmem:s16], [sflag:$0x1] =	stream.indirect.gather [hbm4b:s5+s15], $0x80, s31, s15, $0xb8;
	[tilespmem:$0x1F180] =	vst v63  }
0x213: {  	_ =	swait.ge [sflag:s21], $0x3E80  }
0x214: {  	[sflag:s21] =	ssyncset.done $0x0  }
0x215: {  	s1 =	simm.s32 $0x1C80;
	[sflag:s21] =	ssyncadd.s32 $0xFFFFC180  }
0x216: {  	[spmem:s2] =	stream.indirect.scatter.add.f32 [tilespmem:s18], [sflag:$0x3], $0x80, s1, s15, $0xb8;
	[tilespmem:$0x1F180] =	vst v63  }
0x217: {  	_ =	swait.ge [sflag:s12], $0x3E80  }
0x218: {  	[sflag:s12] =	ssyncset.done $0x0  }
0x219: {  	s4 =	simm.s32 $0x1180;
	[sflag:s12] =	ssyncadd.s32 $0xFFFFC180  }
0x21a: {  	[tilespmem:s18], [sflag:$0x2] =	stream.indirect.gather [hbm4b:s5+s15], $0x80, s4, s15, $0xb8;
	[tilespmem:$0x1F180] =	vst v63  }
0x21b: {  	_ =	swait.ge [sflag:s19], $0x3E80  }
0x21c: {  	[sflag:s19] =	ssyncset.done $0x0  }
0x21d: {  	s1 =	simm.s32 $0x1D00;
	[sflag:s19] =	ssyncadd.s32 $0xFFFFC180  }
0x21e: {  	[spmem:s2] =	stream.indirect.scatter.add.f32 [tilespmem:s16], [sflag:$0x3], $0x80, s1, s15, $0xb8;
	[tilespmem:$0x1F180] =	vst v63  }
0x21f: {  	_ =	swait.ge [sflag:s12], $0x3E80  }
0x220: {  	[sflag:s12] =	ssyncset.done $0x0  }
0x221: {  	[sflag:s12] =	ssyncadd.s32 $0xFFFFC180  }
0x222: {  	_ =	swait.ge [sflag:s21], $0x3E80  }
0x223: {  	[sflag:s21] =	ssyncset.done $0x0  }
0x224: {  	s4 =	simm.s32 $0x1D80;
	[sflag:s21] =	ssyncadd.s32 $0xFFFFC180  }
0x225: {  	[spmem:s2] =	stream.indirect.scatter.add.f32 [tilespmem:s18], [sflag:$0x3], $0x80, s4, s15, $0xb8;
	[tilespmem:$0x1F180] =	vst v63  }
0x226: {  	_ =	swait.ge [sflag:s12], $0x3E80  }
0x227: {  	s1 =	sld [smem:$0x7F2]  }
0x228: {  	[sflag:s12] =	ssyncset.done $0x0  }
0x229: {  	[sflag:s12] =	ssyncadd.s32 $0xFFFFC180  }
0x22a: {  	[tilespmem:s14], [sflag:$0x4] =	stream.linear.gather [hbm4b:s1+s3], $0xA00, $0x38;
	[tilespmem:$0x1F180] =	vst v63  }
0x22b: {  	_ =	swait.ge [sflag:s8], $0xA00  }
0x22c: {  	s4 =	sld [smem:$0x7F3]  }
0x22d: {  	[sflag:s8] =	ssyncset.done $0x0  }
0x22e: {  	[sflag:s8] =	ssyncadd.s32 $0xFFFFF600  }
0x22f: {  	[tilespmem:s0], [sflag:$0x4] =	stream.linear.gather [hbm4b:s4+s3], $0xA00, $0x38;
	[tilespmem:$0x1F180] =	vst v63  }
0x230: {  	_ =	swait.ge [sflag:s8], $0xA00  }
0x231: {  	[sflag:s8] =	ssyncset.done $0x0  }
0x232: {  	[sflag:s8] =	ssyncadd.s32 $0xFFFFF600  }
0x233: {  	[tilespmem:s16], [sflag:$0x1] =	stream.indirect.gather [hbm4b:s5+s15], $0x80, s14, s15, $0xb8;
	[tilespmem:$0x1F180] =	vst v63  }
0x234: {  	s10 =	simm.s32 $0x880  }
0x235: {  	[tilespmem:s18], [sflag:$0x2] =	stream.indirect.gather [hbm4b:s5+s15], $0x80, s10, s15, $0xb8;
	[tilespmem:$0x1F180] =	vst v63  }
0x236: {  	_ =	swait.ge [sflag:s19], $0x3E80  }
0x237: {  	[sflag:s19] =	ssyncset.done $0x0  }
0x238: {  	[sflag:s19] =	ssyncadd.s32 $0xFFFFC180  }
0x239: {  	[spmem:s2] =	stream.indirect.scatter.add.f32 [tilespmem:s16], [sflag:$0x3], $0x80, s0, s15, $0xb8;
	[tilespmem:$0x1F180] =	vst v63  }
0x23a: {  	_ =	swait.ge [sflag:s12], $0x3E80  }
0x23b: {  	[sflag:s12] =	ssyncset.done $0x0  }
0x23c: {  	s11 =	simm.s32 $0x900;
	[sflag:s12] =	ssyncadd.s32 $0xFFFFC180  }
0x23d: {  	[tilespmem:s16], [sflag:$0x1] =	stream.indirect.gather [hbm4b:s5+s15], $0x80, s11, s15, $0xb8;
	[tilespmem:$0x1F180] =	vst v63  }
0x23e: {  	_ =	swait.ge [sflag:s21], $0x3E80  }
0x23f: {  	[sflag:s21] =	ssyncset.done $0x0  }
0x240: {  	s13 =	simm.s32 $0x1480;
	[sflag:s21] =	ssyncadd.s32 $0xFFFFC180  }
0x241: {  	[spmem:s2] =	stream.indirect.scatter.add.f32 [tilespmem:s18], [sflag:$0x3], $0x80, s13, s15, $0xb8;
	[tilespmem:$0x1F180] =	vst v63  }
0x242: {  	_ =	swait.ge [sflag:s12], $0x3E80  }
0x243: {  	[sflag:s12] =	ssyncset.done $0x0  }
0x244: {  	s17 =	simm.s32 $0x980;
	[sflag:s12] =	ssyncadd.s32 $0xFFFFC180  }
0x245: {  	[tilespmem:s18], [sflag:$0x2] =	stream.indirect.gather [hbm4b:s5+s15], $0x80, s17, s15, $0xb8;
	[tilespmem:$0x1F180] =	vst v63  }
0x246: {  	_ =	swait.ge [sflag:s19], $0x3E80  }
0x247: {  	[sflag:s19] =	ssyncset.done $0x0  }
0x248: {  	s1 =	simm.s32 $0x1500;
	[sflag:s19] =	ssyncadd.s32 $0xFFFFC180  }
0x249: {  	[spmem:s2] =	stream.indirect.scatter.add.f32 [tilespmem:s16], [sflag:$0x3], $0x80, s1, s15, $0xb8;
	[tilespmem:$0x1F180] =	vst v63  }
0x24a: {  	_ =	swait.ge [sflag:s12], $0x3E80  }
0x24b: {  	[sflag:s12] =	ssyncset.done $0x0  }
0x24c: {  	s17 =	simm.s32 $0xA00;
	[sflag:s12] =	ssyncadd.s32 $0xFFFFC180  }
0x24d: {  	[tilespmem:s16], [sflag:$0x1] =	stream.indirect.gather [hbm4b:s5+s15], $0x80, s17, s15, $0xb8;
	[tilespmem:$0x1F180] =	vst v63  }
0x24e: {  	_ =	swait.ge [sflag:s21], $0x3E80  }
0x24f: {  	[sflag:s21] =	ssyncset.done $0x0  }
0x250: {  	s6 =	simm.s32 $0x1580;
	[sflag:s21] =	ssyncadd.s32 $0xFFFFC180  }
0x251: {  	[spmem:s2] =	stream.indirect.scatter.add.f32 [tilespmem:s18], [sflag:$0x3], $0x80, s6, s15, $0xb8;
	[tilespmem:$0x1F180] =	vst v63  }
0x252: {  	_ =	swait.ge [sflag:s12], $0x3E80  }
0x253: {  	[sflag:s12] =	ssyncset.done $0x0  }
0x254: {  	s7 =	simm.s32 $0xA80;
	[sflag:s12] =	ssyncadd.s32 $0xFFFFC180  }
0x255: {  	[tilespmem:s18], [sflag:$0x2] =	stream.indirect.gather [hbm4b:s5+s15], $0x80, s7, s15, $0xb8;
	[tilespmem:$0x1F180] =	vst v63  }
0x256: {  	_ =	swait.ge [sflag:s19], $0x3E80  }
0x257: {  	[sflag:s19] =	ssyncset.done $0x0  }
0x258: {  	s7 =	simm.s32 $0x1600;
	[sflag:s19] =	ssyncadd.s32 $0xFFFFC180  }
0x259: {  	[spmem:s2] =	stream.indirect.scatter.add.f32 [tilespmem:s16], [sflag:$0x3], $0x80, s7, s15, $0xb8;
	[tilespmem:$0x1F180] =	vst v63  }
0x25a: {  	_ =	swait.ge [sflag:s12], $0x3E80  }
0x25b: {  	[sflag:s12] =	ssyncset.done $0x0  }
0x25c: {  	s6 =	simm.s32 $0xB00;
	[sflag:s12] =	ssyncadd.s32 $0xFFFFC180  }
0x25d: {  	[tilespmem:s16], [sflag:$0x1] =	stream.indirect.gather [hbm4b:s5+s15], $0x80, s6, s15, $0xb8;
	[tilespmem:$0x1F180] =	vst v63  }
0x25e: {  	_ =	swait.ge [sflag:s21], $0x3E80  }
0x25f: {  	[sflag:s21] =	ssyncset.done $0x0  }
0x260: {  	s9 =	simm.s32 $0x1680;
	[sflag:s21] =	ssyncadd.s32 $0xFFFFC180  }
0x261: {  	[spmem:s2] =	stream.indirect.scatter.add.f32 [tilespmem:s18], [sflag:$0x3], $0x80, s9, s15, $0xb8;
	[tilespmem:$0x1F180] =	vst v63  }
0x262: {  	_ =	swait.ge [sflag:s12], $0x3E80  }
0x263: {  	[sflag:s12] =	ssyncset.done $0x0  }
0x264: {  	s10 =	simm.s32 $0xB80;
	[sflag:s12] =	ssyncadd.s32 $0xFFFFC180  }
0x265: {  	[tilespmem:s18], [sflag:$0x2] =	stream.indirect.gather [hbm4b:s5+s15], $0x80, s10, s15, $0xb8;
	[tilespmem:$0x1F180] =	vst v63  }
0x266: {  	_ =	swait.ge [sflag:s19], $0x3E80  }
0x267: {  	[sflag:s19] =	ssyncset.done $0x0  }
0x268: {  	s11 =	simm.s32 $0x1700;
	[sflag:s19] =	ssyncadd.s32 $0xFFFFC180  }
0x269: {  	[spmem:s2] =	stream.indirect.scatter.add.f32 [tilespmem:s16], [sflag:$0x3], $0x80, s11, s15, $0xb8;
	[tilespmem:$0x1F180] =	vst v63  }
0x26a: {  	_ =	swait.ge [sflag:s12], $0x3E80  }
0x26b: {  	[sflag:s12] =	ssyncset.done $0x0  }
0x26c: {  	s13 =	simm.s32 $0xC00;
	[sflag:s12] =	ssyncadd.s32 $0xFFFFC180  }
0x26d: {  	[tilespmem:s16], [sflag:$0x1] =	stream.indirect.gather [hbm4b:s5+s15], $0x80, s13, s15, $0xb8;
	[tilespmem:$0x1F180] =	vst v63  }
0x26e: {  	_ =	swait.ge [sflag:s21], $0x3E80  }
0x26f: {  	[sflag:s21] =	ssyncset.done $0x0  }
0x270: {  	s17 =	simm.s32 $0x1780;
	[sflag:s21] =	ssyncadd.s32 $0xFFFFC180  }
0x271: {  	[spmem:s2] =	stream.indirect.scatter.add.f32 [tilespmem:s18], [sflag:$0x3], $0x80, s17, s15, $0xb8;
	[tilespmem:$0x1F180] =	vst v63  }
0x272: {  	_ =	swait.ge [sflag:s12], $0x3E80  }
0x273: {  	[sflag:s12] =	ssyncset.done $0x0  }
0x274: {  	s4 =	simm.s32 $0xC80;
	[sflag:s12] =	ssyncadd.s32 $0xFFFFC180  }
0x275: {  	[tilespmem:s18], [sflag:$0x2] =	stream.indirect.gather [hbm4b:s5+s15], $0x80, s4, s15, $0xb8;
	[tilespmem:$0x1F180] =	vst v63  }
0x276: {  	_ =	swait.ge [sflag:s19], $0x3E80  }
0x277: {  	[sflag:s19] =	ssyncset.done $0x0  }
0x278: {  	s9 =	simm.s32 $0x1800;
	[sflag:s19] =	ssyncadd.s32 $0xFFFFC180  }
0x279: {  	[spmem:s2] =	stream.indirect.scatter.add.f32 [tilespmem:s16], [sflag:$0x3], $0x80, s9, s15, $0xb8;
	[tilespmem:$0x1F180] =	vst v63  }
0x27a: {  	_ =	swait.ge [sflag:s12], $0x3E80  }
0x27b: {  	[sflag:s12] =	ssyncset.done $0x0  }
0x27c: {  	s25 =	simm.s32 $0xD00;
	[sflag:s12] =	ssyncadd.s32 $0xFFFFC180  }
0x27d: {  	[tilespmem:s16], [sflag:$0x1] =	stream.indirect.gather [hbm4b:s5+s15], $0x80, s25, s15, $0xb8;
	[tilespmem:$0x1F180] =	vst v63  }
0x27e: {  	_ =	swait.ge [sflag:s21], $0x3E80  }
0x27f: {  	[sflag:s21] =	ssyncset.done $0x0  }
0x280: {  	s25 =	simm.s32 $0x1880;
	[sflag:s21] =	ssyncadd.s32 $0xFFFFC180  }
0x281: {  	[spmem:s2] =	stream.indirect.scatter.add.f32 [tilespmem:s18], [sflag:$0x3], $0x80, s25, s15, $0xb8;
	[tilespmem:$0x1F180] =	vst v63  }
0x282: {  	_ =	swait.ge [sflag:s12], $0x3E80  }
0x283: {  	[sflag:s12] =	ssyncset.done $0x0  }
0x284: {  	s25 =	simm.s32 $0xD80;
	[sflag:s12] =	ssyncadd.s32 $0xFFFFC180  }
0x285: {  	[tilespmem:s18], [sflag:$0x2] =	stream.indirect.gather [hbm4b:s5+s15], $0x80, s25, s15, $0xb8;
	[tilespmem:$0x1F180] =	vst v63  }
0x286: {  	_ =	swait.ge [sflag:s19], $0x3E80  }
0x287: {  	[sflag:s19] =	ssyncset.done $0x0  }
0x288: {  	s25 =	simm.s32 $0x1900;
	[sflag:s19] =	ssyncadd.s32 $0xFFFFC180  }
0x289: {  	[spmem:s2] =	stream.indirect.scatter.add.f32 [tilespmem:s16], [sflag:$0x3], $0x80, s25, s15, $0xb8;
	[tilespmem:$0x1F180] =	vst v63  }
0x28a: {  	_ =	swait.ge [sflag:s12], $0x3E80  }
0x28b: {  	[sflag:s12] =	ssyncset.done $0x0  }
0x28c: {  	s25 =	simm.s32 $0xE00;
	[sflag:s12] =	ssyncadd.s32 $0xFFFFC180  }
0x28d: {  	[tilespmem:s16], [sflag:$0x1] =	stream.indirect.gather [hbm4b:s5+s15], $0x80, s25, s15, $0xb8;
	[tilespmem:$0x1F180] =	vst v63  }
0x28e: {  	_ =	swait.ge [sflag:s21], $0x3E80  }
0x28f: {  	[sflag:s21] =	ssyncset.done $0x0  }
0x290: {  	s25 =	simm.s32 $0x1980;
	[sflag:s21] =	ssyncadd.s32 $0xFFFFC180  }
0x291: {  	[spmem:s2] =	stream.indirect.scatter.add.f32 [tilespmem:s18], [sflag:$0x3], $0x80, s25, s15, $0xb8;
	[tilespmem:$0x1F180] =	vst v63  }
0x292: {  	_ =	swait.ge [sflag:s12], $0x3E80  }
0x293: {  	[sflag:s12] =	ssyncset.done $0x0  }
0x294: {  	s25 =	simm.s32 $0xE80;
	[sflag:s12] =	ssyncadd.s32 $0xFFFFC180  }
0x295: {  	[tilespmem:s18], [sflag:$0x2] =	stream.indirect.gather [hbm4b:s5+s15], $0x80, s25, s15, $0xb8;
	[tilespmem:$0x1F180] =	vst v63  }
0x296: {  	_ =	swait.ge [sflag:s19], $0x3E80  }
0x297: {  	[sflag:s19] =	ssyncset.done $0x0  }
0x298: {  	s25 =	simm.s32 $0x1A00;
	[sflag:s19] =	ssyncadd.s32 $0xFFFFC180  }
0x299: {  	[spmem:s2] =	stream.indirect.scatter.add.f32 [tilespmem:s16], [sflag:$0x3], $0x80, s25, s15, $0xb8;
	[tilespmem:$0x1F180] =	vst v63  }
0x29a: {  	_ =	swait.ge [sflag:s12], $0x3E80  }
0x29b: {  	[sflag:s12] =	ssyncset.done $0x0  }
0x29c: {  	s25 =	simm.s32 $0xF00;
	[sflag:s12] =	ssyncadd.s32 $0xFFFFC180  }
0x29d: {  	[tilespmem:s16], [sflag:$0x1] =	stream.indirect.gather [hbm4b:s5+s15], $0x80, s25, s15, $0xb8;
	[tilespmem:$0x1F180] =	vst v63  }
0x29e: {  	_ =	swait.ge [sflag:s21], $0x3E80  }
0x29f: {  	[sflag:s21] =	ssyncset.done $0x0  }
0x2a0: {  	s22 =	simm.s32 $0x1A80;
	[sflag:s21] =	ssyncadd.s32 $0xFFFFC180  }
0x2a1: {  	[spmem:s2] =	stream.indirect.scatter.add.f32 [tilespmem:s18], [sflag:$0x3], $0x80, s22, s15, $0xb8;
	[tilespmem:$0x1F180] =	vst v63  }
0x2a2: {  	_ =	swait.ge [sflag:s12], $0x3E80  }
0x2a3: {  	[sflag:s12] =	ssyncset.done $0x0  }
0x2a4: {  	s23 =	simm.s32 $0xF80;
	[sflag:s12] =	ssyncadd.s32 $0xFFFFC180  }
0x2a5: {  	[tilespmem:s18], [sflag:$0x2] =	stream.indirect.gather [hbm4b:s5+s15], $0x80, s23, s15, $0xb8;
	[tilespmem:$0x1F180] =	vst v63  }
0x2a6: {  	_ =	swait.ge [sflag:s19], $0x3E80  }
0x2a7: {  	[sflag:s19] =	ssyncset.done $0x0  }
0x2a8: {  	s24 =	simm.s32 $0x1B00;
	[sflag:s19] =	ssyncadd.s32 $0xFFFFC180  }
0x2a9: {  	[spmem:s2] =	stream.indirect.scatter.add.f32 [tilespmem:s16], [sflag:$0x3], $0x80, s24, s15, $0xb8;
	[tilespmem:$0x1F180] =	vst v63  }
0x2aa: {  	_ =	swait.ge [sflag:s12], $0x3E80  }
0x2ab: {  	[sflag:s12] =	ssyncset.done $0x0  }
0x2ac: {  	s26 =	simm.s32 $0x1000;
	[sflag:s12] =	ssyncadd.s32 $0xFFFFC180  }
0x2ad: {  	[tilespmem:s16], [sflag:$0x1] =	stream.indirect.gather [hbm4b:s5+s15], $0x80, s26, s15, $0xb8;
	[tilespmem:$0x1F180] =	vst v63  }
0x2ae: {  	_ =	swait.ge [sflag:s21], $0x3E80  }
0x2af: {  	[sflag:s21] =	ssyncset.done $0x0  }
0x2b0: {  	s28 =	simm.s32 $0x1B80;
	[sflag:s21] =	ssyncadd.s32 $0xFFFFC180  }
0x2b1: {  	[spmem:s2] =	stream.indirect.scatter.add.f32 [tilespmem:s18], [sflag:$0x3], $0x80, s28, s15, $0xb8;
	[tilespmem:$0x1F180] =	vst v63  }
0x2b2: {  	_ =	swait.ge [sflag:s12], $0x3E80  }
0x2b3: {  	[sflag:s12] =	ssyncset.done $0x0  }
0x2b4: {  	s29 =	simm.s32 $0x1080;
	[sflag:s12] =	ssyncadd.s32 $0xFFFFC180  }
0x2b5: {  	[tilespmem:s18], [sflag:$0x2] =	stream.indirect.gather [hbm4b:s5+s15], $0x80, s29, s15, $0xb8;
	[tilespmem:$0x1F180] =	vst v63  }
0x2b6: {  	_ =	swait.ge [sflag:s19], $0x3E80  }
0x2b7: {  	[sflag:s19] =	ssyncset.done $0x0  }
0x2b8: {  	s30 =	simm.s32 $0x1C00;
	[sflag:s19] =	ssyncadd.s32 $0xFFFFC180  }
0x2b9: {  	[spmem:s2] =	stream.indirect.scatter.add.f32 [tilespmem:s16], [sflag:$0x3], $0x80, s30, s15, $0xb8;
	[tilespmem:$0x1F180] =	vst v63  }
0x2ba: {  	_ =	swait.ge [sflag:s12], $0x3E80  }
0x2bb: {  	[sflag:s12] =	ssyncset.done $0x0  }
0x2bc: {  	s31 =	simm.s32 $0x1100;
	[sflag:s12] =	ssyncadd.s32 $0xFFFFC180  }
0x2bd: {  	[tilespmem:s16], [sflag:$0x1] =	stream.indirect.gather [hbm4b:s5+s15], $0x80, s31, s15, $0xb8;
	[tilespmem:$0x1F180] =	vst v63  }
0x2be: {  	_ =	swait.ge [sflag:s21], $0x3E80  }
0x2bf: {  	[sflag:s21] =	ssyncset.done $0x0  }
0x2c0: {  	s24 =	simm.s32 $0x1C80;
	[sflag:s21] =	ssyncadd.s32 $0xFFFFC180  }
0x2c1: {  	[spmem:s2] =	stream.indirect.scatter.add.f32 [tilespmem:s18], [sflag:$0x3], $0x80, s24, s15, $0xb8;
	[tilespmem:$0x1F180] =	vst v63  }
0x2c2: {  	_ =	swait.ge [sflag:s12], $0x3E80  }
0x2c3: {  	[sflag:s12] =	ssyncset.done $0x0  }
0x2c4: {  	s25 =	simm.s32 $0x1180;
	[sflag:s12] =	ssyncadd.s32 $0xFFFFC180  }
0x2c5: {  	[tilespmem:s18], [sflag:$0x2] =	stream.indirect.gather [hbm4b:s5+s15], $0x80, s25, s15, $0xb8;
	[tilespmem:$0x1F180] =	vst v63  }
0x2c6: {  	_ =	swait.ge [sflag:s19], $0x3E80  }
0x2c7: {  	[sflag:s19] =	ssyncset.done $0x0  }
0x2c8: {  	s26 =	simm.s32 $0x1D00;
	[sflag:s19] =	ssyncadd.s32 $0xFFFFC180  }
0x2c9: {  	[spmem:s2] =	stream.indirect.scatter.add.f32 [tilespmem:s16], [sflag:$0x3], $0x80, s26, s15, $0xb8;
	[tilespmem:$0x1F180] =	vst v63  }
0x2ca: {  	_ =	swait.ge [sflag:s12], $0x3E80  }
0x2cb: {  	[sflag:s12] =	ssyncset.done $0x0  }
0x2cc: {  	[sflag:s12] =	ssyncadd.s32 $0xFFFFC180  }
0x2cd: {  	_ =	swait.ge [sflag:s21], $0x3E80  }
0x2ce: {  	[sflag:s21] =	ssyncset.done $0x0  }
0x2cf: {  	s28 =	simm.s32 $0x1D80;
	[sflag:s21] =	ssyncadd.s32 $0xFFFFC180  }
0x2d0: {  	[spmem:s2] =	stream.indirect.scatter.add.f32 [tilespmem:s18], [sflag:$0x3], $0x80, s28, s15, $0xb8;
	[tilespmem:$0x1F180] =	vst v63  }
0x2d1: {  	_ =	swait.ge [sflag:s12], $0x3E80  }
0x2d2: {  	s29 =	sld [smem:$0x7F4]  }
0x2d3: {  	[sflag:s12] =	ssyncset.done $0x0  }
0x2d4: {  	[sflag:s12] =	ssyncadd.s32 $0xFFFFC180  }
0x2d5: {  	[tilespmem:s14], [sflag:$0x4] =	stream.linear.gather [hbm4b:s29+s3], $0xA00, $0x38;
	[tilespmem:$0x1F180] =	vst v63  }
0x2d6: {  	_ =	swait.ge [sflag:s8], $0xA00  }
0x2d7: {  	s30 =	sld [smem:$0x7F5]  }
0x2d8: {  	[sflag:s8] =	ssyncset.done $0x0  }
0x2d9: {  	[sflag:s8] =	ssyncadd.s32 $0xFFFFF600  }
0x2da: {  	[tilespmem:s0], [sflag:$0x4] =	stream.linear.gather [hbm4b:s30+s3], $0xA00, $0x38;
	[tilespmem:$0x1F180] =	vst v63  }
0x2db: {  	_ =	swait.ge [sflag:s8], $0xA00  }
0x2dc: {  	[sflag:s8] =	ssyncset.done $0x0  }
0x2dd: {  	[sflag:s8] =	ssyncadd.s32 $0xFFFFF600  }
0x2de: {  	[tilespmem:s16], [sflag:$0x1] =	stream.indirect.gather [hbm4b:s5+s15], $0x80, s14, s15, $0xb8;
	[tilespmem:$0x1F180] =	vst v63  }
0x2df: {  	s31 =	simm.s32 $0x880  }
0x2e0: {  	[tilespmem:s18], [sflag:$0x2] =	stream.indirect.gather [hbm4b:s5+s15], $0x80, s31, s15, $0xb8;
	[tilespmem:$0x1F180] =	vst v63  }
0x2e1: {  	_ =	swait.ge [sflag:s19], $0x3E80  }
0x2e2: {  	[sflag:s19] =	ssyncset.done $0x0  }
0x2e3: {  	[sflag:s19] =	ssyncadd.s32 $0xFFFFC180  }
0x2e4: {  	[spmem:s2] =	stream.indirect.scatter.add.f32 [tilespmem:s16], [sflag:$0x3], $0x80, s0, s15, $0xb8;
	[tilespmem:$0x1F180] =	vst v63  }
0x2e5: {  	_ =	swait.ge [sflag:s12], $0x3E80  }
0x2e6: {  	[sflag:s12] =	ssyncset.done $0x0  }
0x2e7: {  	s23 =	simm.s32 $0x900;
	[sflag:s12] =	ssyncadd.s32 $0xFFFFC180  }
0x2e8: {  	[tilespmem:s16], [sflag:$0x1] =	stream.indirect.gather [hbm4b:s5+s15], $0x80, s23, s15, $0xb8;
	[tilespmem:$0x1F180] =	vst v63  }
0x2e9: {  	_ =	swait.ge [sflag:s21], $0x3E80  }
0x2ea: {  	[sflag:s21] =	ssyncset.done $0x0  }
0x2eb: {  	s24 =	simm.s32 $0x1480;
	[sflag:s21] =	ssyncadd.s32 $0xFFFFC180  }
0x2ec: {  	[spmem:s2] =	stream.indirect.scatter.add.f32 [tilespmem:s18], [sflag:$0x3], $0x80, s24, s15, $0xb8;
	[tilespmem:$0x1F180] =	vst v63  }
0x2ed: {  	_ =	swait.ge [sflag:s12], $0x3E80  }
0x2ee: {  	[sflag:s12] =	ssyncset.done $0x0  }
0x2ef: {  	s25 =	simm.s32 $0x980;
	[sflag:s12] =	ssyncadd.s32 $0xFFFFC180  }
0x2f0: {  	[tilespmem:s18], [sflag:$0x2] =	stream.indirect.gather [hbm4b:s5+s15], $0x80, s25, s15, $0xb8;
	[tilespmem:$0x1F180] =	vst v63  }
0x2f1: {  	_ =	swait.ge [sflag:s19], $0x3E80  }
0x2f2: {  	[sflag:s19] =	ssyncset.done $0x0  }
0x2f3: {  	[sflag:s19] =	ssyncadd.s32 $0xFFFFC180  }
0x2f4: {  	[spmem:s2] =	stream.indirect.scatter.add.f32 [tilespmem:s16], [sflag:$0x3], $0x80, s1, s15, $0xb8;
	[tilespmem:$0x1F180] =	vst v63  }
0x2f5: {  	_ =	swait.ge [sflag:s12], $0x3E80  }
0x2f6: {  	[sflag:s12] =	ssyncset.done $0x0  }
0x2f7: {  	s26 =	simm.s32 $0xA00;
	[sflag:s12] =	ssyncadd.s32 $0xFFFFC180  }
0x2f8: {  	[tilespmem:s16], [sflag:$0x1] =	stream.indirect.gather [hbm4b:s5+s15], $0x80, s26, s15, $0xb8;
	[tilespmem:$0x1F180] =	vst v63  }
0x2f9: {  	_ =	swait.ge [sflag:s21], $0x3E80  }
0x2fa: {  	[sflag:s21] =	ssyncset.done $0x0  }
0x2fb: {  	s28 =	simm.s32 $0x1580;
	[sflag:s21] =	ssyncadd.s32 $0xFFFFC180  }
0x2fc: {  	[spmem:s2] =	stream.indirect.scatter.add.f32 [tilespmem:s18], [sflag:$0x3], $0x80, s28, s15, $0xb8;
	[tilespmem:$0x1F180] =	vst v63  }
0x2fd: {  	_ =	swait.ge [sflag:s12], $0x3E80  }
0x2fe: {  	[sflag:s12] =	ssyncset.done $0x0  }
0x2ff: {  	s29 =	simm.s32 $0xA80;
	[sflag:s12] =	ssyncadd.s32 $0xFFFFC180  }
0x300: {  	[tilespmem:s18], [sflag:$0x2] =	stream.indirect.gather [hbm4b:s5+s15], $0x80, s29, s15, $0xb8;
	[tilespmem:$0x1F180] =	vst v63  }
0x301: {  	_ =	swait.ge [sflag:s19], $0x3E80  }
0x302: {  	[sflag:s19] =	ssyncset.done $0x0  }
0x303: {  	[sflag:s19] =	ssyncadd.s32 $0xFFFFC180  }
0x304: {  	[spmem:s2] =	stream.indirect.scatter.add.f32 [tilespmem:s16], [sflag:$0x3], $0x80, s7, s15, $0xb8;
	[tilespmem:$0x1F180] =	vst v63  }
0x305: {  	_ =	swait.ge [sflag:s12], $0x3E80  }
0x306: {  	[sflag:s12] =	ssyncset.done $0x0  }
0x307: {  	[sflag:s12] =	ssyncadd.s32 $0xFFFFC180  }
0x308: {  	[tilespmem:s16], [sflag:$0x1] =	stream.indirect.gather [hbm4b:s5+s15], $0x80, s6, s15, $0xb8;
	[tilespmem:$0x1F180] =	vst v63  }
0x309: {  	_ =	swait.ge [sflag:s21], $0x3E80  }
0x30a: {  	[sflag:s21] =	ssyncset.done $0x0  }
0x30b: {  	s30 =	simm.s32 $0x1680;
	[sflag:s21] =	ssyncadd.s32 $0xFFFFC180  }
0x30c: {  	[spmem:s2] =	stream.indirect.scatter.add.f32 [tilespmem:s18], [sflag:$0x3], $0x80, s30, s15, $0xb8;
	[tilespmem:$0x1F180] =	vst v63  }
0x30d: {  	_ =	swait.ge [sflag:s12], $0x3E80  }
0x30e: {  	[sflag:s12] =	ssyncset.done $0x0  }
0x30f: {  	[sflag:s12] =	ssyncadd.s32 $0xFFFFC180  }
0x310: {  	[tilespmem:s18], [sflag:$0x2] =	stream.indirect.gather [hbm4b:s5+s15], $0x80, s10, s15, $0xb8;
	[tilespmem:$0x1F180] =	vst v63  }
0x311: {  	_ =	swait.ge [sflag:s19], $0x3E80  }
0x312: {  	[sflag:s19] =	ssyncset.done $0x0  }
0x313: {  	[sflag:s19] =	ssyncadd.s32 $0xFFFFC180  }
0x314: {  	[spmem:s2] =	stream.indirect.scatter.add.f32 [tilespmem:s16], [sflag:$0x3], $0x80, s11, s15, $0xb8;
	[tilespmem:$0x1F180] =	vst v63  }
0x315: {  	_ =	swait.ge [sflag:s12], $0x3E80  }
0x316: {  	[sflag:s12] =	ssyncset.done $0x0  }
0x317: {  	[sflag:s12] =	ssyncadd.s32 $0xFFFFC180  }
0x318: {  	[tilespmem:s16], [sflag:$0x1] =	stream.indirect.gather [hbm4b:s5+s15], $0x80, s13, s15, $0xb8;
	[tilespmem:$0x1F180] =	vst v63  }
0x319: {  	_ =	swait.ge [sflag:s21], $0x3E80  }
0x31a: {  	[sflag:s21] =	ssyncset.done $0x0  }
0x31b: {  	[sflag:s21] =	ssyncadd.s32 $0xFFFFC180  }
0x31c: {  	[spmem:s2] =	stream.indirect.scatter.add.f32 [tilespmem:s18], [sflag:$0x3], $0x80, s17, s15, $0xb8;
	[tilespmem:$0x1F180] =	vst v63  }
0x31d: {  	_ =	swait.ge [sflag:s12], $0x3E80  }
0x31e: {  	[sflag:s12] =	ssyncset.done $0x0  }
0x31f: {  	[sflag:s12] =	ssyncadd.s32 $0xFFFFC180  }
0x320: {  	[tilespmem:s18], [sflag:$0x2] =	stream.indirect.gather [hbm4b:s5+s15], $0x80, s4, s15, $0xb8;
	[tilespmem:$0x1F180] =	vst v63  }
0x321: {  	_ =	swait.ge [sflag:s19], $0x3E80  }
0x322: {  	[sflag:s19] =	ssyncset.done $0x0  }
0x323: {  	[sflag:s19] =	ssyncadd.s32 $0xFFFFC180  }
0x324: {  	[spmem:s2] =	stream.indirect.scatter.add.f32 [tilespmem:s16], [sflag:$0x3], $0x80, s9, s15, $0xb8;
	[tilespmem:$0x1F180] =	vst v63  }
0x325: {  	_ =	swait.ge [sflag:s12], $0x3E80  }
0x326: {  	[sflag:s12] =	ssyncset.done $0x0  }
0x327: {  	s31 =	simm.s32 $0xD00;
	[sflag:s12] =	ssyncadd.s32 $0xFFFFC180  }
0x328: {  	[tilespmem:s16], [sflag:$0x1] =	stream.indirect.gather [hbm4b:s5+s15], $0x80, s31, s15, $0xb8;
	[tilespmem:$0x1F180] =	vst v63  }
0x329: {  	_ =	swait.ge [sflag:s21], $0x3E80  }
0x32a: {  	[sflag:s21] =	ssyncset.done $0x0  }
0x32b: {  	s24 =	simm.s32 $0x1880;
	[sflag:s21] =	ssyncadd.s32 $0xFFFFC180  }
0x32c: {  	[spmem:s2] =	stream.indirect.scatter.add.f32 [tilespmem:s18], [sflag:$0x3], $0x80, s24, s15, $0xb8;
	[tilespmem:$0x1F180] =	vst v63  }
0x32d: {  	_ =	swait.ge [sflag:s12], $0x3E80  }
0x32e: {  	[sflag:s12] =	ssyncset.done $0x0  }
0x32f: {  	s25 =	simm.s32 $0xD80;
	[sflag:s12] =	ssyncadd.s32 $0xFFFFC180  }
0x330: {  	[tilespmem:s18], [sflag:$0x2] =	stream.indirect.gather [hbm4b:s5+s15], $0x80, s25, s15, $0xb8;
	[tilespmem:$0x1F180] =	vst v63  }
0x331: {  	_ =	swait.ge [sflag:s19], $0x3E80  }
0x332: {  	[sflag:s19] =	ssyncset.done $0x0  }
0x333: {  	s26 =	simm.s32 $0x1900;
	[sflag:s19] =	ssyncadd.s32 $0xFFFFC180  }
0x334: {  	[spmem:s2] =	stream.indirect.scatter.add.f32 [tilespmem:s16], [sflag:$0x3], $0x80, s26, s15, $0xb8;
	[tilespmem:$0x1F180] =	vst v63  }
0x335: {  	_ =	swait.ge [sflag:s12], $0x3E80  }
0x336: {  	[sflag:s12] =	ssyncset.done $0x0  }
0x337: {  	s28 =	simm.s32 $0xE00;
	[sflag:s12] =	ssyncadd.s32 $0xFFFFC180  }
0x338: {  	[tilespmem:s16], [sflag:$0x1] =	stream.indirect.gather [hbm4b:s5+s15], $0x80, s28, s15, $0xb8;
	[tilespmem:$0x1F180] =	vst v63  }
0x339: {  	_ =	swait.ge [sflag:s21], $0x3E80  }
0x33a: {  	[sflag:s21] =	ssyncset.done $0x0  }
0x33b: {  	s29 =	simm.s32 $0x1980;
	[sflag:s21] =	ssyncadd.s32 $0xFFFFC180  }
0x33c: {  	[spmem:s2] =	stream.indirect.scatter.add.f32 [tilespmem:s18], [sflag:$0x3], $0x80, s29, s15, $0xb8;
	[tilespmem:$0x1F180] =	vst v63  }
0x33d: {  	_ =	swait.ge [sflag:s12], $0x3E80  }
0x33e: {  	[sflag:s12] =	ssyncset.done $0x0  }
0x33f: {  	s30 =	simm.s32 $0xE80;
	[sflag:s12] =	ssyncadd.s32 $0xFFFFC180  }
0x340: {  	[tilespmem:s18], [sflag:$0x2] =	stream.indirect.gather [hbm4b:s5+s15], $0x80, s30, s15, $0xb8;
	[tilespmem:$0x1F180] =	vst v63  }
0x341: {  	_ =	swait.ge [sflag:s19], $0x3E80  }
0x342: {  	[sflag:s19] =	ssyncset.done $0x0  }
0x343: {  	s31 =	simm.s32 $0x1A00;
	[sflag:s19] =	ssyncadd.s32 $0xFFFFC180  }
0x344: {  	[spmem:s2] =	stream.indirect.scatter.add.f32 [tilespmem:s16], [sflag:$0x3], $0x80, s31, s15, $0xb8;
	[tilespmem:$0x1F180] =	vst v63  }
0x345: {  	_ =	swait.ge [sflag:s12], $0x3E80  }
0x346: {  	[sflag:s12] =	ssyncset.done $0x0  }
0x347: {  	s25 =	simm.s32 $0xF00;
	[sflag:s12] =	ssyncadd.s32 $0xFFFFC180  }
0x348: {  	[tilespmem:s16], [sflag:$0x1] =	stream.indirect.gather [hbm4b:s5+s15], $0x80, s25, s15, $0xb8;
	[tilespmem:$0x1F180] =	vst v63  }
0x349: {  	_ =	swait.ge [sflag:s21], $0x3E80  }
0x34a: {  	[sflag:s21] =	ssyncset.done $0x0  }
0x34b: {  	s25 =	simm.s32 $0x1A80;
	[sflag:s21] =	ssyncadd.s32 $0xFFFFC180  }
0x34c: {  	[spmem:s2] =	stream.indirect.scatter.add.f32 [tilespmem:s18], [sflag:$0x3], $0x80, s25, s15, $0xb8;
	[tilespmem:$0x1F180] =	vst v63  }
0x34d: {  	_ =	swait.ge [sflag:s12], $0x3E80  }
0x34e: {  	[sflag:s12] =	ssyncset.done $0x0  }
0x34f: {  	s25 =	simm.s32 $0xF80;
	[sflag:s12] =	ssyncadd.s32 $0xFFFFC180  }
0x350: {  	[tilespmem:s18], [sflag:$0x2] =	stream.indirect.gather [hbm4b:s5+s15], $0x80, s25, s15, $0xb8;
	[tilespmem:$0x1F180] =	vst v63  }
0x351: {  	_ =	swait.ge [sflag:s19], $0x3E80  }
0x352: {  	[sflag:s19] =	ssyncset.done $0x0  }
0x353: {  	s25 =	simm.s32 $0x1B00;
	[sflag:s19] =	ssyncadd.s32 $0xFFFFC180  }
0x354: {  	[spmem:s2] =	stream.indirect.scatter.add.f32 [tilespmem:s16], [sflag:$0x3], $0x80, s25, s15, $0xb8;
	[tilespmem:$0x1F180] =	vst v63  }
0x355: {  	_ =	swait.ge [sflag:s12], $0x3E80  }
0x356: {  	[sflag:s12] =	ssyncset.done $0x0  }
0x357: {  	s25 =	simm.s32 $0x1000;
	[sflag:s12] =	ssyncadd.s32 $0xFFFFC180  }
0x358: {  	[tilespmem:s16], [sflag:$0x1] =	stream.indirect.gather [hbm4b:s5+s15], $0x80, s25, s15, $0xb8;
	[tilespmem:$0x1F180] =	vst v63  }
0x359: {  	_ =	swait.ge [sflag:s21], $0x3E80  }
0x35a: {  	[sflag:s21] =	ssyncset.done $0x0  }
0x35b: {  	s25 =	simm.s32 $0x1B80;
	[sflag:s21] =	ssyncadd.s32 $0xFFFFC180  }
0x35c: {  	[spmem:s2] =	stream.indirect.scatter.add.f32 [tilespmem:s18], [sflag:$0x3], $0x80, s25, s15, $0xb8;
	[tilespmem:$0x1F180] =	vst v63  }
0x35d: {  	_ =	swait.ge [sflag:s12], $0x3E80  }
0x35e: {  	[sflag:s12] =	ssyncset.done $0x0  }
0x35f: {  	s25 =	simm.s32 $0x1080;
	[sflag:s12] =	ssyncadd.s32 $0xFFFFC180  }
0x360: {  	[tilespmem:s18], [sflag:$0x2] =	stream.indirect.gather [hbm4b:s5+s15], $0x80, s25, s15, $0xb8;
	[tilespmem:$0x1F180] =	vst v63  }
0x361: {  	_ =	swait.ge [sflag:s19], $0x3E80  }
0x362: {  	[sflag:s19] =	ssyncset.done $0x0  }
0x363: {  	s25 =	simm.s32 $0x1C00;
	[sflag:s19] =	ssyncadd.s32 $0xFFFFC180  }
0x364: {  	[spmem:s2] =	stream.indirect.scatter.add.f32 [tilespmem:s16], [sflag:$0x3], $0x80, s25, s15, $0xb8;
	[tilespmem:$0x1F180] =	vst v63  }
0x365: {  	_ =	swait.ge [sflag:s12], $0x3E80  }
0x366: {  	[sflag:s12] =	ssyncset.done $0x0  }
0x367: {  	s25 =	simm.s32 $0x1100;
	[sflag:s12] =	ssyncadd.s32 $0xFFFFC180  }
0x368: {  	[tilespmem:s16], [sflag:$0x1] =	stream.indirect.gather [hbm4b:s5+s15], $0x80, s25, s15, $0xb8;
	[tilespmem:$0x1F180] =	vst v63  }
0x369: {  	_ =	swait.ge [sflag:s21], $0x3E80  }
0x36a: {  	[sflag:s21] =	ssyncset.done $0x0  }
0x36b: {  	s25 =	simm.s32 $0x1C80;
	[sflag:s21] =	ssyncadd.s32 $0xFFFFC180  }
0x36c: {  	[spmem:s2] =	stream.indirect.scatter.add.f32 [tilespmem:s18], [sflag:$0x3], $0x80, s25, s15, $0xb8;
	[tilespmem:$0x1F180] =	vst v63  }
0x36d: {  	_ =	swait.ge [sflag:s12], $0x3E80  }
0x36e: {  	[sflag:s12] =	ssyncset.done $0x0  }
0x36f: {  	s25 =	simm.s32 $0x1180;
	[sflag:s12] =	ssyncadd.s32 $0xFFFFC180  }
0x370: {  	[tilespmem:s18], [sflag:$0x2] =	stream.indirect.gather [hbm4b:s5+s15], $0x80, s25, s15, $0xb8;
	[tilespmem:$0x1F180] =	vst v63  }
0x371: {  	_ =	swait.ge [sflag:s19], $0x3E80  }
0x372: {  	[sflag:s19] =	ssyncset.done $0x0  }
0x373: {  	s25 =	simm.s32 $0x1D00;
	[sflag:s19] =	ssyncadd.s32 $0xFFFFC180  }
0x374: {  	[spmem:s2] =	stream.indirect.scatter.add.f32 [tilespmem:s16], [sflag:$0x3], $0x80, s25, s15, $0xb8;
	[tilespmem:$0x1F180] =	vst v63  }
0x375: {  	_ =	swait.ge [sflag:s12], $0x3E80  }
0x376: {  	[sflag:s12] =	ssyncset.done $0x0  }
0x377: {  	[sflag:s12] =	ssyncadd.s32 $0xFFFFC180  }
0x378: {  	_ =	swait.ge [sflag:s21], $0x3E80  }
0x379: {  	[sflag:s21] =	ssyncset.done $0x0  }
0x37a: {  	s25 =	simm.s32 $0x1D80;
	[sflag:s21] =	ssyncadd.s32 $0xFFFFC180  }
0x37b: {  	[spmem:s2] =	stream.indirect.scatter.add.f32 [tilespmem:s18], [sflag:$0x3], $0x80, s25, s15, $0xb8;
	[tilespmem:$0x1F180] =	vst v63  }
0x37c: {  	_ =	swait.ge [sflag:s12], $0x3E80  }
0x37d: {  	s25 =	sld [smem:$0x7F6]  }
0x37e: {  	[sflag:s12] =	ssyncset.done $0x0  }
0x37f: {  	[sflag:s12] =	ssyncadd.s32 $0xFFFFC180  }
0x380: {  	[tilespmem:s14], [sflag:$0x4] =	stream.linear.gather [hbm4b:s25+s3], $0xA00, $0x38;
	[tilespmem:$0x1F180] =	vst v63  }
0x381: {  	_ =	swait.ge [sflag:s8], $0xA00  }
0x382: {  	s25 =	sld [smem:$0x7F7]  }
0x383: {  	[sflag:s8] =	ssyncset.done $0x0  }
0x384: {  	[sflag:s8] =	ssyncadd.s32 $0xFFFFF600  }
0x385: {  	[tilespmem:s0], [sflag:$0x4] =	stream.linear.gather [hbm4b:s25+s3], $0xA00, $0x38;
	[tilespmem:$0x1F180] =	vst v63  }
0x386: {  	_ =	swait.ge [sflag:s8], $0xA00  }
0x387: {  	[sflag:s8] =	ssyncset.done $0x0  }
0x388: {  	[sflag:s8] =	ssyncadd.s32 $0xFFFFF600  }
0x389: {  	[tilespmem:s16], [sflag:$0x1] =	stream.indirect.gather [hbm4b:s5+s15], $0x80, s14, s15, $0xb8;
	[tilespmem:$0x1F180] =	vst v63  }
0x38a: {  	s25 =	simm.s32 $0x880  }
0x38b: {  	[tilespmem:s18], [sflag:$0x2] =	stream.indirect.gather [hbm4b:s5+s15], $0x80, s25, s15, $0xb8;
	[tilespmem:$0x1F180] =	vst v63  }
0x38c: {  	_ =	swait.ge [sflag:s19], $0x3E80  }
0x38d: {  	[sflag:s19] =	ssyncset.done $0x0  }
0x38e: {  	[sflag:s19] =	ssyncadd.s32 $0xFFFFC180  }
0x38f: {  	[spmem:s2] =	stream.indirect.scatter.add.f32 [tilespmem:s16], [sflag:$0x3], $0x80, s0, s15, $0xb8;
	[tilespmem:$0x1F180] =	vst v63  }
0x390: {  	_ =	swait.ge [sflag:s12], $0x3E80  }
0x391: {  	[sflag:s12] =	ssyncset.done $0x0  }
0x392: {  	s14 =	simm.s32 $0x900;
	[sflag:s12] =	ssyncadd.s32 $0xFFFFC180  }
0x393: {  	[tilespmem:s16], [sflag:$0x1] =	stream.indirect.gather [hbm4b:s5+s15], $0x80, s14, s15, $0xb8;
	[tilespmem:$0x1F180] =	vst v63  }
0x394: {  	_ =	swait.ge [sflag:s21], $0x3E80  }
0x395: {  	[sflag:s21] =	ssyncset.done $0x0  }
0x396: {  	s25 =	simm.s32 $0x1480;
	[sflag:s21] =	ssyncadd.s32 $0xFFFFC180  }
0x397: {  	[spmem:s2] =	stream.indirect.scatter.add.f32 [tilespmem:s18], [sflag:$0x3], $0x80, s25, s15, $0xb8;
	[tilespmem:$0x1F180] =	vst v63  }
0x398: {  	_ =	swait.ge [sflag:s12], $0x3E80  }
0x399: {  	[sflag:s12] =	ssyncset.done $0x0  }
0x39a: {  	s14 =	simm.s32 $0x980;
	[sflag:s12] =	ssyncadd.s32 $0xFFFFC180  }
0x39b: {  	[tilespmem:s18], [sflag:$0x2] =	stream.indirect.gather [hbm4b:s5+s15], $0x80, s14, s15, $0xb8;
	[tilespmem:$0x1F180] =	vst v63  }
0x39c: {  	_ =	swait.ge [sflag:s19], $0x3E80  }
0x39d: {  	[sflag:s19] =	ssyncset.done $0x0  }
0x39e: {  	s1 =	simm.s32 $0x1500;
	[sflag:s19] =	ssyncadd.s32 $0xFFFFC180  }
0x39f: {  	[spmem:s2] =	stream.indirect.scatter.add.f32 [tilespmem:s16], [sflag:$0x3], $0x80, s1, s15, $0xb8;
	[tilespmem:$0x1F180] =	vst v63  }
0x3a0: {  	_ =	swait.ge [sflag:s12], $0x3E80  }
0x3a1: {  	[sflag:s12] =	ssyncset.done $0x0  }
0x3a2: {  	s22 =	simm.s32 $0xA00;
	[sflag:s12] =	ssyncadd.s32 $0xFFFFC180  }
0x3a3: {  	[tilespmem:s16], [sflag:$0x1] =	stream.indirect.gather [hbm4b:s5+s15], $0x80, s22, s15, $0xb8;
	[tilespmem:$0x1F180] =	vst v63  }
0x3a4: {  	_ =	swait.ge [sflag:s21], $0x3E80  }
0x3a5: {  	[sflag:s21] =	ssyncset.done $0x0  }
0x3a6: {  	s25 =	simm.s32 $0x1580;
	[sflag:s21] =	ssyncadd.s32 $0xFFFFC180  }
0x3a7: {  	[spmem:s2] =	stream.indirect.scatter.add.f32 [tilespmem:s18], [sflag:$0x3], $0x80, s25, s15, $0xb8;
	[tilespmem:$0x1F180] =	vst v63  }
0x3a8: {  	_ =	swait.ge [sflag:s12], $0x3E80  }
0x3a9: {  	[sflag:s12] =	ssyncset.done $0x0  }
0x3aa: {  	s1 =	simm.s32 $0xA80;
	[sflag:s12] =	ssyncadd.s32 $0xFFFFC180  }
0x3ab: {  	[tilespmem:s18], [sflag:$0x2] =	stream.indirect.gather [hbm4b:s5+s15], $0x80, s1, s15, $0xb8;
	[tilespmem:$0x1F180] =	vst v63  }
0x3ac: {  	_ =	swait.ge [sflag:s19], $0x3E80  }
0x3ad: {  	[sflag:s19] =	ssyncset.done $0x0  }
0x3ae: {  	s7 =	simm.s32 $0x1600;
	[sflag:s19] =	ssyncadd.s32 $0xFFFFC180  }
0x3af: {  	[spmem:s2] =	stream.indirect.scatter.add.f32 [tilespmem:s16], [sflag:$0x3], $0x80, s7, s15, $0xb8;
	[tilespmem:$0x1F180] =	vst v63  }
0x3b0: {  	_ =	swait.ge [sflag:s12], $0x3E80  }
0x3b1: {  	[sflag:s12] =	ssyncset.done $0x0  }
0x3b2: {  	s6 =	simm.s32 $0xB00;
	[sflag:s12] =	ssyncadd.s32 $0xFFFFC180  }
0x3b3: {  	[tilespmem:s16], [sflag:$0x1] =	stream.indirect.gather [hbm4b:s5+s15], $0x80, s6, s15, $0xb8;
	[tilespmem:$0x1F180] =	vst v63  }
0x3b4: {  	_ =	swait.ge [sflag:s21], $0x3E80  }
0x3b5: {  	[sflag:s21] =	ssyncset.done $0x0  }
0x3b6: {  	s14 =	simm.s32 $0x1680;
	[sflag:s21] =	ssyncadd.s32 $0xFFFFC180  }
0x3b7: {  	[spmem:s2] =	stream.indirect.scatter.add.f32 [tilespmem:s18], [sflag:$0x3], $0x80, s14, s15, $0xb8;
	[tilespmem:$0x1F180] =	vst v63  }
0x3b8: {  	_ =	swait.ge [sflag:s12], $0x3E80  }
0x3b9: {  	[sflag:s12] =	ssyncset.done $0x0  }
0x3ba: {  	s10 =	simm.s32 $0xB80;
	[sflag:s12] =	ssyncadd.s32 $0xFFFFC180  }
0x3bb: {  	[tilespmem:s18], [sflag:$0x2] =	stream.indirect.gather [hbm4b:s5+s15], $0x80, s10, s15, $0xb8;
	[tilespmem:$0x1F180] =	vst v63  }
0x3bc: {  	_ =	swait.ge [sflag:s19], $0x3E80  }
0x3bd: {  	[sflag:s19] =	ssyncset.done $0x0  }
0x3be: {  	s11 =	simm.s32 $0x1700;
	[sflag:s19] =	ssyncadd.s32 $0xFFFFC180  }
0x3bf: {  	[spmem:s2] =	stream.indirect.scatter.add.f32 [tilespmem:s16], [sflag:$0x3], $0x80, s11, s15, $0xb8;
	[tilespmem:$0x1F180] =	vst v63  }
0x3c0: {  	_ =	swait.ge [sflag:s12], $0x3E80  }
0x3c1: {  	[sflag:s12] =	ssyncset.done $0x0  }
0x3c2: {  	s13 =	simm.s32 $0xC00;
	[sflag:s12] =	ssyncadd.s32 $0xFFFFC180  }
0x3c3: {  	[tilespmem:s16], [sflag:$0x1] =	stream.indirect.gather [hbm4b:s5+s15], $0x80, s13, s15, $0xb8;
	[tilespmem:$0x1F180] =	vst v63  }
0x3c4: {  	_ =	swait.ge [sflag:s21], $0x3E80  }
0x3c5: {  	[sflag:s21] =	ssyncset.done $0x0  }
0x3c6: {  	s17 =	simm.s32 $0x1780;
	[sflag:s21] =	ssyncadd.s32 $0xFFFFC180  }
0x3c7: {  	[spmem:s2] =	stream.indirect.scatter.add.f32 [tilespmem:s18], [sflag:$0x3], $0x80, s17, s15, $0xb8;
	[tilespmem:$0x1F180] =	vst v63  }
0x3c8: {  	_ =	swait.ge [sflag:s12], $0x3E80  }
0x3c9: {  	[sflag:s12] =	ssyncset.done $0x0  }
0x3ca: {  	s4 =	simm.s32 $0xC80;
	[sflag:s12] =	ssyncadd.s32 $0xFFFFC180  }
0x3cb: {  	[tilespmem:s18], [sflag:$0x2] =	stream.indirect.gather [hbm4b:s5+s15], $0x80, s4, s15, $0xb8;
	[tilespmem:$0x1F180] =	vst v63  }
0x3cc: {  	_ =	swait.ge [sflag:s19], $0x3E80  }
0x3cd: {  	[sflag:s19] =	ssyncset.done $0x0  }
0x3ce: {  	s9 =	simm.s32 $0x1800;
	[sflag:s19] =	ssyncadd.s32 $0xFFFFC180  }
0x3cf: {  	[spmem:s2] =	stream.indirect.scatter.add.f32 [tilespmem:s16], [sflag:$0x3], $0x80, s9, s15, $0xb8;
	[tilespmem:$0x1F180] =	vst v63  }
0x3d0: {  	_ =	swait.ge [sflag:s12], $0x3E80  }
0x3d1: {  	[sflag:s12] =	ssyncset.done $0x0  }
0x3d2: {  	s22 =	simm.s32 $0xD00;
	[sflag:s12] =	ssyncadd.s32 $0xFFFFC180  }
0x3d3: {  	[tilespmem:s16], [sflag:$0x1] =	stream.indirect.gather [hbm4b:s5+s15], $0x80, s22, s15, $0xb8;
	[tilespmem:$0x1F180] =	vst v63  }
0x3d4: {  	_ =	swait.ge [sflag:s21], $0x3E80  }
0x3d5: {  	[sflag:s21] =	ssyncset.done $0x0  }
0x3d6: {  	s23 =	simm.s32 $0x1880;
	[sflag:s21] =	ssyncadd.s32 $0xFFFFC180  }
0x3d7: {  	[spmem:s2] =	stream.indirect.scatter.add.f32 [tilespmem:s18], [sflag:$0x3], $0x80, s23, s15, $0xb8;
	[tilespmem:$0x1F180] =	vst v63  }
0x3d8: {  	_ =	swait.ge [sflag:s12], $0x3E80  }
0x3d9: {  	[sflag:s12] =	ssyncset.done $0x0  }
0x3da: {  	s24 =	simm.s32 $0xD80;
	[sflag:s12] =	ssyncadd.s32 $0xFFFFC180  }
0x3db: {  	[tilespmem:s18], [sflag:$0x2] =	stream.indirect.gather [hbm4b:s5+s15], $0x80, s24, s15, $0xb8;
	[tilespmem:$0x1F180] =	vst v63  }
0x3dc: {  	_ =	swait.ge [sflag:s19], $0x3E80  }
0x3dd: {  	[sflag:s19] =	ssyncset.done $0x0  }
0x3de: {  	s26 =	simm.s32 $0x1900;
	[sflag:s19] =	ssyncadd.s32 $0xFFFFC180  }
0x3df: {  	[spmem:s2] =	stream.indirect.scatter.add.f32 [tilespmem:s16], [sflag:$0x3], $0x80, s26, s15, $0xb8;
	[tilespmem:$0x1F180] =	vst v63  }
0x3e0: {  	_ =	swait.ge [sflag:s12], $0x3E80  }
0x3e1: {  	[sflag:s12] =	ssyncset.done $0x0  }
0x3e2: {  	s28 =	simm.s32 $0xE00;
	[sflag:s12] =	ssyncadd.s32 $0xFFFFC180  }
0x3e3: {  	[tilespmem:s16], [sflag:$0x1] =	stream.indirect.gather [hbm4b:s5+s15], $0x80, s28, s15, $0xb8;
	[tilespmem:$0x1F180] =	vst v63  }
0x3e4: {  	_ =	swait.ge [sflag:s21], $0x3E80  }
0x3e5: {  	[sflag:s21] =	ssyncset.done $0x0  }
0x3e6: {  	s29 =	simm.s32 $0x1980;
	[sflag:s21] =	ssyncadd.s32 $0xFFFFC180  }
0x3e7: {  	[spmem:s2] =	stream.indirect.scatter.add.f32 [tilespmem:s18], [sflag:$0x3], $0x80, s29, s15, $0xb8;
	[tilespmem:$0x1F180] =	vst v63  }
0x3e8: {  	_ =	swait.ge [sflag:s12], $0x3E80  }
0x3e9: {  	[sflag:s12] =	ssyncset.done $0x0  }
0x3ea: {  	s30 =	simm.s32 $0xE80;
	[sflag:s12] =	ssyncadd.s32 $0xFFFFC180  }
0x3eb: {  	[tilespmem:s18], [sflag:$0x2] =	stream.indirect.gather [hbm4b:s5+s15], $0x80, s30, s15, $0xb8;
	[tilespmem:$0x1F180] =	vst v63  }
0x3ec: {  	_ =	swait.ge [sflag:s19], $0x3E80  }
0x3ed: {  	[sflag:s19] =	ssyncset.done $0x0  }
0x3ee: {  	s31 =	simm.s32 $0x1A00;
	[sflag:s19] =	ssyncadd.s32 $0xFFFFC180  }
0x3ef: {  	[spmem:s2] =	stream.indirect.scatter.add.f32 [tilespmem:s16], [sflag:$0x3], $0x80, s31, s15, $0xb8;
	[tilespmem:$0x1F180] =	vst v63  }
0x3f0: {  	_ =	swait.ge [sflag:s12], $0x3E80  }
0x3f1: {  	[sflag:s12] =	ssyncset.done $0x0  }
0x3f2: {  	s23 =	simm.s32 $0xF00;
	[sflag:s12] =	ssyncadd.s32 $0xFFFFC180  }
0x3f3: {  	[tilespmem:s16], [sflag:$0x1] =	stream.indirect.gather [hbm4b:s5+s15], $0x80, s23, s15, $0xb8;
	[tilespmem:$0x1F180] =	vst v63  }
0x3f4: {  	_ =	swait.ge [sflag:s21], $0x3E80  }
0x3f5: {  	[sflag:s21] =	ssyncset.done $0x0  }
0x3f6: {  	s24 =	simm.s32 $0x1A80;
	[sflag:s21] =	ssyncadd.s32 $0xFFFFC180  }
0x3f7: {  	[spmem:s2] =	stream.indirect.scatter.add.f32 [tilespmem:s18], [sflag:$0x3], $0x80, s24, s15, $0xb8;
	[tilespmem:$0x1F180] =	vst v63  }
0x3f8: {  	_ =	swait.ge [sflag:s12], $0x3E80  }
0x3f9: {  	[sflag:s12] =	ssyncset.done $0x0  }
0x3fa: {  	s25 =	simm.s32 $0xF80;
	[sflag:s12] =	ssyncadd.s32 $0xFFFFC180  }
0x3fb: {  	[tilespmem:s18], [sflag:$0x2] =	stream.indirect.gather [hbm4b:s5+s15], $0x80, s25, s15, $0xb8;
	[tilespmem:$0x1F180] =	vst v63  }
0x3fc: {  	_ =	swait.ge [sflag:s19], $0x3E80  }
0x3fd: {  	[sflag:s19] =	ssyncset.done $0x0  }
0x3fe: {  	s26 =	simm.s32 $0x1B00;
	[sflag:s19] =	ssyncadd.s32 $0xFFFFC180  }
0x3ff: {  	[spmem:s2] =	stream.indirect.scatter.add.f32 [tilespmem:s16], [sflag:$0x3], $0x80, s26, s15, $0xb8;
	[tilespmem:$0x1F180] =	vst v63  }
0x400: {  	_ =	swait.ge [sflag:s12], $0x3E80  }
0x401: {  	[sflag:s12] =	ssyncset.done $0x0  }
0x402: {  	s28 =	simm.s32 $0x1000;
	[sflag:s12] =	ssyncadd.s32 $0xFFFFC180  }
0x403: {  	[tilespmem:s16], [sflag:$0x1] =	stream.indirect.gather [hbm4b:s5+s15], $0x80, s28, s15, $0xb8;
	[tilespmem:$0x1F180] =	vst v63  }
0x404: {  	_ =	swait.ge [sflag:s21], $0x3E80  }
0x405: {  	[sflag:s21] =	ssyncset.done $0x0  }
0x406: {  	s29 =	simm.s32 $0x1B80;
	[sflag:s21] =	ssyncadd.s32 $0xFFFFC180  }
0x407: {  	[spmem:s2] =	stream.indirect.scatter.add.f32 [tilespmem:s18], [sflag:$0x3], $0x80, s29, s15, $0xb8;
	[tilespmem:$0x1F180] =	vst v63  }
0x408: {  	_ =	swait.ge [sflag:s12], $0x3E80  }
0x409: {  	[sflag:s12] =	ssyncset.done $0x0  }
0x40a: {  	s30 =	simm.s32 $0x1080;
	[sflag:s12] =	ssyncadd.s32 $0xFFFFC180  }
0x40b: {  	[tilespmem:s18], [sflag:$0x2] =	stream.indirect.gather [hbm4b:s5+s15], $0x80, s30, s15, $0xb8;
	[tilespmem:$0x1F180] =	vst v63  }
0x40c: {  	_ =	swait.ge [sflag:s19], $0x3E80  }
0x40d: {  	[sflag:s19] =	ssyncset.done $0x0  }
0x40e: {  	s31 =	simm.s32 $0x1C00;
	[sflag:s19] =	ssyncadd.s32 $0xFFFFC180  }
0x40f: {  	[spmem:s2] =	stream.indirect.scatter.add.f32 [tilespmem:s16], [sflag:$0x3], $0x80, s31, s15, $0xb8;
	[tilespmem:$0x1F180] =	vst v63  }
0x410: {  	_ =	swait.ge [sflag:s12], $0x3E80  }
0x411: {  	[sflag:s12] =	ssyncset.done $0x0  }
0x412: {  	s1 =	simm.s32 $0x1100;
	[sflag:s12] =	ssyncadd.s32 $0xFFFFC180  }
0x413: {  	[tilespmem:s16], [sflag:$0x1] =	stream.indirect.gather [hbm4b:s5+s15], $0x80, s1, s15, $0xb8;
	[tilespmem:$0x1F180] =	vst v63  }
0x414: {  	_ =	swait.ge [sflag:s21], $0x3E80  }
0x415: {  	[sflag:s21] =	ssyncset.done $0x0  }
0x416: {  	s4 =	simm.s32 $0x1C80;
	[sflag:s21] =	ssyncadd.s32 $0xFFFFC180  }
0x417: {  	[spmem:s2] =	stream.indirect.scatter.add.f32 [tilespmem:s18], [sflag:$0x3], $0x80, s4, s15, $0xb8;
	[tilespmem:$0x1F180] =	vst v63  }
0x418: {  	_ =	swait.ge [sflag:s12], $0x3E80  }
0x419: {  	[sflag:s12] =	ssyncset.done $0x0  }
0x41a: {  	s6 =	simm.s32 $0x1180;
	[sflag:s12] =	ssyncadd.s32 $0xFFFFC180  }
0x41b: {  	[tilespmem:s18], [sflag:$0x2] =	stream.indirect.gather [hbm4b:s5+s15], $0x80, s6, s15, $0xb8;
	[tilespmem:$0x1F180] =	vst v63  }
0x41c: {  	_ =	swait.ge [sflag:s19], $0x3E80  }
0x41d: {  	[sflag:s19] =	ssyncset.done $0x0  }
0x41e: {  	s7 =	simm.s32 $0x1D00;
	[sflag:s19] =	ssyncadd.s32 $0xFFFFC180  }
0x41f: {  	[spmem:s2] =	stream.indirect.scatter.add.f32 [tilespmem:s16], [sflag:$0x3], $0x80, s7, s15, $0xb8;
	[tilespmem:$0x1F180] =	vst v63  }
0x420: {  	_ =	swait.ge [sflag:s12], $0x3E80  }
0x421: {  	[sflag:s12] =	ssyncset.done $0x0  }
0x422: {  	[sflag:s12] =	ssyncadd.s32 $0xFFFFC180  }
0x423: {  	_ =	swait.ge [sflag:s21], $0x3E80  }
0x424: {  	[sflag:s21] =	ssyncset.done $0x0  }
0x425: {  	s9 =	simm.s32 $0x1D80;
	[sflag:s21] =	ssyncadd.s32 $0xFFFFC180  }
0x426: {  	[spmem:s2] =	stream.indirect.scatter.add.f32 [tilespmem:s18], [sflag:$0x3], $0x80, s9, s15, $0xb8;
	[tilespmem:$0x1F180] =	vst v63  }
0x427: {  	_ =	swait.ge [sflag:s12], $0x3E80  }
0x428: {  	[sflag:s12] =	ssyncset.done $0x0  }
0x429: {  	[sflag:s12] =	ssyncadd.s32 $0xFFFFC180  }
0x42a: {  	[bflag:$0x0] =	sbarrier.arrive $0xFFFF  }
0x42b: {  	s13 =	sld [smem:$0x7EC]  }
0x42c: {  	s11 =	stileid.u32;
	s10 =	sld [smem:$0x7F8]  }
0x42d: {  	s26 =	sshll.u32 s11, $0x6  }
0x42e: {  	s26 =	sor.u32 $0x1C04, s26;
	s14 =	sshrl.u32 s13, $0x3  }
0x42f: {  	[hbm:s10], [sflag:s26] =	dma.local [spmem:s14], $0x2800  }
0x430: {  	_ =	swait.ge [sflag:s8], $0x2800  }
0x431: {  	[sflag:s8] =	ssyncset.done $0x0  }
0x432: {  	[sflag:s8] =	ssyncadd.s32 $0xFFFFD800  }
0x433: {  	[bflag:$0x0] =	sbarrier.arrive $0xFFFF  }
0x434: {  	s17 =	sld [smem:$0x7F9];
	_ =	sdelay $0x1  }
0x435: {  	s22 =	simm.s32 $0xA100  }
0x436: {  	[tilespmem:s22], [sflag:$0x4] =	stream.linear.gather [hbm4b:s17+s3], $0x40, $0x38;
	[tilespmem:$0x1F180] =	vst v63  }
0x437: {  	_ =	swait.ge [sflag:s8], $0x40  }
0x438: {  	s23 =	sld [smem:$0x7FB]  }
0x439: {  	[sflag:s8] =	ssyncset.done $0x0  }
0x43a: {  	s24 =	simm.s32 $0xA180;
	s28 =	simm.s32 $0x20;
	[sflag:s8] =	ssyncadd.s32 $0xFFFFFFC0  }
0x43b: {  	[tilespmem:s24], [sflag:$0x3] =	stream.indirect.gather [hbm4b:s23+s28], $0x80, s22, s28, $0xb8;
	[tilespmem:$0x1F180] =	vst v63  }
0x43c: {  	_ =	swait.ge [sflag:s12], $0x1000  }
0x43d: {  	s29 =	sld [smem:$0x7FA]  }
0x43e: {  	[sflag:s12] =	ssyncset.done $0x0  }
0x43f: {  	[sflag:s12] =	ssyncadd.s32 $0xFFFFF000  }
0x440: {  	[hbm4b:s29+s3] =	stream.linear.scatter [tilespmem:s24], [sflag:$0x4], $0x1000, $0x38;
	[tilespmem:$0x1F180] =	vst v63  }
0x441: {  	_ =	swait.ge [sflag:s8], $0x1000  }
0x442: {  	s30 =	sld [smem:$0x7FD]  }
0x443: {  	[sflag:s8] =	ssyncset.done $0x0  }
0x444: {  	[sflag:s8] =	ssyncadd.s32 $0xFFFFF000  }
0x445: {  	[tilespmem:s24], [sflag:$0x3] =	stream.indirect.gather [hbm4b:s23+s28], $0x80, s30, s28, $0xb8;
	[tilespmem:$0x1F180] =	vst v63  }
0x446: {  	_ =	swait.ge [sflag:s12], $0x1000  }
0x447: {  	s31 =	sld [smem:$0x7FC]  }
0x448: {  	p0 =	sne.s32 s20, $0x1;
	[sflag:s12] =	ssyncset.done $0x0  }
.Ltmp0:
0x449: {  	[sflag:s12] =	ssyncadd.s32 $0xFFFFF000;
	(pc) =	sbr.rel @p0 .LBB2_1-.Ltmp0, $4  }
0x44a: {  	[hbm4b:s31+s3] =	stream.linear.scatter [tilespmem:s24], [sflag:$0x4], $0x1000, $0x38;
	[tilespmem:$0x1F180] =	vst v63  }
0x44b: {  	_ =	swait.ge [sflag:s8], $0x1000  }
0x44c: {  	[sflag:s8] =	ssyncset.done $0x0  }
0x44d: {  	s20 =	sadd.s32 $0xFFFFFFFF, s20;
	[sflag:s8] =	ssyncadd.s32 $0xFFFFF000  }
0x44e: {  	_ =	sfence.sel $0x180000  }
0x44f: {  	[bflag:$0x0] =	sbarrier.arrive $0xFFFF  }
0x450: {  	_ =	strace $0x9000004A  }
0x451: {  	s0 =	stileid.u32;
	[bflag:$0x2] =	sbarrier.arrive $0xFFFF  }
0x452: {  	p0 =	sne.s32 s0, $0x0;
	s0 =	rddreg [dreg:$0x4]  }
0x453: {  	s0 =	sadd.s32 @!p0 $0x100000, s0  }
0x454: {  	[sflag:s0] =	ssyncadd.tile.s32 @!p0 $0x1;
	_ =	shalt  }
.Lfunc_end2:
_tile_overlayer_lowered:
.L_overlay_start_2:
0x455: {  	(tag) =	ssettag $0x2  }
0x456: {  	s0 =	rddreg [dreg:$0x0];
	s2 =	stileid.u32  }
0x457: {  	s1 =	rddreg [dreg:$0x1];
	p0 =	sne.s32 s2, $0x0  }
0x458: {  	s3 =	rddreg [dreg:$0x2];
	[bflag:$0x3] =	sbarrier.arrive $0xFFFF;
	s2 =	simm.s32 @!p0 $0x1C04  }
0x459: {  	[timem:s3], [sflag:s2] =	dma.local @!p0 [hbm:s0], s1  }
0x45a: {  	s0 =	simm.s32 @!p0 $0x4  }
0x45b: {  	_ =	swait.ge @!p0 [sflag:s0], s1  }
0x45c: {  	s1 =	ssub.s32 @!p0 $0x0, s1;
	[sflag:s0] =	ssyncset.done @!p0 $0x0  }
0x45d: {  	[sflag:s0] =	ssyncadd.s32 @!p0 s1  }
0x45e: {  	[bflag:$0x3] =	sbarrier.arrive $0xFFFF  }
0x45f: {  	_ =	shalt  }

</sc_bundles>
